<compile_context>
chip_gen: v7x
topology: tpu7x:2x2x1
jax: 0.10.2.dev20260603
libtpu: 0.0.44.dev20260713+nightly
codegen_flags: <defaults>
</compile_context>

<pallas_src>
import functools

import jax
import jax.numpy as jnp
from jax import lax
from jax.experimental import pallas as pl
from jax.experimental.pallas import tpu as pltpu
from jax.experimental.pallas import tpu_sc as plsc

NB = (64, 32)
NG = 5000
NR = 16
N_CUTS = 500000

_NC = 2
_NS = 16
NW = _NC * _NS
CUTS_PAD = 512000
PER_TILE = CUTS_PAD // NW
CHUNK = 3200
NCHUNK = PER_TILE // CHUNK
GSZ = 128
GPR = GSZ // 16
NDMA = CHUNK // GSZ
NGRP = CHUNK // 16

BG1 = 200
BG3 = 200


def _csum_last(a):
    n = a.shape[-1]
    k = 1
    while k < n:
        sh = jnp.concatenate(
            [jnp.zeros_like(a[..., :k]), a[..., :-k]], axis=-1)
        a = a + sh
        k *= 2
    return a


def _softmax_last(u):
    m = jnp.max(u, axis=-1, keepdims=True)
    e = jnp.exp(u - m)
    return e / jnp.sum(e, axis=-1, keepdims=True)


def _k1_body(uw_ref, uh_ref, dh_ref, cumw0_ref, cumw1_ref, cwn0_ref,
             cwn1_ref, a0_ref, a1_ref):
    uw = uw_ref[...]
    uh = uh_ref[...]
    dh = dh_ref[...]
    woff = 0
    hoff = 0
    for li, n in enumerate(NB):
        uwl = uw[:, woff:woff + n - 1]
        sw = _softmax_last(uwl)
        incl = _csum_last(sw)
        cumw = jnp.concatenate(
            [jnp.zeros_like(sw[:, :1]), incl], axis=-1)
        e = jnp.exp(uh[None, :, hoff:hoff + n] + dh[:, :, hoff:hoff + n])
        pa = (e[..., :-1] + e[..., 1:]) * 0.5 * sw[None]
        A = jnp.sum(pa, axis=-1)
        cwn = jnp.concatenate([cumw[:, 1:], cumw[:, -1:] + 1.0], axis=-1)
        if li == 0:
            cumw0_ref[...] = cumw
            cwn0_ref[...] = cwn
            a0_ref[...] = A[..., None]
        else:
            cumw1_ref[...] = cumw
            cwn1_ref[...] = cwn
            a1_ref[...] = A[..., None]
        woff += n - 1
        hoff += n


def _k1_call(uw, uh, dh):
    grid = (NG // BG1,)
    return pl.pallas_call(
        _k1_body,
        grid=grid,
        in_specs=[
            pl.BlockSpec((BG1, 94), lambda gb: (gb, 0)),
            pl.BlockSpec((BG1, 96), lambda gb: (gb, 0)),
            pl.BlockSpec((NR, BG1, 96), lambda gb: (0, gb, 0)),
        ],
        out_specs=[
            pl.BlockSpec((BG1, NB[0]), lambda gb: (gb, 0)),
            pl.BlockSpec((BG1, NB[1]), lambda gb: (gb, 0)),
            pl.BlockSpec((BG1, NB[0]), lambda gb: (gb, 0)),
            pl.BlockSpec((BG1, NB[1]), lambda gb: (gb, 0)),
            pl.BlockSpec((NR, BG1, 1), lambda gb: (0, gb, 0)),
            pl.BlockSpec((NR, BG1, 1), lambda gb: (0, gb, 0)),
        ],
        out_shape=[
            jax.ShapeDtypeStruct((NG, NB[0]), jnp.float32),
            jax.ShapeDtypeStruct((NG, NB[1]), jnp.float32),
            jax.ShapeDtypeStruct((NG, NB[0]), jnp.float32),
            jax.ShapeDtypeStruct((NG, NB[1]), jnp.float32),
            jax.ShapeDtypeStruct((NR, NG, 1), jnp.float32),
            jax.ShapeDtypeStruct((NR, NG, 1), jnp.float32),
        ],
    )(uw, uh, dh)


def _k2_body(a0_ref, a1_ref, cp0_ref, m0_ref, cp1_ref, s1_ref,
             ia0_ref, ia1_ref):
    A0 = a0_ref[...]
    GA0 = A0 * jnp.float32(1.0 / NG)
    area0 = jnp.sum(GA0, axis=-1, keepdims=True)
    M0 = GA0 / area0
    incl0 = _csum_last(M0)
    CP0 = jnp.concatenate(
        [jnp.zeros_like(M0[:, :1]), incl0[:, :-1]], axis=-1)
    A1 = a1_ref[...]
    G1 = M0
    GA1 = G1 * A1
    area1 = jnp.sum(GA1, axis=-1, keepdims=True)
    M1 = GA1 / area1
    incl1 = _csum_last(M1)
    CP1 = jnp.concatenate(
        [jnp.zeros_like(M1[:, :1]), incl1[:, :-1]], axis=-1)
    S1 = G1 / area1
    cp0_ref[...] = CP0
    m0_ref[...] = M0
    cp1_ref[...] = CP1
    s1_ref[...] = S1
    ia0_ref[...] = 1.0 / area0
    ia1_ref[...] = 1.0 / area1


def _k2_call(A0, A1):
    return pl.pallas_call(
        _k2_body,
        out_shape=[
            jax.ShapeDtypeStruct((NR, NG), jnp.float32),
            jax.ShapeDtypeStruct((NR, NG), jnp.float32),
            jax.ShapeDtypeStruct((NR, NG), jnp.float32),
            jax.ShapeDtypeStruct((NR, NG), jnp.float32),
            jax.ShapeDtypeStruct((NR, 1), jnp.float32),
            jax.ShapeDtypeStruct((NR, 1), jnp.float32),
        ],
    )(A0, A1)


def _k3_body(uw_ref, uh_ref, dh_ref, cumw0_ref, cumw1_ref,
             cwn0_ref, cwn1_ref,
             cp0_ref, s0_ref, cp1_ref, s1_ref, h0s_ref, h1s_ref,
             q0_ref, q1_ref):
    uw = uw_ref[...]
    uh = uh_ref[...]
    dh = dh_ref[...]
    woff = 0
    hoff = 0
    for li, n in enumerate(NB):
        uwl = uw[:, woff:woff + n - 1]
        sw = _softmax_last(uwl)
        e = jnp.exp(uh[:, hoff:hoff + n] + dh[:, hoff:hoff + n])
        pa = (e[:, :-1] + e[:, 1:]) * 0.5 * sw
        C = jnp.concatenate(
            [jnp.zeros_like(e[:, :1]), _csum_last(pa)], axis=-1)
        if li == 0:
            cw = cumw0_ref[...]
            cwn = cwn0_ref[...]
            cp = cp0_ref[...]
            s = s0_ref[...]
            hs = h0s_ref[...]
        else:
            cw = cumw1_ref[...]
            cwn = cwn1_ref[...]
            cp = cp1_ref[...]
            s = s1_ref[...]
            hs = h1s_ref[...]
        h = e * hs
        lc = cp + s * C
        hn = jnp.concatenate([h[:, 1:], h[:, -1:]], axis=-1)
        z16 = jnp.zeros((BG3, 48), jnp.float32)
        ii = lax.broadcasted_iota(jnp.int32, (128, 128), 0)
        mm = lax.broadcasted_iota(jnp.int32, (128, 128), 1)
        PM = (ii == (mm % 8) * 16 + mm // 8).astype(jnp.float32)
        vs = []
        for t in range(n // 16):
            sl = slice(t * 16, t * 16 + 16)
            fct = jnp.concatenate(
                [cw[:, sl], cwn[:, sl], h[:, sl], hn[:, sl], lc[:, sl], z16],
                axis=-1)
            vs.append(lax.dot_general(
                fct, PM, (((1,), (0,)), ((), ())),
                precision=lax.Precision.HIGHEST,
                preferred_element_type=jnp.float32))
        q = jnp.concatenate(vs, axis=0)
        if li == 0:
            q0_ref[...] = q
        else:
            q1_ref[...] = q
        woff += n - 1
        hoff += n


def _k3_call(uw, uh, dh, cumw0, cumw1, cwn0, cwn1,
             cp0x, s0x, cp1x, s1x, h0sx, h1sx):
    grid = (NR, NG // BG3)
    pgx = lambda r, gb: (gb, 0)
    prgx = lambda r, gb: (r, gb, 0)
    pfx = lambda r, gb: (r * (NG // BG3) + gb, 0)
    return pl.pallas_call(
        _k3_body,
        grid=grid,
        in_specs=[
            pl.BlockSpec((BG3, 94), pgx),
            pl.BlockSpec((BG3, 96), pgx),
            pl.BlockSpec((None, BG3, 96), prgx),
            pl.BlockSpec((BG3, NB[0]), pgx),
            pl.BlockSpec((BG3, NB[1]), pgx),
            pl.BlockSpec((BG3, NB[0]), pgx),
            pl.BlockSpec((BG3, NB[1]), pgx),
            pl.BlockSpec((None, BG3, 1), prgx),
            pl.BlockSpec((None, BG3, 1), prgx),
            pl.BlockSpec((None, BG3, 1), prgx),
            pl.BlockSpec((None, BG3, 1), prgx),
            pl.BlockSpec((None, BG3, 1), prgx),
            pl.BlockSpec((None, BG3, 1), prgx),
        ],
        out_specs=[
            pl.BlockSpec((BG3 * NB[0] * 8 // 128, 128), pfx),
            pl.BlockSpec((BG3 * NB[1] * 8 // 128, 128), pfx),
        ],
        out_shape=[
            jax.ShapeDtypeStruct((NR * NG * NB[0] * 8 // 128, 128),
                                 jnp.float32),
            jax.ShapeDtypeStruct((NR * NG * NB[1] * 8 // 128, 128),
                                 jnp.float32),
        ],
    )(uw, uh, dh, cumw0, cumw1, cwn0, cwn1,
      cp0x, s0x, cp1x, s1x, h0sx, h1sx)


def _sc_body(x_hbm, rxg_hbm, qb0_hbm, qb1_hbm, p0_hbm,
             q0_hbm, q1_hbm, pg_hbm, out_hbm, dp_hbm,
             xv, rxgv, qb0v, qb1v, p0v, idxv, rows, pgv, outv, dpv,
             rows16, sem, sem2):
    c = lax.axis_index("c")
    s = lax.axis_index("s")
    wid = s * _NC + c
    tbase = wid * PER_TILE
    i16 = lax.iota(jnp.int32, 16)

    def fields_from(rref, rowix):
        return [
            plsc.load_gather(rref, [rowix, jnp.full((16,), ci, jnp.int32)])
            for ci in range(5)
        ]

    def level(lv, n, q_hbm):
        nm1 = jnp.float32(n - 1)
        jmaxi = n - 2
        tpg = n // 16

        qbv = qb0v if lv == 0 else qb1v

        def rowof(qb, j):
            return (qb + jnp.right_shift(j, 4) * (BG3 * 16)
                    + jnp.bitwise_and(j, 15))

        def pg_of(gi, rxg):
            if lv == 0:
                P = p0v[pl.ds(gi * 16, 16)]
                G = jnp.full((16,), 1.0 / NG, jnp.float32)
            else:
                lanes = gi * 16 + i16
                P = plsc.load_gather(pgv, [lanes, jnp.zeros((16,), jnp.int32)])
                G = plsc.load_gather(pgv, [lanes, jnp.ones((16,), jnp.int32)])
            return P, G

        def guess(t):
            tj = jnp.clip(t * nm1, 0.0, jnp.float32(jmaxi))
            return tj.astype(jnp.int32)

        def passA(gi, carry):
            sl = pl.ds(gi * 16, 16)
            rxg = rxgv[sl]
            xx = xv[sl] if lv == 0 else outv[sl]
            P, G = pg_of(gi, rxg)
            t = (xx - P) / G
            j = guess(t)
            qb = qbv[sl]
            idxv[gi // GPR, pl.ds((gi % GPR) * 16, 16)] = rowof(qb, j)
            return carry

        lax.fori_loop(0, NGRP, passA, 0)

        cps = [
            pltpu.async_copy(q_hbm.at[idxv.at[si]],
                             rows.at[pl.ds(si * GSZ, GSZ)], sem)
            for si in range(NDMA)
        ]
        for cp_ in cps:
            cp_.wait()

        def passB(gi, carry):
            sl = pl.ds(gi * 16, 16)
            lanes = gi * 16 + i16
            rxg = rxgv[sl]
            xx = xv[sl] if lv == 0 else outv[sl]
            P, G = pg_of(gi, rxg)
            t = (xx - P) / G
            j = guess(t)
            qb = qbv[sl]
            cw, cw1, hj, hj1, lcv = fields_from(rows, lanes)

            def wr(j_, cw_, cw1_):
                return (((cw_ >= t) & (j_ > 0))
                        | ((cw1_ < t) & (j_ < jmaxi)))

            wrong = wr(j, cw, cw1)

            def cond(st):
                return jnp.any(st[6])

            def body(st):
                j_, cw_, cw1_, hj_, hj1_, lc_, w_ = st
                jn = jnp.where(w_, jnp.where(cw_ >= t, j_ - 1, j_ + 1), j_)
                pltpu.async_copy(q_hbm.at[rowof(qb, jn)], rows16, sem2).wait()
                nf = fields_from(rows16, i16)
                cwN = jnp.where(w_, nf[0], cw_)
                cw1N = jnp.where(w_, nf[1], cw1_)
                hjN = jnp.where(w_, nf[2], hj_)
                hj1N = jnp.where(w_, nf[3], hj1_)
                lcN = jnp.where(w_, nf[4], lc_)
                return (jn, cwN, cw1N, hjN, hj1N, lcN, wr(jn, cwN, cw1N))

            j, cw, cw1, hj, hj1, lcv, wrong = lax.while_loop(
                cond, body, (j, cw, cw1, hj, hj1, lcv, wrong))
            ll = P + G * cw
            bw = G * (cw1 - cw)
            alpha = jnp.clip(
                (xx - ll) / jnp.maximum(bw, jnp.float32(1e-12)), 0.0, 1.0)
            outn = (lcv + alpha * bw * hj
                    + jnp.float32(0.5) * alpha * alpha * bw * (hj1 - hj))
            dd = jnp.maximum(hj + alpha * (hj1 - hj), jnp.float32(1e-12))
            outv[sl] = outn
            if lv == 0:
                dpv[sl] = dd
            else:
                dpv[sl] = dpv[sl] * dd
            return carry

        lax.fori_loop(0, NGRP, passB, 0)

    def chunk(ci, carry):
        base = tbase + ci * CHUNK
        pltpu.sync_copy(x_hbm.at[pl.ds(base, CHUNK)], xv)
        pltpu.sync_copy(rxg_hbm.at[pl.ds(base, CHUNK)], rxgv)
        pltpu.sync_copy(qb0_hbm.at[pl.ds(base, CHUNK)], qb0v)
        pltpu.sync_copy(qb1_hbm.at[pl.ds(base, CHUNK)], qb1v)
        pltpu.sync_copy(p0_hbm.at[pl.ds(base, CHUNK)], p0v)
        level(0, NB[0], q0_hbm)

        def pgidx(gi, carry):
            rxg = rxgv[pl.ds(gi * 16, 16)]
            idxv[gi // GPR, pl.ds((gi % GPR) * 16, 16)] = rxg
            return carry

        lax.fori_loop(0, NGRP, pgidx, 0)
        cps = [
            pltpu.async_copy(pg_hbm.at[idxv.at[si]],
                             pgv.at[pl.ds(si * GSZ, GSZ)], sem)
            for si in range(NDMA)
        ]
        for cp_ in cps:
            cp_.wait()
        level(1, NB[1], q1_hbm)
        pltpu.sync_copy(outv, out_hbm.at[pl.ds(base, CHUNK)])
        pltpu.sync_copy(dpv, dp_hbm.at[pl.ds(base, CHUNK)])
        return carry

    lax.fori_loop(0, NCHUNK, chunk, 0)


def _sc_call(xp, rxgp, qb0p, qb1p, p0p, q0, q1, pg):
    mesh = plsc.VectorSubcoreMesh(core_axis_name="c", subcore_axis_name="s")
    f = pl.kernel(
        _sc_body,
        out_type=[
            jax.ShapeDtypeStruct((CUTS_PAD,), jnp.float32),
            jax.ShapeDtypeStruct((CUTS_PAD,), jnp.float32),
        ],
        mesh=mesh,
        compiler_params=pltpu.CompilerParams(
            needs_layout_passes=False, use_tc_tiling_on_sc=False),
        scratch_types=[
            pltpu.VMEM((CHUNK,), jnp.float32),
            pltpu.VMEM((CHUNK,), jnp.int32),
            pltpu.VMEM((CHUNK,), jnp.int32),
            pltpu.VMEM((CHUNK,), jnp.int32),
            pltpu.VMEM((CHUNK,), jnp.float32),
            pltpu.VMEM((NDMA, GSZ), jnp.int32),
            pltpu.VMEM((CHUNK, 8), jnp.float32),
            pltpu.VMEM((CHUNK, 8), jnp.float32),
            pltpu.VMEM((CHUNK,), jnp.float32),
            pltpu.VMEM((CHUNK,), jnp.float32),
            pltpu.VMEM((16, 8), jnp.float32),
            pltpu.SemaphoreType.DMA,
            pltpu.SemaphoreType.DMA,
        ],
    )
    return f(xp, rxgp, qb0p, qb1p, p0p, q0, q1, pg)


def _k4_body(dp_ref, lad_ref):
    lad_ref[...] = jnp.log(dp_ref[...])


def _k4_call(dp):
    d2 = dp.reshape(CUTS_PAD // 128, 128)
    out = pl.pallas_call(
        _k4_body,
        out_shape=jax.ShapeDtypeStruct((CUTS_PAD // 128, 128), jnp.float32),
    )(d2)
    return out.reshape(CUTS_PAD)


def kernel(cut_positions, cut_local_reflatentxgene_ix, cut_local_gene_ix,
           cut_local_reflatent_ix, mixture_delta_reflatentxgene,
           unnormalized_heights, unnormalized_widths):
    uw = unnormalized_widths
    uh = unnormalized_heights
    dh = mixture_delta_reflatentxgene

    cumw0, cumw1, cwn0, cwn1, A0x, A1x = _k1_call(uw, uh, dh)
    A0 = A0x[..., 0]
    A1 = A1x[..., 0]
    CP0, M0, CP1, S1, ia0, ia1 = _k2_call(A0, A1)

    cp0x = CP0[..., None]
    s0x = jnp.broadcast_to(ia0 * jnp.float32(1.0 / NG), (NR, NG))[..., None]
    cp1x = CP1[..., None]
    s1x = S1[..., None]
    h0sx = jnp.broadcast_to(ia0, (NR, NG))[..., None]
    h1sx = jnp.broadcast_to(ia1, (NR, NG))[..., None]

    q0w, q1w = _k3_call(uw, uh, dh, cumw0, cumw1, cwn0, cwn1,
                        cp0x, s0x, cp1x, s1x, h0sx, h1sx)
    q0 = q0w.reshape(NR * NG * NB[0], 8)
    q1 = q1w.reshape(NR * NG * NB[1], 8)
    pg = jnp.pad(
        jnp.stack([CP0.reshape(-1), M0.reshape(-1)], axis=-1),
        ((0, 0), (0, 6)))

    gix = cut_local_gene_ix
    rix = cut_local_reflatent_ix
    gdiv = gix // BG3
    gmod = gix % BG3
    blk = rix * (NG // BG3) + gdiv
    qb0 = ((blk * (NB[0] // 16) + 0) * BG3 + gmod) * 16
    qb1 = ((blk * (NB[1] // 16) + 0) * BG3 + gmod) * 16
    p0 = gix.astype(jnp.float32) * jnp.float32(1.0 / NG)

    npad = CUTS_PAD - N_CUTS
    xp = jnp.pad(cut_positions, (0, npad))
    rxgp = jnp.pad(cut_local_reflatentxgene_ix, (0, npad))
    qb0p = jnp.pad(qb0, (0, npad))
    qb1p = jnp.pad(qb1, (0, npad))
    p0p = jnp.pad(p0, (0, npad))

    outp, dpp = _sc_call(xp, rxgp, qb0p, qb1p, p0p, q0, q1, pg)
    ladp = _k4_call(dpp)
    return outp[:N_CUTS], ladp[:N_CUTS]

# --- scband reference (transcript-rebuilt; emitter-appended) ---
"""Pipeline reference for scband-differential-quadratic-spline-stack-17660905521235 (READ-ONLY COPY).

The authoritative reference and input builder live on the scoring server;
editing this copy changes nothing except your own understanding.
"""

import jax, jax.numpy as jnp
import numpy as np

NBINS = [64, 32]
N_GENES = 5000
N_REFLATENT = 16
N_CUTS = 500000


def calculate_widths(uw):
    return jax.nn.softmax(uw, axis=-1)


def calculate_heights(uh, widths):
    e = jnp.exp(uh)
    area = jnp.sum((e[..., :-1] + e[..., 1:]) / 2.0 * widths, axis=-1, keepdims=True)
    return e / area


def calculate_bin_left_cdf(heights, widths):
    c = jnp.cumsum((heights[..., :-1] + heights[..., 1:]) / 2.0 * widths, axis=-1)
    return jnp.concatenate([jnp.zeros_like(c[..., :1]), c], axis=-1)


def calculate_bin_locations(widths):
    c = jnp.cumsum(widths, axis=-1)
    return jnp.concatenate([jnp.zeros_like(c[..., :1]), c], axis=-1)


def _forward(cut_positions, cut_local_reflatentxgene_ix, cut_local_gene_ix, cut_local_reflatent_ix, mixture_delta, uh_all, uw_all):
    n_reflatent = mixture_delta.shape[0]
    n_genes = uh_all.shape[0]
    genespacing = jnp.ones((n_reflatent, n_genes), dtype=cut_positions.dtype) / n_genes
    tdata = []
    h_off = 0
    w_off = 0
    for n in NBINS:
        uh = uh_all[:, h_off:h_off + n]
        uw = uw_all[:, w_off:w_off + (n - 1)]
        dh = mixture_delta[..., h_off:h_off + n]
        h_off += n
        w_off += n - 1
        gene_bin_positions = (jnp.arange(n_genes) + 1) * n - 1
        w = calculate_widths(uw)
        w = w[None, :, :] * genespacing[:, :, None]
        w = jnp.pad(w, ((0, 0), (0, 0), (0, 1)))
        widths = w.reshape(n_reflatent, -1)[:, :-1]
        bin_locations = calculate_bin_locations(widths)
        uh2 = (uh[None, :, :] + dh).reshape(n_reflatent, -1)
        heights = calculate_heights(uh2, widths)
        bin_left_cdf = calculate_bin_left_cdf(heights, widths)
        gene_cdf = bin_left_cdf[:, gene_bin_positions]
        genespacing = jnp.diff(jnp.pad(gene_cdf, ((0, 0), (1, 0))), axis=-1)
        tdata.append((widths, heights, bin_left_cdf, bin_locations, n))
    output = cut_positions
    logabsdet = jnp.zeros_like(cut_positions)
    for widths, heights, bin_left_cdf, bin_locations, num_bins in tdata:
        blg = bin_locations.reshape(n_reflatent * n_genes, num_bins)
        cut_bl = jnp.take(blg, cut_local_reflatentxgene_ix, axis=0)
        ss = jnp.sum(cut_bl < output[:, None], axis=-1)
        bin_idx = cut_local_gene_ix * num_bins + jnp.clip(ss - 1, 0, num_bins - 2)
        ix = bin_idx + cut_local_reflatent_ix * num_bins * n_genes
        flat_loc = bin_locations.reshape(-1)
        flat_cdf = bin_left_cdf.reshape(-1)
        flat_h = heights.reshape(-1)
        left_loc = jnp.take(flat_loc, ix)
        right_loc = jnp.take(flat_loc, ix + 1)
        left_cdf = jnp.take(flat_cdf, ix)
        hl = jnp.take(flat_h, ix)
        hr = jnp.take(flat_h, ix + 1)
        bw = right_loc - left_loc
        alpha = jnp.clip((output - left_loc) / jnp.maximum(bw, 1e-12), 0.0, 1.0)
        output = left_cdf + alpha * bw * hl + 0.5 * alpha * alpha * bw * (hr - hl)
        logabsdet = logabsdet + jnp.log(jnp.maximum(hl + alpha * (hr - hl), 1e-12))
    return output, logabsdet


def setup_inputs(seed: int = 0):
    key = jax.random.key(seed)
    k1, k2, k3, k4, k5, k6 = jax.random.split(key, 6)
    cut_positions = jax.random.uniform(k1, (N_CUTS,), dtype=jnp.float32)
    cut_local_gene_ix = jax.random.randint(k2, (N_CUTS,), 0, N_GENES)
    cut_local_reflatent_ix = jax.random.randint(k3, (N_CUTS,), 0, N_REFLATENT)
    cut_local_reflatentxgene_ix = cut_local_reflatent_ix * N_GENES + cut_local_gene_ix
    mixture_delta_reflatentxgene = jax.random.normal(k4, (N_REFLATENT, N_GENES, sum(NBINS)), dtype=jnp.float32) * 0.05
    unnormalized_heights = jax.random.normal(k5, (N_GENES, sum(NBINS)), dtype=jnp.float32) * 0.01
    unnormalized_widths = jax.random.normal(k6, (N_GENES, sum(n - 1 for n in NBINS)), dtype=jnp.float32) * 0.01
    return {
        'cut_positions': cut_positions,
        'cut_local_reflatentxgene_ix': cut_local_reflatentxgene_ix,
        'cut_local_gene_ix': cut_local_gene_ix,
        'cut_local_reflatent_ix': cut_local_reflatent_ix,
        'mixture_delta_reflatentxgene': mixture_delta_reflatentxgene,
        'unnormalized_heights': unnormalized_heights,
        'unnormalized_widths': unnormalized_widths,
    }


def reference(cut_positions, cut_local_reflatentxgene_ix, cut_local_gene_ix, cut_local_reflatent_ix, mixture_delta_reflatentxgene, unnormalized_heights, unnormalized_widths):
    return _forward(cut_positions, cut_local_reflatentxgene_ix, cut_local_gene_ix, cut_local_reflatent_ix, mixture_delta_reflatentxgene, unnormalized_heights, unnormalized_widths)

if __name__ == "__main__":
    import jax
    _d = setup_inputs()
    print(jax.jit(kernel)(*tuple(_d.values())))

</pallas_src>

<mosaic_0001>
#map = affine_map<(d0, d1) -> (0)>
#map1 = affine_map<(d0, d1) -> (0, 0)>
module attributes {stable_mosaic.version = 14 : i64} {
  func.func @_sc_body(%arg0: i32, %arg1: i32, %arg2: memref<512000xf32, #tpu.memory_space<hbm>>, %arg3: memref<512000xi32, #tpu.memory_space<hbm>>, %arg4: memref<512000xi32, #tpu.memory_space<hbm>>, %arg5: memref<512000xi32, #tpu.memory_space<hbm>>, %arg6: memref<512000xf32, #tpu.memory_space<hbm>>, %arg7: memref<5120000x8xf32, #tpu.memory_space<hbm>>, %arg8: memref<2560000x8xf32, #tpu.memory_space<hbm>>, %arg9: memref<80000x8xf32, #tpu.memory_space<hbm>>, %arg10: memref<512000xf32, #tpu.memory_space<hbm>>, %arg11: memref<512000xf32, #tpu.memory_space<hbm>>, %arg12: memref<3200xf32, #tpu.memory_space<vmem>>, %arg13: memref<3200xi32, #tpu.memory_space<vmem>>, %arg14: memref<3200xi32, #tpu.memory_space<vmem>>, %arg15: memref<3200xi32, #tpu.memory_space<vmem>>, %arg16: memref<3200xf32, #tpu.memory_space<vmem>>, %arg17: memref<25x128xi32, #tpu.memory_space<vmem>>, %arg18: memref<3200x8xf32, #tpu.memory_space<vmem>>, %arg19: memref<3200x8xf32, #tpu.memory_space<vmem>>, %arg20: memref<3200xf32, #tpu.memory_space<vmem>>, %arg21: memref<3200xf32, #tpu.memory_space<vmem>>, %arg22: memref<16x8xf32, #tpu.memory_space<vmem>>, %arg23: memref<!tpu.dma_semaphore, #tpu.memory_space<semaphore_mem>>, %arg24: memref<!tpu.dma_semaphore, #tpu.memory_space<semaphore_mem>>) attributes {dimension_semantics = [#tpu.dimension_semantics<core_parallel>, #tpu.dimension_semantics<subcore_parallel>], iteration_bounds = array<i64: 2, 16>, scalar_prefetch = 0 : i64, scratch_operands = 13 : i64, tpu.core_type = #tpu.core_type<sc_vector_subcore>, window_params = [{transform_indices = #map}, {transform_indices = #map}, {transform_indices = #map}, {transform_indices = #map}, {transform_indices = #map}, {transform_indices = #map1}, {transform_indices = #map1}, {transform_indices = #map1}, {transform_indices = #map}, {transform_indices = #map}]} {
    %mul3A = arith.constant 2 : i32
    %mul3A_0 = arith.muli %arg1, %mul3A : i32
    %add3A = arith.addi %mul3A_0, %arg0 : i32
    %mul3A_1 = arith.constant 16000 : i32
    %mul3A_2 = arith.muli %add3A, %mul3A_1 : i32
    %iota3A = tpu.iota {dimensions = array<i32: 0>} : vector<16xi32>
    %scan3A = arith.constant 0 : i32
    %scan3A_3 = arith.constant 0 : i32
    %scan3A_4 = arith.constant 5 : i32
    %scan3A_5 = arith.addi %scan3A_3, %scan3A_4 : i32
    %scan3A_6 = arith.constant 1 : i32
    scf.for %scan3A_8 = %scan3A_3 to %scan3A_5 step %scan3A_6  : i32 {
      %mul3A_9 = arith.constant 3200 : i32
      %mul3A_10 = arith.muli %scan3A_8, %mul3A_9 : i32
      %add3A_11 = arith.addi %mul3A_2, %mul3A_10 : i32
      "tpu.region"() ({
        %run_scoped3A = tpu.sem_alloc : memref<!tpu.dma_semaphore, #tpu.memory_space<semaphore_mem>>
        %dma_start3A_1544 = tpu.memref_slice %arg2[%add3A_11] : memref<512000xf32, #tpu.memory_space<hbm>> -> memref<3200xf32, #tpu.memory_space<hbm>>
        %dma_start3A_1545 = tpu.memref_slice %arg2[%add3A_11] : memref<512000xf32, #tpu.memory_space<hbm>> -> memref<3200xf32, #tpu.memory_space<hbm>>
        tpu.enqueue_dma source(%dma_start3A_1545 : memref<3200xf32, #tpu.memory_space<hbm>>) target(%arg12 : memref<3200xf32, #tpu.memory_space<vmem>>) target_semaphore(%run_scoped3A : memref<!tpu.dma_semaphore, #tpu.memory_space<semaphore_mem>>)
        %dma_wait3A_1546 = tpu.memref_slice %arg2[%add3A_11] : memref<512000xf32, #tpu.memory_space<hbm>> -> memref<3200xf32, #tpu.memory_space<hbm>>
        %dma_wait3A_1547 = tpu.memref_slice %arg2[%add3A_11] : memref<512000xf32, #tpu.memory_space<hbm>> -> memref<3200xf32, #tpu.memory_space<hbm>>
        tpu.wait_dma2 semaphore(%run_scoped3A : memref<!tpu.dma_semaphore, #tpu.memory_space<semaphore_mem>>) src(%dma_wait3A_1547 : memref<3200xf32, #tpu.memory_space<hbm>>) dst(%arg12 : memref<3200xf32, #tpu.memory_space<vmem>>)
        tpu.yield
      }) : () -> ()
      "tpu.region"() ({
        %run_scoped3A = tpu.sem_alloc : memref<!tpu.dma_semaphore, #tpu.memory_space<semaphore_mem>>
        %dma_start3A_1544 = tpu.memref_slice %arg3[%add3A_11] : memref<512000xi32, #tpu.memory_space<hbm>> -> memref<3200xi32, #tpu.memory_space<hbm>>
        %dma_start3A_1545 = tpu.memref_slice %arg3[%add3A_11] : memref<512000xi32, #tpu.memory_space<hbm>> -> memref<3200xi32, #tpu.memory_space<hbm>>
        tpu.enqueue_dma source(%dma_start3A_1545 : memref<3200xi32, #tpu.memory_space<hbm>>) target(%arg13 : memref<3200xi32, #tpu.memory_space<vmem>>) target_semaphore(%run_scoped3A : memref<!tpu.dma_semaphore, #tpu.memory_space<semaphore_mem>>)
        %dma_wait3A_1546 = tpu.memref_slice %arg3[%add3A_11] : memref<512000xi32, #tpu.memory_space<hbm>> -> memref<3200xi32, #tpu.memory_space<hbm>>
        %dma_wait3A_1547 = tpu.memref_slice %arg3[%add3A_11] : memref<512000xi32, #tpu.memory_space<hbm>> -> memref<3200xi32, #tpu.memory_space<hbm>>
        tpu.wait_dma2 semaphore(%run_scoped3A : memref<!tpu.dma_semaphore, #tpu.memory_space<semaphore_mem>>) src(%dma_wait3A_1547 : memref<3200xi32, #tpu.memory_space<hbm>>) dst(%arg13 : memref<3200xi32, #tpu.memory_space<vmem>>)
        tpu.yield
      }) : () -> ()
      "tpu.region"() ({
        %run_scoped3A = tpu.sem_alloc : memref<!tpu.dma_semaphore, #tpu.memory_space<semaphore_mem>>
        %dma_start3A_1544 = tpu.memref_slice %arg4[%add3A_11] : memref<512000xi32, #tpu.memory_space<hbm>> -> memref<3200xi32, #tpu.memory_space<hbm>>
        %dma_start3A_1545 = tpu.memref_slice %arg4[%add3A_11] : memref<512000xi32, #tpu.memory_space<hbm>> -> memref<3200xi32, #tpu.memory_space<hbm>>
        tpu.enqueue_dma source(%dma_start3A_1545 : memref<3200xi32, #tpu.memory_space<hbm>>) target(%arg14 : memref<3200xi32, #tpu.memory_space<vmem>>) target_semaphore(%run_scoped3A : memref<!tpu.dma_semaphore, #tpu.memory_space<semaphore_mem>>)
        %dma_wait3A_1546 = tpu.memref_slice %arg4[%add3A_11] : memref<512000xi32, #tpu.memory_space<hbm>> -> memref<3200xi32, #tpu.memory_space<hbm>>
        %dma_wait3A_1547 = tpu.memref_slice %arg4[%add3A_11] : memref<512000xi32, #tpu.memory_space<hbm>> -> memref<3200xi32, #tpu.memory_space<hbm>>
        tpu.wait_dma2 semaphore(%run_scoped3A : memref<!tpu.dma_semaphore, #tpu.memory_space<semaphore_mem>>) src(%dma_wait3A_1547 : memref<3200xi32, #tpu.memory_space<hbm>>) dst(%arg14 : memref<3200xi32, #tpu.memory_space<vmem>>)
        tpu.yield
      }) : () -> ()
      "tpu.region"() ({
        %run_scoped3A = tpu.sem_alloc : memref<!tpu.dma_semaphore, #tpu.memory_space<semaphore_mem>>
        %dma_start3A_1544 = tpu.memref_slice %arg5[%add3A_11] : memref<512000xi32, #tpu.memory_space<hbm>> -> memref<3200xi32, #tpu.memory_space<hbm>>
        %dma_start3A_1545 = tpu.memref_slice %arg5[%add3A_11] : memref<512000xi32, #tpu.memory_space<hbm>> -> memref<3200xi32, #tpu.memory_space<hbm>>
        tpu.enqueue_dma source(%dma_start3A_1545 : memref<3200xi32, #tpu.memory_space<hbm>>) target(%arg15 : memref<3200xi32, #tpu.memory_space<vmem>>) target_semaphore(%run_scoped3A : memref<!tpu.dma_semaphore, #tpu.memory_space<semaphore_mem>>)
        %dma_wait3A_1546 = tpu.memref_slice %arg5[%add3A_11] : memref<512000xi32, #tpu.memory_space<hbm>> -> memref<3200xi32, #tpu.memory_space<hbm>>
        %dma_wait3A_1547 = tpu.memref_slice %arg5[%add3A_11] : memref<512000xi32, #tpu.memory_space<hbm>> -> memref<3200xi32, #tpu.memory_space<hbm>>
        tpu.wait_dma2 semaphore(%run_scoped3A : memref<!tpu.dma_semaphore, #tpu.memory_space<semaphore_mem>>) src(%dma_wait3A_1547 : memref<3200xi32, #tpu.memory_space<hbm>>) dst(%arg15 : memref<3200xi32, #tpu.memory_space<vmem>>)
        tpu.yield
      }) : () -> ()
      "tpu.region"() ({
        %run_scoped3A = tpu.sem_alloc : memref<!tpu.dma_semaphore, #tpu.memory_space<semaphore_mem>>
        %dma_start3A_1544 = tpu.memref_slice %arg6[%add3A_11] : memref<512000xf32, #tpu.memory_space<hbm>> -> memref<3200xf32, #tpu.memory_space<hbm>>
        %dma_start3A_1545 = tpu.memref_slice %arg6[%add3A_11] : memref<512000xf32, #tpu.memory_space<hbm>> -> memref<3200xf32, #tpu.memory_space<hbm>>
        tpu.enqueue_dma source(%dma_start3A_1545 : memref<3200xf32, #tpu.memory_space<hbm>>) target(%arg16 : memref<3200xf32, #tpu.memory_space<vmem>>) target_semaphore(%run_scoped3A : memref<!tpu.dma_semaphore, #tpu.memory_space<semaphore_mem>>)
        %dma_wait3A_1546 = tpu.memref_slice %arg6[%add3A_11] : memref<512000xf32, #tpu.memory_space<hbm>> -> memref<3200xf32, #tpu.memory_space<hbm>>
        %dma_wait3A_1547 = tpu.memref_slice %arg6[%add3A_11] : memref<512000xf32, #tpu.memory_space<hbm>> -> memref<3200xf32, #tpu.memory_space<hbm>>
        tpu.wait_dma2 semaphore(%run_scoped3A : memref<!tpu.dma_semaphore, #tpu.memory_space<semaphore_mem>>) src(%dma_wait3A_1547 : memref<3200xf32, #tpu.memory_space<hbm>>) dst(%arg16 : memref<3200xf32, #tpu.memory_space<vmem>>)
        tpu.yield
      }) : () -> ()
      %scan3A_12 = arith.constant 0 : i32
      %scan3A_13 = arith.constant 6.300000e+01 : f32
      %scan3A_14 = arith.constant 0 : i32
      %scan3A_15 = arith.constant 200 : i32
      %scan3A_16 = arith.addi %scan3A_14, %scan3A_15 : i32
      %scan3A_17 = arith.constant 1 : i32
      scf.for %scan3A_1544 = %scan3A_14 to %scan3A_16 step %scan3A_17  : i32 {
        %mul3A_1545 = arith.constant 16 : i32
        %mul3A_1546 = arith.muli %scan3A_1544, %mul3A_1545 : i32
        %get3A = arith.index_cast %mul3A_1546 : i32 to index
        %get3A_1547 = tpu.vector_load %arg13[%get3A] {strides = array<i32>} : memref<3200xi32, #tpu.memory_space<vmem>>, vector<16xi32>,
        %get3A_1548 = arith.index_cast %mul3A_1546 : i32 to index
        %get3A_1549 = tpu.vector_load %arg12[%get3A_1548] {strides = array<i32>} : memref<3200xf32, #tpu.memory_space<vmem>>, vector<16xf32>,
        %mul3A_1550 = arith.constant 16 : i32
        %mul3A_1551 = arith.muli %scan3A_1544, %mul3A_1550 : i32
        %get3A_1552 = arith.index_cast %mul3A_1551 : i32 to index
        %get3A_1553 = tpu.vector_load %arg16[%get3A_1552] {strides = array<i32>} : memref<3200xf32, #tpu.memory_space<vmem>>, vector<16xf32>,
        %broadcast_in_dim3A = arith.constant 2.000000e-04 : f32
        %broadcast_in_dim3A_1554 = vector.broadcast %broadcast_in_dim3A : f32 to vector<16xf32>
        %sub3A = arith.subf %get3A_1549, %get3A_1553 : vector<16xf32>
        %div3A = arith.divf %sub3A, %broadcast_in_dim3A_1554 : vector<16xf32>
        %mul3A_1555 = vector.broadcast %scan3A_13 : f32 to vector<16xf32>
        %mul3A_1556 = arith.mulf %div3A, %mul3A_1555 : vector<16xf32>
        %jit3A = arith.constant 0.000000e+00 : f32
        %jit3A_1557 = arith.constant 6.200000e+01 : f32
        %max3A = vector.broadcast %jit3A : f32 to vector<16xf32>
        %max3A_1558 = arith.maximumf %max3A, %mul3A_1556 : vector<16xf32>
        %min3A = vector.broadcast %jit3A_1557 : f32 to vector<16xf32>
        %min3A_1559 = arith.minimumf %min3A, %max3A_1558 : vector<16xf32>
        %convert_element_type3A = arith.fptosi %min3A_1559 : vector<16xf32> to vector<16xi32>
        %get3A_1560 = arith.index_cast %mul3A_1546 : i32 to index
        %get3A_1561 = tpu.vector_load %arg14[%get3A_1560] {strides = array<i32>} : memref<3200xi32, #tpu.memory_space<vmem>>, vector<16xi32>,
        %shift_right_arithmetic3A = arith.constant 4 : i32
        %shift_right_arithmetic3A_1562 = vector.broadcast %shift_right_arithmetic3A : i32 to vector<16xi32>
        %shift_right_arithmetic3A_1563 = arith.shrsi %convert_element_type3A, %shift_right_arithmetic3A_1562 : vector<16xi32>
        %mul3A_1564 = arith.constant 3200 : i32
        %mul3A_1565 = vector.broadcast %mul3A_1564 : i32 to vector<16xi32>
        %mul3A_1566 = arith.muli %shift_right_arithmetic3A_1563, %mul3A_1565 : vector<16xi32>
        %add3A_1567 = arith.addi %get3A_1561, %mul3A_1566 : vector<16xi32>
        %and3A = arith.constant 15 : i32
        %and3A_1568 = vector.broadcast %and3A : i32 to vector<16xi32>
        %and3A_1569 = arith.andi %convert_element_type3A, %and3A_1568 : vector<16xi32>
        %add3A_1570 = arith.addi %add3A_1567, %and3A_1569 : vector<16xi32>
        %jit3A_1571 = arith.constant 8 : i32
        %div3A_1572 = arith.divsi %scan3A_1544, %jit3A_1571 : i32
        %sign3A = arith.constant 0 : i32
        %sign3A_1573 = arith.cmpi sgt, %scan3A_1544, %sign3A : i32
        %sign3A_1574 = arith.extui %sign3A_1573 : i1 to i32
        %sign3A_1575 = arith.constant 0 : i32
        %sign3A_1576 = arith.cmpi slt, %scan3A_1544, %sign3A_1575 : i32
        %sign3A_1577 = arith.extui %sign3A_1576 : i1 to i32
        %sign3A_1578 = arith.subi %sign3A_1574, %sign3A_1577 : i32
        %sign3A_1579 = arith.constant 0 : i32
        %sign3A_1580 = arith.cmpi sgt, %jit3A_1571, %sign3A_1579 : i32
        %sign3A_1581 = arith.extui %sign3A_1580 : i1 to i32
        %sign3A_1582 = arith.constant 0 : i32
        %sign3A_1583 = arith.cmpi slt, %jit3A_1571, %sign3A_1582 : i32
        %sign3A_1584 = arith.extui %sign3A_1583 : i1 to i32
        %sign3A_1585 = arith.subi %sign3A_1581, %sign3A_1584 : i32
        %ne3A = arith.cmpi ne, %sign3A_1578, %sign3A_1585 : i32
        %rem3A = arith.remsi %scan3A_1544, %jit3A_1571 : i32
        %ne3A_1586 = arith.constant 0 : i32
        %ne3A_1587 = arith.cmpi ne, %rem3A, %ne3A_1586 : i32
        %and3A_1588 = arith.andi %ne3A, %ne3A_1587 : i1
        %sub3A_1589 = arith.constant 1 : i32
        %sub3A_1590 = arith.subi %div3A_1572, %sub3A_1589 : i32
        %select_n3A = arith.select %and3A_1588, %sub3A_1590, %div3A_1572 : i32
        %jit3A_1591 = arith.constant 8 : i32
        %eq3A = arith.constant 0 : i32
        %eq3A_1592 = arith.cmpi eq, %jit3A_1591, %eq3A : i32
        %jit3A_1593 = arith.constant 1 : i32
        %select_n3A_1594 = arith.select %eq3A_1592, %jit3A_1593, %jit3A_1591 : i32
        %rem3A_1595 = arith.remsi %scan3A_1544, %select_n3A_1594 : i32
        %ne3A_1596 = arith.constant 0 : i32
        %ne3A_1597 = arith.cmpi ne, %rem3A_1595, %ne3A_1596 : i32
        %lt3A = arith.constant 0 : i32
        %lt3A_1598 = arith.cmpi slt, %rem3A_1595, %lt3A : i32
        %lt3A_1599 = arith.constant 0 : i32
        %lt3A_1600 = arith.cmpi slt, %select_n3A_1594, %lt3A_1599 : i32
        %ne3A_1601 = arith.xori %lt3A_1598, %lt3A_1600 : i1
        %and3A_1602 = arith.andi %ne3A_1601, %ne3A_1597 : i1
        %add3A_1603 = arith.addi %rem3A_1595, %select_n3A_1594 : i32
        %select_n3A_1604 = arith.select %and3A_1602, %add3A_1603, %rem3A_1595 : i32
        %mul3A_1605 = arith.constant 16 : i32
        %mul3A_1606 = arith.muli %select_n3A_1604, %mul3A_1605 : i32
        %swap3A = arith.index_cast %select_n3A : i32 to index
        %swap3A_1607 = arith.index_cast %mul3A_1606 : i32 to index
        %swap3A_1608 = tpu.vector_load %arg17[%swap3A, %swap3A_1607] {strides = array<i32>} : memref<25x128xi32, #tpu.memory_space<vmem>>, vector<16xi32>,
        tpu.vector_store %arg17[%swap3A, %swap3A_1607], %add3A_1570 {strides = array<i32>} : memref<25x128xi32, #tpu.memory_space<vmem>>, vector<16xi32>,
      }
      %scan3A_18 = arith.constant 200 : i32
      %dma_start3A = arith.constant 0 : i32
      %dma_start3A_19 = arith.constant 0 : i32
      %dma_start3A_20 = arith.constant 0 : i32
      %dma_start3A_21 = tpu.memref_slice %arg18[%dma_start3A_19, %dma_start3A_20] : memref<3200x8xf32, #tpu.memory_space<vmem>> -> memref<128x8xf32, #tpu.memory_space<vmem>>
      %dma_start3A_22 = arith.constant 0 : i32
      %dma_start3A_23 = tpu.memref_slice %arg17[%dma_start3A, %dma_start3A_22] : memref<25x128xi32, #tpu.memory_space<vmem>> -> memref<1x128xi32, #tpu.memory_space<vmem>>
      %dma_start3A_24 = tpu.memref_squeeze %dma_start3A_23 : memref<1x128xi32, #tpu.memory_space<vmem>> -> memref<128xi32, #tpu.memory_space<vmem>>
      %dma_start3A_25 = arith.constant 0 : i32
      %dma_start3A_26 = arith.constant 0 : i32
      %dma_start3A_27 = tpu.memref_slice %arg7[%dma_start3A_25, %dma_start3A_26] : memref<5120000x8xf32, #tpu.memory_space<hbm>> -> memref<5120000x8xf32, #tpu.memory_space<hbm>>
      tpu.enqueue_indirect_dma source(%dma_start3A_27 : memref<5120000x8xf32, #tpu.memory_space<hbm>>) target(%dma_start3A_21 : memref<128x8xf32, #tpu.memory_space<vmem>>) offsets(%dma_start3A_24 : memref<128xi32, #tpu.memory_space<vmem>>) semaphore(%arg23 : memref<!tpu.dma_semaphore, #tpu.memory_space<semaphore_mem>>)
      %dma_start3A_28 = arith.constant 1 : i32
      %dma_start3A_29 = arith.constant 128 : i32
      %dma_start3A_30 = arith.constant 0 : i32
      %dma_start3A_31 = tpu.memref_slice %arg18[%dma_start3A_29, %dma_start3A_30] : memref<3200x8xf32, #tpu.memory_space<vmem>> -> memref<128x8xf32, #tpu.memory_space<vmem>>
      %dma_start3A_32 = arith.constant 0 : i32
      %dma_start3A_33 = tpu.memref_slice %arg17[%dma_start3A_28, %dma_start3A_32] : memref<25x128xi32, #tpu.memory_space<vmem>> -> memref<1x128xi32, #tpu.memory_space<vmem>>
      %dma_start3A_34 = tpu.memref_squeeze %dma_start3A_33 : memref<1x128xi32, #tpu.memory_space<vmem>> -> memref<128xi32, #tpu.memory_space<vmem>>
      %dma_start3A_35 = arith.constant 0 : i32
      %dma_start3A_36 = arith.constant 0 : i32
      %dma_start3A_37 = tpu.memref_slice %arg7[%dma_start3A_35, %dma_start3A_36] : memref<5120000x8xf32, #tpu.memory_space<hbm>> -> memref<5120000x8xf32, #tpu.memory_space<hbm>>
      tpu.enqueue_indirect_dma source(%dma_start3A_37 : memref<5120000x8xf32, #tpu.memory_space<hbm>>) target(%dma_start3A_31 : memref<128x8xf32, #tpu.memory_space<vmem>>) offsets(%dma_start3A_34 : memref<128xi32, #tpu.memory_space<vmem>>) semaphore(%arg23 : memref<!tpu.dma_semaphore, #tpu.memory_space<semaphore_mem>>)
      %dma_start3A_38 = arith.constant 2 : i32
      %dma_start3A_39 = arith.constant 256 : i32
      %dma_start3A_40 = arith.constant 0 : i32
      %dma_start3A_41 = tpu.memref_slice %arg18[%dma_start3A_39, %dma_start3A_40] : memref<3200x8xf32, #tpu.memory_space<vmem>> -> memref<128x8xf32, #tpu.memory_space<vmem>>
      %dma_start3A_42 = arith.constant 0 : i32
      %dma_start3A_43 = tpu.memref_slice %arg17[%dma_start3A_38, %dma_start3A_42] : memref<25x128xi32, #tpu.memory_space<vmem>> -> memref<1x128xi32, #tpu.memory_space<vmem>>
      %dma_start3A_44 = tpu.memref_squeeze %dma_start3A_43 : memref<1x128xi32, #tpu.memory_space<vmem>> -> memref<128xi32, #tpu.memory_space<vmem>>
      %dma_start3A_45 = arith.constant 0 : i32
      %dma_start3A_46 = arith.constant 0 : i32
      %dma_start3A_47 = tpu.memref_slice %arg7[%dma_start3A_45, %dma_start3A_46] : memref<5120000x8xf32, #tpu.memory_space<hbm>> -> memref<5120000x8xf32, #tpu.memory_space<hbm>>
      tpu.enqueue_indirect_dma source(%dma_start3A_47 : memref<5120000x8xf32, #tpu.memory_space<hbm>>) target(%dma_start3A_41 : memref<128x8xf32, #tpu.memory_space<vmem>>) offsets(%dma_start3A_44 : memref<128xi32, #tpu.memory_space<vmem>>) semaphore(%arg23 : memref<!tpu.dma_semaphore, #tpu.memory_space<semaphore_mem>>)
      %dma_start3A_48 = arith.constant 3 : i32
      %dma_start3A_49 = arith.constant 384 : i32
      %dma_start3A_50 = arith.constant 0 : i32
      %dma_start3A_51 = tpu.memref_slice %arg18[%dma_start3A_49, %dma_start3A_50] : memref<3200x8xf32, #tpu.memory_space<vmem>> -> memref<128x8xf32, #tpu.memory_space<vmem>>
      %dma_start3A_52 = arith.constant 0 : i32
      %dma_start3A_53 = tpu.memref_slice %arg17[%dma_start3A_48, %dma_start3A_52] : memref<25x128xi32, #tpu.memory_space<vmem>> -> memref<1x128xi32, #tpu.memory_space<vmem>>
      %dma_start3A_54 = tpu.memref_squeeze %dma_start3A_53 : memref<1x128xi32, #tpu.memory_space<vmem>> -> memref<128xi32, #tpu.memory_space<vmem>>
      %dma_start3A_55 = arith.constant 0 : i32
      %dma_start3A_56 = arith.constant 0 : i32
      %dma_start3A_57 = tpu.memref_slice %arg7[%dma_start3A_55, %dma_start3A_56] : memref<5120000x8xf32, #tpu.memory_space<hbm>> -> memref<5120000x8xf32, #tpu.memory_space<hbm>>
      tpu.enqueue_indirect_dma source(%dma_start3A_57 : memref<5120000x8xf32, #tpu.memory_space<hbm>>) target(%dma_start3A_51 : memref<128x8xf32, #tpu.memory_space<vmem>>) offsets(%dma_start3A_54 : memref<128xi32, #tpu.memory_space<vmem>>) semaphore(%arg23 : memref<!tpu.dma_semaphore, #tpu.memory_space<semaphore_mem>>)
      %dma_start3A_58 = arith.constant 4 : i32
      %dma_start3A_59 = arith.constant 512 : i32
      %dma_start3A_60 = arith.constant 0 : i32
      %dma_start3A_61 = tpu.memref_slice %arg18[%dma_start3A_59, %dma_start3A_60] : memref<3200x8xf32, #tpu.memory_space<vmem>> -> memref<128x8xf32, #tpu.memory_space<vmem>>
      %dma_start3A_62 = arith.constant 0 : i32
      %dma_start3A_63 = tpu.memref_slice %arg17[%dma_start3A_58, %dma_start3A_62] : memref<25x128xi32, #tpu.memory_space<vmem>> -> memref<1x128xi32, #tpu.memory_space<vmem>>
      %dma_start3A_64 = tpu.memref_squeeze %dma_start3A_63 : memref<1x128xi32, #tpu.memory_space<vmem>> -> memref<128xi32, #tpu.memory_space<vmem>>
      %dma_start3A_65 = arith.constant 0 : i32
      %dma_start3A_66 = arith.constant 0 : i32
      %dma_start3A_67 = tpu.memref_slice %arg7[%dma_start3A_65, %dma_start3A_66] : memref<5120000x8xf32, #tpu.memory_space<hbm>> -> memref<5120000x8xf32, #tpu.memory_space<hbm>>
      tpu.enqueue_indirect_dma source(%dma_start3A_67 : memref<5120000x8xf32, #tpu.memory_space<hbm>>) target(%dma_start3A_61 : memref<128x8xf32, #tpu.memory_space<vmem>>) offsets(%dma_start3A_64 : memref<128xi32, #tpu.memory_space<vmem>>) semaphore(%arg23 : memref<!tpu.dma_semaphore, #tpu.memory_space<semaphore_mem>>)
      %dma_start3A_68 = arith.constant 5 : i32
      %dma_start3A_69 = arith.constant 640 : i32
      %dma_start3A_70 = arith.constant 0 : i32
      %dma_start3A_71 = tpu.memref_slice %arg18[%dma_start3A_69, %dma_start3A_70] : memref<3200x8xf32, #tpu.memory_space<vmem>> -> memref<128x8xf32, #tpu.memory_space<vmem>>
      %dma_start3A_72 = arith.constant 0 : i32
      %dma_start3A_73 = tpu.memref_slice %arg17[%dma_start3A_68, %dma_start3A_72] : memref<25x128xi32, #tpu.memory_space<vmem>> -> memref<1x128xi32, #tpu.memory_space<vmem>>
      %dma_start3A_74 = tpu.memref_squeeze %dma_start3A_73 : memref<1x128xi32, #tpu.memory_space<vmem>> -> memref<128xi32, #tpu.memory_space<vmem>>
      %dma_start3A_75 = arith.constant 0 : i32
      %dma_start3A_76 = arith.constant 0 : i32
      %dma_start3A_77 = tpu.memref_slice %arg7[%dma_start3A_75, %dma_start3A_76] : memref<5120000x8xf32, #tpu.memory_space<hbm>> -> memref<5120000x8xf32, #tpu.memory_space<hbm>>
      tpu.enqueue_indirect_dma source(%dma_start3A_77 : memref<5120000x8xf32, #tpu.memory_space<hbm>>) target(%dma_start3A_71 : memref<128x8xf32, #tpu.memory_space<vmem>>) offsets(%dma_start3A_74 : memref<128xi32, #tpu.memory_space<vmem>>) semaphore(%arg23 : memref<!tpu.dma_semaphore, #tpu.memory_space<semaphore_mem>>)
      %dma_start3A_78 = arith.constant 6 : i32
      %dma_start3A_79 = arith.constant 768 : i32
      %dma_start3A_80 = arith.constant 0 : i32
      %dma_start3A_81 = tpu.memref_slice %arg18[%dma_start3A_79, %dma_start3A_80] : memref<3200x8xf32, #tpu.memory_space<vmem>> -> memref<128x8xf32, #tpu.memory_space<vmem>>
      %dma_start3A_82 = arith.constant 0 : i32
      %dma_start3A_83 = tpu.memref_slice %arg17[%dma_start3A_78, %dma_start3A_82] : memref<25x128xi32, #tpu.memory_space<vmem>> -> memref<1x128xi32, #tpu.memory_space<vmem>>
      %dma_start3A_84 = tpu.memref_squeeze %dma_start3A_83 : memref<1x128xi32, #tpu.memory_space<vmem>> -> memref<128xi32, #tpu.memory_space<vmem>>
      %dma_start3A_85 = arith.constant 0 : i32
      %dma_start3A_86 = arith.constant 0 : i32
      %dma_start3A_87 = tpu.memref_slice %arg7[%dma_start3A_85, %dma_start3A_86] : memref<5120000x8xf32, #tpu.memory_space<hbm>> -> memref<5120000x8xf32, #tpu.memory_space<hbm>>
      tpu.enqueue_indirect_dma source(%dma_start3A_87 : memref<5120000x8xf32, #tpu.memory_space<hbm>>) target(%dma_start3A_81 : memref<128x8xf32, #tpu.memory_space<vmem>>) offsets(%dma_start3A_84 : memref<128xi32, #tpu.memory_space<vmem>>) semaphore(%arg23 : memref<!tpu.dma_semaphore, #tpu.memory_space<semaphore_mem>>)
      %dma_start3A_88 = arith.constant 7 : i32
      %dma_start3A_89 = arith.constant 896 : i32
      %dma_start3A_90 = arith.constant 0 : i32
      %dma_start3A_91 = tpu.memref_slice %arg18[%dma_start3A_89, %dma_start3A_90] : memref<3200x8xf32, #tpu.memory_space<vmem>> -> memref<128x8xf32, #tpu.memory_space<vmem>>
      %dma_start3A_92 = arith.constant 0 : i32
      %dma_start3A_93 = tpu.memref_slice %arg17[%dma_start3A_88, %dma_start3A_92] : memref<25x128xi32, #tpu.memory_space<vmem>> -> memref<1x128xi32, #tpu.memory_space<vmem>>
      %dma_start3A_94 = tpu.memref_squeeze %dma_start3A_93 : memref<1x128xi32, #tpu.memory_space<vmem>> -> memref<128xi32, #tpu.memory_space<vmem>>
      %dma_start3A_95 = arith.constant 0 : i32
      %dma_start3A_96 = arith.constant 0 : i32
      %dma_start3A_97 = tpu.memref_slice %arg7[%dma_start3A_95, %dma_start3A_96] : memref<5120000x8xf32, #tpu.memory_space<hbm>> -> memref<5120000x8xf32, #tpu.memory_space<hbm>>
      tpu.enqueue_indirect_dma source(%dma_start3A_97 : memref<5120000x8xf32, #tpu.memory_space<hbm>>) target(%dma_start3A_91 : memref<128x8xf32, #tpu.memory_space<vmem>>) offsets(%dma_start3A_94 : memref<128xi32, #tpu.memory_space<vmem>>) semaphore(%arg23 : memref<!tpu.dma_semaphore, #tpu.memory_space<semaphore_mem>>)
      %dma_start3A_98 = arith.constant 8 : i32
      %dma_start3A_99 = arith.constant 1024 : i32
      %dma_start3A_100 = arith.constant 0 : i32
      %dma_start3A_101 = tpu.memref_slice %arg18[%dma_start3A_99, %dma_start3A_100] : memref<3200x8xf32, #tpu.memory_space<vmem>> -> memref<128x8xf32, #tpu.memory_space<vmem>>
      %dma_start3A_102 = arith.constant 0 : i32
      %dma_start3A_103 = tpu.memref_slice %arg17[%dma_start3A_98, %dma_start3A_102] : memref<25x128xi32, #tpu.memory_space<vmem>> -> memref<1x128xi32, #tpu.memory_space<vmem>>
      %dma_start3A_104 = tpu.memref_squeeze %dma_start3A_103 : memref<1x128xi32, #tpu.memory_space<vmem>> -> memref<128xi32, #tpu.memory_space<vmem>>
      %dma_start3A_105 = arith.constant 0 : i32
      %dma_start3A_106 = arith.constant 0 : i32
      %dma_start3A_107 = tpu.memref_slice %arg7[%dma_start3A_105, %dma_start3A_106] : memref<5120000x8xf32, #tpu.memory_space<hbm>> -> memref<5120000x8xf32, #tpu.memory_space<hbm>>
      tpu.enqueue_indirect_dma source(%dma_start3A_107 : memref<5120000x8xf32, #tpu.memory_space<hbm>>) target(%dma_start3A_101 : memref<128x8xf32, #tpu.memory_space<vmem>>) offsets(%dma_start3A_104 : memref<128xi32, #tpu.memory_space<vmem>>) semaphore(%arg23 : memref<!tpu.dma_semaphore, #tpu.memory_space<semaphore_mem>>)
      %dma_start3A_108 = arith.constant 9 : i32
      %dma_start3A_109 = arith.constant 1152 : i32
      %dma_start3A_110 = arith.constant 0 : i32
      %dma_start3A_111 = tpu.memref_slice %arg18[%dma_start3A_109, %dma_start3A_110] : memref<3200x8xf32, #tpu.memory_space<vmem>> -> memref<128x8xf32, #tpu.memory_space<vmem>>
      %dma_start3A_112 = arith.constant 0 : i32
      %dma_start3A_113 = tpu.memref_slice %arg17[%dma_start3A_108, %dma_start3A_112] : memref<25x128xi32, #tpu.memory_space<vmem>> -> memref<1x128xi32, #tpu.memory_space<vmem>>
      %dma_start3A_114 = tpu.memref_squeeze %dma_start3A_113 : memref<1x128xi32, #tpu.memory_space<vmem>> -> memref<128xi32, #tpu.memory_space<vmem>>
      %dma_start3A_115 = arith.constant 0 : i32
      %dma_start3A_116 = arith.constant 0 : i32
      %dma_start3A_117 = tpu.memref_slice %arg7[%dma_start3A_115, %dma_start3A_116] : memref<5120000x8xf32, #tpu.memory_space<hbm>> -> memref<5120000x8xf32, #tpu.memory_space<hbm>>
      tpu.enqueue_indirect_dma source(%dma_start3A_117 : memref<5120000x8xf32, #tpu.memory_space<hbm>>) target(%dma_start3A_111 : memref<128x8xf32, #tpu.memory_space<vmem>>) offsets(%dma_start3A_114 : memref<128xi32, #tpu.memory_space<vmem>>) semaphore(%arg23 : memref<!tpu.dma_semaphore, #tpu.memory_space<semaphore_mem>>)
      %dma_start3A_118 = arith.constant 10 : i32
      %dma_start3A_119 = arith.constant 1280 : i32
      %dma_start3A_120 = arith.constant 0 : i32
      %dma_start3A_121 = tpu.memref_slice %arg18[%dma_start3A_119, %dma_start3A_120] : memref<3200x8xf32, #tpu.memory_space<vmem>> -> memref<128x8xf32, #tpu.memory_space<vmem>>
      %dma_start3A_122 = arith.constant 0 : i32
      %dma_start3A_123 = tpu.memref_slice %arg17[%dma_start3A_118, %dma_start3A_122] : memref<25x128xi32, #tpu.memory_space<vmem>> -> memref<1x128xi32, #tpu.memory_space<vmem>>
      %dma_start3A_124 = tpu.memref_squeeze %dma_start3A_123 : memref<1x128xi32, #tpu.memory_space<vmem>> -> memref<128xi32, #tpu.memory_space<vmem>>
      %dma_start3A_125 = arith.constant 0 : i32
      %dma_start3A_126 = arith.constant 0 : i32
      %dma_start3A_127 = tpu.memref_slice %arg7[%dma_start3A_125, %dma_start3A_126] : memref<5120000x8xf32, #tpu.memory_space<hbm>> -> memref<5120000x8xf32, #tpu.memory_space<hbm>>
      tpu.enqueue_indirect_dma source(%dma_start3A_127 : memref<5120000x8xf32, #tpu.memory_space<hbm>>) target(%dma_start3A_121 : memref<128x8xf32, #tpu.memory_space<vmem>>) offsets(%dma_start3A_124 : memref<128xi32, #tpu.memory_space<vmem>>) semaphore(%arg23 : memref<!tpu.dma_semaphore, #tpu.memory_space<semaphore_mem>>)
      %dma_start3A_128 = arith.constant 11 : i32
      %dma_start3A_129 = arith.constant 1408 : i32
      %dma_start3A_130 = arith.constant 0 : i32
      %dma_start3A_131 = tpu.memref_slice %arg18[%dma_start3A_129, %dma_start3A_130] : memref<3200x8xf32, #tpu.memory_space<vmem>> -> memref<128x8xf32, #tpu.memory_space<vmem>>
      %dma_start3A_132 = arith.constant 0 : i32
      %dma_start3A_133 = tpu.memref_slice %arg17[%dma_start3A_128, %dma_start3A_132] : memref<25x128xi32, #tpu.memory_space<vmem>> -> memref<1x128xi32, #tpu.memory_space<vmem>>
      %dma_start3A_134 = tpu.memref_squeeze %dma_start3A_133 : memref<1x128xi32, #tpu.memory_space<vmem>> -> memref<128xi32, #tpu.memory_space<vmem>>
      %dma_start3A_135 = arith.constant 0 : i32
      %dma_start3A_136 = arith.constant 0 : i32
      %dma_start3A_137 = tpu.memref_slice %arg7[%dma_start3A_135, %dma_start3A_136] : memref<5120000x8xf32, #tpu.memory_space<hbm>> -> memref<5120000x8xf32, #tpu.memory_space<hbm>>
      tpu.enqueue_indirect_dma source(%dma_start3A_137 : memref<5120000x8xf32, #tpu.memory_space<hbm>>) target(%dma_start3A_131 : memref<128x8xf32, #tpu.memory_space<vmem>>) offsets(%dma_start3A_134 : memref<128xi32, #tpu.memory_space<vmem>>) semaphore(%arg23 : memref<!tpu.dma_semaphore, #tpu.memory_space<semaphore_mem>>)
      %dma_start3A_138 = arith.constant 12 : i32
      %dma_start3A_139 = arith.constant 1536 : i32
      %dma_start3A_140 = arith.constant 0 : i32
      %dma_start3A_141 = tpu.memref_slice %arg18[%dma_start3A_139, %dma_start3A_140] : memref<3200x8xf32, #tpu.memory_space<vmem>> -> memref<128x8xf32, #tpu.memory_space<vmem>>
      %dma_start3A_142 = arith.constant 0 : i32
      %dma_start3A_143 = tpu.memref_slice %arg17[%dma_start3A_138, %dma_start3A_142] : memref<25x128xi32, #tpu.memory_space<vmem>> -> memref<1x128xi32, #tpu.memory_space<vmem>>
      %dma_start3A_144 = tpu.memref_squeeze %dma_start3A_143 : memref<1x128xi32, #tpu.memory_space<vmem>> -> memref<128xi32, #tpu.memory_space<vmem>>
      %dma_start3A_145 = arith.constant 0 : i32
      %dma_start3A_146 = arith.constant 0 : i32
      %dma_start3A_147 = tpu.memref_slice %arg7[%dma_start3A_145, %dma_start3A_146] : memref<5120000x8xf32, #tpu.memory_space<hbm>> -> memref<5120000x8xf32, #tpu.memory_space<hbm>>
      tpu.enqueue_indirect_dma source(%dma_start3A_147 : memref<5120000x8xf32, #tpu.memory_space<hbm>>) target(%dma_start3A_141 : memref<128x8xf32, #tpu.memory_space<vmem>>) offsets(%dma_start3A_144 : memref<128xi32, #tpu.memory_space<vmem>>) semaphore(%arg23 : memref<!tpu.dma_semaphore, #tpu.memory_space<semaphore_mem>>)
      %dma_start3A_148 = arith.constant 13 : i32
      %dma_start3A_149 = arith.constant 1664 : i32
      %dma_start3A_150 = arith.constant 0 : i32
      %dma_start3A_151 = tpu.memref_slice %arg18[%dma_start3A_149, %dma_start3A_150] : memref<3200x8xf32, #tpu.memory_space<vmem>> -> memref<128x8xf32, #tpu.memory_space<vmem>>
      %dma_start3A_152 = arith.constant 0 : i32
      %dma_start3A_153 = tpu.memref_slice %arg17[%dma_start3A_148, %dma_start3A_152] : memref<25x128xi32, #tpu.memory_space<vmem>> -> memref<1x128xi32, #tpu.memory_space<vmem>>
      %dma_start3A_154 = tpu.memref_squeeze %dma_start3A_153 : memref<1x128xi32, #tpu.memory_space<vmem>> -> memref<128xi32, #tpu.memory_space<vmem>>
      %dma_start3A_155 = arith.constant 0 : i32
      %dma_start3A_156 = arith.constant 0 : i32
      %dma_start3A_157 = tpu.memref_slice %arg7[%dma_start3A_155, %dma_start3A_156] : memref<5120000x8xf32, #tpu.memory_space<hbm>> -> memref<5120000x8xf32, #tpu.memory_space<hbm>>
      tpu.enqueue_indirect_dma source(%dma_start3A_157 : memref<5120000x8xf32, #tpu.memory_space<hbm>>) target(%dma_start3A_151 : memref<128x8xf32, #tpu.memory_space<vmem>>) offsets(%dma_start3A_154 : memref<128xi32, #tpu.memory_space<vmem>>) semaphore(%arg23 : memref<!tpu.dma_semaphore, #tpu.memory_space<semaphore_mem>>)
      %dma_start3A_158 = arith.constant 14 : i32
      %dma_start3A_159 = arith.constant 1792 : i32
      %dma_start3A_160 = arith.constant 0 : i32
      %dma_start3A_161 = tpu.memref_slice %arg18[%dma_start3A_159, %dma_start3A_160] : memref<3200x8xf32, #tpu.memory_space<vmem>> -> memref<128x8xf32, #tpu.memory_space<vmem>>
      %dma_start3A_162 = arith.constant 0 : i32
      %dma_start3A_163 = tpu.memref_slice %arg17[%dma_start3A_158, %dma_start3A_162] : memref<25x128xi32, #tpu.memory_space<vmem>> -> memref<1x128xi32, #tpu.memory_space<vmem>>
      %dma_start3A_164 = tpu.memref_squeeze %dma_start3A_163 : memref<1x128xi32, #tpu.memory_space<vmem>> -> memref<128xi32, #tpu.memory_space<vmem>>
      %dma_start3A_165 = arith.constant 0 : i32
      %dma_start3A_166 = arith.constant 0 : i32
      %dma_start3A_167 = tpu.memref_slice %arg7[%dma_start3A_165, %dma_start3A_166] : memref<5120000x8xf32, #tpu.memory_space<hbm>> -> memref<5120000x8xf32, #tpu.memory_space<hbm>>
      tpu.enqueue_indirect_dma source(%dma_start3A_167 : memref<5120000x8xf32, #tpu.memory_space<hbm>>) target(%dma_start3A_161 : memref<128x8xf32, #tpu.memory_space<vmem>>) offsets(%dma_start3A_164 : memref<128xi32, #tpu.memory_space<vmem>>) semaphore(%arg23 : memref<!tpu.dma_semaphore, #tpu.memory_space<semaphore_mem>>)
      %dma_start3A_168 = arith.constant 15 : i32
      %dma_start3A_169 = arith.constant 1920 : i32
      %dma_start3A_170 = arith.constant 0 : i32
      %dma_start3A_171 = tpu.memref_slice %arg18[%dma_start3A_169, %dma_start3A_170] : memref<3200x8xf32, #tpu.memory_space<vmem>> -> memref<128x8xf32, #tpu.memory_space<vmem>>
      %dma_start3A_172 = arith.constant 0 : i32
      %dma_start3A_173 = tpu.memref_slice %arg17[%dma_start3A_168, %dma_start3A_172] : memref<25x128xi32, #tpu.memory_space<vmem>> -> memref<1x128xi32, #tpu.memory_space<vmem>>
      %dma_start3A_174 = tpu.memref_squeeze %dma_start3A_173 : memref<1x128xi32, #tpu.memory_space<vmem>> -> memref<128xi32, #tpu.memory_space<vmem>>
      %dma_start3A_175 = arith.constant 0 : i32
      %dma_start3A_176 = arith.constant 0 : i32
      %dma_start3A_177 = tpu.memref_slice %arg7[%dma_start3A_175, %dma_start3A_176] : memref<5120000x8xf32, #tpu.memory_space<hbm>> -> memref<5120000x8xf32, #tpu.memory_space<hbm>>
      tpu.enqueue_indirect_dma source(%dma_start3A_177 : memref<5120000x8xf32, #tpu.memory_space<hbm>>) target(%dma_start3A_171 : memref<128x8xf32, #tpu.memory_space<vmem>>) offsets(%dma_start3A_174 : memref<128xi32, #tpu.memory_space<vmem>>) semaphore(%arg23 : memref<!tpu.dma_semaphore, #tpu.memory_space<semaphore_mem>>)
      %dma_start3A_178 = arith.constant 16 : i32
      %dma_start3A_179 = arith.constant 2048 : i32
      %dma_start3A_180 = arith.constant 0 : i32
      %dma_start3A_181 = tpu.memref_slice %arg18[%dma_start3A_179, %dma_start3A_180] : memref<3200x8xf32, #tpu.memory_space<vmem>> -> memref<128x8xf32, #tpu.memory_space<vmem>>
      %dma_start3A_182 = arith.constant 0 : i32
      %dma_start3A_183 = tpu.memref_slice %arg17[%dma_start3A_178, %dma_start3A_182] : memref<25x128xi32, #tpu.memory_space<vmem>> -> memref<1x128xi32, #tpu.memory_space<vmem>>
      %dma_start3A_184 = tpu.memref_squeeze %dma_start3A_183 : memref<1x128xi32, #tpu.memory_space<vmem>> -> memref<128xi32, #tpu.memory_space<vmem>>
      %dma_start3A_185 = arith.constant 0 : i32
      %dma_start3A_186 = arith.constant 0 : i32
      %dma_start3A_187 = tpu.memref_slice %arg7[%dma_start3A_185, %dma_start3A_186] : memref<5120000x8xf32, #tpu.memory_space<hbm>> -> memref<5120000x8xf32, #tpu.memory_space<hbm>>
      tpu.enqueue_indirect_dma source(%dma_start3A_187 : memref<5120000x8xf32, #tpu.memory_space<hbm>>) target(%dma_start3A_181 : memref<128x8xf32, #tpu.memory_space<vmem>>) offsets(%dma_start3A_184 : memref<128xi32, #tpu.memory_space<vmem>>) semaphore(%arg23 : memref<!tpu.dma_semaphore, #tpu.memory_space<semaphore_mem>>)
      %dma_start3A_188 = arith.constant 17 : i32
      %dma_start3A_189 = arith.constant 2176 : i32
      %dma_start3A_190 = arith.constant 0 : i32
      %dma_start3A_191 = tpu.memref_slice %arg18[%dma_start3A_189, %dma_start3A_190] : memref<3200x8xf32, #tpu.memory_space<vmem>> -> memref<128x8xf32, #tpu.memory_space<vmem>>
      %dma_start3A_192 = arith.constant 0 : i32
      %dma_start3A_193 = tpu.memref_slice %arg17[%dma_start3A_188, %dma_start3A_192] : memref<25x128xi32, #tpu.memory_space<vmem>> -> memref<1x128xi32, #tpu.memory_space<vmem>>
      %dma_start3A_194 = tpu.memref_squeeze %dma_start3A_193 : memref<1x128xi32, #tpu.memory_space<vmem>> -> memref<128xi32, #tpu.memory_space<vmem>>
      %dma_start3A_195 = arith.constant 0 : i32
      %dma_start3A_196 = arith.constant 0 : i32
      %dma_start3A_197 = tpu.memref_slice %arg7[%dma_start3A_195, %dma_start3A_196] : memref<5120000x8xf32, #tpu.memory_space<hbm>> -> memref<5120000x8xf32, #tpu.memory_space<hbm>>
      tpu.enqueue_indirect_dma source(%dma_start3A_197 : memref<5120000x8xf32, #tpu.memory_space<hbm>>) target(%dma_start3A_191 : memref<128x8xf32, #tpu.memory_space<vmem>>) offsets(%dma_start3A_194 : memref<128xi32, #tpu.memory_space<vmem>>) semaphore(%arg23 : memref<!tpu.dma_semaphore, #tpu.memory_space<semaphore_mem>>)
      %dma_start3A_198 = arith.constant 18 : i32
      %dma_start3A_199 = arith.constant 2304 : i32
      %dma_start3A_200 = arith.constant 0 : i32
      %dma_start3A_201 = tpu.memref_slice %arg18[%dma_start3A_199, %dma_start3A_200] : memref<3200x8xf32, #tpu.memory_space<vmem>> -> memref<128x8xf32, #tpu.memory_space<vmem>>
      %dma_start3A_202 = arith.constant 0 : i32
      %dma_start3A_203 = tpu.memref_slice %arg17[%dma_start3A_198, %dma_start3A_202] : memref<25x128xi32, #tpu.memory_space<vmem>> -> memref<1x128xi32, #tpu.memory_space<vmem>>
      %dma_start3A_204 = tpu.memref_squeeze %dma_start3A_203 : memref<1x128xi32, #tpu.memory_space<vmem>> -> memref<128xi32, #tpu.memory_space<vmem>>
      %dma_start3A_205 = arith.constant 0 : i32
      %dma_start3A_206 = arith.constant 0 : i32
      %dma_start3A_207 = tpu.memref_slice %arg7[%dma_start3A_205, %dma_start3A_206] : memref<5120000x8xf32, #tpu.memory_space<hbm>> -> memref<5120000x8xf32, #tpu.memory_space<hbm>>
      tpu.enqueue_indirect_dma source(%dma_start3A_207 : memref<5120000x8xf32, #tpu.memory_space<hbm>>) target(%dma_start3A_201 : memref<128x8xf32, #tpu.memory_space<vmem>>) offsets(%dma_start3A_204 : memref<128xi32, #tpu.memory_space<vmem>>) semaphore(%arg23 : memref<!tpu.dma_semaphore, #tpu.memory_space<semaphore_mem>>)
      %dma_start3A_208 = arith.constant 19 : i32
      %dma_start3A_209 = arith.constant 2432 : i32
      %dma_start3A_210 = arith.constant 0 : i32
      %dma_start3A_211 = tpu.memref_slice %arg18[%dma_start3A_209, %dma_start3A_210] : memref<3200x8xf32, #tpu.memory_space<vmem>> -> memref<128x8xf32, #tpu.memory_space<vmem>>
      %dma_start3A_212 = arith.constant 0 : i32
      %dma_start3A_213 = tpu.memref_slice %arg17[%dma_start3A_208, %dma_start3A_212] : memref<25x128xi32, #tpu.memory_space<vmem>> -> memref<1x128xi32, #tpu.memory_space<vmem>>
      %dma_start3A_214 = tpu.memref_squeeze %dma_start3A_213 : memref<1x128xi32, #tpu.memory_space<vmem>> -> memref<128xi32, #tpu.memory_space<vmem>>
      %dma_start3A_215 = arith.constant 0 : i32
      %dma_start3A_216 = arith.constant 0 : i32
      %dma_start3A_217 = tpu.memref_slice %arg7[%dma_start3A_215, %dma_start3A_216] : memref<5120000x8xf32, #tpu.memory_space<hbm>> -> memref<5120000x8xf32, #tpu.memory_space<hbm>>
      tpu.enqueue_indirect_dma source(%dma_start3A_217 : memref<5120000x8xf32, #tpu.memory_space<hbm>>) target(%dma_start3A_211 : memref<128x8xf32, #tpu.memory_space<vmem>>) offsets(%dma_start3A_214 : memref<128xi32, #tpu.memory_space<vmem>>) semaphore(%arg23 : memref<!tpu.dma_semaphore, #tpu.memory_space<semaphore_mem>>)
      %dma_start3A_218 = arith.constant 20 : i32
      %dma_start3A_219 = arith.constant 2560 : i32
      %dma_start3A_220 = arith.constant 0 : i32
      %dma_start3A_221 = tpu.memref_slice %arg18[%dma_start3A_219, %dma_start3A_220] : memref<3200x8xf32, #tpu.memory_space<vmem>> -> memref<128x8xf32, #tpu.memory_space<vmem>>
      %dma_start3A_222 = arith.constant 0 : i32
      %dma_start3A_223 = tpu.memref_slice %arg17[%dma_start3A_218, %dma_start3A_222] : memref<25x128xi32, #tpu.memory_space<vmem>> -> memref<1x128xi32, #tpu.memory_space<vmem>>
      %dma_start3A_224 = tpu.memref_squeeze %dma_start3A_223 : memref<1x128xi32, #tpu.memory_space<vmem>> -> memref<128xi32, #tpu.memory_space<vmem>>
      %dma_start3A_225 = arith.constant 0 : i32
      %dma_start3A_226 = arith.constant 0 : i32
      %dma_start3A_227 = tpu.memref_slice %arg7[%dma_start3A_225, %dma_start3A_226] : memref<5120000x8xf32, #tpu.memory_space<hbm>> -> memref<5120000x8xf32, #tpu.memory_space<hbm>>
      tpu.enqueue_indirect_dma source(%dma_start3A_227 : memref<5120000x8xf32, #tpu.memory_space<hbm>>) target(%dma_start3A_221 : memref<128x8xf32, #tpu.memory_space<vmem>>) offsets(%dma_start3A_224 : memref<128xi32, #tpu.memory_space<vmem>>) semaphore(%arg23 : memref<!tpu.dma_semaphore, #tpu.memory_space<semaphore_mem>>)
      %dma_start3A_228 = arith.constant 21 : i32
      %dma_start3A_229 = arith.constant 2688 : i32
      %dma_start3A_230 = arith.constant 0 : i32
      %dma_start3A_231 = tpu.memref_slice %arg18[%dma_start3A_229, %dma_start3A_230] : memref<3200x8xf32, #tpu.memory_space<vmem>> -> memref<128x8xf32, #tpu.memory_space<vmem>>
      %dma_start3A_232 = arith.constant 0 : i32
      %dma_start3A_233 = tpu.memref_slice %arg17[%dma_start3A_228, %dma_start3A_232] : memref<25x128xi32, #tpu.memory_space<vmem>> -> memref<1x128xi32, #tpu.memory_space<vmem>>
      %dma_start3A_234 = tpu.memref_squeeze %dma_start3A_233 : memref<1x128xi32, #tpu.memory_space<vmem>> -> memref<128xi32, #tpu.memory_space<vmem>>
      %dma_start3A_235 = arith.constant 0 : i32
      %dma_start3A_236 = arith.constant 0 : i32
      %dma_start3A_237 = tpu.memref_slice %arg7[%dma_start3A_235, %dma_start3A_236] : memref<5120000x8xf32, #tpu.memory_space<hbm>> -> memref<5120000x8xf32, #tpu.memory_space<hbm>>
      tpu.enqueue_indirect_dma source(%dma_start3A_237 : memref<5120000x8xf32, #tpu.memory_space<hbm>>) target(%dma_start3A_231 : memref<128x8xf32, #tpu.memory_space<vmem>>) offsets(%dma_start3A_234 : memref<128xi32, #tpu.memory_space<vmem>>) semaphore(%arg23 : memref<!tpu.dma_semaphore, #tpu.memory_space<semaphore_mem>>)
      %dma_start3A_238 = arith.constant 22 : i32
      %dma_start3A_239 = arith.constant 2816 : i32
      %dma_start3A_240 = arith.constant 0 : i32
      %dma_start3A_241 = tpu.memref_slice %arg18[%dma_start3A_239, %dma_start3A_240] : memref<3200x8xf32, #tpu.memory_space<vmem>> -> memref<128x8xf32, #tpu.memory_space<vmem>>
      %dma_start3A_242 = arith.constant 0 : i32
      %dma_start3A_243 = tpu.memref_slice %arg17[%dma_start3A_238, %dma_start3A_242] : memref<25x128xi32, #tpu.memory_space<vmem>> -> memref<1x128xi32, #tpu.memory_space<vmem>>
      %dma_start3A_244 = tpu.memref_squeeze %dma_start3A_243 : memref<1x128xi32, #tpu.memory_space<vmem>> -> memref<128xi32, #tpu.memory_space<vmem>>
      %dma_start3A_245 = arith.constant 0 : i32
      %dma_start3A_246 = arith.constant 0 : i32
      %dma_start3A_247 = tpu.memref_slice %arg7[%dma_start3A_245, %dma_start3A_246] : memref<5120000x8xf32, #tpu.memory_space<hbm>> -> memref<5120000x8xf32, #tpu.memory_space<hbm>>
      tpu.enqueue_indirect_dma source(%dma_start3A_247 : memref<5120000x8xf32, #tpu.memory_space<hbm>>) target(%dma_start3A_241 : memref<128x8xf32, #tpu.memory_space<vmem>>) offsets(%dma_start3A_244 : memref<128xi32, #tpu.memory_space<vmem>>) semaphore(%arg23 : memref<!tpu.dma_semaphore, #tpu.memory_space<semaphore_mem>>)
      %dma_start3A_248 = arith.constant 23 : i32
      %dma_start3A_249 = arith.constant 2944 : i32
      %dma_start3A_250 = arith.constant 0 : i32
      %dma_start3A_251 = tpu.memref_slice %arg18[%dma_start3A_249, %dma_start3A_250] : memref<3200x8xf32, #tpu.memory_space<vmem>> -> memref<128x8xf32, #tpu.memory_space<vmem>>
      %dma_start3A_252 = arith.constant 0 : i32
      %dma_start3A_253 = tpu.memref_slice %arg17[%dma_start3A_248, %dma_start3A_252] : memref<25x128xi32, #tpu.memory_space<vmem>> -> memref<1x128xi32, #tpu.memory_space<vmem>>
      %dma_start3A_254 = tpu.memref_squeeze %dma_start3A_253 : memref<1x128xi32, #tpu.memory_space<vmem>> -> memref<128xi32, #tpu.memory_space<vmem>>
      %dma_start3A_255 = arith.constant 0 : i32
      %dma_start3A_256 = arith.constant 0 : i32
      %dma_start3A_257 = tpu.memref_slice %arg7[%dma_start3A_255, %dma_start3A_256] : memref<5120000x8xf32, #tpu.memory_space<hbm>> -> memref<5120000x8xf32, #tpu.memory_space<hbm>>
      tpu.enqueue_indirect_dma source(%dma_start3A_257 : memref<5120000x8xf32, #tpu.memory_space<hbm>>) target(%dma_start3A_251 : memref<128x8xf32, #tpu.memory_space<vmem>>) offsets(%dma_start3A_254 : memref<128xi32, #tpu.memory_space<vmem>>) semaphore(%arg23 : memref<!tpu.dma_semaphore, #tpu.memory_space<semaphore_mem>>)
      %dma_start3A_258 = arith.constant 24 : i32
      %dma_start3A_259 = arith.constant 3072 : i32
      %dma_start3A_260 = arith.constant 0 : i32
      %dma_start3A_261 = tpu.memref_slice %arg18[%dma_start3A_259, %dma_start3A_260] : memref<3200x8xf32, #tpu.memory_space<vmem>> -> memref<128x8xf32, #tpu.memory_space<vmem>>
      %dma_start3A_262 = arith.constant 0 : i32
      %dma_start3A_263 = tpu.memref_slice %arg17[%dma_start3A_258, %dma_start3A_262] : memref<25x128xi32, #tpu.memory_space<vmem>> -> memref<1x128xi32, #tpu.memory_space<vmem>>
      %dma_start3A_264 = tpu.memref_squeeze %dma_start3A_263 : memref<1x128xi32, #tpu.memory_space<vmem>> -> memref<128xi32, #tpu.memory_space<vmem>>
      %dma_start3A_265 = arith.constant 0 : i32
      %dma_start3A_266 = arith.constant 0 : i32
      %dma_start3A_267 = tpu.memref_slice %arg7[%dma_start3A_265, %dma_start3A_266] : memref<5120000x8xf32, #tpu.memory_space<hbm>> -> memref<5120000x8xf32, #tpu.memory_space<hbm>>
      tpu.enqueue_indirect_dma source(%dma_start3A_267 : memref<5120000x8xf32, #tpu.memory_space<hbm>>) target(%dma_start3A_261 : memref<128x8xf32, #tpu.memory_space<vmem>>) offsets(%dma_start3A_264 : memref<128xi32, #tpu.memory_space<vmem>>) semaphore(%arg23 : memref<!tpu.dma_semaphore, #tpu.memory_space<semaphore_mem>>)
      %dma_wait3A = arith.constant 0 : i32
      %dma_wait3A_268 = arith.constant 0 : i32
      %dma_wait3A_269 = arith.constant 0 : i32
      %dma_wait3A_270 = tpu.memref_slice %arg18[%dma_wait3A_268, %dma_wait3A_269] : memref<3200x8xf32, #tpu.memory_space<vmem>> -> memref<128x8xf32, #tpu.memory_space<vmem>>
      %dma_wait3A_271 = arith.constant 0 : i32
      %dma_wait3A_272 = tpu.memref_slice %arg17[%dma_wait3A, %dma_wait3A_271] : memref<25x128xi32, #tpu.memory_space<vmem>> -> memref<1x128xi32, #tpu.memory_space<vmem>>
      %dma_wait3A_273 = tpu.memref_squeeze %dma_wait3A_272 : memref<1x128xi32, #tpu.memory_space<vmem>> -> memref<128xi32, #tpu.memory_space<vmem>>
      %dma_wait3A_274 = arith.constant 0 : i32
      %dma_wait3A_275 = arith.constant 0 : i32
      %dma_wait3A_276 = tpu.memref_slice %arg7[%dma_wait3A_274, %dma_wait3A_275] : memref<5120000x8xf32, #tpu.memory_space<hbm>> -> memref<5120000x8xf32, #tpu.memory_space<hbm>>
      tpu.wait_indirect_dma semaphore(%arg23 : memref<!tpu.dma_semaphore, #tpu.memory_space<semaphore_mem>>) src(%dma_wait3A_276 : memref<5120000x8xf32, #tpu.memory_space<hbm>>) dst(%dma_wait3A_270 : memref<128x8xf32, #tpu.memory_space<vmem>>)
      %dma_wait3A_277 = arith.constant 1 : i32
      %dma_wait3A_278 = arith.constant 128 : i32
      %dma_wait3A_279 = arith.constant 0 : i32
      %dma_wait3A_280 = tpu.memref_slice %arg18[%dma_wait3A_278, %dma_wait3A_279] : memref<3200x8xf32, #tpu.memory_space<vmem>> -> memref<128x8xf32, #tpu.memory_space<vmem>>
      %dma_wait3A_281 = arith.constant 0 : i32
      %dma_wait3A_282 = tpu.memref_slice %arg17[%dma_wait3A_277, %dma_wait3A_281] : memref<25x128xi32, #tpu.memory_space<vmem>> -> memref<1x128xi32, #tpu.memory_space<vmem>>
      %dma_wait3A_283 = tpu.memref_squeeze %dma_wait3A_282 : memref<1x128xi32, #tpu.memory_space<vmem>> -> memref<128xi32, #tpu.memory_space<vmem>>
      %dma_wait3A_284 = arith.constant 0 : i32
      %dma_wait3A_285 = arith.constant 0 : i32
      %dma_wait3A_286 = tpu.memref_slice %arg7[%dma_wait3A_284, %dma_wait3A_285] : memref<5120000x8xf32, #tpu.memory_space<hbm>> -> memref<5120000x8xf32, #tpu.memory_space<hbm>>
      tpu.wait_indirect_dma semaphore(%arg23 : memref<!tpu.dma_semaphore, #tpu.memory_space<semaphore_mem>>) src(%dma_wait3A_286 : memref<5120000x8xf32, #tpu.memory_space<hbm>>) dst(%dma_wait3A_280 : memref<128x8xf32, #tpu.memory_space<vmem>>)
      %dma_wait3A_287 = arith.constant 2 : i32
      %dma_wait3A_288 = arith.constant 256 : i32
      %dma_wait3A_289 = arith.constant 0 : i32
      %dma_wait3A_290 = tpu.memref_slice %arg18[%dma_wait3A_288, %dma_wait3A_289] : memref<3200x8xf32, #tpu.memory_space<vmem>> -> memref<128x8xf32, #tpu.memory_space<vmem>>
      %dma_wait3A_291 = arith.constant 0 : i32
      %dma_wait3A_292 = tpu.memref_slice %arg17[%dma_wait3A_287, %dma_wait3A_291] : memref<25x128xi32, #tpu.memory_space<vmem>> -> memref<1x128xi32, #tpu.memory_space<vmem>>
      %dma_wait3A_293 = tpu.memref_squeeze %dma_wait3A_292 : memref<1x128xi32, #tpu.memory_space<vmem>> -> memref<128xi32, #tpu.memory_space<vmem>>
      %dma_wait3A_294 = arith.constant 0 : i32
      %dma_wait3A_295 = arith.constant 0 : i32
      %dma_wait3A_296 = tpu.memref_slice %arg7[%dma_wait3A_294, %dma_wait3A_295] : memref<5120000x8xf32, #tpu.memory_space<hbm>> -> memref<5120000x8xf32, #tpu.memory_space<hbm>>
      tpu.wait_indirect_dma semaphore(%arg23 : memref<!tpu.dma_semaphore, #tpu.memory_space<semaphore_mem>>) src(%dma_wait3A_296 : memref<5120000x8xf32, #tpu.memory_space<hbm>>) dst(%dma_wait3A_290 : memref<128x8xf32, #tpu.memory_space<vmem>>)
      %dma_wait3A_297 = arith.constant 3 : i32
      %dma_wait3A_298 = arith.constant 384 : i32
      %dma_wait3A_299 = arith.constant 0 : i32
      %dma_wait3A_300 = tpu.memref_slice %arg18[%dma_wait3A_298, %dma_wait3A_299] : memref<3200x8xf32, #tpu.memory_space<vmem>> -> memref<128x8xf32, #tpu.memory_space<vmem>>
      %dma_wait3A_301 = arith.constant 0 : i32
      %dma_wait3A_302 = tpu.memref_slice %arg17[%dma_wait3A_297, %dma_wait3A_301] : memref<25x128xi32, #tpu.memory_space<vmem>> -> memref<1x128xi32, #tpu.memory_space<vmem>>
      %dma_wait3A_303 = tpu.memref_squeeze %dma_wait3A_302 : memref<1x128xi32, #tpu.memory_space<vmem>> -> memref<128xi32, #tpu.memory_space<vmem>>
      %dma_wait3A_304 = arith.constant 0 : i32
      %dma_wait3A_305 = arith.constant 0 : i32
      %dma_wait3A_306 = tpu.memref_slice %arg7[%dma_wait3A_304, %dma_wait3A_305] : memref<5120000x8xf32, #tpu.memory_space<hbm>> -> memref<5120000x8xf32, #tpu.memory_space<hbm>>
      tpu.wait_indirect_dma semaphore(%arg23 : memref<!tpu.dma_semaphore, #tpu.memory_space<semaphore_mem>>) src(%dma_wait3A_306 : memref<5120000x8xf32, #tpu.memory_space<hbm>>) dst(%dma_wait3A_300 : memref<128x8xf32, #tpu.memory_space<vmem>>)
      %dma_wait3A_307 = arith.constant 4 : i32
      %dma_wait3A_308 = arith.constant 512 : i32
      %dma_wait3A_309 = arith.constant 0 : i32
      %dma_wait3A_310 = tpu.memref_slice %arg18[%dma_wait3A_308, %dma_wait3A_309] : memref<3200x8xf32, #tpu.memory_space<vmem>> -> memref<128x8xf32, #tpu.memory_space<vmem>>
      %dma_wait3A_311 = arith.constant 0 : i32
      %dma_wait3A_312 = tpu.memref_slice %arg17[%dma_wait3A_307, %dma_wait3A_311] : memref<25x128xi32, #tpu.memory_space<vmem>> -> memref<1x128xi32, #tpu.memory_space<vmem>>
      %dma_wait3A_313 = tpu.memref_squeeze %dma_wait3A_312 : memref<1x128xi32, #tpu.memory_space<vmem>> -> memref<128xi32, #tpu.memory_space<vmem>>
      %dma_wait3A_314 = arith.constant 0 : i32
      %dma_wait3A_315 = arith.constant 0 : i32
      %dma_wait3A_316 = tpu.memref_slice %arg7[%dma_wait3A_314, %dma_wait3A_315] : memref<5120000x8xf32, #tpu.memory_space<hbm>> -> memref<5120000x8xf32, #tpu.memory_space<hbm>>
      tpu.wait_indirect_dma semaphore(%arg23 : memref<!tpu.dma_semaphore, #tpu.memory_space<semaphore_mem>>) src(%dma_wait3A_316 : memref<5120000x8xf32, #tpu.memory_space<hbm>>) dst(%dma_wait3A_310 : memref<128x8xf32, #tpu.memory_space<vmem>>)
      %dma_wait3A_317 = arith.constant 5 : i32
      %dma_wait3A_318 = arith.constant 640 : i32
      %dma_wait3A_319 = arith.constant 0 : i32
      %dma_wait3A_320 = tpu.memref_slice %arg18[%dma_wait3A_318, %dma_wait3A_319] : memref<3200x8xf32, #tpu.memory_space<vmem>> -> memref<128x8xf32, #tpu.memory_space<vmem>>
      %dma_wait3A_321 = arith.constant 0 : i32
      %dma_wait3A_322 = tpu.memref_slice %arg17[%dma_wait3A_317, %dma_wait3A_321] : memref<25x128xi32, #tpu.memory_space<vmem>> -> memref<1x128xi32, #tpu.memory_space<vmem>>
      %dma_wait3A_323 = tpu.memref_squeeze %dma_wait3A_322 : memref<1x128xi32, #tpu.memory_space<vmem>> -> memref<128xi32, #tpu.memory_space<vmem>>
      %dma_wait3A_324 = arith.constant 0 : i32
      %dma_wait3A_325 = arith.constant 0 : i32
      %dma_wait3A_326 = tpu.memref_slice %arg7[%dma_wait3A_324, %dma_wait3A_325] : memref<5120000x8xf32, #tpu.memory_space<hbm>> -> memref<5120000x8xf32, #tpu.memory_space<hbm>>
      tpu.wait_indirect_dma semaphore(%arg23 : memref<!tpu.dma_semaphore, #tpu.memory_space<semaphore_mem>>) src(%dma_wait3A_326 : memref<5120000x8xf32, #tpu.memory_space<hbm>>) dst(%dma_wait3A_320 : memref<128x8xf32, #tpu.memory_space<vmem>>)
      %dma_wait3A_327 = arith.constant 6 : i32
      %dma_wait3A_328 = arith.constant 768 : i32
      %dma_wait3A_329 = arith.constant 0 : i32
      %dma_wait3A_330 = tpu.memref_slice %arg18[%dma_wait3A_328, %dma_wait3A_329] : memref<3200x8xf32, #tpu.memory_space<vmem>> -> memref<128x8xf32, #tpu.memory_space<vmem>>
      %dma_wait3A_331 = arith.constant 0 : i32
      %dma_wait3A_332 = tpu.memref_slice %arg17[%dma_wait3A_327, %dma_wait3A_331] : memref<25x128xi32, #tpu.memory_space<vmem>> -> memref<1x128xi32, #tpu.memory_space<vmem>>
      %dma_wait3A_333 = tpu.memref_squeeze %dma_wait3A_332 : memref<1x128xi32, #tpu.memory_space<vmem>> -> memref<128xi32, #tpu.memory_space<vmem>>
      %dma_wait3A_334 = arith.constant 0 : i32
      %dma_wait3A_335 = arith.constant 0 : i32
      %dma_wait3A_336 = tpu.memref_slice %arg7[%dma_wait3A_334, %dma_wait3A_335] : memref<5120000x8xf32, #tpu.memory_space<hbm>> -> memref<5120000x8xf32, #tpu.memory_space<hbm>>
      tpu.wait_indirect_dma semaphore(%arg23 : memref<!tpu.dma_semaphore, #tpu.memory_space<semaphore_mem>>) src(%dma_wait3A_336 : memref<5120000x8xf32, #tpu.memory_space<hbm>>) dst(%dma_wait3A_330 : memref<128x8xf32, #tpu.memory_space<vmem>>)
      %dma_wait3A_337 = arith.constant 7 : i32
      %dma_wait3A_338 = arith.constant 896 : i32
      %dma_wait3A_339 = arith.constant 0 : i32
      %dma_wait3A_340 = tpu.memref_slice %arg18[%dma_wait3A_338, %dma_wait3A_339] : memref<3200x8xf32, #tpu.memory_space<vmem>> -> memref<128x8xf32, #tpu.memory_space<vmem>>
      %dma_wait3A_341 = arith.constant 0 : i32
      %dma_wait3A_342 = tpu.memref_slice %arg17[%dma_wait3A_337, %dma_wait3A_341] : memref<25x128xi32, #tpu.memory_space<vmem>> -> memref<1x128xi32, #tpu.memory_space<vmem>>
      %dma_wait3A_343 = tpu.memref_squeeze %dma_wait3A_342 : memref<1x128xi32, #tpu.memory_space<vmem>> -> memref<128xi32, #tpu.memory_space<vmem>>
      %dma_wait3A_344 = arith.constant 0 : i32
      %dma_wait3A_345 = arith.constant 0 : i32
      %dma_wait3A_346 = tpu.memref_slice %arg7[%dma_wait3A_344, %dma_wait3A_345] : memref<5120000x8xf32, #tpu.memory_space<hbm>> -> memref<5120000x8xf32, #tpu.memory_space<hbm>>
      tpu.wait_indirect_dma semaphore(%arg23 : memref<!tpu.dma_semaphore, #tpu.memory_space<semaphore_mem>>) src(%dma_wait3A_346 : memref<5120000x8xf32, #tpu.memory_space<hbm>>) dst(%dma_wait3A_340 : memref<128x8xf32, #tpu.memory_space<vmem>>)
      %dma_wait3A_347 = arith.constant 8 : i32
      %dma_wait3A_348 = arith.constant 1024 : i32
      %dma_wait3A_349 = arith.constant 0 : i32
      %dma_wait3A_350 = tpu.memref_slice %arg18[%dma_wait3A_348, %dma_wait3A_349] : memref<3200x8xf32, #tpu.memory_space<vmem>> -> memref<128x8xf32, #tpu.memory_space<vmem>>
      %dma_wait3A_351 = arith.constant 0 : i32
      %dma_wait3A_352 = tpu.memref_slice %arg17[%dma_wait3A_347, %dma_wait3A_351] : memref<25x128xi32, #tpu.memory_space<vmem>> -> memref<1x128xi32, #tpu.memory_space<vmem>>
      %dma_wait3A_353 = tpu.memref_squeeze %dma_wait3A_352 : memref<1x128xi32, #tpu.memory_space<vmem>> -> memref<128xi32, #tpu.memory_space<vmem>>
      %dma_wait3A_354 = arith.constant 0 : i32
      %dma_wait3A_355 = arith.constant 0 : i32
      %dma_wait3A_356 = tpu.memref_slice %arg7[%dma_wait3A_354, %dma_wait3A_355] : memref<5120000x8xf32, #tpu.memory_space<hbm>> -> memref<5120000x8xf32, #tpu.memory_space<hbm>>
      tpu.wait_indirect_dma semaphore(%arg23 : memref<!tpu.dma_semaphore, #tpu.memory_space<semaphore_mem>>) src(%dma_wait3A_356 : memref<5120000x8xf32, #tpu.memory_space<hbm>>) dst(%dma_wait3A_350 : memref<128x8xf32, #tpu.memory_space<vmem>>)
      %dma_wait3A_357 = arith.constant 9 : i32
      %dma_wait3A_358 = arith.constant 1152 : i32
      %dma_wait3A_359 = arith.constant 0 : i32
      %dma_wait3A_360 = tpu.memref_slice %arg18[%dma_wait3A_358, %dma_wait3A_359] : memref<3200x8xf32, #tpu.memory_space<vmem>> -> memref<128x8xf32, #tpu.memory_space<vmem>>
      %dma_wait3A_361 = arith.constant 0 : i32
      %dma_wait3A_362 = tpu.memref_slice %arg17[%dma_wait3A_357, %dma_wait3A_361] : memref<25x128xi32, #tpu.memory_space<vmem>> -> memref<1x128xi32, #tpu.memory_space<vmem>>
      %dma_wait3A_363 = tpu.memref_squeeze %dma_wait3A_362 : memref<1x128xi32, #tpu.memory_space<vmem>> -> memref<128xi32, #tpu.memory_space<vmem>>
      %dma_wait3A_364 = arith.constant 0 : i32
      %dma_wait3A_365 = arith.constant 0 : i32
      %dma_wait3A_366 = tpu.memref_slice %arg7[%dma_wait3A_364, %dma_wait3A_365] : memref<5120000x8xf32, #tpu.memory_space<hbm>> -> memref<5120000x8xf32, #tpu.memory_space<hbm>>
      tpu.wait_indirect_dma semaphore(%arg23 : memref<!tpu.dma_semaphore, #tpu.memory_space<semaphore_mem>>) src(%dma_wait3A_366 : memref<5120000x8xf32, #tpu.memory_space<hbm>>) dst(%dma_wait3A_360 : memref<128x8xf32, #tpu.memory_space<vmem>>)
      %dma_wait3A_367 = arith.constant 10 : i32
      %dma_wait3A_368 = arith.constant 1280 : i32
      %dma_wait3A_369 = arith.constant 0 : i32
      %dma_wait3A_370 = tpu.memref_slice %arg18[%dma_wait3A_368, %dma_wait3A_369] : memref<3200x8xf32, #tpu.memory_space<vmem>> -> memref<128x8xf32, #tpu.memory_space<vmem>>
      %dma_wait3A_371 = arith.constant 0 : i32
      %dma_wait3A_372 = tpu.memref_slice %arg17[%dma_wait3A_367, %dma_wait3A_371] : memref<25x128xi32, #tpu.memory_space<vmem>> -> memref<1x128xi32, #tpu.memory_space<vmem>>
      %dma_wait3A_373 = tpu.memref_squeeze %dma_wait3A_372 : memref<1x128xi32, #tpu.memory_space<vmem>> -> memref<128xi32, #tpu.memory_space<vmem>>
      %dma_wait3A_374 = arith.constant 0 : i32
      %dma_wait3A_375 = arith.constant 0 : i32
      %dma_wait3A_376 = tpu.memref_slice %arg7[%dma_wait3A_374, %dma_wait3A_375] : memref<5120000x8xf32, #tpu.memory_space<hbm>> -> memref<5120000x8xf32, #tpu.memory_space<hbm>>
      tpu.wait_indirect_dma semaphore(%arg23 : memref<!tpu.dma_semaphore, #tpu.memory_space<semaphore_mem>>) src(%dma_wait3A_376 : memref<5120000x8xf32, #tpu.memory_space<hbm>>) dst(%dma_wait3A_370 : memref<128x8xf32, #tpu.memory_space<vmem>>)
      %dma_wait3A_377 = arith.constant 11 : i32
      %dma_wait3A_378 = arith.constant 1408 : i32
      %dma_wait3A_379 = arith.constant 0 : i32
      %dma_wait3A_380 = tpu.memref_slice %arg18[%dma_wait3A_378, %dma_wait3A_379] : memref<3200x8xf32, #tpu.memory_space<vmem>> -> memref<128x8xf32, #tpu.memory_space<vmem>>
      %dma_wait3A_381 = arith.constant 0 : i32
      %dma_wait3A_382 = tpu.memref_slice %arg17[%dma_wait3A_377, %dma_wait3A_381] : memref<25x128xi32, #tpu.memory_space<vmem>> -> memref<1x128xi32, #tpu.memory_space<vmem>>
      %dma_wait3A_383 = tpu.memref_squeeze %dma_wait3A_382 : memref<1x128xi32, #tpu.memory_space<vmem>> -> memref<128xi32, #tpu.memory_space<vmem>>
      %dma_wait3A_384 = arith.constant 0 : i32
      %dma_wait3A_385 = arith.constant 0 : i32
      %dma_wait3A_386 = tpu.memref_slice %arg7[%dma_wait3A_384, %dma_wait3A_385] : memref<5120000x8xf32, #tpu.memory_space<hbm>> -> memref<5120000x8xf32, #tpu.memory_space<hbm>>
      tpu.wait_indirect_dma semaphore(%arg23 : memref<!tpu.dma_semaphore, #tpu.memory_space<semaphore_mem>>) src(%dma_wait3A_386 : memref<5120000x8xf32, #tpu.memory_space<hbm>>) dst(%dma_wait3A_380 : memref<128x8xf32, #tpu.memory_space<vmem>>)
      %dma_wait3A_387 = arith.constant 12 : i32
      %dma_wait3A_388 = arith.constant 1536 : i32
      %dma_wait3A_389 = arith.constant 0 : i32
      %dma_wait3A_390 = tpu.memref_slice %arg18[%dma_wait3A_388, %dma_wait3A_389] : memref<3200x8xf32, #tpu.memory_space<vmem>> -> memref<128x8xf32, #tpu.memory_space<vmem>>
      %dma_wait3A_391 = arith.constant 0 : i32
      %dma_wait3A_392 = tpu.memref_slice %arg17[%dma_wait3A_387, %dma_wait3A_391] : memref<25x128xi32, #tpu.memory_space<vmem>> -> memref<1x128xi32, #tpu.memory_space<vmem>>
      %dma_wait3A_393 = tpu.memref_squeeze %dma_wait3A_392 : memref<1x128xi32, #tpu.memory_space<vmem>> -> memref<128xi32, #tpu.memory_space<vmem>>
      %dma_wait3A_394 = arith.constant 0 : i32
      %dma_wait3A_395 = arith.constant 0 : i32
      %dma_wait3A_396 = tpu.memref_slice %arg7[%dma_wait3A_394, %dma_wait3A_395] : memref<5120000x8xf32, #tpu.memory_space<hbm>> -> memref<5120000x8xf32, #tpu.memory_space<hbm>>
      tpu.wait_indirect_dma semaphore(%arg23 : memref<!tpu.dma_semaphore, #tpu.memory_space<semaphore_mem>>) src(%dma_wait3A_396 : memref<5120000x8xf32, #tpu.memory_space<hbm>>) dst(%dma_wait3A_390 : memref<128x8xf32, #tpu.memory_space<vmem>>)
      %dma_wait3A_397 = arith.constant 13 : i32
      %dma_wait3A_398 = arith.constant 1664 : i32
      %dma_wait3A_399 = arith.constant 0 : i32
      %dma_wait3A_400 = tpu.memref_slice %arg18[%dma_wait3A_398, %dma_wait3A_399] : memref<3200x8xf32, #tpu.memory_space<vmem>> -> memref<128x8xf32, #tpu.memory_space<vmem>>
      %dma_wait3A_401 = arith.constant 0 : i32
      %dma_wait3A_402 = tpu.memref_slice %arg17[%dma_wait3A_397, %dma_wait3A_401] : memref<25x128xi32, #tpu.memory_space<vmem>> -> memref<1x128xi32, #tpu.memory_space<vmem>>
      %dma_wait3A_403 = tpu.memref_squeeze %dma_wait3A_402 : memref<1x128xi32, #tpu.memory_space<vmem>> -> memref<128xi32, #tpu.memory_space<vmem>>
      %dma_wait3A_404 = arith.constant 0 : i32
      %dma_wait3A_405 = arith.constant 0 : i32
      %dma_wait3A_406 = tpu.memref_slice %arg7[%dma_wait3A_404, %dma_wait3A_405] : memref<5120000x8xf32, #tpu.memory_space<hbm>> -> memref<5120000x8xf32, #tpu.memory_space<hbm>>
      tpu.wait_indirect_dma semaphore(%arg23 : memref<!tpu.dma_semaphore, #tpu.memory_space<semaphore_mem>>) src(%dma_wait3A_406 : memref<5120000x8xf32, #tpu.memory_space<hbm>>) dst(%dma_wait3A_400 : memref<128x8xf32, #tpu.memory_space<vmem>>)
      %dma_wait3A_407 = arith.constant 14 : i32
      %dma_wait3A_408 = arith.constant 1792 : i32
      %dma_wait3A_409 = arith.constant 0 : i32
      %dma_wait3A_410 = tpu.memref_slice %arg18[%dma_wait3A_408, %dma_wait3A_409] : memref<3200x8xf32, #tpu.memory_space<vmem>> -> memref<128x8xf32, #tpu.memory_space<vmem>>
      %dma_wait3A_411 = arith.constant 0 : i32
      %dma_wait3A_412 = tpu.memref_slice %arg17[%dma_wait3A_407, %dma_wait3A_411] : memref<25x128xi32, #tpu.memory_space<vmem>> -> memref<1x128xi32, #tpu.memory_space<vmem>>
      %dma_wait3A_413 = tpu.memref_squeeze %dma_wait3A_412 : memref<1x128xi32, #tpu.memory_space<vmem>> -> memref<128xi32, #tpu.memory_space<vmem>>
      %dma_wait3A_414 = arith.constant 0 : i32
      %dma_wait3A_415 = arith.constant 0 : i32
      %dma_wait3A_416 = tpu.memref_slice %arg7[%dma_wait3A_414, %dma_wait3A_415] : memref<5120000x8xf32, #tpu.memory_space<hbm>> -> memref<5120000x8xf32, #tpu.memory_space<hbm>>
      tpu.wait_indirect_dma semaphore(%arg23 : memref<!tpu.dma_semaphore, #tpu.memory_space<semaphore_mem>>) src(%dma_wait3A_416 : memref<5120000x8xf32, #tpu.memory_space<hbm>>) dst(%dma_wait3A_410 : memref<128x8xf32, #tpu.memory_space<vmem>>)
      %dma_wait3A_417 = arith.constant 15 : i32
      %dma_wait3A_418 = arith.constant 1920 : i32
      %dma_wait3A_419 = arith.constant 0 : i32
      %dma_wait3A_420 = tpu.memref_slice %arg18[%dma_wait3A_418, %dma_wait3A_419] : memref<3200x8xf32, #tpu.memory_space<vmem>> -> memref<128x8xf32, #tpu.memory_space<vmem>>
      %dma_wait3A_421 = arith.constant 0 : i32
      %dma_wait3A_422 = tpu.memref_slice %arg17[%dma_wait3A_417, %dma_wait3A_421] : memref<25x128xi32, #tpu.memory_space<vmem>> -> memref<1x128xi32, #tpu.memory_space<vmem>>
      %dma_wait3A_423 = tpu.memref_squeeze %dma_wait3A_422 : memref<1x128xi32, #tpu.memory_space<vmem>> -> memref<128xi32, #tpu.memory_space<vmem>>
      %dma_wait3A_424 = arith.constant 0 : i32
      %dma_wait3A_425 = arith.constant 0 : i32
      %dma_wait3A_426 = tpu.memref_slice %arg7[%dma_wait3A_424, %dma_wait3A_425] : memref<5120000x8xf32, #tpu.memory_space<hbm>> -> memref<5120000x8xf32, #tpu.memory_space<hbm>>
      tpu.wait_indirect_dma semaphore(%arg23 : memref<!tpu.dma_semaphore, #tpu.memory_space<semaphore_mem>>) src(%dma_wait3A_426 : memref<5120000x8xf32, #tpu.memory_space<hbm>>) dst(%dma_wait3A_420 : memref<128x8xf32, #tpu.memory_space<vmem>>)
      %dma_wait3A_427 = arith.constant 16 : i32
      %dma_wait3A_428 = arith.constant 2048 : i32
      %dma_wait3A_429 = arith.constant 0 : i32
      %dma_wait3A_430 = tpu.memref_slice %arg18[%dma_wait3A_428, %dma_wait3A_429] : memref<3200x8xf32, #tpu.memory_space<vmem>> -> memref<128x8xf32, #tpu.memory_space<vmem>>
      %dma_wait3A_431 = arith.constant 0 : i32
      %dma_wait3A_432 = tpu.memref_slice %arg17[%dma_wait3A_427, %dma_wait3A_431] : memref<25x128xi32, #tpu.memory_space<vmem>> -> memref<1x128xi32, #tpu.memory_space<vmem>>
      %dma_wait3A_433 = tpu.memref_squeeze %dma_wait3A_432 : memref<1x128xi32, #tpu.memory_space<vmem>> -> memref<128xi32, #tpu.memory_space<vmem>>
      %dma_wait3A_434 = arith.constant 0 : i32
      %dma_wait3A_435 = arith.constant 0 : i32
      %dma_wait3A_436 = tpu.memref_slice %arg7[%dma_wait3A_434, %dma_wait3A_435] : memref<5120000x8xf32, #tpu.memory_space<hbm>> -> memref<5120000x8xf32, #tpu.memory_space<hbm>>
      tpu.wait_indirect_dma semaphore(%arg23 : memref<!tpu.dma_semaphore, #tpu.memory_space<semaphore_mem>>) src(%dma_wait3A_436 : memref<5120000x8xf32, #tpu.memory_space<hbm>>) dst(%dma_wait3A_430 : memref<128x8xf32, #tpu.memory_space<vmem>>)
      %dma_wait3A_437 = arith.constant 17 : i32
      %dma_wait3A_438 = arith.constant 2176 : i32
      %dma_wait3A_439 = arith.constant 0 : i32
      %dma_wait3A_440 = tpu.memref_slice %arg18[%dma_wait3A_438, %dma_wait3A_439] : memref<3200x8xf32, #tpu.memory_space<vmem>> -> memref<128x8xf32, #tpu.memory_space<vmem>>
      %dma_wait3A_441 = arith.constant 0 : i32
      %dma_wait3A_442 = tpu.memref_slice %arg17[%dma_wait3A_437, %dma_wait3A_441] : memref<25x128xi32, #tpu.memory_space<vmem>> -> memref<1x128xi32, #tpu.memory_space<vmem>>
      %dma_wait3A_443 = tpu.memref_squeeze %dma_wait3A_442 : memref<1x128xi32, #tpu.memory_space<vmem>> -> memref<128xi32, #tpu.memory_space<vmem>>
      %dma_wait3A_444 = arith.constant 0 : i32
      %dma_wait3A_445 = arith.constant 0 : i32
      %dma_wait3A_446 = tpu.memref_slice %arg7[%dma_wait3A_444, %dma_wait3A_445] : memref<5120000x8xf32, #tpu.memory_space<hbm>> -> memref<5120000x8xf32, #tpu.memory_space<hbm>>
      tpu.wait_indirect_dma semaphore(%arg23 : memref<!tpu.dma_semaphore, #tpu.memory_space<semaphore_mem>>) src(%dma_wait3A_446 : memref<5120000x8xf32, #tpu.memory_space<hbm>>) dst(%dma_wait3A_440 : memref<128x8xf32, #tpu.memory_space<vmem>>)
      %dma_wait3A_447 = arith.constant 18 : i32
      %dma_wait3A_448 = arith.constant 2304 : i32
      %dma_wait3A_449 = arith.constant 0 : i32
      %dma_wait3A_450 = tpu.memref_slice %arg18[%dma_wait3A_448, %dma_wait3A_449] : memref<3200x8xf32, #tpu.memory_space<vmem>> -> memref<128x8xf32, #tpu.memory_space<vmem>>
      %dma_wait3A_451 = arith.constant 0 : i32
      %dma_wait3A_452 = tpu.memref_slice %arg17[%dma_wait3A_447, %dma_wait3A_451] : memref<25x128xi32, #tpu.memory_space<vmem>> -> memref<1x128xi32, #tpu.memory_space<vmem>>
      %dma_wait3A_453 = tpu.memref_squeeze %dma_wait3A_452 : memref<1x128xi32, #tpu.memory_space<vmem>> -> memref<128xi32, #tpu.memory_space<vmem>>
      %dma_wait3A_454 = arith.constant 0 : i32
      %dma_wait3A_455 = arith.constant 0 : i32
      %dma_wait3A_456 = tpu.memref_slice %arg7[%dma_wait3A_454, %dma_wait3A_455] : memref<5120000x8xf32, #tpu.memory_space<hbm>> -> memref<5120000x8xf32, #tpu.memory_space<hbm>>
      tpu.wait_indirect_dma semaphore(%arg23 : memref<!tpu.dma_semaphore, #tpu.memory_space<semaphore_mem>>) src(%dma_wait3A_456 : memref<5120000x8xf32, #tpu.memory_space<hbm>>) dst(%dma_wait3A_450 : memref<128x8xf32, #tpu.memory_space<vmem>>)
      %dma_wait3A_457 = arith.constant 19 : i32
      %dma_wait3A_458 = arith.constant 2432 : i32
      %dma_wait3A_459 = arith.constant 0 : i32
      %dma_wait3A_460 = tpu.memref_slice %arg18[%dma_wait3A_458, %dma_wait3A_459] : memref<3200x8xf32, #tpu.memory_space<vmem>> -> memref<128x8xf32, #tpu.memory_space<vmem>>
      %dma_wait3A_461 = arith.constant 0 : i32
      %dma_wait3A_462 = tpu.memref_slice %arg17[%dma_wait3A_457, %dma_wait3A_461] : memref<25x128xi32, #tpu.memory_space<vmem>> -> memref<1x128xi32, #tpu.memory_space<vmem>>
      %dma_wait3A_463 = tpu.memref_squeeze %dma_wait3A_462 : memref<1x128xi32, #tpu.memory_space<vmem>> -> memref<128xi32, #tpu.memory_space<vmem>>
      %dma_wait3A_464 = arith.constant 0 : i32
      %dma_wait3A_465 = arith.constant 0 : i32
      %dma_wait3A_466 = tpu.memref_slice %arg7[%dma_wait3A_464, %dma_wait3A_465] : memref<5120000x8xf32, #tpu.memory_space<hbm>> -> memref<5120000x8xf32, #tpu.memory_space<hbm>>
      tpu.wait_indirect_dma semaphore(%arg23 : memref<!tpu.dma_semaphore, #tpu.memory_space<semaphore_mem>>) src(%dma_wait3A_466 : memref<5120000x8xf32, #tpu.memory_space<hbm>>) dst(%dma_wait3A_460 : memref<128x8xf32, #tpu.memory_space<vmem>>)
      %dma_wait3A_467 = arith.constant 20 : i32
      %dma_wait3A_468 = arith.constant 2560 : i32
      %dma_wait3A_469 = arith.constant 0 : i32
      %dma_wait3A_470 = tpu.memref_slice %arg18[%dma_wait3A_468, %dma_wait3A_469] : memref<3200x8xf32, #tpu.memory_space<vmem>> -> memref<128x8xf32, #tpu.memory_space<vmem>>
      %dma_wait3A_471 = arith.constant 0 : i32
      %dma_wait3A_472 = tpu.memref_slice %arg17[%dma_wait3A_467, %dma_wait3A_471] : memref<25x128xi32, #tpu.memory_space<vmem>> -> memref<1x128xi32, #tpu.memory_space<vmem>>
      %dma_wait3A_473 = tpu.memref_squeeze %dma_wait3A_472 : memref<1x128xi32, #tpu.memory_space<vmem>> -> memref<128xi32, #tpu.memory_space<vmem>>
      %dma_wait3A_474 = arith.constant 0 : i32
      %dma_wait3A_475 = arith.constant 0 : i32
      %dma_wait3A_476 = tpu.memref_slice %arg7[%dma_wait3A_474, %dma_wait3A_475] : memref<5120000x8xf32, #tpu.memory_space<hbm>> -> memref<5120000x8xf32, #tpu.memory_space<hbm>>
      tpu.wait_indirect_dma semaphore(%arg23 : memref<!tpu.dma_semaphore, #tpu.memory_space<semaphore_mem>>) src(%dma_wait3A_476 : memref<5120000x8xf32, #tpu.memory_space<hbm>>) dst(%dma_wait3A_470 : memref<128x8xf32, #tpu.memory_space<vmem>>)
      %dma_wait3A_477 = arith.constant 21 : i32
      %dma_wait3A_478 = arith.constant 2688 : i32
      %dma_wait3A_479 = arith.constant 0 : i32
      %dma_wait3A_480 = tpu.memref_slice %arg18[%dma_wait3A_478, %dma_wait3A_479] : memref<3200x8xf32, #tpu.memory_space<vmem>> -> memref<128x8xf32, #tpu.memory_space<vmem>>
      %dma_wait3A_481 = arith.constant 0 : i32
      %dma_wait3A_482 = tpu.memref_slice %arg17[%dma_wait3A_477, %dma_wait3A_481] : memref<25x128xi32, #tpu.memory_space<vmem>> -> memref<1x128xi32, #tpu.memory_space<vmem>>
      %dma_wait3A_483 = tpu.memref_squeeze %dma_wait3A_482 : memref<1x128xi32, #tpu.memory_space<vmem>> -> memref<128xi32, #tpu.memory_space<vmem>>
      %dma_wait3A_484 = arith.constant 0 : i32
      %dma_wait3A_485 = arith.constant 0 : i32
      %dma_wait3A_486 = tpu.memref_slice %arg7[%dma_wait3A_484, %dma_wait3A_485] : memref<5120000x8xf32, #tpu.memory_space<hbm>> -> memref<5120000x8xf32, #tpu.memory_space<hbm>>
      tpu.wait_indirect_dma semaphore(%arg23 : memref<!tpu.dma_semaphore, #tpu.memory_space<semaphore_mem>>) src(%dma_wait3A_486 : memref<5120000x8xf32, #tpu.memory_space<hbm>>) dst(%dma_wait3A_480 : memref<128x8xf32, #tpu.memory_space<vmem>>)
      %dma_wait3A_487 = arith.constant 22 : i32
      %dma_wait3A_488 = arith.constant 2816 : i32
      %dma_wait3A_489 = arith.constant 0 : i32
      %dma_wait3A_490 = tpu.memref_slice %arg18[%dma_wait3A_488, %dma_wait3A_489] : memref<3200x8xf32, #tpu.memory_space<vmem>> -> memref<128x8xf32, #tpu.memory_space<vmem>>
      %dma_wait3A_491 = arith.constant 0 : i32
      %dma_wait3A_492 = tpu.memref_slice %arg17[%dma_wait3A_487, %dma_wait3A_491] : memref<25x128xi32, #tpu.memory_space<vmem>> -> memref<1x128xi32, #tpu.memory_space<vmem>>
      %dma_wait3A_493 = tpu.memref_squeeze %dma_wait3A_492 : memref<1x128xi32, #tpu.memory_space<vmem>> -> memref<128xi32, #tpu.memory_space<vmem>>
      %dma_wait3A_494 = arith.constant 0 : i32
      %dma_wait3A_495 = arith.constant 0 : i32
      %dma_wait3A_496 = tpu.memref_slice %arg7[%dma_wait3A_494, %dma_wait3A_495] : memref<5120000x8xf32, #tpu.memory_space<hbm>> -> memref<5120000x8xf32, #tpu.memory_space<hbm>>
      tpu.wait_indirect_dma semaphore(%arg23 : memref<!tpu.dma_semaphore, #tpu.memory_space<semaphore_mem>>) src(%dma_wait3A_496 : memref<5120000x8xf32, #tpu.memory_space<hbm>>) dst(%dma_wait3A_490 : memref<128x8xf32, #tpu.memory_space<vmem>>)
      %dma_wait3A_497 = arith.constant 23 : i32
      %dma_wait3A_498 = arith.constant 2944 : i32
      %dma_wait3A_499 = arith.constant 0 : i32
      %dma_wait3A_500 = tpu.memref_slice %arg18[%dma_wait3A_498, %dma_wait3A_499] : memref<3200x8xf32, #tpu.memory_space<vmem>> -> memref<128x8xf32, #tpu.memory_space<vmem>>
      %dma_wait3A_501 = arith.constant 0 : i32
      %dma_wait3A_502 = tpu.memref_slice %arg17[%dma_wait3A_497, %dma_wait3A_501] : memref<25x128xi32, #tpu.memory_space<vmem>> -> memref<1x128xi32, #tpu.memory_space<vmem>>
      %dma_wait3A_503 = tpu.memref_squeeze %dma_wait3A_502 : memref<1x128xi32, #tpu.memory_space<vmem>> -> memref<128xi32, #tpu.memory_space<vmem>>
      %dma_wait3A_504 = arith.constant 0 : i32
      %dma_wait3A_505 = arith.constant 0 : i32
      %dma_wait3A_506 = tpu.memref_slice %arg7[%dma_wait3A_504, %dma_wait3A_505] : memref<5120000x8xf32, #tpu.memory_space<hbm>> -> memref<5120000x8xf32, #tpu.memory_space<hbm>>
      tpu.wait_indirect_dma semaphore(%arg23 : memref<!tpu.dma_semaphore, #tpu.memory_space<semaphore_mem>>) src(%dma_wait3A_506 : memref<5120000x8xf32, #tpu.memory_space<hbm>>) dst(%dma_wait3A_500 : memref<128x8xf32, #tpu.memory_space<vmem>>)
      %dma_wait3A_507 = arith.constant 24 : i32
      %dma_wait3A_508 = arith.constant 3072 : i32
      %dma_wait3A_509 = arith.constant 0 : i32
      %dma_wait3A_510 = tpu.memref_slice %arg18[%dma_wait3A_508, %dma_wait3A_509] : memref<3200x8xf32, #tpu.memory_space<vmem>> -> memref<128x8xf32, #tpu.memory_space<vmem>>
      %dma_wait3A_511 = arith.constant 0 : i32
      %dma_wait3A_512 = tpu.memref_slice %arg17[%dma_wait3A_507, %dma_wait3A_511] : memref<25x128xi32, #tpu.memory_space<vmem>> -> memref<1x128xi32, #tpu.memory_space<vmem>>
      %dma_wait3A_513 = tpu.memref_squeeze %dma_wait3A_512 : memref<1x128xi32, #tpu.memory_space<vmem>> -> memref<128xi32, #tpu.memory_space<vmem>>
      %dma_wait3A_514 = arith.constant 0 : i32
      %dma_wait3A_515 = arith.constant 0 : i32
      %dma_wait3A_516 = tpu.memref_slice %arg7[%dma_wait3A_514, %dma_wait3A_515] : memref<5120000x8xf32, #tpu.memory_space<hbm>> -> memref<5120000x8xf32, #tpu.memory_space<hbm>>
      tpu.wait_indirect_dma semaphore(%arg23 : memref<!tpu.dma_semaphore, #tpu.memory_space<semaphore_mem>>) src(%dma_wait3A_516 : memref<5120000x8xf32, #tpu.memory_space<hbm>>) dst(%dma_wait3A_510 : memref<128x8xf32, #tpu.memory_space<vmem>>)
      %scan3A_517 = arith.constant 0 : i32
      %scan3A_518 = arith.constant 6.300000e+01 : f32
      %scan3A_519 = arith.constant 0 : i32
      %scan3A_520 = arith.constant 200 : i32
      %scan3A_521 = arith.addi %scan3A_519, %scan3A_520 : i32
      %scan3A_522 = arith.constant 1 : i32
      scf.for %scan3A_1544 = %scan3A_519 to %scan3A_521 step %scan3A_522  : i32 {
        %mul3A_1545 = arith.constant 16 : i32
        %mul3A_1546 = arith.muli %scan3A_1544, %mul3A_1545 : i32
        %mul3A_1547 = arith.constant 16 : i32
        %mul3A_1548 = arith.muli %scan3A_1544, %mul3A_1547 : i32
        %add3A_1549 = vector.broadcast %mul3A_1548 : i32 to vector<16xi32>
        %add3A_1550 = arith.addi %add3A_1549, %iota3A : vector<16xi32>
        %get3A = arith.index_cast %mul3A_1546 : i32 to index
        %get3A_1551 = tpu.vector_load %arg13[%get3A] {strides = array<i32>} : memref<3200xi32, #tpu.memory_space<vmem>>, vector<16xi32>,
        %get3A_1552 = arith.index_cast %mul3A_1546 : i32 to index
        %get3A_1553 = tpu.vector_load %arg12[%get3A_1552] {strides = array<i32>} : memref<3200xf32, #tpu.memory_space<vmem>>, vector<16xf32>,
        %mul3A_1554 = arith.constant 16 : i32
        %mul3A_1555 = arith.muli %scan3A_1544, %mul3A_1554 : i32
        %get3A_1556 = arith.index_cast %mul3A_1555 : i32 to index
        %get3A_1557 = tpu.vector_load %arg16[%get3A_1556] {strides = array<i32>} : memref<3200xf32, #tpu.memory_space<vmem>>, vector<16xf32>,
        %broadcast_in_dim3A = arith.constant 2.000000e-04 : f32
        %broadcast_in_dim3A_1558 = vector.broadcast %broadcast_in_dim3A : f32 to vector<16xf32>
        %sub3A = arith.subf %get3A_1553, %get3A_1557 : vector<16xf32>
        %div3A = arith.divf %sub3A, %broadcast_in_dim3A_1558 : vector<16xf32>
        %mul3A_1559 = vector.broadcast %scan3A_518 : f32 to vector<16xf32>
        %mul3A_1560 = arith.mulf %div3A, %mul3A_1559 : vector<16xf32>
        %jit3A = arith.constant 0.000000e+00 : f32
        %jit3A_1561 = arith.constant 6.200000e+01 : f32
        %max3A = vector.broadcast %jit3A : f32 to vector<16xf32>
        %max3A_1562 = arith.maximumf %max3A, %mul3A_1560 : vector<16xf32>
        %min3A = vector.broadcast %jit3A_1561 : f32 to vector<16xf32>
        %min3A_1563 = arith.minimumf %min3A, %max3A_1562 : vector<16xf32>
        %convert_element_type3A = arith.fptosi %min3A_1563 : vector<16xf32> to vector<16xi32>
        %get3A_1564 = arith.index_cast %mul3A_1546 : i32 to index
        %get3A_1565 = tpu.vector_load %arg14[%get3A_1564] {strides = array<i32>} : memref<3200xi32, #tpu.memory_space<vmem>>, vector<16xi32>,
        %broadcast_in_dim3A_1566 = arith.constant 0 : i32
        %broadcast_in_dim3A_1567 = vector.broadcast %broadcast_in_dim3A_1566 : i32 to vector<16xi32>
        %gather3A = tpu.vector_load_idx %arg18[%add3A_1550, %broadcast_in_dim3A_1567] : memref<3200x8xf32, #tpu.memory_space<vmem>>[vector<16xi32>, vector<16xi32>], vector<16xf32>,
        %broadcast_in_dim3A_1568 = arith.constant 1 : i32
        %broadcast_in_dim3A_1569 = vector.broadcast %broadcast_in_dim3A_1568 : i32 to vector<16xi32>
        %gather3A_1570 = tpu.vector_load_idx %arg18[%add3A_1550, %broadcast_in_dim3A_1569] : memref<3200x8xf32, #tpu.memory_space<vmem>>[vector<16xi32>, vector<16xi32>], vector<16xf32>,
        %broadcast_in_dim3A_1571 = arith.constant 2 : i32
        %broadcast_in_dim3A_1572 = vector.broadcast %broadcast_in_dim3A_1571 : i32 to vector<16xi32>
        %gather3A_1573 = tpu.vector_load_idx %arg18[%add3A_1550, %broadcast_in_dim3A_1572] : memref<3200x8xf32, #tpu.memory_space<vmem>>[vector<16xi32>, vector<16xi32>], vector<16xf32>,
        %broadcast_in_dim3A_1574 = arith.constant 3 : i32
        %broadcast_in_dim3A_1575 = vector.broadcast %broadcast_in_dim3A_1574 : i32 to vector<16xi32>
        %gather3A_1576 = tpu.vector_load_idx %arg18[%add3A_1550, %broadcast_in_dim3A_1575] : memref<3200x8xf32, #tpu.memory_space<vmem>>[vector<16xi32>, vector<16xi32>], vector<16xf32>,
        %broadcast_in_dim3A_1577 = arith.constant 4 : i32
        %broadcast_in_dim3A_1578 = vector.broadcast %broadcast_in_dim3A_1577 : i32 to vector<16xi32>
        %gather3A_1579 = tpu.vector_load_idx %arg18[%add3A_1550, %broadcast_in_dim3A_1578] : memref<3200x8xf32, #tpu.memory_space<vmem>>[vector<16xi32>, vector<16xi32>], vector<16xf32>,
        %ge3A = arith.cmpf oge, %gather3A, %div3A : vector<16xf32>
        %gt3A = arith.constant 0 : i32
        %gt3A_1580 = vector.broadcast %gt3A : i32 to vector<16xi32>
        %gt3A_1581 = arith.cmpi sgt, %convert_element_type3A, %gt3A_1580 : vector<16xi32>
        %and3A = arith.andi %ge3A, %gt3A_1581 : vector<16xi1>
        %lt3A = arith.cmpf olt, %gather3A_1570, %div3A : vector<16xf32>
        %lt3A_1582 = arith.constant 62 : i32
        %lt3A_1583 = vector.broadcast %lt3A_1582 : i32 to vector<16xi32>
        %lt3A_1584 = arith.cmpi slt, %convert_element_type3A, %lt3A_1583 : vector<16xi32>
        %and3A_1585 = arith.andi %lt3A, %lt3A_1584 : vector<16xi1>
        %or3A = arith.ori %and3A, %and3A_1585 : vector<16xi1>
        %while3A:7 = scf.while (%while3A_1621 = %convert_element_type3A, %while3A_1622 = %gather3A, %while3A_1623 = %gather3A_1570, %while3A_1624 = %gather3A_1573, %while3A_1625 = %gather3A_1576, %while3A_1626 = %gather3A_1579, %while3A_1627 = %or3A) : (vector<16xi32>, vector<16xf32>, vector<16xf32>, vector<16xf32>, vector<16xf32>, vector<16xf32>, vector<16xi1>) -> (vector<16xi32>, vector<16xf32>, vector<16xf32>, vector<16xf32>, vector<16xf32>, vector<16xf32>, vector<16xi1>) {
          %reduce_or3A = arith.constant 1.000000e+00 : f32
          %reduce_or3A_1628 = arith.constant 0.000000e+00 : f32
          %reduce_or3A_1629 = vector.broadcast %reduce_or3A : f32 to vector<16xf32>
          %reduce_or3A_1630 = vector.broadcast %reduce_or3A_1628 : f32 to vector<16xf32>
          %reduce_or3A_1631 = arith.select %while3A_1627, %reduce_or3A_1629, %reduce_or3A_1630 : vector<16xi1>, vector<16xf32>
          %reduce_or3A_1632 = arith.constant true
          %reduce_or3A_1633 = vector.broadcast %reduce_or3A_1632 : i1 to vector<16xi1>
          %reduce_or3A_1634 = tpu.scan <max>, %reduce_or3A_1631 masked %reduce_or3A_1633 : vector<16xf32>, vector<16xi1> -> vector<16xf32>
          %reduce_or3A_1635 = vector.extract %reduce_or3A_1634[15] : f32 from vector<16xf32>
          %reduce_or3A_1636 = arith.constant 0.000000e+00 : f32
          %reduce_or3A_1637 = arith.cmpf ogt, %reduce_or3A_1635, %reduce_or3A_1636 : f32
          scf.condition(%reduce_or3A_1637) %while3A_1621, %while3A_1622, %while3A_1623, %while3A_1624, %while3A_1625, %while3A_1626, %while3A_1627 : vector<16xi32>, vector<16xf32>, vector<16xf32>, vector<16xf32>, vector<16xf32>, vector<16xf32>, vector<16xi1>
        } do {
        ^bb0(%while3A_1621: vector<16xi32>, %while3A_1622: vector<16xf32>, %while3A_1623: vector<16xf32>, %while3A_1624: vector<16xf32>, %while3A_1625: vector<16xf32>, %while3A_1626: vector<16xf32>, %while3A_1627: vector<16xi1>):
          %ge3A_1628 = arith.cmpf oge, %while3A_1622, %div3A : vector<16xf32>
          %sub3A_1629 = arith.constant 1 : i32
          %sub3A_1630 = vector.broadcast %sub3A_1629 : i32 to vector<16xi32>
          %sub3A_1631 = arith.subi %while3A_1621, %sub3A_1630 : vector<16xi32>
          %add3A_1632 = arith.constant 1 : i32
          %add3A_1633 = vector.broadcast %add3A_1632 : i32 to vector<16xi32>
          %add3A_1634 = arith.addi %while3A_1621, %add3A_1633 : vector<16xi32>
          %select_n3A = arith.select %ge3A_1628, %sub3A_1631, %add3A_1634 : vector<16xi1>, vector<16xi32>
          %select_n3A_1635 = arith.select %while3A_1627, %select_n3A, %while3A_1621 : vector<16xi1>, vector<16xi32>
          %shift_right_arithmetic3A = arith.constant 4 : i32
          %shift_right_arithmetic3A_1636 = vector.broadcast %shift_right_arithmetic3A : i32 to vector<16xi32>
          %shift_right_arithmetic3A_1637 = arith.shrsi %select_n3A_1635, %shift_right_arithmetic3A_1636 : vector<16xi32>
          %mul3A_1638 = arith.constant 3200 : i32
          %mul3A_1639 = vector.broadcast %mul3A_1638 : i32 to vector<16xi32>
          %mul3A_1640 = arith.muli %shift_right_arithmetic3A_1637, %mul3A_1639 : vector<16xi32>
          %add3A_1641 = arith.addi %get3A_1565, %mul3A_1640 : vector<16xi32>
          %and3A_1642 = arith.constant 15 : i32
          %and3A_1643 = vector.broadcast %and3A_1642 : i32 to vector<16xi32>
          %and3A_1644 = arith.andi %select_n3A_1635, %and3A_1643 : vector<16xi32>
          %add3A_1645 = arith.addi %add3A_1641, %and3A_1644 : vector<16xi32>
          %dma_start3A_1646 = arith.constant 0 : i32
          %dma_start3A_1647 = arith.constant 0 : i32
          %dma_start3A_1648 = tpu.memref_slice %arg7[%dma_start3A_1646, %dma_start3A_1647] : memref<5120000x8xf32, #tpu.memory_space<hbm>> -> memref<5120000x8xf32, #tpu.memory_space<hbm>>
          tpu.enqueue_indirect_dma source(%dma_start3A_1648 : memref<5120000x8xf32, #tpu.memory_space<hbm>>) target(%arg22 : memref<16x8xf32, #tpu.memory_space<vmem>>) offsets(%add3A_1645 : vector<16xi32>) semaphore(%arg24 : memref<!tpu.dma_semaphore, #tpu.memory_space<semaphore_mem>>)
          %dma_wait3A_1649 = arith.constant 0 : i32
          %dma_wait3A_1650 = arith.constant 0 : i32
          %dma_wait3A_1651 = tpu.memref_slice %arg7[%dma_wait3A_1649, %dma_wait3A_1650] : memref<5120000x8xf32, #tpu.memory_space<hbm>> -> memref<5120000x8xf32, #tpu.memory_space<hbm>>
          tpu.wait_indirect_dma semaphore(%arg24 : memref<!tpu.dma_semaphore, #tpu.memory_space<semaphore_mem>>) src(%dma_wait3A_1651 : memref<5120000x8xf32, #tpu.memory_space<hbm>>) dst(%arg22 : memref<16x8xf32, #tpu.memory_space<vmem>>)
          %broadcast_in_dim3A_1652 = arith.constant 0 : i32
          %broadcast_in_dim3A_1653 = vector.broadcast %broadcast_in_dim3A_1652 : i32 to vector<16xi32>
          %gather3A_1654 = tpu.vector_load_idx %arg22[%iota3A, %broadcast_in_dim3A_1653] : memref<16x8xf32, #tpu.memory_space<vmem>>[vector<16xi32>, vector<16xi32>], vector<16xf32>,
          %broadcast_in_dim3A_1655 = arith.constant 1 : i32
          %broadcast_in_dim3A_1656 = vector.broadcast %broadcast_in_dim3A_1655 : i32 to vector<16xi32>
          %gather3A_1657 = tpu.vector_load_idx %arg22[%iota3A, %broadcast_in_dim3A_1656] : memref<16x8xf32, #tpu.memory_space<vmem>>[vector<16xi32>, vector<16xi32>], vector<16xf32>,
          %broadcast_in_dim3A_1658 = arith.constant 2 : i32
          %broadcast_in_dim3A_1659 = vector.broadcast %broadcast_in_dim3A_1658 : i32 to vector<16xi32>
          %gather3A_1660 = tpu.vector_load_idx %arg22[%iota3A, %broadcast_in_dim3A_1659] : memref<16x8xf32, #tpu.memory_space<vmem>>[vector<16xi32>, vector<16xi32>], vector<16xf32>,
          %broadcast_in_dim3A_1661 = arith.constant 3 : i32
          %broadcast_in_dim3A_1662 = vector.broadcast %broadcast_in_dim3A_1661 : i32 to vector<16xi32>
          %gather3A_1663 = tpu.vector_load_idx %arg22[%iota3A, %broadcast_in_dim3A_1662] : memref<16x8xf32, #tpu.memory_space<vmem>>[vector<16xi32>, vector<16xi32>], vector<16xf32>,
          %broadcast_in_dim3A_1664 = arith.constant 4 : i32
          %broadcast_in_dim3A_1665 = vector.broadcast %broadcast_in_dim3A_1664 : i32 to vector<16xi32>
          %gather3A_1666 = tpu.vector_load_idx %arg22[%iota3A, %broadcast_in_dim3A_1665] : memref<16x8xf32, #tpu.memory_space<vmem>>[vector<16xi32>, vector<16xi32>], vector<16xf32>,
          %select_n3A_1667 = arith.select %while3A_1627, %gather3A_1654, %while3A_1622 : vector<16xi1>, vector<16xf32>
          %select_n3A_1668 = arith.select %while3A_1627, %gather3A_1657, %while3A_1623 : vector<16xi1>, vector<16xf32>
          %select_n3A_1669 = arith.select %while3A_1627, %gather3A_1660, %while3A_1624 : vector<16xi1>, vector<16xf32>
          %select_n3A_1670 = arith.select %while3A_1627, %gather3A_1663, %while3A_1625 : vector<16xi1>, vector<16xf32>
          %select_n3A_1671 = arith.select %while3A_1627, %gather3A_1666, %while3A_1626 : vector<16xi1>, vector<16xf32>
          %ge3A_1672 = arith.cmpf oge, %select_n3A_1667, %div3A : vector<16xf32>
          %gt3A_1673 = arith.constant 0 : i32
          %gt3A_1674 = vector.broadcast %gt3A_1673 : i32 to vector<16xi32>
          %gt3A_1675 = arith.cmpi sgt, %select_n3A_1635, %gt3A_1674 : vector<16xi32>
          %and3A_1676 = arith.andi %ge3A_1672, %gt3A_1675 : vector<16xi1>
          %lt3A_1677 = arith.cmpf olt, %select_n3A_1668, %div3A : vector<16xf32>
          %lt3A_1678 = arith.constant 62 : i32
          %lt3A_1679 = vector.broadcast %lt3A_1678 : i32 to vector<16xi32>
          %lt3A_1680 = arith.cmpi slt, %select_n3A_1635, %lt3A_1679 : vector<16xi32>
          %and3A_1681 = arith.andi %lt3A_1677, %lt3A_1680 : vector<16xi1>
          %or3A_1682 = arith.ori %and3A_1676, %and3A_1681 : vector<16xi1>
          scf.yield %select_n3A_1635, %select_n3A_1667, %select_n3A_1668, %select_n3A_1669, %select_n3A_1670, %select_n3A_1671, %or3A_1682 : vector<16xi32>, vector<16xf32>, vector<16xf32>, vector<16xf32>, vector<16xf32>, vector<16xf32>, vector<16xi1>
        }
        %mul3A_1586 = arith.mulf %broadcast_in_dim3A_1558, %while3A#1 : vector<16xf32>
        %add3A_1587 = arith.addf %get3A_1557, %mul3A_1586 : vector<16xf32>
        %sub3A_1588 = arith.subf %while3A#2, %while3A#1 : vector<16xf32>
        %mul3A_1589 = arith.mulf %broadcast_in_dim3A_1558, %sub3A_1588 : vector<16xf32>
        %sub3A_1590 = arith.subf %get3A_1553, %add3A_1587 : vector<16xf32>
        %max3A_1591 = arith.constant 9.99999996E-13 : f32
        %max3A_1592 = vector.broadcast %max3A_1591 : f32 to vector<16xf32>
        %max3A_1593 = arith.maximumf %mul3A_1589, %max3A_1592 : vector<16xf32>
        %div3A_1594 = arith.divf %sub3A_1590, %max3A_1593 : vector<16xf32>
        %jit3A_1595 = arith.constant 0.000000e+00 : f32
        %jit3A_1596 = arith.constant 1.000000e+00 : f32
        %max3A_1597 = vector.broadcast %jit3A_1595 : f32 to vector<16xf32>
        %max3A_1598 = arith.maximumf %max3A_1597, %div3A_1594 : vector<16xf32>
        %min3A_1599 = vector.broadcast %jit3A_1596 : f32 to vector<16xf32>
        %min3A_1600 = arith.minimumf %min3A_1599, %max3A_1598 : vector<16xf32>
        %mul3A_1601 = arith.mulf %min3A_1600, %mul3A_1589 : vector<16xf32>
        %mul3A_1602 = arith.mulf %mul3A_1601, %while3A#3 : vector<16xf32>
        %add3A_1603 = arith.addf %while3A#5, %mul3A_1602 : vector<16xf32>
        %mul3A_1604 = arith.constant 5.000000e-01 : f32
        %mul3A_1605 = vector.broadcast %mul3A_1604 : f32 to vector<16xf32>
        %mul3A_1606 = arith.mulf %mul3A_1605, %min3A_1600 : vector<16xf32>
        %mul3A_1607 = arith.mulf %mul3A_1606, %min3A_1600 : vector<16xf32>
        %mul3A_1608 = arith.mulf %mul3A_1607, %mul3A_1589 : vector<16xf32>
        %sub3A_1609 = arith.subf %while3A#4, %while3A#3 : vector<16xf32>
        %mul3A_1610 = arith.mulf %mul3A_1608, %sub3A_1609 : vector<16xf32>
        %add3A_1611 = arith.addf %add3A_1603, %mul3A_1610 : vector<16xf32>
        %sub3A_1612 = arith.subf %while3A#4, %while3A#3 : vector<16xf32>
        %mul3A_1613 = arith.mulf %min3A_1600, %sub3A_1612 : vector<16xf32>
        %add3A_1614 = arith.addf %while3A#3, %mul3A_1613 : vector<16xf32>
        %max3A_1615 = arith.constant 9.99999996E-13 : f32
        %max3A_1616 = vector.broadcast %max3A_1615 : f32 to vector<16xf32>
        %max3A_1617 = arith.maximumf %add3A_1614, %max3A_1616 : vector<16xf32>
        %swap3A = arith.index_cast %mul3A_1546 : i32 to index
        %swap3A_1618 = tpu.vector_load %arg20[%swap3A] {strides = array<i32>} : memref<3200xf32, #tpu.memory_space<vmem>>, vector<16xf32>,
        tpu.vector_store %arg20[%swap3A], %add3A_1611 {strides = array<i32>} : memref<3200xf32, #tpu.memory_space<vmem>>, vector<16xf32>,
        %swap3A_1619 = arith.index_cast %mul3A_1546 : i32 to index
        %swap3A_1620 = tpu.vector_load %arg21[%swap3A_1619] {strides = array<i32>} : memref<3200xf32, #tpu.memory_space<vmem>>, vector<16xf32>,
        tpu.vector_store %arg21[%swap3A_1619], %max3A_1617 {strides = array<i32>} : memref<3200xf32, #tpu.memory_space<vmem>>, vector<16xf32>,
      }
      %scan3A_523 = arith.constant 200 : i32
      %scan3A_524 = arith.constant 0 : i32
      %scan3A_525 = arith.constant 0 : i32
      %scan3A_526 = arith.constant 200 : i32
      %scan3A_527 = arith.addi %scan3A_525, %scan3A_526 : i32
      %scan3A_528 = arith.constant 1 : i32
      scf.for %scan3A_1544 = %scan3A_525 to %scan3A_527 step %scan3A_528  : i32 {
        %mul3A_1545 = arith.constant 16 : i32
        %mul3A_1546 = arith.muli %scan3A_1544, %mul3A_1545 : i32
        %get3A = arith.index_cast %mul3A_1546 : i32 to index
        %get3A_1547 = tpu.vector_load %arg13[%get3A] {strides = array<i32>} : memref<3200xi32, #tpu.memory_space<vmem>>, vector<16xi32>,
        %jit3A = arith.constant 8 : i32
        %div3A = arith.divsi %scan3A_1544, %jit3A : i32
        %sign3A = arith.constant 0 : i32
        %sign3A_1548 = arith.cmpi sgt, %scan3A_1544, %sign3A : i32
        %sign3A_1549 = arith.extui %sign3A_1548 : i1 to i32
        %sign3A_1550 = arith.constant 0 : i32
        %sign3A_1551 = arith.cmpi slt, %scan3A_1544, %sign3A_1550 : i32
        %sign3A_1552 = arith.extui %sign3A_1551 : i1 to i32
        %sign3A_1553 = arith.subi %sign3A_1549, %sign3A_1552 : i32
        %sign3A_1554 = arith.constant 0 : i32
        %sign3A_1555 = arith.cmpi sgt, %jit3A, %sign3A_1554 : i32
        %sign3A_1556 = arith.extui %sign3A_1555 : i1 to i32
        %sign3A_1557 = arith.constant 0 : i32
        %sign3A_1558 = arith.cmpi slt, %jit3A, %sign3A_1557 : i32
        %sign3A_1559 = arith.extui %sign3A_1558 : i1 to i32
        %sign3A_1560 = arith.subi %sign3A_1556, %sign3A_1559 : i32
        %ne3A = arith.cmpi ne, %sign3A_1553, %sign3A_1560 : i32
        %rem3A = arith.remsi %scan3A_1544, %jit3A : i32
        %ne3A_1561 = arith.constant 0 : i32
        %ne3A_1562 = arith.cmpi ne, %rem3A, %ne3A_1561 : i32
        %and3A = arith.andi %ne3A, %ne3A_1562 : i1
        %sub3A = arith.constant 1 : i32
        %sub3A_1563 = arith.subi %div3A, %sub3A : i32
        %select_n3A = arith.select %and3A, %sub3A_1563, %div3A : i32
        %jit3A_1564 = arith.constant 8 : i32
        %eq3A = arith.constant 0 : i32
        %eq3A_1565 = arith.cmpi eq, %jit3A_1564, %eq3A : i32
        %jit3A_1566 = arith.constant 1 : i32
        %select_n3A_1567 = arith.select %eq3A_1565, %jit3A_1566, %jit3A_1564 : i32
        %rem3A_1568 = arith.remsi %scan3A_1544, %select_n3A_1567 : i32
        %ne3A_1569 = arith.constant 0 : i32
        %ne3A_1570 = arith.cmpi ne, %rem3A_1568, %ne3A_1569 : i32
        %lt3A = arith.constant 0 : i32
        %lt3A_1571 = arith.cmpi slt, %rem3A_1568, %lt3A : i32
        %lt3A_1572 = arith.constant 0 : i32
        %lt3A_1573 = arith.cmpi slt, %select_n3A_1567, %lt3A_1572 : i32
        %ne3A_1574 = arith.xori %lt3A_1571, %lt3A_1573 : i1
        %and3A_1575 = arith.andi %ne3A_1574, %ne3A_1570 : i1
        %add3A_1576 = arith.addi %rem3A_1568, %select_n3A_1567 : i32
        %select_n3A_1577 = arith.select %and3A_1575, %add3A_1576, %rem3A_1568 : i32
        %mul3A_1578 = arith.constant 16 : i32
        %mul3A_1579 = arith.muli %select_n3A_1577, %mul3A_1578 : i32
        %swap3A = arith.index_cast %select_n3A : i32 to index
        %swap3A_1580 = arith.index_cast %mul3A_1579 : i32 to index
        %swap3A_1581 = tpu.vector_load %arg17[%swap3A, %swap3A_1580] {strides = array<i32>} : memref<25x128xi32, #tpu.memory_space<vmem>>, vector<16xi32>,
        tpu.vector_store %arg17[%swap3A, %swap3A_1580], %get3A_1547 {strides = array<i32>} : memref<25x128xi32, #tpu.memory_space<vmem>>, vector<16xi32>,
      }
      %scan3A_529 = arith.constant 200 : i32
      %dma_start3A_530 = arith.constant 0 : i32
      %dma_start3A_531 = arith.constant 0 : i32
      %dma_start3A_532 = arith.constant 0 : i32
      %dma_start3A_533 = tpu.memref_slice %arg19[%dma_start3A_531, %dma_start3A_532] : memref<3200x8xf32, #tpu.memory_space<vmem>> -> memref<128x8xf32, #tpu.memory_space<vmem>>
      %dma_start3A_534 = arith.constant 0 : i32
      %dma_start3A_535 = tpu.memref_slice %arg17[%dma_start3A_530, %dma_start3A_534] : memref<25x128xi32, #tpu.memory_space<vmem>> -> memref<1x128xi32, #tpu.memory_space<vmem>>
      %dma_start3A_536 = tpu.memref_squeeze %dma_start3A_535 : memref<1x128xi32, #tpu.memory_space<vmem>> -> memref<128xi32, #tpu.memory_space<vmem>>
      %dma_start3A_537 = arith.constant 0 : i32
      %dma_start3A_538 = arith.constant 0 : i32
      %dma_start3A_539 = tpu.memref_slice %arg9[%dma_start3A_537, %dma_start3A_538] : memref<80000x8xf32, #tpu.memory_space<hbm>> -> memref<80000x8xf32, #tpu.memory_space<hbm>>
      tpu.enqueue_indirect_dma source(%dma_start3A_539 : memref<80000x8xf32, #tpu.memory_space<hbm>>) target(%dma_start3A_533 : memref<128x8xf32, #tpu.memory_space<vmem>>) offsets(%dma_start3A_536 : memref<128xi32, #tpu.memory_space<vmem>>) semaphore(%arg23 : memref<!tpu.dma_semaphore, #tpu.memory_space<semaphore_mem>>)
      %dma_start3A_540 = arith.constant 1 : i32
      %dma_start3A_541 = arith.constant 128 : i32
      %dma_start3A_542 = arith.constant 0 : i32
      %dma_start3A_543 = tpu.memref_slice %arg19[%dma_start3A_541, %dma_start3A_542] : memref<3200x8xf32, #tpu.memory_space<vmem>> -> memref<128x8xf32, #tpu.memory_space<vmem>>
      %dma_start3A_544 = arith.constant 0 : i32
      %dma_start3A_545 = tpu.memref_slice %arg17[%dma_start3A_540, %dma_start3A_544] : memref<25x128xi32, #tpu.memory_space<vmem>> -> memref<1x128xi32, #tpu.memory_space<vmem>>
      %dma_start3A_546 = tpu.memref_squeeze %dma_start3A_545 : memref<1x128xi32, #tpu.memory_space<vmem>> -> memref<128xi32, #tpu.memory_space<vmem>>
      %dma_start3A_547 = arith.constant 0 : i32
      %dma_start3A_548 = arith.constant 0 : i32
      %dma_start3A_549 = tpu.memref_slice %arg9[%dma_start3A_547, %dma_start3A_548] : memref<80000x8xf32, #tpu.memory_space<hbm>> -> memref<80000x8xf32, #tpu.memory_space<hbm>>
      tpu.enqueue_indirect_dma source(%dma_start3A_549 : memref<80000x8xf32, #tpu.memory_space<hbm>>) target(%dma_start3A_543 : memref<128x8xf32, #tpu.memory_space<vmem>>) offsets(%dma_start3A_546 : memref<128xi32, #tpu.memory_space<vmem>>) semaphore(%arg23 : memref<!tpu.dma_semaphore, #tpu.memory_space<semaphore_mem>>)
      %dma_start3A_550 = arith.constant 2 : i32
      %dma_start3A_551 = arith.constant 256 : i32
      %dma_start3A_552 = arith.constant 0 : i32
      %dma_start3A_553 = tpu.memref_slice %arg19[%dma_start3A_551, %dma_start3A_552] : memref<3200x8xf32, #tpu.memory_space<vmem>> -> memref<128x8xf32, #tpu.memory_space<vmem>>
      %dma_start3A_554 = arith.constant 0 : i32
      %dma_start3A_555 = tpu.memref_slice %arg17[%dma_start3A_550, %dma_start3A_554] : memref<25x128xi32, #tpu.memory_space<vmem>> -> memref<1x128xi32, #tpu.memory_space<vmem>>
      %dma_start3A_556 = tpu.memref_squeeze %dma_start3A_555 : memref<1x128xi32, #tpu.memory_space<vmem>> -> memref<128xi32, #tpu.memory_space<vmem>>
      %dma_start3A_557 = arith.constant 0 : i32
      %dma_start3A_558 = arith.constant 0 : i32
      %dma_start3A_559 = tpu.memref_slice %arg9[%dma_start3A_557, %dma_start3A_558] : memref<80000x8xf32, #tpu.memory_space<hbm>> -> memref<80000x8xf32, #tpu.memory_space<hbm>>
      tpu.enqueue_indirect_dma source(%dma_start3A_559 : memref<80000x8xf32, #tpu.memory_space<hbm>>) target(%dma_start3A_553 : memref<128x8xf32, #tpu.memory_space<vmem>>) offsets(%dma_start3A_556 : memref<128xi32, #tpu.memory_space<vmem>>) semaphore(%arg23 : memref<!tpu.dma_semaphore, #tpu.memory_space<semaphore_mem>>)
      %dma_start3A_560 = arith.constant 3 : i32
      %dma_start3A_561 = arith.constant 384 : i32
      %dma_start3A_562 = arith.constant 0 : i32
      %dma_start3A_563 = tpu.memref_slice %arg19[%dma_start3A_561, %dma_start3A_562] : memref<3200x8xf32, #tpu.memory_space<vmem>> -> memref<128x8xf32, #tpu.memory_space<vmem>>
      %dma_start3A_564 = arith.constant 0 : i32
      %dma_start3A_565 = tpu.memref_slice %arg17[%dma_start3A_560, %dma_start3A_564] : memref<25x128xi32, #tpu.memory_space<vmem>> -> memref<1x128xi32, #tpu.memory_space<vmem>>
      %dma_start3A_566 = tpu.memref_squeeze %dma_start3A_565 : memref<1x128xi32, #tpu.memory_space<vmem>> -> memref<128xi32, #tpu.memory_space<vmem>>
      %dma_start3A_567 = arith.constant 0 : i32
      %dma_start3A_568 = arith.constant 0 : i32
      %dma_start3A_569 = tpu.memref_slice %arg9[%dma_start3A_567, %dma_start3A_568] : memref<80000x8xf32, #tpu.memory_space<hbm>> -> memref<80000x8xf32, #tpu.memory_space<hbm>>
      tpu.enqueue_indirect_dma source(%dma_start3A_569 : memref<80000x8xf32, #tpu.memory_space<hbm>>) target(%dma_start3A_563 : memref<128x8xf32, #tpu.memory_space<vmem>>) offsets(%dma_start3A_566 : memref<128xi32, #tpu.memory_space<vmem>>) semaphore(%arg23 : memref<!tpu.dma_semaphore, #tpu.memory_space<semaphore_mem>>)
      %dma_start3A_570 = arith.constant 4 : i32
      %dma_start3A_571 = arith.constant 512 : i32
      %dma_start3A_572 = arith.constant 0 : i32
      %dma_start3A_573 = tpu.memref_slice %arg19[%dma_start3A_571, %dma_start3A_572] : memref<3200x8xf32, #tpu.memory_space<vmem>> -> memref<128x8xf32, #tpu.memory_space<vmem>>
      %dma_start3A_574 = arith.constant 0 : i32
      %dma_start3A_575 = tpu.memref_slice %arg17[%dma_start3A_570, %dma_start3A_574] : memref<25x128xi32, #tpu.memory_space<vmem>> -> memref<1x128xi32, #tpu.memory_space<vmem>>
      %dma_start3A_576 = tpu.memref_squeeze %dma_start3A_575 : memref<1x128xi32, #tpu.memory_space<vmem>> -> memref<128xi32, #tpu.memory_space<vmem>>
      %dma_start3A_577 = arith.constant 0 : i32
      %dma_start3A_578 = arith.constant 0 : i32
      %dma_start3A_579 = tpu.memref_slice %arg9[%dma_start3A_577, %dma_start3A_578] : memref<80000x8xf32, #tpu.memory_space<hbm>> -> memref<80000x8xf32, #tpu.memory_space<hbm>>
      tpu.enqueue_indirect_dma source(%dma_start3A_579 : memref<80000x8xf32, #tpu.memory_space<hbm>>) target(%dma_start3A_573 : memref<128x8xf32, #tpu.memory_space<vmem>>) offsets(%dma_start3A_576 : memref<128xi32, #tpu.memory_space<vmem>>) semaphore(%arg23 : memref<!tpu.dma_semaphore, #tpu.memory_space<semaphore_mem>>)
      %dma_start3A_580 = arith.constant 5 : i32
      %dma_start3A_581 = arith.constant 640 : i32
      %dma_start3A_582 = arith.constant 0 : i32
      %dma_start3A_583 = tpu.memref_slice %arg19[%dma_start3A_581, %dma_start3A_582] : memref<3200x8xf32, #tpu.memory_space<vmem>> -> memref<128x8xf32, #tpu.memory_space<vmem>>
      %dma_start3A_584 = arith.constant 0 : i32
      %dma_start3A_585 = tpu.memref_slice %arg17[%dma_start3A_580, %dma_start3A_584] : memref<25x128xi32, #tpu.memory_space<vmem>> -> memref<1x128xi32, #tpu.memory_space<vmem>>
      %dma_start3A_586 = tpu.memref_squeeze %dma_start3A_585 : memref<1x128xi32, #tpu.memory_space<vmem>> -> memref<128xi32, #tpu.memory_space<vmem>>
      %dma_start3A_587 = arith.constant 0 : i32
      %dma_start3A_588 = arith.constant 0 : i32
      %dma_start3A_589 = tpu.memref_slice %arg9[%dma_start3A_587, %dma_start3A_588] : memref<80000x8xf32, #tpu.memory_space<hbm>> -> memref<80000x8xf32, #tpu.memory_space<hbm>>
      tpu.enqueue_indirect_dma source(%dma_start3A_589 : memref<80000x8xf32, #tpu.memory_space<hbm>>) target(%dma_start3A_583 : memref<128x8xf32, #tpu.memory_space<vmem>>) offsets(%dma_start3A_586 : memref<128xi32, #tpu.memory_space<vmem>>) semaphore(%arg23 : memref<!tpu.dma_semaphore, #tpu.memory_space<semaphore_mem>>)
      %dma_start3A_590 = arith.constant 6 : i32
      %dma_start3A_591 = arith.constant 768 : i32
      %dma_start3A_592 = arith.constant 0 : i32
      %dma_start3A_593 = tpu.memref_slice %arg19[%dma_start3A_591, %dma_start3A_592] : memref<3200x8xf32, #tpu.memory_space<vmem>> -> memref<128x8xf32, #tpu.memory_space<vmem>>
      %dma_start3A_594 = arith.constant 0 : i32
      %dma_start3A_595 = tpu.memref_slice %arg17[%dma_start3A_590, %dma_start3A_594] : memref<25x128xi32, #tpu.memory_space<vmem>> -> memref<1x128xi32, #tpu.memory_space<vmem>>
      %dma_start3A_596 = tpu.memref_squeeze %dma_start3A_595 : memref<1x128xi32, #tpu.memory_space<vmem>> -> memref<128xi32, #tpu.memory_space<vmem>>
      %dma_start3A_597 = arith.constant 0 : i32
      %dma_start3A_598 = arith.constant 0 : i32
      %dma_start3A_599 = tpu.memref_slice %arg9[%dma_start3A_597, %dma_start3A_598] : memref<80000x8xf32, #tpu.memory_space<hbm>> -> memref<80000x8xf32, #tpu.memory_space<hbm>>
      tpu.enqueue_indirect_dma source(%dma_start3A_599 : memref<80000x8xf32, #tpu.memory_space<hbm>>) target(%dma_start3A_593 : memref<128x8xf32, #tpu.memory_space<vmem>>) offsets(%dma_start3A_596 : memref<128xi32, #tpu.memory_space<vmem>>) semaphore(%arg23 : memref<!tpu.dma_semaphore, #tpu.memory_space<semaphore_mem>>)
      %dma_start3A_600 = arith.constant 7 : i32
      %dma_start3A_601 = arith.constant 896 : i32
      %dma_start3A_602 = arith.constant 0 : i32
      %dma_start3A_603 = tpu.memref_slice %arg19[%dma_start3A_601, %dma_start3A_602] : memref<3200x8xf32, #tpu.memory_space<vmem>> -> memref<128x8xf32, #tpu.memory_space<vmem>>
      %dma_start3A_604 = arith.constant 0 : i32
      %dma_start3A_605 = tpu.memref_slice %arg17[%dma_start3A_600, %dma_start3A_604] : memref<25x128xi32, #tpu.memory_space<vmem>> -> memref<1x128xi32, #tpu.memory_space<vmem>>
      %dma_start3A_606 = tpu.memref_squeeze %dma_start3A_605 : memref<1x128xi32, #tpu.memory_space<vmem>> -> memref<128xi32, #tpu.memory_space<vmem>>
      %dma_start3A_607 = arith.constant 0 : i32
      %dma_start3A_608 = arith.constant 0 : i32
      %dma_start3A_609 = tpu.memref_slice %arg9[%dma_start3A_607, %dma_start3A_608] : memref<80000x8xf32, #tpu.memory_space<hbm>> -> memref<80000x8xf32, #tpu.memory_space<hbm>>
      tpu.enqueue_indirect_dma source(%dma_start3A_609 : memref<80000x8xf32, #tpu.memory_space<hbm>>) target(%dma_start3A_603 : memref<128x8xf32, #tpu.memory_space<vmem>>) offsets(%dma_start3A_606 : memref<128xi32, #tpu.memory_space<vmem>>) semaphore(%arg23 : memref<!tpu.dma_semaphore, #tpu.memory_space<semaphore_mem>>)
      %dma_start3A_610 = arith.constant 8 : i32
      %dma_start3A_611 = arith.constant 1024 : i32
      %dma_start3A_612 = arith.constant 0 : i32
      %dma_start3A_613 = tpu.memref_slice %arg19[%dma_start3A_611, %dma_start3A_612] : memref<3200x8xf32, #tpu.memory_space<vmem>> -> memref<128x8xf32, #tpu.memory_space<vmem>>
      %dma_start3A_614 = arith.constant 0 : i32
      %dma_start3A_615 = tpu.memref_slice %arg17[%dma_start3A_610, %dma_start3A_614] : memref<25x128xi32, #tpu.memory_space<vmem>> -> memref<1x128xi32, #tpu.memory_space<vmem>>
      %dma_start3A_616 = tpu.memref_squeeze %dma_start3A_615 : memref<1x128xi32, #tpu.memory_space<vmem>> -> memref<128xi32, #tpu.memory_space<vmem>>
      %dma_start3A_617 = arith.constant 0 : i32
      %dma_start3A_618 = arith.constant 0 : i32
      %dma_start3A_619 = tpu.memref_slice %arg9[%dma_start3A_617, %dma_start3A_618] : memref<80000x8xf32, #tpu.memory_space<hbm>> -> memref<80000x8xf32, #tpu.memory_space<hbm>>
      tpu.enqueue_indirect_dma source(%dma_start3A_619 : memref<80000x8xf32, #tpu.memory_space<hbm>>) target(%dma_start3A_613 : memref<128x8xf32, #tpu.memory_space<vmem>>) offsets(%dma_start3A_616 : memref<128xi32, #tpu.memory_space<vmem>>) semaphore(%arg23 : memref<!tpu.dma_semaphore, #tpu.memory_space<semaphore_mem>>)
      %dma_start3A_620 = arith.constant 9 : i32
      %dma_start3A_621 = arith.constant 1152 : i32
      %dma_start3A_622 = arith.constant 0 : i32
      %dma_start3A_623 = tpu.memref_slice %arg19[%dma_start3A_621, %dma_start3A_622] : memref<3200x8xf32, #tpu.memory_space<vmem>> -> memref<128x8xf32, #tpu.memory_space<vmem>>
      %dma_start3A_624 = arith.constant 0 : i32
      %dma_start3A_625 = tpu.memref_slice %arg17[%dma_start3A_620, %dma_start3A_624] : memref<25x128xi32, #tpu.memory_space<vmem>> -> memref<1x128xi32, #tpu.memory_space<vmem>>
      %dma_start3A_626 = tpu.memref_squeeze %dma_start3A_625 : memref<1x128xi32, #tpu.memory_space<vmem>> -> memref<128xi32, #tpu.memory_space<vmem>>
      %dma_start3A_627 = arith.constant 0 : i32
      %dma_start3A_628 = arith.constant 0 : i32
      %dma_start3A_629 = tpu.memref_slice %arg9[%dma_start3A_627, %dma_start3A_628] : memref<80000x8xf32, #tpu.memory_space<hbm>> -> memref<80000x8xf32, #tpu.memory_space<hbm>>
      tpu.enqueue_indirect_dma source(%dma_start3A_629 : memref<80000x8xf32, #tpu.memory_space<hbm>>) target(%dma_start3A_623 : memref<128x8xf32, #tpu.memory_space<vmem>>) offsets(%dma_start3A_626 : memref<128xi32, #tpu.memory_space<vmem>>) semaphore(%arg23 : memref<!tpu.dma_semaphore, #tpu.memory_space<semaphore_mem>>)
      %dma_start3A_630 = arith.constant 10 : i32
      %dma_start3A_631 = arith.constant 1280 : i32
      %dma_start3A_632 = arith.constant 0 : i32
      %dma_start3A_633 = tpu.memref_slice %arg19[%dma_start3A_631, %dma_start3A_632] : memref<3200x8xf32, #tpu.memory_space<vmem>> -> memref<128x8xf32, #tpu.memory_space<vmem>>
      %dma_start3A_634 = arith.constant 0 : i32
      %dma_start3A_635 = tpu.memref_slice %arg17[%dma_start3A_630, %dma_start3A_634] : memref<25x128xi32, #tpu.memory_space<vmem>> -> memref<1x128xi32, #tpu.memory_space<vmem>>
      %dma_start3A_636 = tpu.memref_squeeze %dma_start3A_635 : memref<1x128xi32, #tpu.memory_space<vmem>> -> memref<128xi32, #tpu.memory_space<vmem>>
      %dma_start3A_637 = arith.constant 0 : i32
      %dma_start3A_638 = arith.constant 0 : i32
      %dma_start3A_639 = tpu.memref_slice %arg9[%dma_start3A_637, %dma_start3A_638] : memref<80000x8xf32, #tpu.memory_space<hbm>> -> memref<80000x8xf32, #tpu.memory_space<hbm>>
      tpu.enqueue_indirect_dma source(%dma_start3A_639 : memref<80000x8xf32, #tpu.memory_space<hbm>>) target(%dma_start3A_633 : memref<128x8xf32, #tpu.memory_space<vmem>>) offsets(%dma_start3A_636 : memref<128xi32, #tpu.memory_space<vmem>>) semaphore(%arg23 : memref<!tpu.dma_semaphore, #tpu.memory_space<semaphore_mem>>)
      %dma_start3A_640 = arith.constant 11 : i32
      %dma_start3A_641 = arith.constant 1408 : i32
      %dma_start3A_642 = arith.constant 0 : i32
      %dma_start3A_643 = tpu.memref_slice %arg19[%dma_start3A_641, %dma_start3A_642] : memref<3200x8xf32, #tpu.memory_space<vmem>> -> memref<128x8xf32, #tpu.memory_space<vmem>>
      %dma_start3A_644 = arith.constant 0 : i32
      %dma_start3A_645 = tpu.memref_slice %arg17[%dma_start3A_640, %dma_start3A_644] : memref<25x128xi32, #tpu.memory_space<vmem>> -> memref<1x128xi32, #tpu.memory_space<vmem>>
      %dma_start3A_646 = tpu.memref_squeeze %dma_start3A_645 : memref<1x128xi32, #tpu.memory_space<vmem>> -> memref<128xi32, #tpu.memory_space<vmem>>
      %dma_start3A_647 = arith.constant 0 : i32
      %dma_start3A_648 = arith.constant 0 : i32
      %dma_start3A_649 = tpu.memref_slice %arg9[%dma_start3A_647, %dma_start3A_648] : memref<80000x8xf32, #tpu.memory_space<hbm>> -> memref<80000x8xf32, #tpu.memory_space<hbm>>
      tpu.enqueue_indirect_dma source(%dma_start3A_649 : memref<80000x8xf32, #tpu.memory_space<hbm>>) target(%dma_start3A_643 : memref<128x8xf32, #tpu.memory_space<vmem>>) offsets(%dma_start3A_646 : memref<128xi32, #tpu.memory_space<vmem>>) semaphore(%arg23 : memref<!tpu.dma_semaphore, #tpu.memory_space<semaphore_mem>>)
      %dma_start3A_650 = arith.constant 12 : i32
      %dma_start3A_651 = arith.constant 1536 : i32
      %dma_start3A_652 = arith.constant 0 : i32
      %dma_start3A_653 = tpu.memref_slice %arg19[%dma_start3A_651, %dma_start3A_652] : memref<3200x8xf32, #tpu.memory_space<vmem>> -> memref<128x8xf32, #tpu.memory_space<vmem>>
      %dma_start3A_654 = arith.constant 0 : i32
      %dma_start3A_655 = tpu.memref_slice %arg17[%dma_start3A_650, %dma_start3A_654] : memref<25x128xi32, #tpu.memory_space<vmem>> -> memref<1x128xi32, #tpu.memory_space<vmem>>
      %dma_start3A_656 = tpu.memref_squeeze %dma_start3A_655 : memref<1x128xi32, #tpu.memory_space<vmem>> -> memref<128xi32, #tpu.memory_space<vmem>>
      %dma_start3A_657 = arith.constant 0 : i32
      %dma_start3A_658 = arith.constant 0 : i32
      %dma_start3A_659 = tpu.memref_slice %arg9[%dma_start3A_657, %dma_start3A_658] : memref<80000x8xf32, #tpu.memory_space<hbm>> -> memref<80000x8xf32, #tpu.memory_space<hbm>>
      tpu.enqueue_indirect_dma source(%dma_start3A_659 : memref<80000x8xf32, #tpu.memory_space<hbm>>) target(%dma_start3A_653 : memref<128x8xf32, #tpu.memory_space<vmem>>) offsets(%dma_start3A_656 : memref<128xi32, #tpu.memory_space<vmem>>) semaphore(%arg23 : memref<!tpu.dma_semaphore, #tpu.memory_space<semaphore_mem>>)
      %dma_start3A_660 = arith.constant 13 : i32
      %dma_start3A_661 = arith.constant 1664 : i32
      %dma_start3A_662 = arith.constant 0 : i32
      %dma_start3A_663 = tpu.memref_slice %arg19[%dma_start3A_661, %dma_start3A_662] : memref<3200x8xf32, #tpu.memory_space<vmem>> -> memref<128x8xf32, #tpu.memory_space<vmem>>
      %dma_start3A_664 = arith.constant 0 : i32
      %dma_start3A_665 = tpu.memref_slice %arg17[%dma_start3A_660, %dma_start3A_664] : memref<25x128xi32, #tpu.memory_space<vmem>> -> memref<1x128xi32, #tpu.memory_space<vmem>>
      %dma_start3A_666 = tpu.memref_squeeze %dma_start3A_665 : memref<1x128xi32, #tpu.memory_space<vmem>> -> memref<128xi32, #tpu.memory_space<vmem>>
      %dma_start3A_667 = arith.constant 0 : i32
      %dma_start3A_668 = arith.constant 0 : i32
      %dma_start3A_669 = tpu.memref_slice %arg9[%dma_start3A_667, %dma_start3A_668] : memref<80000x8xf32, #tpu.memory_space<hbm>> -> memref<80000x8xf32, #tpu.memory_space<hbm>>
      tpu.enqueue_indirect_dma source(%dma_start3A_669 : memref<80000x8xf32, #tpu.memory_space<hbm>>) target(%dma_start3A_663 : memref<128x8xf32, #tpu.memory_space<vmem>>) offsets(%dma_start3A_666 : memref<128xi32, #tpu.memory_space<vmem>>) semaphore(%arg23 : memref<!tpu.dma_semaphore, #tpu.memory_space<semaphore_mem>>)
      %dma_start3A_670 = arith.constant 14 : i32
      %dma_start3A_671 = arith.constant 1792 : i32
      %dma_start3A_672 = arith.constant 0 : i32
      %dma_start3A_673 = tpu.memref_slice %arg19[%dma_start3A_671, %dma_start3A_672] : memref<3200x8xf32, #tpu.memory_space<vmem>> -> memref<128x8xf32, #tpu.memory_space<vmem>>
      %dma_start3A_674 = arith.constant 0 : i32
      %dma_start3A_675 = tpu.memref_slice %arg17[%dma_start3A_670, %dma_start3A_674] : memref<25x128xi32, #tpu.memory_space<vmem>> -> memref<1x128xi32, #tpu.memory_space<vmem>>
      %dma_start3A_676 = tpu.memref_squeeze %dma_start3A_675 : memref<1x128xi32, #tpu.memory_space<vmem>> -> memref<128xi32, #tpu.memory_space<vmem>>
      %dma_start3A_677 = arith.constant 0 : i32
      %dma_start3A_678 = arith.constant 0 : i32
      %dma_start3A_679 = tpu.memref_slice %arg9[%dma_start3A_677, %dma_start3A_678] : memref<80000x8xf32, #tpu.memory_space<hbm>> -> memref<80000x8xf32, #tpu.memory_space<hbm>>
      tpu.enqueue_indirect_dma source(%dma_start3A_679 : memref<80000x8xf32, #tpu.memory_space<hbm>>) target(%dma_start3A_673 : memref<128x8xf32, #tpu.memory_space<vmem>>) offsets(%dma_start3A_676 : memref<128xi32, #tpu.memory_space<vmem>>) semaphore(%arg23 : memref<!tpu.dma_semaphore, #tpu.memory_space<semaphore_mem>>)
      %dma_start3A_680 = arith.constant 15 : i32
      %dma_start3A_681 = arith.constant 1920 : i32
      %dma_start3A_682 = arith.constant 0 : i32
      %dma_start3A_683 = tpu.memref_slice %arg19[%dma_start3A_681, %dma_start3A_682] : memref<3200x8xf32, #tpu.memory_space<vmem>> -> memref<128x8xf32, #tpu.memory_space<vmem>>
      %dma_start3A_684 = arith.constant 0 : i32
      %dma_start3A_685 = tpu.memref_slice %arg17[%dma_start3A_680, %dma_start3A_684] : memref<25x128xi32, #tpu.memory_space<vmem>> -> memref<1x128xi32, #tpu.memory_space<vmem>>
      %dma_start3A_686 = tpu.memref_squeeze %dma_start3A_685 : memref<1x128xi32, #tpu.memory_space<vmem>> -> memref<128xi32, #tpu.memory_space<vmem>>
      %dma_start3A_687 = arith.constant 0 : i32
      %dma_start3A_688 = arith.constant 0 : i32
      %dma_start3A_689 = tpu.memref_slice %arg9[%dma_start3A_687, %dma_start3A_688] : memref<80000x8xf32, #tpu.memory_space<hbm>> -> memref<80000x8xf32, #tpu.memory_space<hbm>>
      tpu.enqueue_indirect_dma source(%dma_start3A_689 : memref<80000x8xf32, #tpu.memory_space<hbm>>) target(%dma_start3A_683 : memref<128x8xf32, #tpu.memory_space<vmem>>) offsets(%dma_start3A_686 : memref<128xi32, #tpu.memory_space<vmem>>) semaphore(%arg23 : memref<!tpu.dma_semaphore, #tpu.memory_space<semaphore_mem>>)
      %dma_start3A_690 = arith.constant 16 : i32
      %dma_start3A_691 = arith.constant 2048 : i32
      %dma_start3A_692 = arith.constant 0 : i32
      %dma_start3A_693 = tpu.memref_slice %arg19[%dma_start3A_691, %dma_start3A_692] : memref<3200x8xf32, #tpu.memory_space<vmem>> -> memref<128x8xf32, #tpu.memory_space<vmem>>
      %dma_start3A_694 = arith.constant 0 : i32
      %dma_start3A_695 = tpu.memref_slice %arg17[%dma_start3A_690, %dma_start3A_694] : memref<25x128xi32, #tpu.memory_space<vmem>> -> memref<1x128xi32, #tpu.memory_space<vmem>>
      %dma_start3A_696 = tpu.memref_squeeze %dma_start3A_695 : memref<1x128xi32, #tpu.memory_space<vmem>> -> memref<128xi32, #tpu.memory_space<vmem>>
      %dma_start3A_697 = arith.constant 0 : i32
      %dma_start3A_698 = arith.constant 0 : i32
      %dma_start3A_699 = tpu.memref_slice %arg9[%dma_start3A_697, %dma_start3A_698] : memref<80000x8xf32, #tpu.memory_space<hbm>> -> memref<80000x8xf32, #tpu.memory_space<hbm>>
      tpu.enqueue_indirect_dma source(%dma_start3A_699 : memref<80000x8xf32, #tpu.memory_space<hbm>>) target(%dma_start3A_693 : memref<128x8xf32, #tpu.memory_space<vmem>>) offsets(%dma_start3A_696 : memref<128xi32, #tpu.memory_space<vmem>>) semaphore(%arg23 : memref<!tpu.dma_semaphore, #tpu.memory_space<semaphore_mem>>)
      %dma_start3A_700 = arith.constant 17 : i32
      %dma_start3A_701 = arith.constant 2176 : i32
      %dma_start3A_702 = arith.constant 0 : i32
      %dma_start3A_703 = tpu.memref_slice %arg19[%dma_start3A_701, %dma_start3A_702] : memref<3200x8xf32, #tpu.memory_space<vmem>> -> memref<128x8xf32, #tpu.memory_space<vmem>>
      %dma_start3A_704 = arith.constant 0 : i32
      %dma_start3A_705 = tpu.memref_slice %arg17[%dma_start3A_700, %dma_start3A_704] : memref<25x128xi32, #tpu.memory_space<vmem>> -> memref<1x128xi32, #tpu.memory_space<vmem>>
      %dma_start3A_706 = tpu.memref_squeeze %dma_start3A_705 : memref<1x128xi32, #tpu.memory_space<vmem>> -> memref<128xi32, #tpu.memory_space<vmem>>
      %dma_start3A_707 = arith.constant 0 : i32
      %dma_start3A_708 = arith.constant 0 : i32
      %dma_start3A_709 = tpu.memref_slice %arg9[%dma_start3A_707, %dma_start3A_708] : memref<80000x8xf32, #tpu.memory_space<hbm>> -> memref<80000x8xf32, #tpu.memory_space<hbm>>
      tpu.enqueue_indirect_dma source(%dma_start3A_709 : memref<80000x8xf32, #tpu.memory_space<hbm>>) target(%dma_start3A_703 : memref<128x8xf32, #tpu.memory_space<vmem>>) offsets(%dma_start3A_706 : memref<128xi32, #tpu.memory_space<vmem>>) semaphore(%arg23 : memref<!tpu.dma_semaphore, #tpu.memory_space<semaphore_mem>>)
      %dma_start3A_710 = arith.constant 18 : i32
      %dma_start3A_711 = arith.constant 2304 : i32
      %dma_start3A_712 = arith.constant 0 : i32
      %dma_start3A_713 = tpu.memref_slice %arg19[%dma_start3A_711, %dma_start3A_712] : memref<3200x8xf32, #tpu.memory_space<vmem>> -> memref<128x8xf32, #tpu.memory_space<vmem>>
      %dma_start3A_714 = arith.constant 0 : i32
      %dma_start3A_715 = tpu.memref_slice %arg17[%dma_start3A_710, %dma_start3A_714] : memref<25x128xi32, #tpu.memory_space<vmem>> -> memref<1x128xi32, #tpu.memory_space<vmem>>
      %dma_start3A_716 = tpu.memref_squeeze %dma_start3A_715 : memref<1x128xi32, #tpu.memory_space<vmem>> -> memref<128xi32, #tpu.memory_space<vmem>>
      %dma_start3A_717 = arith.constant 0 : i32
      %dma_start3A_718 = arith.constant 0 : i32
      %dma_start3A_719 = tpu.memref_slice %arg9[%dma_start3A_717, %dma_start3A_718] : memref<80000x8xf32, #tpu.memory_space<hbm>> -> memref<80000x8xf32, #tpu.memory_space<hbm>>
      tpu.enqueue_indirect_dma source(%dma_start3A_719 : memref<80000x8xf32, #tpu.memory_space<hbm>>) target(%dma_start3A_713 : memref<128x8xf32, #tpu.memory_space<vmem>>) offsets(%dma_start3A_716 : memref<128xi32, #tpu.memory_space<vmem>>) semaphore(%arg23 : memref<!tpu.dma_semaphore, #tpu.memory_space<semaphore_mem>>)
      %dma_start3A_720 = arith.constant 19 : i32
      %dma_start3A_721 = arith.constant 2432 : i32
      %dma_start3A_722 = arith.constant 0 : i32
      %dma_start3A_723 = tpu.memref_slice %arg19[%dma_start3A_721, %dma_start3A_722] : memref<3200x8xf32, #tpu.memory_space<vmem>> -> memref<128x8xf32, #tpu.memory_space<vmem>>
      %dma_start3A_724 = arith.constant 0 : i32
      %dma_start3A_725 = tpu.memref_slice %arg17[%dma_start3A_720, %dma_start3A_724] : memref<25x128xi32, #tpu.memory_space<vmem>> -> memref<1x128xi32, #tpu.memory_space<vmem>>
      %dma_start3A_726 = tpu.memref_squeeze %dma_start3A_725 : memref<1x128xi32, #tpu.memory_space<vmem>> -> memref<128xi32, #tpu.memory_space<vmem>>
      %dma_start3A_727 = arith.constant 0 : i32
      %dma_start3A_728 = arith.constant 0 : i32
      %dma_start3A_729 = tpu.memref_slice %arg9[%dma_start3A_727, %dma_start3A_728] : memref<80000x8xf32, #tpu.memory_space<hbm>> -> memref<80000x8xf32, #tpu.memory_space<hbm>>
      tpu.enqueue_indirect_dma source(%dma_start3A_729 : memref<80000x8xf32, #tpu.memory_space<hbm>>) target(%dma_start3A_723 : memref<128x8xf32, #tpu.memory_space<vmem>>) offsets(%dma_start3A_726 : memref<128xi32, #tpu.memory_space<vmem>>) semaphore(%arg23 : memref<!tpu.dma_semaphore, #tpu.memory_space<semaphore_mem>>)
      %dma_start3A_730 = arith.constant 20 : i32
      %dma_start3A_731 = arith.constant 2560 : i32
      %dma_start3A_732 = arith.constant 0 : i32
      %dma_start3A_733 = tpu.memref_slice %arg19[%dma_start3A_731, %dma_start3A_732] : memref<3200x8xf32, #tpu.memory_space<vmem>> -> memref<128x8xf32, #tpu.memory_space<vmem>>
      %dma_start3A_734 = arith.constant 0 : i32
      %dma_start3A_735 = tpu.memref_slice %arg17[%dma_start3A_730, %dma_start3A_734] : memref<25x128xi32, #tpu.memory_space<vmem>> -> memref<1x128xi32, #tpu.memory_space<vmem>>
      %dma_start3A_736 = tpu.memref_squeeze %dma_start3A_735 : memref<1x128xi32, #tpu.memory_space<vmem>> -> memref<128xi32, #tpu.memory_space<vmem>>
      %dma_start3A_737 = arith.constant 0 : i32
      %dma_start3A_738 = arith.constant 0 : i32
      %dma_start3A_739 = tpu.memref_slice %arg9[%dma_start3A_737, %dma_start3A_738] : memref<80000x8xf32, #tpu.memory_space<hbm>> -> memref<80000x8xf32, #tpu.memory_space<hbm>>
      tpu.enqueue_indirect_dma source(%dma_start3A_739 : memref<80000x8xf32, #tpu.memory_space<hbm>>) target(%dma_start3A_733 : memref<128x8xf32, #tpu.memory_space<vmem>>) offsets(%dma_start3A_736 : memref<128xi32, #tpu.memory_space<vmem>>) semaphore(%arg23 : memref<!tpu.dma_semaphore, #tpu.memory_space<semaphore_mem>>)
      %dma_start3A_740 = arith.constant 21 : i32
      %dma_start3A_741 = arith.constant 2688 : i32
      %dma_start3A_742 = arith.constant 0 : i32
      %dma_start3A_743 = tpu.memref_slice %arg19[%dma_start3A_741, %dma_start3A_742] : memref<3200x8xf32, #tpu.memory_space<vmem>> -> memref<128x8xf32, #tpu.memory_space<vmem>>
      %dma_start3A_744 = arith.constant 0 : i32
      %dma_start3A_745 = tpu.memref_slice %arg17[%dma_start3A_740, %dma_start3A_744] : memref<25x128xi32, #tpu.memory_space<vmem>> -> memref<1x128xi32, #tpu.memory_space<vmem>>
      %dma_start3A_746 = tpu.memref_squeeze %dma_start3A_745 : memref<1x128xi32, #tpu.memory_space<vmem>> -> memref<128xi32, #tpu.memory_space<vmem>>
      %dma_start3A_747 = arith.constant 0 : i32
      %dma_start3A_748 = arith.constant 0 : i32
      %dma_start3A_749 = tpu.memref_slice %arg9[%dma_start3A_747, %dma_start3A_748] : memref<80000x8xf32, #tpu.memory_space<hbm>> -> memref<80000x8xf32, #tpu.memory_space<hbm>>
      tpu.enqueue_indirect_dma source(%dma_start3A_749 : memref<80000x8xf32, #tpu.memory_space<hbm>>) target(%dma_start3A_743 : memref<128x8xf32, #tpu.memory_space<vmem>>) offsets(%dma_start3A_746 : memref<128xi32, #tpu.memory_space<vmem>>) semaphore(%arg23 : memref<!tpu.dma_semaphore, #tpu.memory_space<semaphore_mem>>)
      %dma_start3A_750 = arith.constant 22 : i32
      %dma_start3A_751 = arith.constant 2816 : i32
      %dma_start3A_752 = arith.constant 0 : i32
      %dma_start3A_753 = tpu.memref_slice %arg19[%dma_start3A_751, %dma_start3A_752] : memref<3200x8xf32, #tpu.memory_space<vmem>> -> memref<128x8xf32, #tpu.memory_space<vmem>>
      %dma_start3A_754 = arith.constant 0 : i32
      %dma_start3A_755 = tpu.memref_slice %arg17[%dma_start3A_750, %dma_start3A_754] : memref<25x128xi32, #tpu.memory_space<vmem>> -> memref<1x128xi32, #tpu.memory_space<vmem>>
      %dma_start3A_756 = tpu.memref_squeeze %dma_start3A_755 : memref<1x128xi32, #tpu.memory_space<vmem>> -> memref<128xi32, #tpu.memory_space<vmem>>
      %dma_start3A_757 = arith.constant 0 : i32
      %dma_start3A_758 = arith.constant 0 : i32
      %dma_start3A_759 = tpu.memref_slice %arg9[%dma_start3A_757, %dma_start3A_758] : memref<80000x8xf32, #tpu.memory_space<hbm>> -> memref<80000x8xf32, #tpu.memory_space<hbm>>
      tpu.enqueue_indirect_dma source(%dma_start3A_759 : memref<80000x8xf32, #tpu.memory_space<hbm>>) target(%dma_start3A_753 : memref<128x8xf32, #tpu.memory_space<vmem>>) offsets(%dma_start3A_756 : memref<128xi32, #tpu.memory_space<vmem>>) semaphore(%arg23 : memref<!tpu.dma_semaphore, #tpu.memory_space<semaphore_mem>>)
      %dma_start3A_760 = arith.constant 23 : i32
      %dma_start3A_761 = arith.constant 2944 : i32
      %dma_start3A_762 = arith.constant 0 : i32
      %dma_start3A_763 = tpu.memref_slice %arg19[%dma_start3A_761, %dma_start3A_762] : memref<3200x8xf32, #tpu.memory_space<vmem>> -> memref<128x8xf32, #tpu.memory_space<vmem>>
      %dma_start3A_764 = arith.constant 0 : i32
      %dma_start3A_765 = tpu.memref_slice %arg17[%dma_start3A_760, %dma_start3A_764] : memref<25x128xi32, #tpu.memory_space<vmem>> -> memref<1x128xi32, #tpu.memory_space<vmem>>
      %dma_start3A_766 = tpu.memref_squeeze %dma_start3A_765 : memref<1x128xi32, #tpu.memory_space<vmem>> -> memref<128xi32, #tpu.memory_space<vmem>>
      %dma_start3A_767 = arith.constant 0 : i32
      %dma_start3A_768 = arith.constant 0 : i32
      %dma_start3A_769 = tpu.memref_slice %arg9[%dma_start3A_767, %dma_start3A_768] : memref<80000x8xf32, #tpu.memory_space<hbm>> -> memref<80000x8xf32, #tpu.memory_space<hbm>>
      tpu.enqueue_indirect_dma source(%dma_start3A_769 : memref<80000x8xf32, #tpu.memory_space<hbm>>) target(%dma_start3A_763 : memref<128x8xf32, #tpu.memory_space<vmem>>) offsets(%dma_start3A_766 : memref<128xi32, #tpu.memory_space<vmem>>) semaphore(%arg23 : memref<!tpu.dma_semaphore, #tpu.memory_space<semaphore_mem>>)
      %dma_start3A_770 = arith.constant 24 : i32
      %dma_start3A_771 = arith.constant 3072 : i32
      %dma_start3A_772 = arith.constant 0 : i32
      %dma_start3A_773 = tpu.memref_slice %arg19[%dma_start3A_771, %dma_start3A_772] : memref<3200x8xf32, #tpu.memory_space<vmem>> -> memref<128x8xf32, #tpu.memory_space<vmem>>
      %dma_start3A_774 = arith.constant 0 : i32
      %dma_start3A_775 = tpu.memref_slice %arg17[%dma_start3A_770, %dma_start3A_774] : memref<25x128xi32, #tpu.memory_space<vmem>> -> memref<1x128xi32, #tpu.memory_space<vmem>>
      %dma_start3A_776 = tpu.memref_squeeze %dma_start3A_775 : memref<1x128xi32, #tpu.memory_space<vmem>> -> memref<128xi32, #tpu.memory_space<vmem>>
      %dma_start3A_777 = arith.constant 0 : i32
      %dma_start3A_778 = arith.constant 0 : i32
      %dma_start3A_779 = tpu.memref_slice %arg9[%dma_start3A_777, %dma_start3A_778] : memref<80000x8xf32, #tpu.memory_space<hbm>> -> memref<80000x8xf32, #tpu.memory_space<hbm>>
      tpu.enqueue_indirect_dma source(%dma_start3A_779 : memref<80000x8xf32, #tpu.memory_space<hbm>>) target(%dma_start3A_773 : memref<128x8xf32, #tpu.memory_space<vmem>>) offsets(%dma_start3A_776 : memref<128xi32, #tpu.memory_space<vmem>>) semaphore(%arg23 : memref<!tpu.dma_semaphore, #tpu.memory_space<semaphore_mem>>)
      %dma_wait3A_780 = arith.constant 0 : i32
      %dma_wait3A_781 = arith.constant 0 : i32
      %dma_wait3A_782 = arith.constant 0 : i32
      %dma_wait3A_783 = tpu.memref_slice %arg19[%dma_wait3A_781, %dma_wait3A_782] : memref<3200x8xf32, #tpu.memory_space<vmem>> -> memref<128x8xf32, #tpu.memory_space<vmem>>
      %dma_wait3A_784 = arith.constant 0 : i32
      %dma_wait3A_785 = tpu.memref_slice %arg17[%dma_wait3A_780, %dma_wait3A_784] : memref<25x128xi32, #tpu.memory_space<vmem>> -> memref<1x128xi32, #tpu.memory_space<vmem>>
      %dma_wait3A_786 = tpu.memref_squeeze %dma_wait3A_785 : memref<1x128xi32, #tpu.memory_space<vmem>> -> memref<128xi32, #tpu.memory_space<vmem>>
      %dma_wait3A_787 = arith.constant 0 : i32
      %dma_wait3A_788 = arith.constant 0 : i32
      %dma_wait3A_789 = tpu.memref_slice %arg9[%dma_wait3A_787, %dma_wait3A_788] : memref<80000x8xf32, #tpu.memory_space<hbm>> -> memref<80000x8xf32, #tpu.memory_space<hbm>>
      tpu.wait_indirect_dma semaphore(%arg23 : memref<!tpu.dma_semaphore, #tpu.memory_space<semaphore_mem>>) src(%dma_wait3A_789 : memref<80000x8xf32, #tpu.memory_space<hbm>>) dst(%dma_wait3A_783 : memref<128x8xf32, #tpu.memory_space<vmem>>)
      %dma_wait3A_790 = arith.constant 1 : i32
      %dma_wait3A_791 = arith.constant 128 : i32
      %dma_wait3A_792 = arith.constant 0 : i32
      %dma_wait3A_793 = tpu.memref_slice %arg19[%dma_wait3A_791, %dma_wait3A_792] : memref<3200x8xf32, #tpu.memory_space<vmem>> -> memref<128x8xf32, #tpu.memory_space<vmem>>
      %dma_wait3A_794 = arith.constant 0 : i32
      %dma_wait3A_795 = tpu.memref_slice %arg17[%dma_wait3A_790, %dma_wait3A_794] : memref<25x128xi32, #tpu.memory_space<vmem>> -> memref<1x128xi32, #tpu.memory_space<vmem>>
      %dma_wait3A_796 = tpu.memref_squeeze %dma_wait3A_795 : memref<1x128xi32, #tpu.memory_space<vmem>> -> memref<128xi32, #tpu.memory_space<vmem>>
      %dma_wait3A_797 = arith.constant 0 : i32
      %dma_wait3A_798 = arith.constant 0 : i32
      %dma_wait3A_799 = tpu.memref_slice %arg9[%dma_wait3A_797, %dma_wait3A_798] : memref<80000x8xf32, #tpu.memory_space<hbm>> -> memref<80000x8xf32, #tpu.memory_space<hbm>>
      tpu.wait_indirect_dma semaphore(%arg23 : memref<!tpu.dma_semaphore, #tpu.memory_space<semaphore_mem>>) src(%dma_wait3A_799 : memref<80000x8xf32, #tpu.memory_space<hbm>>) dst(%dma_wait3A_793 : memref<128x8xf32, #tpu.memory_space<vmem>>)
      %dma_wait3A_800 = arith.constant 2 : i32
      %dma_wait3A_801 = arith.constant 256 : i32
      %dma_wait3A_802 = arith.constant 0 : i32
      %dma_wait3A_803 = tpu.memref_slice %arg19[%dma_wait3A_801, %dma_wait3A_802] : memref<3200x8xf32, #tpu.memory_space<vmem>> -> memref<128x8xf32, #tpu.memory_space<vmem>>
      %dma_wait3A_804 = arith.constant 0 : i32
      %dma_wait3A_805 = tpu.memref_slice %arg17[%dma_wait3A_800, %dma_wait3A_804] : memref<25x128xi32, #tpu.memory_space<vmem>> -> memref<1x128xi32, #tpu.memory_space<vmem>>
      %dma_wait3A_806 = tpu.memref_squeeze %dma_wait3A_805 : memref<1x128xi32, #tpu.memory_space<vmem>> -> memref<128xi32, #tpu.memory_space<vmem>>
      %dma_wait3A_807 = arith.constant 0 : i32
      %dma_wait3A_808 = arith.constant 0 : i32
      %dma_wait3A_809 = tpu.memref_slice %arg9[%dma_wait3A_807, %dma_wait3A_808] : memref<80000x8xf32, #tpu.memory_space<hbm>> -> memref<80000x8xf32, #tpu.memory_space<hbm>>
      tpu.wait_indirect_dma semaphore(%arg23 : memref<!tpu.dma_semaphore, #tpu.memory_space<semaphore_mem>>) src(%dma_wait3A_809 : memref<80000x8xf32, #tpu.memory_space<hbm>>) dst(%dma_wait3A_803 : memref<128x8xf32, #tpu.memory_space<vmem>>)
      %dma_wait3A_810 = arith.constant 3 : i32
      %dma_wait3A_811 = arith.constant 384 : i32
      %dma_wait3A_812 = arith.constant 0 : i32
      %dma_wait3A_813 = tpu.memref_slice %arg19[%dma_wait3A_811, %dma_wait3A_812] : memref<3200x8xf32, #tpu.memory_space<vmem>> -> memref<128x8xf32, #tpu.memory_space<vmem>>
      %dma_wait3A_814 = arith.constant 0 : i32
      %dma_wait3A_815 = tpu.memref_slice %arg17[%dma_wait3A_810, %dma_wait3A_814] : memref<25x128xi32, #tpu.memory_space<vmem>> -> memref<1x128xi32, #tpu.memory_space<vmem>>
      %dma_wait3A_816 = tpu.memref_squeeze %dma_wait3A_815 : memref<1x128xi32, #tpu.memory_space<vmem>> -> memref<128xi32, #tpu.memory_space<vmem>>
      %dma_wait3A_817 = arith.constant 0 : i32
      %dma_wait3A_818 = arith.constant 0 : i32
      %dma_wait3A_819 = tpu.memref_slice %arg9[%dma_wait3A_817, %dma_wait3A_818] : memref<80000x8xf32, #tpu.memory_space<hbm>> -> memref<80000x8xf32, #tpu.memory_space<hbm>>
      tpu.wait_indirect_dma semaphore(%arg23 : memref<!tpu.dma_semaphore, #tpu.memory_space<semaphore_mem>>) src(%dma_wait3A_819 : memref<80000x8xf32, #tpu.memory_space<hbm>>) dst(%dma_wait3A_813 : memref<128x8xf32, #tpu.memory_space<vmem>>)
      %dma_wait3A_820 = arith.constant 4 : i32
      %dma_wait3A_821 = arith.constant 512 : i32
      %dma_wait3A_822 = arith.constant 0 : i32
      %dma_wait3A_823 = tpu.memref_slice %arg19[%dma_wait3A_821, %dma_wait3A_822] : memref<3200x8xf32, #tpu.memory_space<vmem>> -> memref<128x8xf32, #tpu.memory_space<vmem>>
      %dma_wait3A_824 = arith.constant 0 : i32
      %dma_wait3A_825 = tpu.memref_slice %arg17[%dma_wait3A_820, %dma_wait3A_824] : memref<25x128xi32, #tpu.memory_space<vmem>> -> memref<1x128xi32, #tpu.memory_space<vmem>>
      %dma_wait3A_826 = tpu.memref_squeeze %dma_wait3A_825 : memref<1x128xi32, #tpu.memory_space<vmem>> -> memref<128xi32, #tpu.memory_space<vmem>>
      %dma_wait3A_827 = arith.constant 0 : i32
      %dma_wait3A_828 = arith.constant 0 : i32
      %dma_wait3A_829 = tpu.memref_slice %arg9[%dma_wait3A_827, %dma_wait3A_828] : memref<80000x8xf32, #tpu.memory_space<hbm>> -> memref<80000x8xf32, #tpu.memory_space<hbm>>
      tpu.wait_indirect_dma semaphore(%arg23 : memref<!tpu.dma_semaphore, #tpu.memory_space<semaphore_mem>>) src(%dma_wait3A_829 : memref<80000x8xf32, #tpu.memory_space<hbm>>) dst(%dma_wait3A_823 : memref<128x8xf32, #tpu.memory_space<vmem>>)
      %dma_wait3A_830 = arith.constant 5 : i32
      %dma_wait3A_831 = arith.constant 640 : i32
      %dma_wait3A_832 = arith.constant 0 : i32
      %dma_wait3A_833 = tpu.memref_slice %arg19[%dma_wait3A_831, %dma_wait3A_832] : memref<3200x8xf32, #tpu.memory_space<vmem>> -> memref<128x8xf32, #tpu.memory_space<vmem>>
      %dma_wait3A_834 = arith.constant 0 : i32
      %dma_wait3A_835 = tpu.memref_slice %arg17[%dma_wait3A_830, %dma_wait3A_834] : memref<25x128xi32, #tpu.memory_space<vmem>> -> memref<1x128xi32, #tpu.memory_space<vmem>>
      %dma_wait3A_836 = tpu.memref_squeeze %dma_wait3A_835 : memref<1x128xi32, #tpu.memory_space<vmem>> -> memref<128xi32, #tpu.memory_space<vmem>>
      %dma_wait3A_837 = arith.constant 0 : i32
      %dma_wait3A_838 = arith.constant 0 : i32
      %dma_wait3A_839 = tpu.memref_slice %arg9[%dma_wait3A_837, %dma_wait3A_838] : memref<80000x8xf32, #tpu.memory_space<hbm>> -> memref<80000x8xf32, #tpu.memory_space<hbm>>
      tpu.wait_indirect_dma semaphore(%arg23 : memref<!tpu.dma_semaphore, #tpu.memory_space<semaphore_mem>>) src(%dma_wait3A_839 : memref<80000x8xf32, #tpu.memory_space<hbm>>) dst(%dma_wait3A_833 : memref<128x8xf32, #tpu.memory_space<vmem>>)
      %dma_wait3A_840 = arith.constant 6 : i32
      %dma_wait3A_841 = arith.constant 768 : i32
      %dma_wait3A_842 = arith.constant 0 : i32
      %dma_wait3A_843 = tpu.memref_slice %arg19[%dma_wait3A_841, %dma_wait3A_842] : memref<3200x8xf32, #tpu.memory_space<vmem>> -> memref<128x8xf32, #tpu.memory_space<vmem>>
      %dma_wait3A_844 = arith.constant 0 : i32
      %dma_wait3A_845 = tpu.memref_slice %arg17[%dma_wait3A_840, %dma_wait3A_844] : memref<25x128xi32, #tpu.memory_space<vmem>> -> memref<1x128xi32, #tpu.memory_space<vmem>>
      %dma_wait3A_846 = tpu.memref_squeeze %dma_wait3A_845 : memref<1x128xi32, #tpu.memory_space<vmem>> -> memref<128xi32, #tpu.memory_space<vmem>>
      %dma_wait3A_847 = arith.constant 0 : i32
      %dma_wait3A_848 = arith.constant 0 : i32
      %dma_wait3A_849 = tpu.memref_slice %arg9[%dma_wait3A_847, %dma_wait3A_848] : memref<80000x8xf32, #tpu.memory_space<hbm>> -> memref<80000x8xf32, #tpu.memory_space<hbm>>
      tpu.wait_indirect_dma semaphore(%arg23 : memref<!tpu.dma_semaphore, #tpu.memory_space<semaphore_mem>>) src(%dma_wait3A_849 : memref<80000x8xf32, #tpu.memory_space<hbm>>) dst(%dma_wait3A_843 : memref<128x8xf32, #tpu.memory_space<vmem>>)
      %dma_wait3A_850 = arith.constant 7 : i32
      %dma_wait3A_851 = arith.constant 896 : i32
      %dma_wait3A_852 = arith.constant 0 : i32
      %dma_wait3A_853 = tpu.memref_slice %arg19[%dma_wait3A_851, %dma_wait3A_852] : memref<3200x8xf32, #tpu.memory_space<vmem>> -> memref<128x8xf32, #tpu.memory_space<vmem>>
      %dma_wait3A_854 = arith.constant 0 : i32
      %dma_wait3A_855 = tpu.memref_slice %arg17[%dma_wait3A_850, %dma_wait3A_854] : memref<25x128xi32, #tpu.memory_space<vmem>> -> memref<1x128xi32, #tpu.memory_space<vmem>>
      %dma_wait3A_856 = tpu.memref_squeeze %dma_wait3A_855 : memref<1x128xi32, #tpu.memory_space<vmem>> -> memref<128xi32, #tpu.memory_space<vmem>>
      %dma_wait3A_857 = arith.constant 0 : i32
      %dma_wait3A_858 = arith.constant 0 : i32
      %dma_wait3A_859 = tpu.memref_slice %arg9[%dma_wait3A_857, %dma_wait3A_858] : memref<80000x8xf32, #tpu.memory_space<hbm>> -> memref<80000x8xf32, #tpu.memory_space<hbm>>
      tpu.wait_indirect_dma semaphore(%arg23 : memref<!tpu.dma_semaphore, #tpu.memory_space<semaphore_mem>>) src(%dma_wait3A_859 : memref<80000x8xf32, #tpu.memory_space<hbm>>) dst(%dma_wait3A_853 : memref<128x8xf32, #tpu.memory_space<vmem>>)
      %dma_wait3A_860 = arith.constant 8 : i32
      %dma_wait3A_861 = arith.constant 1024 : i32
      %dma_wait3A_862 = arith.constant 0 : i32
      %dma_wait3A_863 = tpu.memref_slice %arg19[%dma_wait3A_861, %dma_wait3A_862] : memref<3200x8xf32, #tpu.memory_space<vmem>> -> memref<128x8xf32, #tpu.memory_space<vmem>>
      %dma_wait3A_864 = arith.constant 0 : i32
      %dma_wait3A_865 = tpu.memref_slice %arg17[%dma_wait3A_860, %dma_wait3A_864] : memref<25x128xi32, #tpu.memory_space<vmem>> -> memref<1x128xi32, #tpu.memory_space<vmem>>
      %dma_wait3A_866 = tpu.memref_squeeze %dma_wait3A_865 : memref<1x128xi32, #tpu.memory_space<vmem>> -> memref<128xi32, #tpu.memory_space<vmem>>
      %dma_wait3A_867 = arith.constant 0 : i32
      %dma_wait3A_868 = arith.constant 0 : i32
      %dma_wait3A_869 = tpu.memref_slice %arg9[%dma_wait3A_867, %dma_wait3A_868] : memref<80000x8xf32, #tpu.memory_space<hbm>> -> memref<80000x8xf32, #tpu.memory_space<hbm>>
      tpu.wait_indirect_dma semaphore(%arg23 : memref<!tpu.dma_semaphore, #tpu.memory_space<semaphore_mem>>) src(%dma_wait3A_869 : memref<80000x8xf32, #tpu.memory_space<hbm>>) dst(%dma_wait3A_863 : memref<128x8xf32, #tpu.memory_space<vmem>>)
      %dma_wait3A_870 = arith.constant 9 : i32
      %dma_wait3A_871 = arith.constant 1152 : i32
      %dma_wait3A_872 = arith.constant 0 : i32
      %dma_wait3A_873 = tpu.memref_slice %arg19[%dma_wait3A_871, %dma_wait3A_872] : memref<3200x8xf32, #tpu.memory_space<vmem>> -> memref<128x8xf32, #tpu.memory_space<vmem>>
      %dma_wait3A_874 = arith.constant 0 : i32
      %dma_wait3A_875 = tpu.memref_slice %arg17[%dma_wait3A_870, %dma_wait3A_874] : memref<25x128xi32, #tpu.memory_space<vmem>> -> memref<1x128xi32, #tpu.memory_space<vmem>>
      %dma_wait3A_876 = tpu.memref_squeeze %dma_wait3A_875 : memref<1x128xi32, #tpu.memory_space<vmem>> -> memref<128xi32, #tpu.memory_space<vmem>>
      %dma_wait3A_877 = arith.constant 0 : i32
      %dma_wait3A_878 = arith.constant 0 : i32
      %dma_wait3A_879 = tpu.memref_slice %arg9[%dma_wait3A_877, %dma_wait3A_878] : memref<80000x8xf32, #tpu.memory_space<hbm>> -> memref<80000x8xf32, #tpu.memory_space<hbm>>
      tpu.wait_indirect_dma semaphore(%arg23 : memref<!tpu.dma_semaphore, #tpu.memory_space<semaphore_mem>>) src(%dma_wait3A_879 : memref<80000x8xf32, #tpu.memory_space<hbm>>) dst(%dma_wait3A_873 : memref<128x8xf32, #tpu.memory_space<vmem>>)
      %dma_wait3A_880 = arith.constant 10 : i32
      %dma_wait3A_881 = arith.constant 1280 : i32
      %dma_wait3A_882 = arith.constant 0 : i32
      %dma_wait3A_883 = tpu.memref_slice %arg19[%dma_wait3A_881, %dma_wait3A_882] : memref<3200x8xf32, #tpu.memory_space<vmem>> -> memref<128x8xf32, #tpu.memory_space<vmem>>
      %dma_wait3A_884 = arith.constant 0 : i32
      %dma_wait3A_885 = tpu.memref_slice %arg17[%dma_wait3A_880, %dma_wait3A_884] : memref<25x128xi32, #tpu.memory_space<vmem>> -> memref<1x128xi32, #tpu.memory_space<vmem>>
      %dma_wait3A_886 = tpu.memref_squeeze %dma_wait3A_885 : memref<1x128xi32, #tpu.memory_space<vmem>> -> memref<128xi32, #tpu.memory_space<vmem>>
      %dma_wait3A_887 = arith.constant 0 : i32
      %dma_wait3A_888 = arith.constant 0 : i32
      %dma_wait3A_889 = tpu.memref_slice %arg9[%dma_wait3A_887, %dma_wait3A_888] : memref<80000x8xf32, #tpu.memory_space<hbm>> -> memref<80000x8xf32, #tpu.memory_space<hbm>>
      tpu.wait_indirect_dma semaphore(%arg23 : memref<!tpu.dma_semaphore, #tpu.memory_space<semaphore_mem>>) src(%dma_wait3A_889 : memref<80000x8xf32, #tpu.memory_space<hbm>>) dst(%dma_wait3A_883 : memref<128x8xf32, #tpu.memory_space<vmem>>)
      %dma_wait3A_890 = arith.constant 11 : i32
      %dma_wait3A_891 = arith.constant 1408 : i32
      %dma_wait3A_892 = arith.constant 0 : i32
      %dma_wait3A_893 = tpu.memref_slice %arg19[%dma_wait3A_891, %dma_wait3A_892] : memref<3200x8xf32, #tpu.memory_space<vmem>> -> memref<128x8xf32, #tpu.memory_space<vmem>>
      %dma_wait3A_894 = arith.constant 0 : i32
      %dma_wait3A_895 = tpu.memref_slice %arg17[%dma_wait3A_890, %dma_wait3A_894] : memref<25x128xi32, #tpu.memory_space<vmem>> -> memref<1x128xi32, #tpu.memory_space<vmem>>
      %dma_wait3A_896 = tpu.memref_squeeze %dma_wait3A_895 : memref<1x128xi32, #tpu.memory_space<vmem>> -> memref<128xi32, #tpu.memory_space<vmem>>
      %dma_wait3A_897 = arith.constant 0 : i32
      %dma_wait3A_898 = arith.constant 0 : i32
      %dma_wait3A_899 = tpu.memref_slice %arg9[%dma_wait3A_897, %dma_wait3A_898] : memref<80000x8xf32, #tpu.memory_space<hbm>> -> memref<80000x8xf32, #tpu.memory_space<hbm>>
      tpu.wait_indirect_dma semaphore(%arg23 : memref<!tpu.dma_semaphore, #tpu.memory_space<semaphore_mem>>) src(%dma_wait3A_899 : memref<80000x8xf32, #tpu.memory_space<hbm>>) dst(%dma_wait3A_893 : memref<128x8xf32, #tpu.memory_space<vmem>>)
      %dma_wait3A_900 = arith.constant 12 : i32
      %dma_wait3A_901 = arith.constant 1536 : i32
      %dma_wait3A_902 = arith.constant 0 : i32
      %dma_wait3A_903 = tpu.memref_slice %arg19[%dma_wait3A_901, %dma_wait3A_902] : memref<3200x8xf32, #tpu.memory_space<vmem>> -> memref<128x8xf32, #tpu.memory_space<vmem>>
      %dma_wait3A_904 = arith.constant 0 : i32
      %dma_wait3A_905 = tpu.memref_slice %arg17[%dma_wait3A_900, %dma_wait3A_904] : memref<25x128xi32, #tpu.memory_space<vmem>> -> memref<1x128xi32, #tpu.memory_space<vmem>>
      %dma_wait3A_906 = tpu.memref_squeeze %dma_wait3A_905 : memref<1x128xi32, #tpu.memory_space<vmem>> -> memref<128xi32, #tpu.memory_space<vmem>>
      %dma_wait3A_907 = arith.constant 0 : i32
      %dma_wait3A_908 = arith.constant 0 : i32
      %dma_wait3A_909 = tpu.memref_slice %arg9[%dma_wait3A_907, %dma_wait3A_908] : memref<80000x8xf32, #tpu.memory_space<hbm>> -> memref<80000x8xf32, #tpu.memory_space<hbm>>
      tpu.wait_indirect_dma semaphore(%arg23 : memref<!tpu.dma_semaphore, #tpu.memory_space<semaphore_mem>>) src(%dma_wait3A_909 : memref<80000x8xf32, #tpu.memory_space<hbm>>) dst(%dma_wait3A_903 : memref<128x8xf32, #tpu.memory_space<vmem>>)
      %dma_wait3A_910 = arith.constant 13 : i32
      %dma_wait3A_911 = arith.constant 1664 : i32
      %dma_wait3A_912 = arith.constant 0 : i32
      %dma_wait3A_913 = tpu.memref_slice %arg19[%dma_wait3A_911, %dma_wait3A_912] : memref<3200x8xf32, #tpu.memory_space<vmem>> -> memref<128x8xf32, #tpu.memory_space<vmem>>
      %dma_wait3A_914 = arith.constant 0 : i32
      %dma_wait3A_915 = tpu.memref_slice %arg17[%dma_wait3A_910, %dma_wait3A_914] : memref<25x128xi32, #tpu.memory_space<vmem>> -> memref<1x128xi32, #tpu.memory_space<vmem>>
      %dma_wait3A_916 = tpu.memref_squeeze %dma_wait3A_915 : memref<1x128xi32, #tpu.memory_space<vmem>> -> memref<128xi32, #tpu.memory_space<vmem>>
      %dma_wait3A_917 = arith.constant 0 : i32
      %dma_wait3A_918 = arith.constant 0 : i32
      %dma_wait3A_919 = tpu.memref_slice %arg9[%dma_wait3A_917, %dma_wait3A_918] : memref<80000x8xf32, #tpu.memory_space<hbm>> -> memref<80000x8xf32, #tpu.memory_space<hbm>>
      tpu.wait_indirect_dma semaphore(%arg23 : memref<!tpu.dma_semaphore, #tpu.memory_space<semaphore_mem>>) src(%dma_wait3A_919 : memref<80000x8xf32, #tpu.memory_space<hbm>>) dst(%dma_wait3A_913 : memref<128x8xf32, #tpu.memory_space<vmem>>)
      %dma_wait3A_920 = arith.constant 14 : i32
      %dma_wait3A_921 = arith.constant 1792 : i32
      %dma_wait3A_922 = arith.constant 0 : i32
      %dma_wait3A_923 = tpu.memref_slice %arg19[%dma_wait3A_921, %dma_wait3A_922] : memref<3200x8xf32, #tpu.memory_space<vmem>> -> memref<128x8xf32, #tpu.memory_space<vmem>>
      %dma_wait3A_924 = arith.constant 0 : i32
      %dma_wait3A_925 = tpu.memref_slice %arg17[%dma_wait3A_920, %dma_wait3A_924] : memref<25x128xi32, #tpu.memory_space<vmem>> -> memref<1x128xi32, #tpu.memory_space<vmem>>
      %dma_wait3A_926 = tpu.memref_squeeze %dma_wait3A_925 : memref<1x128xi32, #tpu.memory_space<vmem>> -> memref<128xi32, #tpu.memory_space<vmem>>
      %dma_wait3A_927 = arith.constant 0 : i32
      %dma_wait3A_928 = arith.constant 0 : i32
      %dma_wait3A_929 = tpu.memref_slice %arg9[%dma_wait3A_927, %dma_wait3A_928] : memref<80000x8xf32, #tpu.memory_space<hbm>> -> memref<80000x8xf32, #tpu.memory_space<hbm>>
      tpu.wait_indirect_dma semaphore(%arg23 : memref<!tpu.dma_semaphore, #tpu.memory_space<semaphore_mem>>) src(%dma_wait3A_929 : memref<80000x8xf32, #tpu.memory_space<hbm>>) dst(%dma_wait3A_923 : memref<128x8xf32, #tpu.memory_space<vmem>>)
      %dma_wait3A_930 = arith.constant 15 : i32
      %dma_wait3A_931 = arith.constant 1920 : i32
      %dma_wait3A_932 = arith.constant 0 : i32
      %dma_wait3A_933 = tpu.memref_slice %arg19[%dma_wait3A_931, %dma_wait3A_932] : memref<3200x8xf32, #tpu.memory_space<vmem>> -> memref<128x8xf32, #tpu.memory_space<vmem>>
      %dma_wait3A_934 = arith.constant 0 : i32
      %dma_wait3A_935 = tpu.memref_slice %arg17[%dma_wait3A_930, %dma_wait3A_934] : memref<25x128xi32, #tpu.memory_space<vmem>> -> memref<1x128xi32, #tpu.memory_space<vmem>>
      %dma_wait3A_936 = tpu.memref_squeeze %dma_wait3A_935 : memref<1x128xi32, #tpu.memory_space<vmem>> -> memref<128xi32, #tpu.memory_space<vmem>>
      %dma_wait3A_937 = arith.constant 0 : i32
      %dma_wait3A_938 = arith.constant 0 : i32
      %dma_wait3A_939 = tpu.memref_slice %arg9[%dma_wait3A_937, %dma_wait3A_938] : memref<80000x8xf32, #tpu.memory_space<hbm>> -> memref<80000x8xf32, #tpu.memory_space<hbm>>
      tpu.wait_indirect_dma semaphore(%arg23 : memref<!tpu.dma_semaphore, #tpu.memory_space<semaphore_mem>>) src(%dma_wait3A_939 : memref<80000x8xf32, #tpu.memory_space<hbm>>) dst(%dma_wait3A_933 : memref<128x8xf32, #tpu.memory_space<vmem>>)
      %dma_wait3A_940 = arith.constant 16 : i32
      %dma_wait3A_941 = arith.constant 2048 : i32
      %dma_wait3A_942 = arith.constant 0 : i32
      %dma_wait3A_943 = tpu.memref_slice %arg19[%dma_wait3A_941, %dma_wait3A_942] : memref<3200x8xf32, #tpu.memory_space<vmem>> -> memref<128x8xf32, #tpu.memory_space<vmem>>
      %dma_wait3A_944 = arith.constant 0 : i32
      %dma_wait3A_945 = tpu.memref_slice %arg17[%dma_wait3A_940, %dma_wait3A_944] : memref<25x128xi32, #tpu.memory_space<vmem>> -> memref<1x128xi32, #tpu.memory_space<vmem>>
      %dma_wait3A_946 = tpu.memref_squeeze %dma_wait3A_945 : memref<1x128xi32, #tpu.memory_space<vmem>> -> memref<128xi32, #tpu.memory_space<vmem>>
      %dma_wait3A_947 = arith.constant 0 : i32
      %dma_wait3A_948 = arith.constant 0 : i32
      %dma_wait3A_949 = tpu.memref_slice %arg9[%dma_wait3A_947, %dma_wait3A_948] : memref<80000x8xf32, #tpu.memory_space<hbm>> -> memref<80000x8xf32, #tpu.memory_space<hbm>>
      tpu.wait_indirect_dma semaphore(%arg23 : memref<!tpu.dma_semaphore, #tpu.memory_space<semaphore_mem>>) src(%dma_wait3A_949 : memref<80000x8xf32, #tpu.memory_space<hbm>>) dst(%dma_wait3A_943 : memref<128x8xf32, #tpu.memory_space<vmem>>)
      %dma_wait3A_950 = arith.constant 17 : i32
      %dma_wait3A_951 = arith.constant 2176 : i32
      %dma_wait3A_952 = arith.constant 0 : i32
      %dma_wait3A_953 = tpu.memref_slice %arg19[%dma_wait3A_951, %dma_wait3A_952] : memref<3200x8xf32, #tpu.memory_space<vmem>> -> memref<128x8xf32, #tpu.memory_space<vmem>>
      %dma_wait3A_954 = arith.constant 0 : i32
      %dma_wait3A_955 = tpu.memref_slice %arg17[%dma_wait3A_950, %dma_wait3A_954] : memref<25x128xi32, #tpu.memory_space<vmem>> -> memref<1x128xi32, #tpu.memory_space<vmem>>
      %dma_wait3A_956 = tpu.memref_squeeze %dma_wait3A_955 : memref<1x128xi32, #tpu.memory_space<vmem>> -> memref<128xi32, #tpu.memory_space<vmem>>
      %dma_wait3A_957 = arith.constant 0 : i32
      %dma_wait3A_958 = arith.constant 0 : i32
      %dma_wait3A_959 = tpu.memref_slice %arg9[%dma_wait3A_957, %dma_wait3A_958] : memref<80000x8xf32, #tpu.memory_space<hbm>> -> memref<80000x8xf32, #tpu.memory_space<hbm>>
      tpu.wait_indirect_dma semaphore(%arg23 : memref<!tpu.dma_semaphore, #tpu.memory_space<semaphore_mem>>) src(%dma_wait3A_959 : memref<80000x8xf32, #tpu.memory_space<hbm>>) dst(%dma_wait3A_953 : memref<128x8xf32, #tpu.memory_space<vmem>>)
      %dma_wait3A_960 = arith.constant 18 : i32
      %dma_wait3A_961 = arith.constant 2304 : i32
      %dma_wait3A_962 = arith.constant 0 : i32
      %dma_wait3A_963 = tpu.memref_slice %arg19[%dma_wait3A_961, %dma_wait3A_962] : memref<3200x8xf32, #tpu.memory_space<vmem>> -> memref<128x8xf32, #tpu.memory_space<vmem>>
      %dma_wait3A_964 = arith.constant 0 : i32
      %dma_wait3A_965 = tpu.memref_slice %arg17[%dma_wait3A_960, %dma_wait3A_964] : memref<25x128xi32, #tpu.memory_space<vmem>> -> memref<1x128xi32, #tpu.memory_space<vmem>>
      %dma_wait3A_966 = tpu.memref_squeeze %dma_wait3A_965 : memref<1x128xi32, #tpu.memory_space<vmem>> -> memref<128xi32, #tpu.memory_space<vmem>>
      %dma_wait3A_967 = arith.constant 0 : i32
      %dma_wait3A_968 = arith.constant 0 : i32
      %dma_wait3A_969 = tpu.memref_slice %arg9[%dma_wait3A_967, %dma_wait3A_968] : memref<80000x8xf32, #tpu.memory_space<hbm>> -> memref<80000x8xf32, #tpu.memory_space<hbm>>
      tpu.wait_indirect_dma semaphore(%arg23 : memref<!tpu.dma_semaphore, #tpu.memory_space<semaphore_mem>>) src(%dma_wait3A_969 : memref<80000x8xf32, #tpu.memory_space<hbm>>) dst(%dma_wait3A_963 : memref<128x8xf32, #tpu.memory_space<vmem>>)
      %dma_wait3A_970 = arith.constant 19 : i32
      %dma_wait3A_971 = arith.constant 2432 : i32
      %dma_wait3A_972 = arith.constant 0 : i32
      %dma_wait3A_973 = tpu.memref_slice %arg19[%dma_wait3A_971, %dma_wait3A_972] : memref<3200x8xf32, #tpu.memory_space<vmem>> -> memref<128x8xf32, #tpu.memory_space<vmem>>
      %dma_wait3A_974 = arith.constant 0 : i32
      %dma_wait3A_975 = tpu.memref_slice %arg17[%dma_wait3A_970, %dma_wait3A_974] : memref<25x128xi32, #tpu.memory_space<vmem>> -> memref<1x128xi32, #tpu.memory_space<vmem>>
      %dma_wait3A_976 = tpu.memref_squeeze %dma_wait3A_975 : memref<1x128xi32, #tpu.memory_space<vmem>> -> memref<128xi32, #tpu.memory_space<vmem>>
      %dma_wait3A_977 = arith.constant 0 : i32
      %dma_wait3A_978 = arith.constant 0 : i32
      %dma_wait3A_979 = tpu.memref_slice %arg9[%dma_wait3A_977, %dma_wait3A_978] : memref<80000x8xf32, #tpu.memory_space<hbm>> -> memref<80000x8xf32, #tpu.memory_space<hbm>>
      tpu.wait_indirect_dma semaphore(%arg23 : memref<!tpu.dma_semaphore, #tpu.memory_space<semaphore_mem>>) src(%dma_wait3A_979 : memref<80000x8xf32, #tpu.memory_space<hbm>>) dst(%dma_wait3A_973 : memref<128x8xf32, #tpu.memory_space<vmem>>)
      %dma_wait3A_980 = arith.constant 20 : i32
      %dma_wait3A_981 = arith.constant 2560 : i32
      %dma_wait3A_982 = arith.constant 0 : i32
      %dma_wait3A_983 = tpu.memref_slice %arg19[%dma_wait3A_981, %dma_wait3A_982] : memref<3200x8xf32, #tpu.memory_space<vmem>> -> memref<128x8xf32, #tpu.memory_space<vmem>>
      %dma_wait3A_984 = arith.constant 0 : i32
      %dma_wait3A_985 = tpu.memref_slice %arg17[%dma_wait3A_980, %dma_wait3A_984] : memref<25x128xi32, #tpu.memory_space<vmem>> -> memref<1x128xi32, #tpu.memory_space<vmem>>
      %dma_wait3A_986 = tpu.memref_squeeze %dma_wait3A_985 : memref<1x128xi32, #tpu.memory_space<vmem>> -> memref<128xi32, #tpu.memory_space<vmem>>
      %dma_wait3A_987 = arith.constant 0 : i32
      %dma_wait3A_988 = arith.constant 0 : i32
      %dma_wait3A_989 = tpu.memref_slice %arg9[%dma_wait3A_987, %dma_wait3A_988] : memref<80000x8xf32, #tpu.memory_space<hbm>> -> memref<80000x8xf32, #tpu.memory_space<hbm>>
      tpu.wait_indirect_dma semaphore(%arg23 : memref<!tpu.dma_semaphore, #tpu.memory_space<semaphore_mem>>) src(%dma_wait3A_989 : memref<80000x8xf32, #tpu.memory_space<hbm>>) dst(%dma_wait3A_983 : memref<128x8xf32, #tpu.memory_space<vmem>>)
      %dma_wait3A_990 = arith.constant 21 : i32
      %dma_wait3A_991 = arith.constant 2688 : i32
      %dma_wait3A_992 = arith.constant 0 : i32
      %dma_wait3A_993 = tpu.memref_slice %arg19[%dma_wait3A_991, %dma_wait3A_992] : memref<3200x8xf32, #tpu.memory_space<vmem>> -> memref<128x8xf32, #tpu.memory_space<vmem>>
      %dma_wait3A_994 = arith.constant 0 : i32
      %dma_wait3A_995 = tpu.memref_slice %arg17[%dma_wait3A_990, %dma_wait3A_994] : memref<25x128xi32, #tpu.memory_space<vmem>> -> memref<1x128xi32, #tpu.memory_space<vmem>>
      %dma_wait3A_996 = tpu.memref_squeeze %dma_wait3A_995 : memref<1x128xi32, #tpu.memory_space<vmem>> -> memref<128xi32, #tpu.memory_space<vmem>>
      %dma_wait3A_997 = arith.constant 0 : i32
      %dma_wait3A_998 = arith.constant 0 : i32
      %dma_wait3A_999 = tpu.memref_slice %arg9[%dma_wait3A_997, %dma_wait3A_998] : memref<80000x8xf32, #tpu.memory_space<hbm>> -> memref<80000x8xf32, #tpu.memory_space<hbm>>
      tpu.wait_indirect_dma semaphore(%arg23 : memref<!tpu.dma_semaphore, #tpu.memory_space<semaphore_mem>>) src(%dma_wait3A_999 : memref<80000x8xf32, #tpu.memory_space<hbm>>) dst(%dma_wait3A_993 : memref<128x8xf32, #tpu.memory_space<vmem>>)
      %dma_wait3A_1000 = arith.constant 22 : i32
      %dma_wait3A_1001 = arith.constant 2816 : i32
      %dma_wait3A_1002 = arith.constant 0 : i32
      %dma_wait3A_1003 = tpu.memref_slice %arg19[%dma_wait3A_1001, %dma_wait3A_1002] : memref<3200x8xf32, #tpu.memory_space<vmem>> -> memref<128x8xf32, #tpu.memory_space<vmem>>
      %dma_wait3A_1004 = arith.constant 0 : i32
      %dma_wait3A_1005 = tpu.memref_slice %arg17[%dma_wait3A_1000, %dma_wait3A_1004] : memref<25x128xi32, #tpu.memory_space<vmem>> -> memref<1x128xi32, #tpu.memory_space<vmem>>
      %dma_wait3A_1006 = tpu.memref_squeeze %dma_wait3A_1005 : memref<1x128xi32, #tpu.memory_space<vmem>> -> memref<128xi32, #tpu.memory_space<vmem>>
      %dma_wait3A_1007 = arith.constant 0 : i32
      %dma_wait3A_1008 = arith.constant 0 : i32
      %dma_wait3A_1009 = tpu.memref_slice %arg9[%dma_wait3A_1007, %dma_wait3A_1008] : memref<80000x8xf32, #tpu.memory_space<hbm>> -> memref<80000x8xf32, #tpu.memory_space<hbm>>
      tpu.wait_indirect_dma semaphore(%arg23 : memref<!tpu.dma_semaphore, #tpu.memory_space<semaphore_mem>>) src(%dma_wait3A_1009 : memref<80000x8xf32, #tpu.memory_space<hbm>>) dst(%dma_wait3A_1003 : memref<128x8xf32, #tpu.memory_space<vmem>>)
      %dma_wait3A_1010 = arith.constant 23 : i32
      %dma_wait3A_1011 = arith.constant 2944 : i32
      %dma_wait3A_1012 = arith.constant 0 : i32
      %dma_wait3A_1013 = tpu.memref_slice %arg19[%dma_wait3A_1011, %dma_wait3A_1012] : memref<3200x8xf32, #tpu.memory_space<vmem>> -> memref<128x8xf32, #tpu.memory_space<vmem>>
      %dma_wait3A_1014 = arith.constant 0 : i32
      %dma_wait3A_1015 = tpu.memref_slice %arg17[%dma_wait3A_1010, %dma_wait3A_1014] : memref<25x128xi32, #tpu.memory_space<vmem>> -> memref<1x128xi32, #tpu.memory_space<vmem>>
      %dma_wait3A_1016 = tpu.memref_squeeze %dma_wait3A_1015 : memref<1x128xi32, #tpu.memory_space<vmem>> -> memref<128xi32, #tpu.memory_space<vmem>>
      %dma_wait3A_1017 = arith.constant 0 : i32
      %dma_wait3A_1018 = arith.constant 0 : i32
      %dma_wait3A_1019 = tpu.memref_slice %arg9[%dma_wait3A_1017, %dma_wait3A_1018] : memref<80000x8xf32, #tpu.memory_space<hbm>> -> memref<80000x8xf32, #tpu.memory_space<hbm>>
      tpu.wait_indirect_dma semaphore(%arg23 : memref<!tpu.dma_semaphore, #tpu.memory_space<semaphore_mem>>) src(%dma_wait3A_1019 : memref<80000x8xf32, #tpu.memory_space<hbm>>) dst(%dma_wait3A_1013 : memref<128x8xf32, #tpu.memory_space<vmem>>)
      %dma_wait3A_1020 = arith.constant 24 : i32
      %dma_wait3A_1021 = arith.constant 3072 : i32
      %dma_wait3A_1022 = arith.constant 0 : i32
      %dma_wait3A_1023 = tpu.memref_slice %arg19[%dma_wait3A_1021, %dma_wait3A_1022] : memref<3200x8xf32, #tpu.memory_space<vmem>> -> memref<128x8xf32, #tpu.memory_space<vmem>>
      %dma_wait3A_1024 = arith.constant 0 : i32
      %dma_wait3A_1025 = tpu.memref_slice %arg17[%dma_wait3A_1020, %dma_wait3A_1024] : memref<25x128xi32, #tpu.memory_space<vmem>> -> memref<1x128xi32, #tpu.memory_space<vmem>>
      %dma_wait3A_1026 = tpu.memref_squeeze %dma_wait3A_1025 : memref<1x128xi32, #tpu.memory_space<vmem>> -> memref<128xi32, #tpu.memory_space<vmem>>
      %dma_wait3A_1027 = arith.constant 0 : i32
      %dma_wait3A_1028 = arith.constant 0 : i32
      %dma_wait3A_1029 = tpu.memref_slice %arg9[%dma_wait3A_1027, %dma_wait3A_1028] : memref<80000x8xf32, #tpu.memory_space<hbm>> -> memref<80000x8xf32, #tpu.memory_space<hbm>>
      tpu.wait_indirect_dma semaphore(%arg23 : memref<!tpu.dma_semaphore, #tpu.memory_space<semaphore_mem>>) src(%dma_wait3A_1029 : memref<80000x8xf32, #tpu.memory_space<hbm>>) dst(%dma_wait3A_1023 : memref<128x8xf32, #tpu.memory_space<vmem>>)
      %scan3A_1030 = arith.constant 0 : i32
      %scan3A_1031 = arith.constant 3.100000e+01 : f32
      %scan3A_1032 = arith.constant 0 : i32
      %scan3A_1033 = arith.constant 200 : i32
      %scan3A_1034 = arith.addi %scan3A_1032, %scan3A_1033 : i32
      %scan3A_1035 = arith.constant 1 : i32
      scf.for %scan3A_1544 = %scan3A_1032 to %scan3A_1034 step %scan3A_1035  : i32 {
        %mul3A_1545 = arith.constant 16 : i32
        %mul3A_1546 = arith.muli %scan3A_1544, %mul3A_1545 : i32
        %get3A = arith.index_cast %mul3A_1546 : i32 to index
        %get3A_1547 = tpu.vector_load %arg13[%get3A] {strides = array<i32>} : memref<3200xi32, #tpu.memory_space<vmem>>, vector<16xi32>,
        %get3A_1548 = arith.index_cast %mul3A_1546 : i32 to index
        %get3A_1549 = tpu.vector_load %arg20[%get3A_1548] {strides = array<i32>} : memref<3200xf32, #tpu.memory_space<vmem>>, vector<16xf32>,
        %mul3A_1550 = arith.constant 16 : i32
        %mul3A_1551 = arith.muli %scan3A_1544, %mul3A_1550 : i32
        %add3A_1552 = vector.broadcast %mul3A_1551 : i32 to vector<16xi32>
        %add3A_1553 = arith.addi %add3A_1552, %iota3A : vector<16xi32>
        %broadcast_in_dim3A = arith.constant 0 : i32
        %broadcast_in_dim3A_1554 = vector.broadcast %broadcast_in_dim3A : i32 to vector<16xi32>
        %gather3A = tpu.vector_load_idx %arg19[%add3A_1553, %broadcast_in_dim3A_1554] : memref<3200x8xf32, #tpu.memory_space<vmem>>[vector<16xi32>, vector<16xi32>], vector<16xf32>,
        %broadcast_in_dim3A_1555 = arith.constant 1 : i32
        %broadcast_in_dim3A_1556 = vector.broadcast %broadcast_in_dim3A_1555 : i32 to vector<16xi32>
        %gather3A_1557 = tpu.vector_load_idx %arg19[%add3A_1553, %broadcast_in_dim3A_1556] : memref<3200x8xf32, #tpu.memory_space<vmem>>[vector<16xi32>, vector<16xi32>], vector<16xf32>,
        %sub3A = arith.subf %get3A_1549, %gather3A : vector<16xf32>
        %div3A = arith.divf %sub3A, %gather3A_1557 : vector<16xf32>
        %mul3A_1558 = vector.broadcast %scan3A_1031 : f32 to vector<16xf32>
        %mul3A_1559 = arith.mulf %div3A, %mul3A_1558 : vector<16xf32>
        %jit3A = arith.constant 0.000000e+00 : f32
        %jit3A_1560 = arith.constant 3.000000e+01 : f32
        %max3A = vector.broadcast %jit3A : f32 to vector<16xf32>
        %max3A_1561 = arith.maximumf %max3A, %mul3A_1559 : vector<16xf32>
        %min3A = vector.broadcast %jit3A_1560 : f32 to vector<16xf32>
        %min3A_1562 = arith.minimumf %min3A, %max3A_1561 : vector<16xf32>
        %convert_element_type3A = arith.fptosi %min3A_1562 : vector<16xf32> to vector<16xi32>
        %get3A_1563 = arith.index_cast %mul3A_1546 : i32 to index
        %get3A_1564 = tpu.vector_load %arg15[%get3A_1563] {strides = array<i32>} : memref<3200xi32, #tpu.memory_space<vmem>>, vector<16xi32>,
        %shift_right_arithmetic3A = arith.constant 4 : i32
        %shift_right_arithmetic3A_1565 = vector.broadcast %shift_right_arithmetic3A : i32 to vector<16xi32>
        %shift_right_arithmetic3A_1566 = arith.shrsi %convert_element_type3A, %shift_right_arithmetic3A_1565 : vector<16xi32>
        %mul3A_1567 = arith.constant 3200 : i32
        %mul3A_1568 = vector.broadcast %mul3A_1567 : i32 to vector<16xi32>
        %mul3A_1569 = arith.muli %shift_right_arithmetic3A_1566, %mul3A_1568 : vector<16xi32>
        %add3A_1570 = arith.addi %get3A_1564, %mul3A_1569 : vector<16xi32>
        %and3A = arith.constant 15 : i32
        %and3A_1571 = vector.broadcast %and3A : i32 to vector<16xi32>
        %and3A_1572 = arith.andi %convert_element_type3A, %and3A_1571 : vector<16xi32>
        %add3A_1573 = arith.addi %add3A_1570, %and3A_1572 : vector<16xi32>
        %jit3A_1574 = arith.constant 8 : i32
        %div3A_1575 = arith.divsi %scan3A_1544, %jit3A_1574 : i32
        %sign3A = arith.constant 0 : i32
        %sign3A_1576 = arith.cmpi sgt, %scan3A_1544, %sign3A : i32
        %sign3A_1577 = arith.extui %sign3A_1576 : i1 to i32
        %sign3A_1578 = arith.constant 0 : i32
        %sign3A_1579 = arith.cmpi slt, %scan3A_1544, %sign3A_1578 : i32
        %sign3A_1580 = arith.extui %sign3A_1579 : i1 to i32
        %sign3A_1581 = arith.subi %sign3A_1577, %sign3A_1580 : i32
        %sign3A_1582 = arith.constant 0 : i32
        %sign3A_1583 = arith.cmpi sgt, %jit3A_1574, %sign3A_1582 : i32
        %sign3A_1584 = arith.extui %sign3A_1583 : i1 to i32
        %sign3A_1585 = arith.constant 0 : i32
        %sign3A_1586 = arith.cmpi slt, %jit3A_1574, %sign3A_1585 : i32
        %sign3A_1587 = arith.extui %sign3A_1586 : i1 to i32
        %sign3A_1588 = arith.subi %sign3A_1584, %sign3A_1587 : i32
        %ne3A = arith.cmpi ne, %sign3A_1581, %sign3A_1588 : i32
        %rem3A = arith.remsi %scan3A_1544, %jit3A_1574 : i32
        %ne3A_1589 = arith.constant 0 : i32
        %ne3A_1590 = arith.cmpi ne, %rem3A, %ne3A_1589 : i32
        %and3A_1591 = arith.andi %ne3A, %ne3A_1590 : i1
        %sub3A_1592 = arith.constant 1 : i32
        %sub3A_1593 = arith.subi %div3A_1575, %sub3A_1592 : i32
        %select_n3A = arith.select %and3A_1591, %sub3A_1593, %div3A_1575 : i32
        %jit3A_1594 = arith.constant 8 : i32
        %eq3A = arith.constant 0 : i32
        %eq3A_1595 = arith.cmpi eq, %jit3A_1594, %eq3A : i32
        %jit3A_1596 = arith.constant 1 : i32
        %select_n3A_1597 = arith.select %eq3A_1595, %jit3A_1596, %jit3A_1594 : i32
        %rem3A_1598 = arith.remsi %scan3A_1544, %select_n3A_1597 : i32
        %ne3A_1599 = arith.constant 0 : i32
        %ne3A_1600 = arith.cmpi ne, %rem3A_1598, %ne3A_1599 : i32
        %lt3A = arith.constant 0 : i32
        %lt3A_1601 = arith.cmpi slt, %rem3A_1598, %lt3A : i32
        %lt3A_1602 = arith.constant 0 : i32
        %lt3A_1603 = arith.cmpi slt, %select_n3A_1597, %lt3A_1602 : i32
        %ne3A_1604 = arith.xori %lt3A_1601, %lt3A_1603 : i1
        %and3A_1605 = arith.andi %ne3A_1604, %ne3A_1600 : i1
        %add3A_1606 = arith.addi %rem3A_1598, %select_n3A_1597 : i32
        %select_n3A_1607 = arith.select %and3A_1605, %add3A_1606, %rem3A_1598 : i32
        %mul3A_1608 = arith.constant 16 : i32
        %mul3A_1609 = arith.muli %select_n3A_1607, %mul3A_1608 : i32
        %swap3A = arith.index_cast %select_n3A : i32 to index
        %swap3A_1610 = arith.index_cast %mul3A_1609 : i32 to index
        %swap3A_1611 = tpu.vector_load %arg17[%swap3A, %swap3A_1610] {strides = array<i32>} : memref<25x128xi32, #tpu.memory_space<vmem>>, vector<16xi32>,
        tpu.vector_store %arg17[%swap3A, %swap3A_1610], %add3A_1573 {strides = array<i32>} : memref<25x128xi32, #tpu.memory_space<vmem>>, vector<16xi32>,
      }
      %scan3A_1036 = arith.constant 200 : i32
      %dma_start3A_1037 = arith.constant 0 : i32
      %dma_start3A_1038 = arith.constant 0 : i32
      %dma_start3A_1039 = arith.constant 0 : i32
      %dma_start3A_1040 = tpu.memref_slice %arg18[%dma_start3A_1038, %dma_start3A_1039] : memref<3200x8xf32, #tpu.memory_space<vmem>> -> memref<128x8xf32, #tpu.memory_space<vmem>>
      %dma_start3A_1041 = arith.constant 0 : i32
      %dma_start3A_1042 = tpu.memref_slice %arg17[%dma_start3A_1037, %dma_start3A_1041] : memref<25x128xi32, #tpu.memory_space<vmem>> -> memref<1x128xi32, #tpu.memory_space<vmem>>
      %dma_start3A_1043 = tpu.memref_squeeze %dma_start3A_1042 : memref<1x128xi32, #tpu.memory_space<vmem>> -> memref<128xi32, #tpu.memory_space<vmem>>
      %dma_start3A_1044 = arith.constant 0 : i32
      %dma_start3A_1045 = arith.constant 0 : i32
      %dma_start3A_1046 = tpu.memref_slice %arg8[%dma_start3A_1044, %dma_start3A_1045] : memref<2560000x8xf32, #tpu.memory_space<hbm>> -> memref<2560000x8xf32, #tpu.memory_space<hbm>>
      tpu.enqueue_indirect_dma source(%dma_start3A_1046 : memref<2560000x8xf32, #tpu.memory_space<hbm>>) target(%dma_start3A_1040 : memref<128x8xf32, #tpu.memory_space<vmem>>) offsets(%dma_start3A_1043 : memref<128xi32, #tpu.memory_space<vmem>>) semaphore(%arg23 : memref<!tpu.dma_semaphore, #tpu.memory_space<semaphore_mem>>)
      %dma_start3A_1047 = arith.constant 1 : i32
      %dma_start3A_1048 = arith.constant 128 : i32
      %dma_start3A_1049 = arith.constant 0 : i32
      %dma_start3A_1050 = tpu.memref_slice %arg18[%dma_start3A_1048, %dma_start3A_1049] : memref<3200x8xf32, #tpu.memory_space<vmem>> -> memref<128x8xf32, #tpu.memory_space<vmem>>
      %dma_start3A_1051 = arith.constant 0 : i32
      %dma_start3A_1052 = tpu.memref_slice %arg17[%dma_start3A_1047, %dma_start3A_1051] : memref<25x128xi32, #tpu.memory_space<vmem>> -> memref<1x128xi32, #tpu.memory_space<vmem>>
      %dma_start3A_1053 = tpu.memref_squeeze %dma_start3A_1052 : memref<1x128xi32, #tpu.memory_space<vmem>> -> memref<128xi32, #tpu.memory_space<vmem>>
      %dma_start3A_1054 = arith.constant 0 : i32
      %dma_start3A_1055 = arith.constant 0 : i32
      %dma_start3A_1056 = tpu.memref_slice %arg8[%dma_start3A_1054, %dma_start3A_1055] : memref<2560000x8xf32, #tpu.memory_space<hbm>> -> memref<2560000x8xf32, #tpu.memory_space<hbm>>
      tpu.enqueue_indirect_dma source(%dma_start3A_1056 : memref<2560000x8xf32, #tpu.memory_space<hbm>>) target(%dma_start3A_1050 : memref<128x8xf32, #tpu.memory_space<vmem>>) offsets(%dma_start3A_1053 : memref<128xi32, #tpu.memory_space<vmem>>) semaphore(%arg23 : memref<!tpu.dma_semaphore, #tpu.memory_space<semaphore_mem>>)
      %dma_start3A_1057 = arith.constant 2 : i32
      %dma_start3A_1058 = arith.constant 256 : i32
      %dma_start3A_1059 = arith.constant 0 : i32
      %dma_start3A_1060 = tpu.memref_slice %arg18[%dma_start3A_1058, %dma_start3A_1059] : memref<3200x8xf32, #tpu.memory_space<vmem>> -> memref<128x8xf32, #tpu.memory_space<vmem>>
      %dma_start3A_1061 = arith.constant 0 : i32
      %dma_start3A_1062 = tpu.memref_slice %arg17[%dma_start3A_1057, %dma_start3A_1061] : memref<25x128xi32, #tpu.memory_space<vmem>> -> memref<1x128xi32, #tpu.memory_space<vmem>>
      %dma_start3A_1063 = tpu.memref_squeeze %dma_start3A_1062 : memref<1x128xi32, #tpu.memory_space<vmem>> -> memref<128xi32, #tpu.memory_space<vmem>>
      %dma_start3A_1064 = arith.constant 0 : i32
      %dma_start3A_1065 = arith.constant 0 : i32
      %dma_start3A_1066 = tpu.memref_slice %arg8[%dma_start3A_1064, %dma_start3A_1065] : memref<2560000x8xf32, #tpu.memory_space<hbm>> -> memref<2560000x8xf32, #tpu.memory_space<hbm>>
      tpu.enqueue_indirect_dma source(%dma_start3A_1066 : memref<2560000x8xf32, #tpu.memory_space<hbm>>) target(%dma_start3A_1060 : memref<128x8xf32, #tpu.memory_space<vmem>>) offsets(%dma_start3A_1063 : memref<128xi32, #tpu.memory_space<vmem>>) semaphore(%arg23 : memref<!tpu.dma_semaphore, #tpu.memory_space<semaphore_mem>>)
      %dma_start3A_1067 = arith.constant 3 : i32
      %dma_start3A_1068 = arith.constant 384 : i32
      %dma_start3A_1069 = arith.constant 0 : i32
      %dma_start3A_1070 = tpu.memref_slice %arg18[%dma_start3A_1068, %dma_start3A_1069] : memref<3200x8xf32, #tpu.memory_space<vmem>> -> memref<128x8xf32, #tpu.memory_space<vmem>>
      %dma_start3A_1071 = arith.constant 0 : i32
      %dma_start3A_1072 = tpu.memref_slice %arg17[%dma_start3A_1067, %dma_start3A_1071] : memref<25x128xi32, #tpu.memory_space<vmem>> -> memref<1x128xi32, #tpu.memory_space<vmem>>
      %dma_start3A_1073 = tpu.memref_squeeze %dma_start3A_1072 : memref<1x128xi32, #tpu.memory_space<vmem>> -> memref<128xi32, #tpu.memory_space<vmem>>
      %dma_start3A_1074 = arith.constant 0 : i32
      %dma_start3A_1075 = arith.constant 0 : i32
      %dma_start3A_1076 = tpu.memref_slice %arg8[%dma_start3A_1074, %dma_start3A_1075] : memref<2560000x8xf32, #tpu.memory_space<hbm>> -> memref<2560000x8xf32, #tpu.memory_space<hbm>>
      tpu.enqueue_indirect_dma source(%dma_start3A_1076 : memref<2560000x8xf32, #tpu.memory_space<hbm>>) target(%dma_start3A_1070 : memref<128x8xf32, #tpu.memory_space<vmem>>) offsets(%dma_start3A_1073 : memref<128xi32, #tpu.memory_space<vmem>>) semaphore(%arg23 : memref<!tpu.dma_semaphore, #tpu.memory_space<semaphore_mem>>)
      %dma_start3A_1077 = arith.constant 4 : i32
      %dma_start3A_1078 = arith.constant 512 : i32
      %dma_start3A_1079 = arith.constant 0 : i32
      %dma_start3A_1080 = tpu.memref_slice %arg18[%dma_start3A_1078, %dma_start3A_1079] : memref<3200x8xf32, #tpu.memory_space<vmem>> -> memref<128x8xf32, #tpu.memory_space<vmem>>
      %dma_start3A_1081 = arith.constant 0 : i32
      %dma_start3A_1082 = tpu.memref_slice %arg17[%dma_start3A_1077, %dma_start3A_1081] : memref<25x128xi32, #tpu.memory_space<vmem>> -> memref<1x128xi32, #tpu.memory_space<vmem>>
      %dma_start3A_1083 = tpu.memref_squeeze %dma_start3A_1082 : memref<1x128xi32, #tpu.memory_space<vmem>> -> memref<128xi32, #tpu.memory_space<vmem>>
      %dma_start3A_1084 = arith.constant 0 : i32
      %dma_start3A_1085 = arith.constant 0 : i32
      %dma_start3A_1086 = tpu.memref_slice %arg8[%dma_start3A_1084, %dma_start3A_1085] : memref<2560000x8xf32, #tpu.memory_space<hbm>> -> memref<2560000x8xf32, #tpu.memory_space<hbm>>
      tpu.enqueue_indirect_dma source(%dma_start3A_1086 : memref<2560000x8xf32, #tpu.memory_space<hbm>>) target(%dma_start3A_1080 : memref<128x8xf32, #tpu.memory_space<vmem>>) offsets(%dma_start3A_1083 : memref<128xi32, #tpu.memory_space<vmem>>) semaphore(%arg23 : memref<!tpu.dma_semaphore, #tpu.memory_space<semaphore_mem>>)
      %dma_start3A_1087 = arith.constant 5 : i32
      %dma_start3A_1088 = arith.constant 640 : i32
      %dma_start3A_1089 = arith.constant 0 : i32
      %dma_start3A_1090 = tpu.memref_slice %arg18[%dma_start3A_1088, %dma_start3A_1089] : memref<3200x8xf32, #tpu.memory_space<vmem>> -> memref<128x8xf32, #tpu.memory_space<vmem>>
      %dma_start3A_1091 = arith.constant 0 : i32
      %dma_start3A_1092 = tpu.memref_slice %arg17[%dma_start3A_1087, %dma_start3A_1091] : memref<25x128xi32, #tpu.memory_space<vmem>> -> memref<1x128xi32, #tpu.memory_space<vmem>>
      %dma_start3A_1093 = tpu.memref_squeeze %dma_start3A_1092 : memref<1x128xi32, #tpu.memory_space<vmem>> -> memref<128xi32, #tpu.memory_space<vmem>>
      %dma_start3A_1094 = arith.constant 0 : i32
      %dma_start3A_1095 = arith.constant 0 : i32
      %dma_start3A_1096 = tpu.memref_slice %arg8[%dma_start3A_1094, %dma_start3A_1095] : memref<2560000x8xf32, #tpu.memory_space<hbm>> -> memref<2560000x8xf32, #tpu.memory_space<hbm>>
      tpu.enqueue_indirect_dma source(%dma_start3A_1096 : memref<2560000x8xf32, #tpu.memory_space<hbm>>) target(%dma_start3A_1090 : memref<128x8xf32, #tpu.memory_space<vmem>>) offsets(%dma_start3A_1093 : memref<128xi32, #tpu.memory_space<vmem>>) semaphore(%arg23 : memref<!tpu.dma_semaphore, #tpu.memory_space<semaphore_mem>>)
      %dma_start3A_1097 = arith.constant 6 : i32
      %dma_start3A_1098 = arith.constant 768 : i32
      %dma_start3A_1099 = arith.constant 0 : i32
      %dma_start3A_1100 = tpu.memref_slice %arg18[%dma_start3A_1098, %dma_start3A_1099] : memref<3200x8xf32, #tpu.memory_space<vmem>> -> memref<128x8xf32, #tpu.memory_space<vmem>>
      %dma_start3A_1101 = arith.constant 0 : i32
      %dma_start3A_1102 = tpu.memref_slice %arg17[%dma_start3A_1097, %dma_start3A_1101] : memref<25x128xi32, #tpu.memory_space<vmem>> -> memref<1x128xi32, #tpu.memory_space<vmem>>
      %dma_start3A_1103 = tpu.memref_squeeze %dma_start3A_1102 : memref<1x128xi32, #tpu.memory_space<vmem>> -> memref<128xi32, #tpu.memory_space<vmem>>
      %dma_start3A_1104 = arith.constant 0 : i32
      %dma_start3A_1105 = arith.constant 0 : i32
      %dma_start3A_1106 = tpu.memref_slice %arg8[%dma_start3A_1104, %dma_start3A_1105] : memref<2560000x8xf32, #tpu.memory_space<hbm>> -> memref<2560000x8xf32, #tpu.memory_space<hbm>>
      tpu.enqueue_indirect_dma source(%dma_start3A_1106 : memref<2560000x8xf32, #tpu.memory_space<hbm>>) target(%dma_start3A_1100 : memref<128x8xf32, #tpu.memory_space<vmem>>) offsets(%dma_start3A_1103 : memref<128xi32, #tpu.memory_space<vmem>>) semaphore(%arg23 : memref<!tpu.dma_semaphore, #tpu.memory_space<semaphore_mem>>)
      %dma_start3A_1107 = arith.constant 7 : i32
      %dma_start3A_1108 = arith.constant 896 : i32
      %dma_start3A_1109 = arith.constant 0 : i32
      %dma_start3A_1110 = tpu.memref_slice %arg18[%dma_start3A_1108, %dma_start3A_1109] : memref<3200x8xf32, #tpu.memory_space<vmem>> -> memref<128x8xf32, #tpu.memory_space<vmem>>
      %dma_start3A_1111 = arith.constant 0 : i32
      %dma_start3A_1112 = tpu.memref_slice %arg17[%dma_start3A_1107, %dma_start3A_1111] : memref<25x128xi32, #tpu.memory_space<vmem>> -> memref<1x128xi32, #tpu.memory_space<vmem>>
      %dma_start3A_1113 = tpu.memref_squeeze %dma_start3A_1112 : memref<1x128xi32, #tpu.memory_space<vmem>> -> memref<128xi32, #tpu.memory_space<vmem>>
      %dma_start3A_1114 = arith.constant 0 : i32
      %dma_start3A_1115 = arith.constant 0 : i32
      %dma_start3A_1116 = tpu.memref_slice %arg8[%dma_start3A_1114, %dma_start3A_1115] : memref<2560000x8xf32, #tpu.memory_space<hbm>> -> memref<2560000x8xf32, #tpu.memory_space<hbm>>
      tpu.enqueue_indirect_dma source(%dma_start3A_1116 : memref<2560000x8xf32, #tpu.memory_space<hbm>>) target(%dma_start3A_1110 : memref<128x8xf32, #tpu.memory_space<vmem>>) offsets(%dma_start3A_1113 : memref<128xi32, #tpu.memory_space<vmem>>) semaphore(%arg23 : memref<!tpu.dma_semaphore, #tpu.memory_space<semaphore_mem>>)
      %dma_start3A_1117 = arith.constant 8 : i32
      %dma_start3A_1118 = arith.constant 1024 : i32
      %dma_start3A_1119 = arith.constant 0 : i32
      %dma_start3A_1120 = tpu.memref_slice %arg18[%dma_start3A_1118, %dma_start3A_1119] : memref<3200x8xf32, #tpu.memory_space<vmem>> -> memref<128x8xf32, #tpu.memory_space<vmem>>
      %dma_start3A_1121 = arith.constant 0 : i32
      %dma_start3A_1122 = tpu.memref_slice %arg17[%dma_start3A_1117, %dma_start3A_1121] : memref<25x128xi32, #tpu.memory_space<vmem>> -> memref<1x128xi32, #tpu.memory_space<vmem>>
      %dma_start3A_1123 = tpu.memref_squeeze %dma_start3A_1122 : memref<1x128xi32, #tpu.memory_space<vmem>> -> memref<128xi32, #tpu.memory_space<vmem>>
      %dma_start3A_1124 = arith.constant 0 : i32
      %dma_start3A_1125 = arith.constant 0 : i32
      %dma_start3A_1126 = tpu.memref_slice %arg8[%dma_start3A_1124, %dma_start3A_1125] : memref<2560000x8xf32, #tpu.memory_space<hbm>> -> memref<2560000x8xf32, #tpu.memory_space<hbm>>
      tpu.enqueue_indirect_dma source(%dma_start3A_1126 : memref<2560000x8xf32, #tpu.memory_space<hbm>>) target(%dma_start3A_1120 : memref<128x8xf32, #tpu.memory_space<vmem>>) offsets(%dma_start3A_1123 : memref<128xi32, #tpu.memory_space<vmem>>) semaphore(%arg23 : memref<!tpu.dma_semaphore, #tpu.memory_space<semaphore_mem>>)
      %dma_start3A_1127 = arith.constant 9 : i32
      %dma_start3A_1128 = arith.constant 1152 : i32
      %dma_start3A_1129 = arith.constant 0 : i32
      %dma_start3A_1130 = tpu.memref_slice %arg18[%dma_start3A_1128, %dma_start3A_1129] : memref<3200x8xf32, #tpu.memory_space<vmem>> -> memref<128x8xf32, #tpu.memory_space<vmem>>
      %dma_start3A_1131 = arith.constant 0 : i32
      %dma_start3A_1132 = tpu.memref_slice %arg17[%dma_start3A_1127, %dma_start3A_1131] : memref<25x128xi32, #tpu.memory_space<vmem>> -> memref<1x128xi32, #tpu.memory_space<vmem>>
      %dma_start3A_1133 = tpu.memref_squeeze %dma_start3A_1132 : memref<1x128xi32, #tpu.memory_space<vmem>> -> memref<128xi32, #tpu.memory_space<vmem>>
      %dma_start3A_1134 = arith.constant 0 : i32
      %dma_start3A_1135 = arith.constant 0 : i32
      %dma_start3A_1136 = tpu.memref_slice %arg8[%dma_start3A_1134, %dma_start3A_1135] : memref<2560000x8xf32, #tpu.memory_space<hbm>> -> memref<2560000x8xf32, #tpu.memory_space<hbm>>
      tpu.enqueue_indirect_dma source(%dma_start3A_1136 : memref<2560000x8xf32, #tpu.memory_space<hbm>>) target(%dma_start3A_1130 : memref<128x8xf32, #tpu.memory_space<vmem>>) offsets(%dma_start3A_1133 : memref<128xi32, #tpu.memory_space<vmem>>) semaphore(%arg23 : memref<!tpu.dma_semaphore, #tpu.memory_space<semaphore_mem>>)
      %dma_start3A_1137 = arith.constant 10 : i32
      %dma_start3A_1138 = arith.constant 1280 : i32
      %dma_start3A_1139 = arith.constant 0 : i32
      %dma_start3A_1140 = tpu.memref_slice %arg18[%dma_start3A_1138, %dma_start3A_1139] : memref<3200x8xf32, #tpu.memory_space<vmem>> -> memref<128x8xf32, #tpu.memory_space<vmem>>
      %dma_start3A_1141 = arith.constant 0 : i32
      %dma_start3A_1142 = tpu.memref_slice %arg17[%dma_start3A_1137, %dma_start3A_1141] : memref<25x128xi32, #tpu.memory_space<vmem>> -> memref<1x128xi32, #tpu.memory_space<vmem>>
      %dma_start3A_1143 = tpu.memref_squeeze %dma_start3A_1142 : memref<1x128xi32, #tpu.memory_space<vmem>> -> memref<128xi32, #tpu.memory_space<vmem>>
      %dma_start3A_1144 = arith.constant 0 : i32
      %dma_start3A_1145 = arith.constant 0 : i32
      %dma_start3A_1146 = tpu.memref_slice %arg8[%dma_start3A_1144, %dma_start3A_1145] : memref<2560000x8xf32, #tpu.memory_space<hbm>> -> memref<2560000x8xf32, #tpu.memory_space<hbm>>
      tpu.enqueue_indirect_dma source(%dma_start3A_1146 : memref<2560000x8xf32, #tpu.memory_space<hbm>>) target(%dma_start3A_1140 : memref<128x8xf32, #tpu.memory_space<vmem>>) offsets(%dma_start3A_1143 : memref<128xi32, #tpu.memory_space<vmem>>) semaphore(%arg23 : memref<!tpu.dma_semaphore, #tpu.memory_space<semaphore_mem>>)
      %dma_start3A_1147 = arith.constant 11 : i32
      %dma_start3A_1148 = arith.constant 1408 : i32
      %dma_start3A_1149 = arith.constant 0 : i32
      %dma_start3A_1150 = tpu.memref_slice %arg18[%dma_start3A_1148, %dma_start3A_1149] : memref<3200x8xf32, #tpu.memory_space<vmem>> -> memref<128x8xf32, #tpu.memory_space<vmem>>
      %dma_start3A_1151 = arith.constant 0 : i32
      %dma_start3A_1152 = tpu.memref_slice %arg17[%dma_start3A_1147, %dma_start3A_1151] : memref<25x128xi32, #tpu.memory_space<vmem>> -> memref<1x128xi32, #tpu.memory_space<vmem>>
      %dma_start3A_1153 = tpu.memref_squeeze %dma_start3A_1152 : memref<1x128xi32, #tpu.memory_space<vmem>> -> memref<128xi32, #tpu.memory_space<vmem>>
      %dma_start3A_1154 = arith.constant 0 : i32
      %dma_start3A_1155 = arith.constant 0 : i32
      %dma_start3A_1156 = tpu.memref_slice %arg8[%dma_start3A_1154, %dma_start3A_1155] : memref<2560000x8xf32, #tpu.memory_space<hbm>> -> memref<2560000x8xf32, #tpu.memory_space<hbm>>
      tpu.enqueue_indirect_dma source(%dma_start3A_1156 : memref<2560000x8xf32, #tpu.memory_space<hbm>>) target(%dma_start3A_1150 : memref<128x8xf32, #tpu.memory_space<vmem>>) offsets(%dma_start3A_1153 : memref<128xi32, #tpu.memory_space<vmem>>) semaphore(%arg23 : memref<!tpu.dma_semaphore, #tpu.memory_space<semaphore_mem>>)
      %dma_start3A_1157 = arith.constant 12 : i32
      %dma_start3A_1158 = arith.constant 1536 : i32
      %dma_start3A_1159 = arith.constant 0 : i32
      %dma_start3A_1160 = tpu.memref_slice %arg18[%dma_start3A_1158, %dma_start3A_1159] : memref<3200x8xf32, #tpu.memory_space<vmem>> -> memref<128x8xf32, #tpu.memory_space<vmem>>
      %dma_start3A_1161 = arith.constant 0 : i32
      %dma_start3A_1162 = tpu.memref_slice %arg17[%dma_start3A_1157, %dma_start3A_1161] : memref<25x128xi32, #tpu.memory_space<vmem>> -> memref<1x128xi32, #tpu.memory_space<vmem>>
      %dma_start3A_1163 = tpu.memref_squeeze %dma_start3A_1162 : memref<1x128xi32, #tpu.memory_space<vmem>> -> memref<128xi32, #tpu.memory_space<vmem>>
      %dma_start3A_1164 = arith.constant 0 : i32
      %dma_start3A_1165 = arith.constant 0 : i32
      %dma_start3A_1166 = tpu.memref_slice %arg8[%dma_start3A_1164, %dma_start3A_1165] : memref<2560000x8xf32, #tpu.memory_space<hbm>> -> memref<2560000x8xf32, #tpu.memory_space<hbm>>
      tpu.enqueue_indirect_dma source(%dma_start3A_1166 : memref<2560000x8xf32, #tpu.memory_space<hbm>>) target(%dma_start3A_1160 : memref<128x8xf32, #tpu.memory_space<vmem>>) offsets(%dma_start3A_1163 : memref<128xi32, #tpu.memory_space<vmem>>) semaphore(%arg23 : memref<!tpu.dma_semaphore, #tpu.memory_space<semaphore_mem>>)
      %dma_start3A_1167 = arith.constant 13 : i32
      %dma_start3A_1168 = arith.constant 1664 : i32
      %dma_start3A_1169 = arith.constant 0 : i32
      %dma_start3A_1170 = tpu.memref_slice %arg18[%dma_start3A_1168, %dma_start3A_1169] : memref<3200x8xf32, #tpu.memory_space<vmem>> -> memref<128x8xf32, #tpu.memory_space<vmem>>
      %dma_start3A_1171 = arith.constant 0 : i32
      %dma_start3A_1172 = tpu.memref_slice %arg17[%dma_start3A_1167, %dma_start3A_1171] : memref<25x128xi32, #tpu.memory_space<vmem>> -> memref<1x128xi32, #tpu.memory_space<vmem>>
      %dma_start3A_1173 = tpu.memref_squeeze %dma_start3A_1172 : memref<1x128xi32, #tpu.memory_space<vmem>> -> memref<128xi32, #tpu.memory_space<vmem>>
      %dma_start3A_1174 = arith.constant 0 : i32
      %dma_start3A_1175 = arith.constant 0 : i32
      %dma_start3A_1176 = tpu.memref_slice %arg8[%dma_start3A_1174, %dma_start3A_1175] : memref<2560000x8xf32, #tpu.memory_space<hbm>> -> memref<2560000x8xf32, #tpu.memory_space<hbm>>
      tpu.enqueue_indirect_dma source(%dma_start3A_1176 : memref<2560000x8xf32, #tpu.memory_space<hbm>>) target(%dma_start3A_1170 : memref<128x8xf32, #tpu.memory_space<vmem>>) offsets(%dma_start3A_1173 : memref<128xi32, #tpu.memory_space<vmem>>) semaphore(%arg23 : memref<!tpu.dma_semaphore, #tpu.memory_space<semaphore_mem>>)
      %dma_start3A_1177 = arith.constant 14 : i32
      %dma_start3A_1178 = arith.constant 1792 : i32
      %dma_start3A_1179 = arith.constant 0 : i32
      %dma_start3A_1180 = tpu.memref_slice %arg18[%dma_start3A_1178, %dma_start3A_1179] : memref<3200x8xf32, #tpu.memory_space<vmem>> -> memref<128x8xf32, #tpu.memory_space<vmem>>
      %dma_start3A_1181 = arith.constant 0 : i32
      %dma_start3A_1182 = tpu.memref_slice %arg17[%dma_start3A_1177, %dma_start3A_1181] : memref<25x128xi32, #tpu.memory_space<vmem>> -> memref<1x128xi32, #tpu.memory_space<vmem>>
      %dma_start3A_1183 = tpu.memref_squeeze %dma_start3A_1182 : memref<1x128xi32, #tpu.memory_space<vmem>> -> memref<128xi32, #tpu.memory_space<vmem>>
      %dma_start3A_1184 = arith.constant 0 : i32
      %dma_start3A_1185 = arith.constant 0 : i32
      %dma_start3A_1186 = tpu.memref_slice %arg8[%dma_start3A_1184, %dma_start3A_1185] : memref<2560000x8xf32, #tpu.memory_space<hbm>> -> memref<2560000x8xf32, #tpu.memory_space<hbm>>
      tpu.enqueue_indirect_dma source(%dma_start3A_1186 : memref<2560000x8xf32, #tpu.memory_space<hbm>>) target(%dma_start3A_1180 : memref<128x8xf32, #tpu.memory_space<vmem>>) offsets(%dma_start3A_1183 : memref<128xi32, #tpu.memory_space<vmem>>) semaphore(%arg23 : memref<!tpu.dma_semaphore, #tpu.memory_space<semaphore_mem>>)
      %dma_start3A_1187 = arith.constant 15 : i32
      %dma_start3A_1188 = arith.constant 1920 : i32
      %dma_start3A_1189 = arith.constant 0 : i32
      %dma_start3A_1190 = tpu.memref_slice %arg18[%dma_start3A_1188, %dma_start3A_1189] : memref<3200x8xf32, #tpu.memory_space<vmem>> -> memref<128x8xf32, #tpu.memory_space<vmem>>
      %dma_start3A_1191 = arith.constant 0 : i32
      %dma_start3A_1192 = tpu.memref_slice %arg17[%dma_start3A_1187, %dma_start3A_1191] : memref<25x128xi32, #tpu.memory_space<vmem>> -> memref<1x128xi32, #tpu.memory_space<vmem>>
      %dma_start3A_1193 = tpu.memref_squeeze %dma_start3A_1192 : memref<1x128xi32, #tpu.memory_space<vmem>> -> memref<128xi32, #tpu.memory_space<vmem>>
      %dma_start3A_1194 = arith.constant 0 : i32
      %dma_start3A_1195 = arith.constant 0 : i32
      %dma_start3A_1196 = tpu.memref_slice %arg8[%dma_start3A_1194, %dma_start3A_1195] : memref<2560000x8xf32, #tpu.memory_space<hbm>> -> memref<2560000x8xf32, #tpu.memory_space<hbm>>
      tpu.enqueue_indirect_dma source(%dma_start3A_1196 : memref<2560000x8xf32, #tpu.memory_space<hbm>>) target(%dma_start3A_1190 : memref<128x8xf32, #tpu.memory_space<vmem>>) offsets(%dma_start3A_1193 : memref<128xi32, #tpu.memory_space<vmem>>) semaphore(%arg23 : memref<!tpu.dma_semaphore, #tpu.memory_space<semaphore_mem>>)
      %dma_start3A_1197 = arith.constant 16 : i32
      %dma_start3A_1198 = arith.constant 2048 : i32
      %dma_start3A_1199 = arith.constant 0 : i32
      %dma_start3A_1200 = tpu.memref_slice %arg18[%dma_start3A_1198, %dma_start3A_1199] : memref<3200x8xf32, #tpu.memory_space<vmem>> -> memref<128x8xf32, #tpu.memory_space<vmem>>
      %dma_start3A_1201 = arith.constant 0 : i32
      %dma_start3A_1202 = tpu.memref_slice %arg17[%dma_start3A_1197, %dma_start3A_1201] : memref<25x128xi32, #tpu.memory_space<vmem>> -> memref<1x128xi32, #tpu.memory_space<vmem>>
      %dma_start3A_1203 = tpu.memref_squeeze %dma_start3A_1202 : memref<1x128xi32, #tpu.memory_space<vmem>> -> memref<128xi32, #tpu.memory_space<vmem>>
      %dma_start3A_1204 = arith.constant 0 : i32
      %dma_start3A_1205 = arith.constant 0 : i32
      %dma_start3A_1206 = tpu.memref_slice %arg8[%dma_start3A_1204, %dma_start3A_1205] : memref<2560000x8xf32, #tpu.memory_space<hbm>> -> memref<2560000x8xf32, #tpu.memory_space<hbm>>
      tpu.enqueue_indirect_dma source(%dma_start3A_1206 : memref<2560000x8xf32, #tpu.memory_space<hbm>>) target(%dma_start3A_1200 : memref<128x8xf32, #tpu.memory_space<vmem>>) offsets(%dma_start3A_1203 : memref<128xi32, #tpu.memory_space<vmem>>) semaphore(%arg23 : memref<!tpu.dma_semaphore, #tpu.memory_space<semaphore_mem>>)
      %dma_start3A_1207 = arith.constant 17 : i32
      %dma_start3A_1208 = arith.constant 2176 : i32
      %dma_start3A_1209 = arith.constant 0 : i32
      %dma_start3A_1210 = tpu.memref_slice %arg18[%dma_start3A_1208, %dma_start3A_1209] : memref<3200x8xf32, #tpu.memory_space<vmem>> -> memref<128x8xf32, #tpu.memory_space<vmem>>
      %dma_start3A_1211 = arith.constant 0 : i32
      %dma_start3A_1212 = tpu.memref_slice %arg17[%dma_start3A_1207, %dma_start3A_1211] : memref<25x128xi32, #tpu.memory_space<vmem>> -> memref<1x128xi32, #tpu.memory_space<vmem>>
      %dma_start3A_1213 = tpu.memref_squeeze %dma_start3A_1212 : memref<1x128xi32, #tpu.memory_space<vmem>> -> memref<128xi32, #tpu.memory_space<vmem>>
      %dma_start3A_1214 = arith.constant 0 : i32
      %dma_start3A_1215 = arith.constant 0 : i32
      %dma_start3A_1216 = tpu.memref_slice %arg8[%dma_start3A_1214, %dma_start3A_1215] : memref<2560000x8xf32, #tpu.memory_space<hbm>> -> memref<2560000x8xf32, #tpu.memory_space<hbm>>
      tpu.enqueue_indirect_dma source(%dma_start3A_1216 : memref<2560000x8xf32, #tpu.memory_space<hbm>>) target(%dma_start3A_1210 : memref<128x8xf32, #tpu.memory_space<vmem>>) offsets(%dma_start3A_1213 : memref<128xi32, #tpu.memory_space<vmem>>) semaphore(%arg23 : memref<!tpu.dma_semaphore, #tpu.memory_space<semaphore_mem>>)
      %dma_start3A_1217 = arith.constant 18 : i32
      %dma_start3A_1218 = arith.constant 2304 : i32
      %dma_start3A_1219 = arith.constant 0 : i32
      %dma_start3A_1220 = tpu.memref_slice %arg18[%dma_start3A_1218, %dma_start3A_1219] : memref<3200x8xf32, #tpu.memory_space<vmem>> -> memref<128x8xf32, #tpu.memory_space<vmem>>
      %dma_start3A_1221 = arith.constant 0 : i32
      %dma_start3A_1222 = tpu.memref_slice %arg17[%dma_start3A_1217, %dma_start3A_1221] : memref<25x128xi32, #tpu.memory_space<vmem>> -> memref<1x128xi32, #tpu.memory_space<vmem>>
      %dma_start3A_1223 = tpu.memref_squeeze %dma_start3A_1222 : memref<1x128xi32, #tpu.memory_space<vmem>> -> memref<128xi32, #tpu.memory_space<vmem>>
      %dma_start3A_1224 = arith.constant 0 : i32
      %dma_start3A_1225 = arith.constant 0 : i32
      %dma_start3A_1226 = tpu.memref_slice %arg8[%dma_start3A_1224, %dma_start3A_1225] : memref<2560000x8xf32, #tpu.memory_space<hbm>> -> memref<2560000x8xf32, #tpu.memory_space<hbm>>
      tpu.enqueue_indirect_dma source(%dma_start3A_1226 : memref<2560000x8xf32, #tpu.memory_space<hbm>>) target(%dma_start3A_1220 : memref<128x8xf32, #tpu.memory_space<vmem>>) offsets(%dma_start3A_1223 : memref<128xi32, #tpu.memory_space<vmem>>) semaphore(%arg23 : memref<!tpu.dma_semaphore, #tpu.memory_space<semaphore_mem>>)
      %dma_start3A_1227 = arith.constant 19 : i32
      %dma_start3A_1228 = arith.constant 2432 : i32
      %dma_start3A_1229 = arith.constant 0 : i32
      %dma_start3A_1230 = tpu.memref_slice %arg18[%dma_start3A_1228, %dma_start3A_1229] : memref<3200x8xf32, #tpu.memory_space<vmem>> -> memref<128x8xf32, #tpu.memory_space<vmem>>
      %dma_start3A_1231 = arith.constant 0 : i32
      %dma_start3A_1232 = tpu.memref_slice %arg17[%dma_start3A_1227, %dma_start3A_1231] : memref<25x128xi32, #tpu.memory_space<vmem>> -> memref<1x128xi32, #tpu.memory_space<vmem>>
      %dma_start3A_1233 = tpu.memref_squeeze %dma_start3A_1232 : memref<1x128xi32, #tpu.memory_space<vmem>> -> memref<128xi32, #tpu.memory_space<vmem>>
      %dma_start3A_1234 = arith.constant 0 : i32
      %dma_start3A_1235 = arith.constant 0 : i32
      %dma_start3A_1236 = tpu.memref_slice %arg8[%dma_start3A_1234, %dma_start3A_1235] : memref<2560000x8xf32, #tpu.memory_space<hbm>> -> memref<2560000x8xf32, #tpu.memory_space<hbm>>
      tpu.enqueue_indirect_dma source(%dma_start3A_1236 : memref<2560000x8xf32, #tpu.memory_space<hbm>>) target(%dma_start3A_1230 : memref<128x8xf32, #tpu.memory_space<vmem>>) offsets(%dma_start3A_1233 : memref<128xi32, #tpu.memory_space<vmem>>) semaphore(%arg23 : memref<!tpu.dma_semaphore, #tpu.memory_space<semaphore_mem>>)
      %dma_start3A_1237 = arith.constant 20 : i32
      %dma_start3A_1238 = arith.constant 2560 : i32
      %dma_start3A_1239 = arith.constant 0 : i32
      %dma_start3A_1240 = tpu.memref_slice %arg18[%dma_start3A_1238, %dma_start3A_1239] : memref<3200x8xf32, #tpu.memory_space<vmem>> -> memref<128x8xf32, #tpu.memory_space<vmem>>
      %dma_start3A_1241 = arith.constant 0 : i32
      %dma_start3A_1242 = tpu.memref_slice %arg17[%dma_start3A_1237, %dma_start3A_1241] : memref<25x128xi32, #tpu.memory_space<vmem>> -> memref<1x128xi32, #tpu.memory_space<vmem>>
      %dma_start3A_1243 = tpu.memref_squeeze %dma_start3A_1242 : memref<1x128xi32, #tpu.memory_space<vmem>> -> memref<128xi32, #tpu.memory_space<vmem>>
      %dma_start3A_1244 = arith.constant 0 : i32
      %dma_start3A_1245 = arith.constant 0 : i32
      %dma_start3A_1246 = tpu.memref_slice %arg8[%dma_start3A_1244, %dma_start3A_1245] : memref<2560000x8xf32, #tpu.memory_space<hbm>> -> memref<2560000x8xf32, #tpu.memory_space<hbm>>
      tpu.enqueue_indirect_dma source(%dma_start3A_1246 : memref<2560000x8xf32, #tpu.memory_space<hbm>>) target(%dma_start3A_1240 : memref<128x8xf32, #tpu.memory_space<vmem>>) offsets(%dma_start3A_1243 : memref<128xi32, #tpu.memory_space<vmem>>) semaphore(%arg23 : memref<!tpu.dma_semaphore, #tpu.memory_space<semaphore_mem>>)
      %dma_start3A_1247 = arith.constant 21 : i32
      %dma_start3A_1248 = arith.constant 2688 : i32
      %dma_start3A_1249 = arith.constant 0 : i32
      %dma_start3A_1250 = tpu.memref_slice %arg18[%dma_start3A_1248, %dma_start3A_1249] : memref<3200x8xf32, #tpu.memory_space<vmem>> -> memref<128x8xf32, #tpu.memory_space<vmem>>
      %dma_start3A_1251 = arith.constant 0 : i32
      %dma_start3A_1252 = tpu.memref_slice %arg17[%dma_start3A_1247, %dma_start3A_1251] : memref<25x128xi32, #tpu.memory_space<vmem>> -> memref<1x128xi32, #tpu.memory_space<vmem>>
      %dma_start3A_1253 = tpu.memref_squeeze %dma_start3A_1252 : memref<1x128xi32, #tpu.memory_space<vmem>> -> memref<128xi32, #tpu.memory_space<vmem>>
      %dma_start3A_1254 = arith.constant 0 : i32
      %dma_start3A_1255 = arith.constant 0 : i32
      %dma_start3A_1256 = tpu.memref_slice %arg8[%dma_start3A_1254, %dma_start3A_1255] : memref<2560000x8xf32, #tpu.memory_space<hbm>> -> memref<2560000x8xf32, #tpu.memory_space<hbm>>
      tpu.enqueue_indirect_dma source(%dma_start3A_1256 : memref<2560000x8xf32, #tpu.memory_space<hbm>>) target(%dma_start3A_1250 : memref<128x8xf32, #tpu.memory_space<vmem>>) offsets(%dma_start3A_1253 : memref<128xi32, #tpu.memory_space<vmem>>) semaphore(%arg23 : memref<!tpu.dma_semaphore, #tpu.memory_space<semaphore_mem>>)
      %dma_start3A_1257 = arith.constant 22 : i32
      %dma_start3A_1258 = arith.constant 2816 : i32
      %dma_start3A_1259 = arith.constant 0 : i32
      %dma_start3A_1260 = tpu.memref_slice %arg18[%dma_start3A_1258, %dma_start3A_1259] : memref<3200x8xf32, #tpu.memory_space<vmem>> -> memref<128x8xf32, #tpu.memory_space<vmem>>
      %dma_start3A_1261 = arith.constant 0 : i32
      %dma_start3A_1262 = tpu.memref_slice %arg17[%dma_start3A_1257, %dma_start3A_1261] : memref<25x128xi32, #tpu.memory_space<vmem>> -> memref<1x128xi32, #tpu.memory_space<vmem>>
      %dma_start3A_1263 = tpu.memref_squeeze %dma_start3A_1262 : memref<1x128xi32, #tpu.memory_space<vmem>> -> memref<128xi32, #tpu.memory_space<vmem>>
      %dma_start3A_1264 = arith.constant 0 : i32
      %dma_start3A_1265 = arith.constant 0 : i32
      %dma_start3A_1266 = tpu.memref_slice %arg8[%dma_start3A_1264, %dma_start3A_1265] : memref<2560000x8xf32, #tpu.memory_space<hbm>> -> memref<2560000x8xf32, #tpu.memory_space<hbm>>
      tpu.enqueue_indirect_dma source(%dma_start3A_1266 : memref<2560000x8xf32, #tpu.memory_space<hbm>>) target(%dma_start3A_1260 : memref<128x8xf32, #tpu.memory_space<vmem>>) offsets(%dma_start3A_1263 : memref<128xi32, #tpu.memory_space<vmem>>) semaphore(%arg23 : memref<!tpu.dma_semaphore, #tpu.memory_space<semaphore_mem>>)
      %dma_start3A_1267 = arith.constant 23 : i32
      %dma_start3A_1268 = arith.constant 2944 : i32
      %dma_start3A_1269 = arith.constant 0 : i32
      %dma_start3A_1270 = tpu.memref_slice %arg18[%dma_start3A_1268, %dma_start3A_1269] : memref<3200x8xf32, #tpu.memory_space<vmem>> -> memref<128x8xf32, #tpu.memory_space<vmem>>
      %dma_start3A_1271 = arith.constant 0 : i32
      %dma_start3A_1272 = tpu.memref_slice %arg17[%dma_start3A_1267, %dma_start3A_1271] : memref<25x128xi32, #tpu.memory_space<vmem>> -> memref<1x128xi32, #tpu.memory_space<vmem>>
      %dma_start3A_1273 = tpu.memref_squeeze %dma_start3A_1272 : memref<1x128xi32, #tpu.memory_space<vmem>> -> memref<128xi32, #tpu.memory_space<vmem>>
      %dma_start3A_1274 = arith.constant 0 : i32
      %dma_start3A_1275 = arith.constant 0 : i32
      %dma_start3A_1276 = tpu.memref_slice %arg8[%dma_start3A_1274, %dma_start3A_1275] : memref<2560000x8xf32, #tpu.memory_space<hbm>> -> memref<2560000x8xf32, #tpu.memory_space<hbm>>
      tpu.enqueue_indirect_dma source(%dma_start3A_1276 : memref<2560000x8xf32, #tpu.memory_space<hbm>>) target(%dma_start3A_1270 : memref<128x8xf32, #tpu.memory_space<vmem>>) offsets(%dma_start3A_1273 : memref<128xi32, #tpu.memory_space<vmem>>) semaphore(%arg23 : memref<!tpu.dma_semaphore, #tpu.memory_space<semaphore_mem>>)
      %dma_start3A_1277 = arith.constant 24 : i32
      %dma_start3A_1278 = arith.constant 3072 : i32
      %dma_start3A_1279 = arith.constant 0 : i32
      %dma_start3A_1280 = tpu.memref_slice %arg18[%dma_start3A_1278, %dma_start3A_1279] : memref<3200x8xf32, #tpu.memory_space<vmem>> -> memref<128x8xf32, #tpu.memory_space<vmem>>
      %dma_start3A_1281 = arith.constant 0 : i32
      %dma_start3A_1282 = tpu.memref_slice %arg17[%dma_start3A_1277, %dma_start3A_1281] : memref<25x128xi32, #tpu.memory_space<vmem>> -> memref<1x128xi32, #tpu.memory_space<vmem>>
      %dma_start3A_1283 = tpu.memref_squeeze %dma_start3A_1282 : memref<1x128xi32, #tpu.memory_space<vmem>> -> memref<128xi32, #tpu.memory_space<vmem>>
      %dma_start3A_1284 = arith.constant 0 : i32
      %dma_start3A_1285 = arith.constant 0 : i32
      %dma_start3A_1286 = tpu.memref_slice %arg8[%dma_start3A_1284, %dma_start3A_1285] : memref<2560000x8xf32, #tpu.memory_space<hbm>> -> memref<2560000x8xf32, #tpu.memory_space<hbm>>
      tpu.enqueue_indirect_dma source(%dma_start3A_1286 : memref<2560000x8xf32, #tpu.memory_space<hbm>>) target(%dma_start3A_1280 : memref<128x8xf32, #tpu.memory_space<vmem>>) offsets(%dma_start3A_1283 : memref<128xi32, #tpu.memory_space<vmem>>) semaphore(%arg23 : memref<!tpu.dma_semaphore, #tpu.memory_space<semaphore_mem>>)
      %dma_wait3A_1287 = arith.constant 0 : i32
      %dma_wait3A_1288 = arith.constant 0 : i32
      %dma_wait3A_1289 = arith.constant 0 : i32
      %dma_wait3A_1290 = tpu.memref_slice %arg18[%dma_wait3A_1288, %dma_wait3A_1289] : memref<3200x8xf32, #tpu.memory_space<vmem>> -> memref<128x8xf32, #tpu.memory_space<vmem>>
      %dma_wait3A_1291 = arith.constant 0 : i32
      %dma_wait3A_1292 = tpu.memref_slice %arg17[%dma_wait3A_1287, %dma_wait3A_1291] : memref<25x128xi32, #tpu.memory_space<vmem>> -> memref<1x128xi32, #tpu.memory_space<vmem>>
      %dma_wait3A_1293 = tpu.memref_squeeze %dma_wait3A_1292 : memref<1x128xi32, #tpu.memory_space<vmem>> -> memref<128xi32, #tpu.memory_space<vmem>>
      %dma_wait3A_1294 = arith.constant 0 : i32
      %dma_wait3A_1295 = arith.constant 0 : i32
      %dma_wait3A_1296 = tpu.memref_slice %arg8[%dma_wait3A_1294, %dma_wait3A_1295] : memref<2560000x8xf32, #tpu.memory_space<hbm>> -> memref<2560000x8xf32, #tpu.memory_space<hbm>>
      tpu.wait_indirect_dma semaphore(%arg23 : memref<!tpu.dma_semaphore, #tpu.memory_space<semaphore_mem>>) src(%dma_wait3A_1296 : memref<2560000x8xf32, #tpu.memory_space<hbm>>) dst(%dma_wait3A_1290 : memref<128x8xf32, #tpu.memory_space<vmem>>)
      %dma_wait3A_1297 = arith.constant 1 : i32
      %dma_wait3A_1298 = arith.constant 128 : i32
      %dma_wait3A_1299 = arith.constant 0 : i32
      %dma_wait3A_1300 = tpu.memref_slice %arg18[%dma_wait3A_1298, %dma_wait3A_1299] : memref<3200x8xf32, #tpu.memory_space<vmem>> -> memref<128x8xf32, #tpu.memory_space<vmem>>
      %dma_wait3A_1301 = arith.constant 0 : i32
      %dma_wait3A_1302 = tpu.memref_slice %arg17[%dma_wait3A_1297, %dma_wait3A_1301] : memref<25x128xi32, #tpu.memory_space<vmem>> -> memref<1x128xi32, #tpu.memory_space<vmem>>
      %dma_wait3A_1303 = tpu.memref_squeeze %dma_wait3A_1302 : memref<1x128xi32, #tpu.memory_space<vmem>> -> memref<128xi32, #tpu.memory_space<vmem>>
      %dma_wait3A_1304 = arith.constant 0 : i32
      %dma_wait3A_1305 = arith.constant 0 : i32
      %dma_wait3A_1306 = tpu.memref_slice %arg8[%dma_wait3A_1304, %dma_wait3A_1305] : memref<2560000x8xf32, #tpu.memory_space<hbm>> -> memref<2560000x8xf32, #tpu.memory_space<hbm>>
      tpu.wait_indirect_dma semaphore(%arg23 : memref<!tpu.dma_semaphore, #tpu.memory_space<semaphore_mem>>) src(%dma_wait3A_1306 : memref<2560000x8xf32, #tpu.memory_space<hbm>>) dst(%dma_wait3A_1300 : memref<128x8xf32, #tpu.memory_space<vmem>>)
      %dma_wait3A_1307 = arith.constant 2 : i32
      %dma_wait3A_1308 = arith.constant 256 : i32
      %dma_wait3A_1309 = arith.constant 0 : i32
      %dma_wait3A_1310 = tpu.memref_slice %arg18[%dma_wait3A_1308, %dma_wait3A_1309] : memref<3200x8xf32, #tpu.memory_space<vmem>> -> memref<128x8xf32, #tpu.memory_space<vmem>>
      %dma_wait3A_1311 = arith.constant 0 : i32
      %dma_wait3A_1312 = tpu.memref_slice %arg17[%dma_wait3A_1307, %dma_wait3A_1311] : memref<25x128xi32, #tpu.memory_space<vmem>> -> memref<1x128xi32, #tpu.memory_space<vmem>>
      %dma_wait3A_1313 = tpu.memref_squeeze %dma_wait3A_1312 : memref<1x128xi32, #tpu.memory_space<vmem>> -> memref<128xi32, #tpu.memory_space<vmem>>
      %dma_wait3A_1314 = arith.constant 0 : i32
      %dma_wait3A_1315 = arith.constant 0 : i32
      %dma_wait3A_1316 = tpu.memref_slice %arg8[%dma_wait3A_1314, %dma_wait3A_1315] : memref<2560000x8xf32, #tpu.memory_space<hbm>> -> memref<2560000x8xf32, #tpu.memory_space<hbm>>
      tpu.wait_indirect_dma semaphore(%arg23 : memref<!tpu.dma_semaphore, #tpu.memory_space<semaphore_mem>>) src(%dma_wait3A_1316 : memref<2560000x8xf32, #tpu.memory_space<hbm>>) dst(%dma_wait3A_1310 : memref<128x8xf32, #tpu.memory_space<vmem>>)
      %dma_wait3A_1317 = arith.constant 3 : i32
      %dma_wait3A_1318 = arith.constant 384 : i32
      %dma_wait3A_1319 = arith.constant 0 : i32
      %dma_wait3A_1320 = tpu.memref_slice %arg18[%dma_wait3A_1318, %dma_wait3A_1319] : memref<3200x8xf32, #tpu.memory_space<vmem>> -> memref<128x8xf32, #tpu.memory_space<vmem>>
      %dma_wait3A_1321 = arith.constant 0 : i32
      %dma_wait3A_1322 = tpu.memref_slice %arg17[%dma_wait3A_1317, %dma_wait3A_1321] : memref<25x128xi32, #tpu.memory_space<vmem>> -> memref<1x128xi32, #tpu.memory_space<vmem>>
      %dma_wait3A_1323 = tpu.memref_squeeze %dma_wait3A_1322 : memref<1x128xi32, #tpu.memory_space<vmem>> -> memref<128xi32, #tpu.memory_space<vmem>>
      %dma_wait3A_1324 = arith.constant 0 : i32
      %dma_wait3A_1325 = arith.constant 0 : i32
      %dma_wait3A_1326 = tpu.memref_slice %arg8[%dma_wait3A_1324, %dma_wait3A_1325] : memref<2560000x8xf32, #tpu.memory_space<hbm>> -> memref<2560000x8xf32, #tpu.memory_space<hbm>>
      tpu.wait_indirect_dma semaphore(%arg23 : memref<!tpu.dma_semaphore, #tpu.memory_space<semaphore_mem>>) src(%dma_wait3A_1326 : memref<2560000x8xf32, #tpu.memory_space<hbm>>) dst(%dma_wait3A_1320 : memref<128x8xf32, #tpu.memory_space<vmem>>)
      %dma_wait3A_1327 = arith.constant 4 : i32
      %dma_wait3A_1328 = arith.constant 512 : i32
      %dma_wait3A_1329 = arith.constant 0 : i32
      %dma_wait3A_1330 = tpu.memref_slice %arg18[%dma_wait3A_1328, %dma_wait3A_1329] : memref<3200x8xf32, #tpu.memory_space<vmem>> -> memref<128x8xf32, #tpu.memory_space<vmem>>
      %dma_wait3A_1331 = arith.constant 0 : i32
      %dma_wait3A_1332 = tpu.memref_slice %arg17[%dma_wait3A_1327, %dma_wait3A_1331] : memref<25x128xi32, #tpu.memory_space<vmem>> -> memref<1x128xi32, #tpu.memory_space<vmem>>
      %dma_wait3A_1333 = tpu.memref_squeeze %dma_wait3A_1332 : memref<1x128xi32, #tpu.memory_space<vmem>> -> memref<128xi32, #tpu.memory_space<vmem>>
      %dma_wait3A_1334 = arith.constant 0 : i32
      %dma_wait3A_1335 = arith.constant 0 : i32
      %dma_wait3A_1336 = tpu.memref_slice %arg8[%dma_wait3A_1334, %dma_wait3A_1335] : memref<2560000x8xf32, #tpu.memory_space<hbm>> -> memref<2560000x8xf32, #tpu.memory_space<hbm>>
      tpu.wait_indirect_dma semaphore(%arg23 : memref<!tpu.dma_semaphore, #tpu.memory_space<semaphore_mem>>) src(%dma_wait3A_1336 : memref<2560000x8xf32, #tpu.memory_space<hbm>>) dst(%dma_wait3A_1330 : memref<128x8xf32, #tpu.memory_space<vmem>>)
      %dma_wait3A_1337 = arith.constant 5 : i32
      %dma_wait3A_1338 = arith.constant 640 : i32
      %dma_wait3A_1339 = arith.constant 0 : i32
      %dma_wait3A_1340 = tpu.memref_slice %arg18[%dma_wait3A_1338, %dma_wait3A_1339] : memref<3200x8xf32, #tpu.memory_space<vmem>> -> memref<128x8xf32, #tpu.memory_space<vmem>>
      %dma_wait3A_1341 = arith.constant 0 : i32
      %dma_wait3A_1342 = tpu.memref_slice %arg17[%dma_wait3A_1337, %dma_wait3A_1341] : memref<25x128xi32, #tpu.memory_space<vmem>> -> memref<1x128xi32, #tpu.memory_space<vmem>>
      %dma_wait3A_1343 = tpu.memref_squeeze %dma_wait3A_1342 : memref<1x128xi32, #tpu.memory_space<vmem>> -> memref<128xi32, #tpu.memory_space<vmem>>
      %dma_wait3A_1344 = arith.constant 0 : i32
      %dma_wait3A_1345 = arith.constant 0 : i32
      %dma_wait3A_1346 = tpu.memref_slice %arg8[%dma_wait3A_1344, %dma_wait3A_1345] : memref<2560000x8xf32, #tpu.memory_space<hbm>> -> memref<2560000x8xf32, #tpu.memory_space<hbm>>
      tpu.wait_indirect_dma semaphore(%arg23 : memref<!tpu.dma_semaphore, #tpu.memory_space<semaphore_mem>>) src(%dma_wait3A_1346 : memref<2560000x8xf32, #tpu.memory_space<hbm>>) dst(%dma_wait3A_1340 : memref<128x8xf32, #tpu.memory_space<vmem>>)
      %dma_wait3A_1347 = arith.constant 6 : i32
      %dma_wait3A_1348 = arith.constant 768 : i32
      %dma_wait3A_1349 = arith.constant 0 : i32
      %dma_wait3A_1350 = tpu.memref_slice %arg18[%dma_wait3A_1348, %dma_wait3A_1349] : memref<3200x8xf32, #tpu.memory_space<vmem>> -> memref<128x8xf32, #tpu.memory_space<vmem>>
      %dma_wait3A_1351 = arith.constant 0 : i32
      %dma_wait3A_1352 = tpu.memref_slice %arg17[%dma_wait3A_1347, %dma_wait3A_1351] : memref<25x128xi32, #tpu.memory_space<vmem>> -> memref<1x128xi32, #tpu.memory_space<vmem>>
      %dma_wait3A_1353 = tpu.memref_squeeze %dma_wait3A_1352 : memref<1x128xi32, #tpu.memory_space<vmem>> -> memref<128xi32, #tpu.memory_space<vmem>>
      %dma_wait3A_1354 = arith.constant 0 : i32
      %dma_wait3A_1355 = arith.constant 0 : i32
      %dma_wait3A_1356 = tpu.memref_slice %arg8[%dma_wait3A_1354, %dma_wait3A_1355] : memref<2560000x8xf32, #tpu.memory_space<hbm>> -> memref<2560000x8xf32, #tpu.memory_space<hbm>>
      tpu.wait_indirect_dma semaphore(%arg23 : memref<!tpu.dma_semaphore, #tpu.memory_space<semaphore_mem>>) src(%dma_wait3A_1356 : memref<2560000x8xf32, #tpu.memory_space<hbm>>) dst(%dma_wait3A_1350 : memref<128x8xf32, #tpu.memory_space<vmem>>)
      %dma_wait3A_1357 = arith.constant 7 : i32
      %dma_wait3A_1358 = arith.constant 896 : i32
      %dma_wait3A_1359 = arith.constant 0 : i32
      %dma_wait3A_1360 = tpu.memref_slice %arg18[%dma_wait3A_1358, %dma_wait3A_1359] : memref<3200x8xf32, #tpu.memory_space<vmem>> -> memref<128x8xf32, #tpu.memory_space<vmem>>
      %dma_wait3A_1361 = arith.constant 0 : i32
      %dma_wait3A_1362 = tpu.memref_slice %arg17[%dma_wait3A_1357, %dma_wait3A_1361] : memref<25x128xi32, #tpu.memory_space<vmem>> -> memref<1x128xi32, #tpu.memory_space<vmem>>
      %dma_wait3A_1363 = tpu.memref_squeeze %dma_wait3A_1362 : memref<1x128xi32, #tpu.memory_space<vmem>> -> memref<128xi32, #tpu.memory_space<vmem>>
      %dma_wait3A_1364 = arith.constant 0 : i32
      %dma_wait3A_1365 = arith.constant 0 : i32
      %dma_wait3A_1366 = tpu.memref_slice %arg8[%dma_wait3A_1364, %dma_wait3A_1365] : memref<2560000x8xf32, #tpu.memory_space<hbm>> -> memref<2560000x8xf32, #tpu.memory_space<hbm>>
      tpu.wait_indirect_dma semaphore(%arg23 : memref<!tpu.dma_semaphore, #tpu.memory_space<semaphore_mem>>) src(%dma_wait3A_1366 : memref<2560000x8xf32, #tpu.memory_space<hbm>>) dst(%dma_wait3A_1360 : memref<128x8xf32, #tpu.memory_space<vmem>>)
      %dma_wait3A_1367 = arith.constant 8 : i32
      %dma_wait3A_1368 = arith.constant 1024 : i32
      %dma_wait3A_1369 = arith.constant 0 : i32
      %dma_wait3A_1370 = tpu.memref_slice %arg18[%dma_wait3A_1368, %dma_wait3A_1369] : memref<3200x8xf32, #tpu.memory_space<vmem>> -> memref<128x8xf32, #tpu.memory_space<vmem>>
      %dma_wait3A_1371 = arith.constant 0 : i32
      %dma_wait3A_1372 = tpu.memref_slice %arg17[%dma_wait3A_1367, %dma_wait3A_1371] : memref<25x128xi32, #tpu.memory_space<vmem>> -> memref<1x128xi32, #tpu.memory_space<vmem>>
      %dma_wait3A_1373 = tpu.memref_squeeze %dma_wait3A_1372 : memref<1x128xi32, #tpu.memory_space<vmem>> -> memref<128xi32, #tpu.memory_space<vmem>>
      %dma_wait3A_1374 = arith.constant 0 : i32
      %dma_wait3A_1375 = arith.constant 0 : i32
      %dma_wait3A_1376 = tpu.memref_slice %arg8[%dma_wait3A_1374, %dma_wait3A_1375] : memref<2560000x8xf32, #tpu.memory_space<hbm>> -> memref<2560000x8xf32, #tpu.memory_space<hbm>>
      tpu.wait_indirect_dma semaphore(%arg23 : memref<!tpu.dma_semaphore, #tpu.memory_space<semaphore_mem>>) src(%dma_wait3A_1376 : memref<2560000x8xf32, #tpu.memory_space<hbm>>) dst(%dma_wait3A_1370 : memref<128x8xf32, #tpu.memory_space<vmem>>)
      %dma_wait3A_1377 = arith.constant 9 : i32
      %dma_wait3A_1378 = arith.constant 1152 : i32
      %dma_wait3A_1379 = arith.constant 0 : i32
      %dma_wait3A_1380 = tpu.memref_slice %arg18[%dma_wait3A_1378, %dma_wait3A_1379] : memref<3200x8xf32, #tpu.memory_space<vmem>> -> memref<128x8xf32, #tpu.memory_space<vmem>>
      %dma_wait3A_1381 = arith.constant 0 : i32
      %dma_wait3A_1382 = tpu.memref_slice %arg17[%dma_wait3A_1377, %dma_wait3A_1381] : memref<25x128xi32, #tpu.memory_space<vmem>> -> memref<1x128xi32, #tpu.memory_space<vmem>>
      %dma_wait3A_1383 = tpu.memref_squeeze %dma_wait3A_1382 : memref<1x128xi32, #tpu.memory_space<vmem>> -> memref<128xi32, #tpu.memory_space<vmem>>
      %dma_wait3A_1384 = arith.constant 0 : i32
      %dma_wait3A_1385 = arith.constant 0 : i32
      %dma_wait3A_1386 = tpu.memref_slice %arg8[%dma_wait3A_1384, %dma_wait3A_1385] : memref<2560000x8xf32, #tpu.memory_space<hbm>> -> memref<2560000x8xf32, #tpu.memory_space<hbm>>
      tpu.wait_indirect_dma semaphore(%arg23 : memref<!tpu.dma_semaphore, #tpu.memory_space<semaphore_mem>>) src(%dma_wait3A_1386 : memref<2560000x8xf32, #tpu.memory_space<hbm>>) dst(%dma_wait3A_1380 : memref<128x8xf32, #tpu.memory_space<vmem>>)
      %dma_wait3A_1387 = arith.constant 10 : i32
      %dma_wait3A_1388 = arith.constant 1280 : i32
      %dma_wait3A_1389 = arith.constant 0 : i32
      %dma_wait3A_1390 = tpu.memref_slice %arg18[%dma_wait3A_1388, %dma_wait3A_1389] : memref<3200x8xf32, #tpu.memory_space<vmem>> -> memref<128x8xf32, #tpu.memory_space<vmem>>
      %dma_wait3A_1391 = arith.constant 0 : i32
      %dma_wait3A_1392 = tpu.memref_slice %arg17[%dma_wait3A_1387, %dma_wait3A_1391] : memref<25x128xi32, #tpu.memory_space<vmem>> -> memref<1x128xi32, #tpu.memory_space<vmem>>
      %dma_wait3A_1393 = tpu.memref_squeeze %dma_wait3A_1392 : memref<1x128xi32, #tpu.memory_space<vmem>> -> memref<128xi32, #tpu.memory_space<vmem>>
      %dma_wait3A_1394 = arith.constant 0 : i32
      %dma_wait3A_1395 = arith.constant 0 : i32
      %dma_wait3A_1396 = tpu.memref_slice %arg8[%dma_wait3A_1394, %dma_wait3A_1395] : memref<2560000x8xf32, #tpu.memory_space<hbm>> -> memref<2560000x8xf32, #tpu.memory_space<hbm>>
      tpu.wait_indirect_dma semaphore(%arg23 : memref<!tpu.dma_semaphore, #tpu.memory_space<semaphore_mem>>) src(%dma_wait3A_1396 : memref<2560000x8xf32, #tpu.memory_space<hbm>>) dst(%dma_wait3A_1390 : memref<128x8xf32, #tpu.memory_space<vmem>>)
      %dma_wait3A_1397 = arith.constant 11 : i32
      %dma_wait3A_1398 = arith.constant 1408 : i32
      %dma_wait3A_1399 = arith.constant 0 : i32
      %dma_wait3A_1400 = tpu.memref_slice %arg18[%dma_wait3A_1398, %dma_wait3A_1399] : memref<3200x8xf32, #tpu.memory_space<vmem>> -> memref<128x8xf32, #tpu.memory_space<vmem>>
      %dma_wait3A_1401 = arith.constant 0 : i32
      %dma_wait3A_1402 = tpu.memref_slice %arg17[%dma_wait3A_1397, %dma_wait3A_1401] : memref<25x128xi32, #tpu.memory_space<vmem>> -> memref<1x128xi32, #tpu.memory_space<vmem>>
      %dma_wait3A_1403 = tpu.memref_squeeze %dma_wait3A_1402 : memref<1x128xi32, #tpu.memory_space<vmem>> -> memref<128xi32, #tpu.memory_space<vmem>>
      %dma_wait3A_1404 = arith.constant 0 : i32
      %dma_wait3A_1405 = arith.constant 0 : i32
      %dma_wait3A_1406 = tpu.memref_slice %arg8[%dma_wait3A_1404, %dma_wait3A_1405] : memref<2560000x8xf32, #tpu.memory_space<hbm>> -> memref<2560000x8xf32, #tpu.memory_space<hbm>>
      tpu.wait_indirect_dma semaphore(%arg23 : memref<!tpu.dma_semaphore, #tpu.memory_space<semaphore_mem>>) src(%dma_wait3A_1406 : memref<2560000x8xf32, #tpu.memory_space<hbm>>) dst(%dma_wait3A_1400 : memref<128x8xf32, #tpu.memory_space<vmem>>)
      %dma_wait3A_1407 = arith.constant 12 : i32
      %dma_wait3A_1408 = arith.constant 1536 : i32
      %dma_wait3A_1409 = arith.constant 0 : i32
      %dma_wait3A_1410 = tpu.memref_slice %arg18[%dma_wait3A_1408, %dma_wait3A_1409] : memref<3200x8xf32, #tpu.memory_space<vmem>> -> memref<128x8xf32, #tpu.memory_space<vmem>>
      %dma_wait3A_1411 = arith.constant 0 : i32
      %dma_wait3A_1412 = tpu.memref_slice %arg17[%dma_wait3A_1407, %dma_wait3A_1411] : memref<25x128xi32, #tpu.memory_space<vmem>> -> memref<1x128xi32, #tpu.memory_space<vmem>>
      %dma_wait3A_1413 = tpu.memref_squeeze %dma_wait3A_1412 : memref<1x128xi32, #tpu.memory_space<vmem>> -> memref<128xi32, #tpu.memory_space<vmem>>
      %dma_wait3A_1414 = arith.constant 0 : i32
      %dma_wait3A_1415 = arith.constant 0 : i32
      %dma_wait3A_1416 = tpu.memref_slice %arg8[%dma_wait3A_1414, %dma_wait3A_1415] : memref<2560000x8xf32, #tpu.memory_space<hbm>> -> memref<2560000x8xf32, #tpu.memory_space<hbm>>
      tpu.wait_indirect_dma semaphore(%arg23 : memref<!tpu.dma_semaphore, #tpu.memory_space<semaphore_mem>>) src(%dma_wait3A_1416 : memref<2560000x8xf32, #tpu.memory_space<hbm>>) dst(%dma_wait3A_1410 : memref<128x8xf32, #tpu.memory_space<vmem>>)
      %dma_wait3A_1417 = arith.constant 13 : i32
      %dma_wait3A_1418 = arith.constant 1664 : i32
      %dma_wait3A_1419 = arith.constant 0 : i32
      %dma_wait3A_1420 = tpu.memref_slice %arg18[%dma_wait3A_1418, %dma_wait3A_1419] : memref<3200x8xf32, #tpu.memory_space<vmem>> -> memref<128x8xf32, #tpu.memory_space<vmem>>
      %dma_wait3A_1421 = arith.constant 0 : i32
      %dma_wait3A_1422 = tpu.memref_slice %arg17[%dma_wait3A_1417, %dma_wait3A_1421] : memref<25x128xi32, #tpu.memory_space<vmem>> -> memref<1x128xi32, #tpu.memory_space<vmem>>
      %dma_wait3A_1423 = tpu.memref_squeeze %dma_wait3A_1422 : memref<1x128xi32, #tpu.memory_space<vmem>> -> memref<128xi32, #tpu.memory_space<vmem>>
      %dma_wait3A_1424 = arith.constant 0 : i32
      %dma_wait3A_1425 = arith.constant 0 : i32
      %dma_wait3A_1426 = tpu.memref_slice %arg8[%dma_wait3A_1424, %dma_wait3A_1425] : memref<2560000x8xf32, #tpu.memory_space<hbm>> -> memref<2560000x8xf32, #tpu.memory_space<hbm>>
      tpu.wait_indirect_dma semaphore(%arg23 : memref<!tpu.dma_semaphore, #tpu.memory_space<semaphore_mem>>) src(%dma_wait3A_1426 : memref<2560000x8xf32, #tpu.memory_space<hbm>>) dst(%dma_wait3A_1420 : memref<128x8xf32, #tpu.memory_space<vmem>>)
      %dma_wait3A_1427 = arith.constant 14 : i32
      %dma_wait3A_1428 = arith.constant 1792 : i32
      %dma_wait3A_1429 = arith.constant 0 : i32
      %dma_wait3A_1430 = tpu.memref_slice %arg18[%dma_wait3A_1428, %dma_wait3A_1429] : memref<3200x8xf32, #tpu.memory_space<vmem>> -> memref<128x8xf32, #tpu.memory_space<vmem>>
      %dma_wait3A_1431 = arith.constant 0 : i32
      %dma_wait3A_1432 = tpu.memref_slice %arg17[%dma_wait3A_1427, %dma_wait3A_1431] : memref<25x128xi32, #tpu.memory_space<vmem>> -> memref<1x128xi32, #tpu.memory_space<vmem>>
      %dma_wait3A_1433 = tpu.memref_squeeze %dma_wait3A_1432 : memref<1x128xi32, #tpu.memory_space<vmem>> -> memref<128xi32, #tpu.memory_space<vmem>>
      %dma_wait3A_1434 = arith.constant 0 : i32
      %dma_wait3A_1435 = arith.constant 0 : i32
      %dma_wait3A_1436 = tpu.memref_slice %arg8[%dma_wait3A_1434, %dma_wait3A_1435] : memref<2560000x8xf32, #tpu.memory_space<hbm>> -> memref<2560000x8xf32, #tpu.memory_space<hbm>>
      tpu.wait_indirect_dma semaphore(%arg23 : memref<!tpu.dma_semaphore, #tpu.memory_space<semaphore_mem>>) src(%dma_wait3A_1436 : memref<2560000x8xf32, #tpu.memory_space<hbm>>) dst(%dma_wait3A_1430 : memref<128x8xf32, #tpu.memory_space<vmem>>)
      %dma_wait3A_1437 = arith.constant 15 : i32
      %dma_wait3A_1438 = arith.constant 1920 : i32
      %dma_wait3A_1439 = arith.constant 0 : i32
      %dma_wait3A_1440 = tpu.memref_slice %arg18[%dma_wait3A_1438, %dma_wait3A_1439] : memref<3200x8xf32, #tpu.memory_space<vmem>> -> memref<128x8xf32, #tpu.memory_space<vmem>>
      %dma_wait3A_1441 = arith.constant 0 : i32
      %dma_wait3A_1442 = tpu.memref_slice %arg17[%dma_wait3A_1437, %dma_wait3A_1441] : memref<25x128xi32, #tpu.memory_space<vmem>> -> memref<1x128xi32, #tpu.memory_space<vmem>>
      %dma_wait3A_1443 = tpu.memref_squeeze %dma_wait3A_1442 : memref<1x128xi32, #tpu.memory_space<vmem>> -> memref<128xi32, #tpu.memory_space<vmem>>
      %dma_wait3A_1444 = arith.constant 0 : i32
      %dma_wait3A_1445 = arith.constant 0 : i32
      %dma_wait3A_1446 = tpu.memref_slice %arg8[%dma_wait3A_1444, %dma_wait3A_1445] : memref<2560000x8xf32, #tpu.memory_space<hbm>> -> memref<2560000x8xf32, #tpu.memory_space<hbm>>
      tpu.wait_indirect_dma semaphore(%arg23 : memref<!tpu.dma_semaphore, #tpu.memory_space<semaphore_mem>>) src(%dma_wait3A_1446 : memref<2560000x8xf32, #tpu.memory_space<hbm>>) dst(%dma_wait3A_1440 : memref<128x8xf32, #tpu.memory_space<vmem>>)
      %dma_wait3A_1447 = arith.constant 16 : i32
      %dma_wait3A_1448 = arith.constant 2048 : i32
      %dma_wait3A_1449 = arith.constant 0 : i32
      %dma_wait3A_1450 = tpu.memref_slice %arg18[%dma_wait3A_1448, %dma_wait3A_1449] : memref<3200x8xf32, #tpu.memory_space<vmem>> -> memref<128x8xf32, #tpu.memory_space<vmem>>
      %dma_wait3A_1451 = arith.constant 0 : i32
      %dma_wait3A_1452 = tpu.memref_slice %arg17[%dma_wait3A_1447, %dma_wait3A_1451] : memref<25x128xi32, #tpu.memory_space<vmem>> -> memref<1x128xi32, #tpu.memory_space<vmem>>
      %dma_wait3A_1453 = tpu.memref_squeeze %dma_wait3A_1452 : memref<1x128xi32, #tpu.memory_space<vmem>> -> memref<128xi32, #tpu.memory_space<vmem>>
      %dma_wait3A_1454 = arith.constant 0 : i32
      %dma_wait3A_1455 = arith.constant 0 : i32
      %dma_wait3A_1456 = tpu.memref_slice %arg8[%dma_wait3A_1454, %dma_wait3A_1455] : memref<2560000x8xf32, #tpu.memory_space<hbm>> -> memref<2560000x8xf32, #tpu.memory_space<hbm>>
      tpu.wait_indirect_dma semaphore(%arg23 : memref<!tpu.dma_semaphore, #tpu.memory_space<semaphore_mem>>) src(%dma_wait3A_1456 : memref<2560000x8xf32, #tpu.memory_space<hbm>>) dst(%dma_wait3A_1450 : memref<128x8xf32, #tpu.memory_space<vmem>>)
      %dma_wait3A_1457 = arith.constant 17 : i32
      %dma_wait3A_1458 = arith.constant 2176 : i32
      %dma_wait3A_1459 = arith.constant 0 : i32
      %dma_wait3A_1460 = tpu.memref_slice %arg18[%dma_wait3A_1458, %dma_wait3A_1459] : memref<3200x8xf32, #tpu.memory_space<vmem>> -> memref<128x8xf32, #tpu.memory_space<vmem>>
      %dma_wait3A_1461 = arith.constant 0 : i32
      %dma_wait3A_1462 = tpu.memref_slice %arg17[%dma_wait3A_1457, %dma_wait3A_1461] : memref<25x128xi32, #tpu.memory_space<vmem>> -> memref<1x128xi32, #tpu.memory_space<vmem>>
      %dma_wait3A_1463 = tpu.memref_squeeze %dma_wait3A_1462 : memref<1x128xi32, #tpu.memory_space<vmem>> -> memref<128xi32, #tpu.memory_space<vmem>>
      %dma_wait3A_1464 = arith.constant 0 : i32
      %dma_wait3A_1465 = arith.constant 0 : i32
      %dma_wait3A_1466 = tpu.memref_slice %arg8[%dma_wait3A_1464, %dma_wait3A_1465] : memref<2560000x8xf32, #tpu.memory_space<hbm>> -> memref<2560000x8xf32, #tpu.memory_space<hbm>>
      tpu.wait_indirect_dma semaphore(%arg23 : memref<!tpu.dma_semaphore, #tpu.memory_space<semaphore_mem>>) src(%dma_wait3A_1466 : memref<2560000x8xf32, #tpu.memory_space<hbm>>) dst(%dma_wait3A_1460 : memref<128x8xf32, #tpu.memory_space<vmem>>)
      %dma_wait3A_1467 = arith.constant 18 : i32
      %dma_wait3A_1468 = arith.constant 2304 : i32
      %dma_wait3A_1469 = arith.constant 0 : i32
      %dma_wait3A_1470 = tpu.memref_slice %arg18[%dma_wait3A_1468, %dma_wait3A_1469] : memref<3200x8xf32, #tpu.memory_space<vmem>> -> memref<128x8xf32, #tpu.memory_space<vmem>>
      %dma_wait3A_1471 = arith.constant 0 : i32
      %dma_wait3A_1472 = tpu.memref_slice %arg17[%dma_wait3A_1467, %dma_wait3A_1471] : memref<25x128xi32, #tpu.memory_space<vmem>> -> memref<1x128xi32, #tpu.memory_space<vmem>>
      %dma_wait3A_1473 = tpu.memref_squeeze %dma_wait3A_1472 : memref<1x128xi32, #tpu.memory_space<vmem>> -> memref<128xi32, #tpu.memory_space<vmem>>
      %dma_wait3A_1474 = arith.constant 0 : i32
      %dma_wait3A_1475 = arith.constant 0 : i32
      %dma_wait3A_1476 = tpu.memref_slice %arg8[%dma_wait3A_1474, %dma_wait3A_1475] : memref<2560000x8xf32, #tpu.memory_space<hbm>> -> memref<2560000x8xf32, #tpu.memory_space<hbm>>
      tpu.wait_indirect_dma semaphore(%arg23 : memref<!tpu.dma_semaphore, #tpu.memory_space<semaphore_mem>>) src(%dma_wait3A_1476 : memref<2560000x8xf32, #tpu.memory_space<hbm>>) dst(%dma_wait3A_1470 : memref<128x8xf32, #tpu.memory_space<vmem>>)
      %dma_wait3A_1477 = arith.constant 19 : i32
      %dma_wait3A_1478 = arith.constant 2432 : i32
      %dma_wait3A_1479 = arith.constant 0 : i32
      %dma_wait3A_1480 = tpu.memref_slice %arg18[%dma_wait3A_1478, %dma_wait3A_1479] : memref<3200x8xf32, #tpu.memory_space<vmem>> -> memref<128x8xf32, #tpu.memory_space<vmem>>
      %dma_wait3A_1481 = arith.constant 0 : i32
      %dma_wait3A_1482 = tpu.memref_slice %arg17[%dma_wait3A_1477, %dma_wait3A_1481] : memref<25x128xi32, #tpu.memory_space<vmem>> -> memref<1x128xi32, #tpu.memory_space<vmem>>
      %dma_wait3A_1483 = tpu.memref_squeeze %dma_wait3A_1482 : memref<1x128xi32, #tpu.memory_space<vmem>> -> memref<128xi32, #tpu.memory_space<vmem>>
      %dma_wait3A_1484 = arith.constant 0 : i32
      %dma_wait3A_1485 = arith.constant 0 : i32
      %dma_wait3A_1486 = tpu.memref_slice %arg8[%dma_wait3A_1484, %dma_wait3A_1485] : memref<2560000x8xf32, #tpu.memory_space<hbm>> -> memref<2560000x8xf32, #tpu.memory_space<hbm>>
      tpu.wait_indirect_dma semaphore(%arg23 : memref<!tpu.dma_semaphore, #tpu.memory_space<semaphore_mem>>) src(%dma_wait3A_1486 : memref<2560000x8xf32, #tpu.memory_space<hbm>>) dst(%dma_wait3A_1480 : memref<128x8xf32, #tpu.memory_space<vmem>>)
      %dma_wait3A_1487 = arith.constant 20 : i32
      %dma_wait3A_1488 = arith.constant 2560 : i32
      %dma_wait3A_1489 = arith.constant 0 : i32
      %dma_wait3A_1490 = tpu.memref_slice %arg18[%dma_wait3A_1488, %dma_wait3A_1489] : memref<3200x8xf32, #tpu.memory_space<vmem>> -> memref<128x8xf32, #tpu.memory_space<vmem>>
      %dma_wait3A_1491 = arith.constant 0 : i32
      %dma_wait3A_1492 = tpu.memref_slice %arg17[%dma_wait3A_1487, %dma_wait3A_1491] : memref<25x128xi32, #tpu.memory_space<vmem>> -> memref<1x128xi32, #tpu.memory_space<vmem>>
      %dma_wait3A_1493 = tpu.memref_squeeze %dma_wait3A_1492 : memref<1x128xi32, #tpu.memory_space<vmem>> -> memref<128xi32, #tpu.memory_space<vmem>>
      %dma_wait3A_1494 = arith.constant 0 : i32
      %dma_wait3A_1495 = arith.constant 0 : i32
      %dma_wait3A_1496 = tpu.memref_slice %arg8[%dma_wait3A_1494, %dma_wait3A_1495] : memref<2560000x8xf32, #tpu.memory_space<hbm>> -> memref<2560000x8xf32, #tpu.memory_space<hbm>>
      tpu.wait_indirect_dma semaphore(%arg23 : memref<!tpu.dma_semaphore, #tpu.memory_space<semaphore_mem>>) src(%dma_wait3A_1496 : memref<2560000x8xf32, #tpu.memory_space<hbm>>) dst(%dma_wait3A_1490 : memref<128x8xf32, #tpu.memory_space<vmem>>)
      %dma_wait3A_1497 = arith.constant 21 : i32
      %dma_wait3A_1498 = arith.constant 2688 : i32
      %dma_wait3A_1499 = arith.constant 0 : i32
      %dma_wait3A_1500 = tpu.memref_slice %arg18[%dma_wait3A_1498, %dma_wait3A_1499] : memref<3200x8xf32, #tpu.memory_space<vmem>> -> memref<128x8xf32, #tpu.memory_space<vmem>>
      %dma_wait3A_1501 = arith.constant 0 : i32
      %dma_wait3A_1502 = tpu.memref_slice %arg17[%dma_wait3A_1497, %dma_wait3A_1501] : memref<25x128xi32, #tpu.memory_space<vmem>> -> memref<1x128xi32, #tpu.memory_space<vmem>>
      %dma_wait3A_1503 = tpu.memref_squeeze %dma_wait3A_1502 : memref<1x128xi32, #tpu.memory_space<vmem>> -> memref<128xi32, #tpu.memory_space<vmem>>
      %dma_wait3A_1504 = arith.constant 0 : i32
      %dma_wait3A_1505 = arith.constant 0 : i32
      %dma_wait3A_1506 = tpu.memref_slice %arg8[%dma_wait3A_1504, %dma_wait3A_1505] : memref<2560000x8xf32, #tpu.memory_space<hbm>> -> memref<2560000x8xf32, #tpu.memory_space<hbm>>
      tpu.wait_indirect_dma semaphore(%arg23 : memref<!tpu.dma_semaphore, #tpu.memory_space<semaphore_mem>>) src(%dma_wait3A_1506 : memref<2560000x8xf32, #tpu.memory_space<hbm>>) dst(%dma_wait3A_1500 : memref<128x8xf32, #tpu.memory_space<vmem>>)
      %dma_wait3A_1507 = arith.constant 22 : i32
      %dma_wait3A_1508 = arith.constant 2816 : i32
      %dma_wait3A_1509 = arith.constant 0 : i32
      %dma_wait3A_1510 = tpu.memref_slice %arg18[%dma_wait3A_1508, %dma_wait3A_1509] : memref<3200x8xf32, #tpu.memory_space<vmem>> -> memref<128x8xf32, #tpu.memory_space<vmem>>
      %dma_wait3A_1511 = arith.constant 0 : i32
      %dma_wait3A_1512 = tpu.memref_slice %arg17[%dma_wait3A_1507, %dma_wait3A_1511] : memref<25x128xi32, #tpu.memory_space<vmem>> -> memref<1x128xi32, #tpu.memory_space<vmem>>
      %dma_wait3A_1513 = tpu.memref_squeeze %dma_wait3A_1512 : memref<1x128xi32, #tpu.memory_space<vmem>> -> memref<128xi32, #tpu.memory_space<vmem>>
      %dma_wait3A_1514 = arith.constant 0 : i32
      %dma_wait3A_1515 = arith.constant 0 : i32
      %dma_wait3A_1516 = tpu.memref_slice %arg8[%dma_wait3A_1514, %dma_wait3A_1515] : memref<2560000x8xf32, #tpu.memory_space<hbm>> -> memref<2560000x8xf32, #tpu.memory_space<hbm>>
      tpu.wait_indirect_dma semaphore(%arg23 : memref<!tpu.dma_semaphore, #tpu.memory_space<semaphore_mem>>) src(%dma_wait3A_1516 : memref<2560000x8xf32, #tpu.memory_space<hbm>>) dst(%dma_wait3A_1510 : memref<128x8xf32, #tpu.memory_space<vmem>>)
      %dma_wait3A_1517 = arith.constant 23 : i32
      %dma_wait3A_1518 = arith.constant 2944 : i32
      %dma_wait3A_1519 = arith.constant 0 : i32
      %dma_wait3A_1520 = tpu.memref_slice %arg18[%dma_wait3A_1518, %dma_wait3A_1519] : memref<3200x8xf32, #tpu.memory_space<vmem>> -> memref<128x8xf32, #tpu.memory_space<vmem>>
      %dma_wait3A_1521 = arith.constant 0 : i32
      %dma_wait3A_1522 = tpu.memref_slice %arg17[%dma_wait3A_1517, %dma_wait3A_1521] : memref<25x128xi32, #tpu.memory_space<vmem>> -> memref<1x128xi32, #tpu.memory_space<vmem>>
      %dma_wait3A_1523 = tpu.memref_squeeze %dma_wait3A_1522 : memref<1x128xi32, #tpu.memory_space<vmem>> -> memref<128xi32, #tpu.memory_space<vmem>>
      %dma_wait3A_1524 = arith.constant 0 : i32
      %dma_wait3A_1525 = arith.constant 0 : i32
      %dma_wait3A_1526 = tpu.memref_slice %arg8[%dma_wait3A_1524, %dma_wait3A_1525] : memref<2560000x8xf32, #tpu.memory_space<hbm>> -> memref<2560000x8xf32, #tpu.memory_space<hbm>>
      tpu.wait_indirect_dma semaphore(%arg23 : memref<!tpu.dma_semaphore, #tpu.memory_space<semaphore_mem>>) src(%dma_wait3A_1526 : memref<2560000x8xf32, #tpu.memory_space<hbm>>) dst(%dma_wait3A_1520 : memref<128x8xf32, #tpu.memory_space<vmem>>)
      %dma_wait3A_1527 = arith.constant 24 : i32
      %dma_wait3A_1528 = arith.constant 3072 : i32
      %dma_wait3A_1529 = arith.constant 0 : i32
      %dma_wait3A_1530 = tpu.memref_slice %arg18[%dma_wait3A_1528, %dma_wait3A_1529] : memref<3200x8xf32, #tpu.memory_space<vmem>> -> memref<128x8xf32, #tpu.memory_space<vmem>>
      %dma_wait3A_1531 = arith.constant 0 : i32
      %dma_wait3A_1532 = tpu.memref_slice %arg17[%dma_wait3A_1527, %dma_wait3A_1531] : memref<25x128xi32, #tpu.memory_space<vmem>> -> memref<1x128xi32, #tpu.memory_space<vmem>>
      %dma_wait3A_1533 = tpu.memref_squeeze %dma_wait3A_1532 : memref<1x128xi32, #tpu.memory_space<vmem>> -> memref<128xi32, #tpu.memory_space<vmem>>
      %dma_wait3A_1534 = arith.constant 0 : i32
      %dma_wait3A_1535 = arith.constant 0 : i32
      %dma_wait3A_1536 = tpu.memref_slice %arg8[%dma_wait3A_1534, %dma_wait3A_1535] : memref<2560000x8xf32, #tpu.memory_space<hbm>> -> memref<2560000x8xf32, #tpu.memory_space<hbm>>
      tpu.wait_indirect_dma semaphore(%arg23 : memref<!tpu.dma_semaphore, #tpu.memory_space<semaphore_mem>>) src(%dma_wait3A_1536 : memref<2560000x8xf32, #tpu.memory_space<hbm>>) dst(%dma_wait3A_1530 : memref<128x8xf32, #tpu.memory_space<vmem>>)
      %scan3A_1537 = arith.constant 0 : i32
      %scan3A_1538 = arith.constant 3.100000e+01 : f32
      %scan3A_1539 = arith.constant 0 : i32
      %scan3A_1540 = arith.constant 200 : i32
      %scan3A_1541 = arith.addi %scan3A_1539, %scan3A_1540 : i32
      %scan3A_1542 = arith.constant 1 : i32
      scf.for %scan3A_1544 = %scan3A_1539 to %scan3A_1541 step %scan3A_1542  : i32 {
        %mul3A_1545 = arith.constant 16 : i32
        %mul3A_1546 = arith.muli %scan3A_1544, %mul3A_1545 : i32
        %mul3A_1547 = arith.constant 16 : i32
        %mul3A_1548 = arith.muli %scan3A_1544, %mul3A_1547 : i32
        %add3A_1549 = vector.broadcast %mul3A_1548 : i32 to vector<16xi32>
        %add3A_1550 = arith.addi %add3A_1549, %iota3A : vector<16xi32>
        %get3A = arith.index_cast %mul3A_1546 : i32 to index
        %get3A_1551 = tpu.vector_load %arg13[%get3A] {strides = array<i32>} : memref<3200xi32, #tpu.memory_space<vmem>>, vector<16xi32>,
        %get3A_1552 = arith.index_cast %mul3A_1546 : i32 to index
        %get3A_1553 = tpu.vector_load %arg20[%get3A_1552] {strides = array<i32>} : memref<3200xf32, #tpu.memory_space<vmem>>, vector<16xf32>,
        %mul3A_1554 = arith.constant 16 : i32
        %mul3A_1555 = arith.muli %scan3A_1544, %mul3A_1554 : i32
        %add3A_1556 = vector.broadcast %mul3A_1555 : i32 to vector<16xi32>
        %add3A_1557 = arith.addi %add3A_1556, %iota3A : vector<16xi32>
        %broadcast_in_dim3A = arith.constant 0 : i32
        %broadcast_in_dim3A_1558 = vector.broadcast %broadcast_in_dim3A : i32 to vector<16xi32>
        %gather3A = tpu.vector_load_idx %arg19[%add3A_1557, %broadcast_in_dim3A_1558] : memref<3200x8xf32, #tpu.memory_space<vmem>>[vector<16xi32>, vector<16xi32>], vector<16xf32>,
        %broadcast_in_dim3A_1559 = arith.constant 1 : i32
        %broadcast_in_dim3A_1560 = vector.broadcast %broadcast_in_dim3A_1559 : i32 to vector<16xi32>
        %gather3A_1561 = tpu.vector_load_idx %arg19[%add3A_1557, %broadcast_in_dim3A_1560] : memref<3200x8xf32, #tpu.memory_space<vmem>>[vector<16xi32>, vector<16xi32>], vector<16xf32>,
        %sub3A = arith.subf %get3A_1553, %gather3A : vector<16xf32>
        %div3A = arith.divf %sub3A, %gather3A_1561 : vector<16xf32>
        %mul3A_1562 = vector.broadcast %scan3A_1538 : f32 to vector<16xf32>
        %mul3A_1563 = arith.mulf %div3A, %mul3A_1562 : vector<16xf32>
        %jit3A = arith.constant 0.000000e+00 : f32
        %jit3A_1564 = arith.constant 3.000000e+01 : f32
        %max3A = vector.broadcast %jit3A : f32 to vector<16xf32>
        %max3A_1565 = arith.maximumf %max3A, %mul3A_1563 : vector<16xf32>
        %min3A = vector.broadcast %jit3A_1564 : f32 to vector<16xf32>
        %min3A_1566 = arith.minimumf %min3A, %max3A_1565 : vector<16xf32>
        %convert_element_type3A = arith.fptosi %min3A_1566 : vector<16xf32> to vector<16xi32>
        %get3A_1567 = arith.index_cast %mul3A_1546 : i32 to index
        %get3A_1568 = tpu.vector_load %arg15[%get3A_1567] {strides = array<i32>} : memref<3200xi32, #tpu.memory_space<vmem>>, vector<16xi32>,
        %broadcast_in_dim3A_1569 = arith.constant 0 : i32
        %broadcast_in_dim3A_1570 = vector.broadcast %broadcast_in_dim3A_1569 : i32 to vector<16xi32>
        %gather3A_1571 = tpu.vector_load_idx %arg18[%add3A_1550, %broadcast_in_dim3A_1570] : memref<3200x8xf32, #tpu.memory_space<vmem>>[vector<16xi32>, vector<16xi32>], vector<16xf32>,
        %broadcast_in_dim3A_1572 = arith.constant 1 : i32
        %broadcast_in_dim3A_1573 = vector.broadcast %broadcast_in_dim3A_1572 : i32 to vector<16xi32>
        %gather3A_1574 = tpu.vector_load_idx %arg18[%add3A_1550, %broadcast_in_dim3A_1573] : memref<3200x8xf32, #tpu.memory_space<vmem>>[vector<16xi32>, vector<16xi32>], vector<16xf32>,
        %broadcast_in_dim3A_1575 = arith.constant 2 : i32
        %broadcast_in_dim3A_1576 = vector.broadcast %broadcast_in_dim3A_1575 : i32 to vector<16xi32>
        %gather3A_1577 = tpu.vector_load_idx %arg18[%add3A_1550, %broadcast_in_dim3A_1576] : memref<3200x8xf32, #tpu.memory_space<vmem>>[vector<16xi32>, vector<16xi32>], vector<16xf32>,
        %broadcast_in_dim3A_1578 = arith.constant 3 : i32
        %broadcast_in_dim3A_1579 = vector.broadcast %broadcast_in_dim3A_1578 : i32 to vector<16xi32>
        %gather3A_1580 = tpu.vector_load_idx %arg18[%add3A_1550, %broadcast_in_dim3A_1579] : memref<3200x8xf32, #tpu.memory_space<vmem>>[vector<16xi32>, vector<16xi32>], vector<16xf32>,
        %broadcast_in_dim3A_1581 = arith.constant 4 : i32
        %broadcast_in_dim3A_1582 = vector.broadcast %broadcast_in_dim3A_1581 : i32 to vector<16xi32>
        %gather3A_1583 = tpu.vector_load_idx %arg18[%add3A_1550, %broadcast_in_dim3A_1582] : memref<3200x8xf32, #tpu.memory_space<vmem>>[vector<16xi32>, vector<16xi32>], vector<16xf32>,
        %ge3A = arith.cmpf oge, %gather3A_1571, %div3A : vector<16xf32>
        %gt3A = arith.constant 0 : i32
        %gt3A_1584 = vector.broadcast %gt3A : i32 to vector<16xi32>
        %gt3A_1585 = arith.cmpi sgt, %convert_element_type3A, %gt3A_1584 : vector<16xi32>
        %and3A = arith.andi %ge3A, %gt3A_1585 : vector<16xi1>
        %lt3A = arith.cmpf olt, %gather3A_1574, %div3A : vector<16xf32>
        %lt3A_1586 = arith.constant 30 : i32
        %lt3A_1587 = vector.broadcast %lt3A_1586 : i32 to vector<16xi32>
        %lt3A_1588 = arith.cmpi slt, %convert_element_type3A, %lt3A_1587 : vector<16xi32>
        %and3A_1589 = arith.andi %lt3A, %lt3A_1588 : vector<16xi1>
        %or3A = arith.ori %and3A, %and3A_1589 : vector<16xi1>
        %while3A:7 = scf.while (%while3A_1628 = %convert_element_type3A, %while3A_1629 = %gather3A_1571, %while3A_1630 = %gather3A_1574, %while3A_1631 = %gather3A_1577, %while3A_1632 = %gather3A_1580, %while3A_1633 = %gather3A_1583, %while3A_1634 = %or3A) : (vector<16xi32>, vector<16xf32>, vector<16xf32>, vector<16xf32>, vector<16xf32>, vector<16xf32>, vector<16xi1>) -> (vector<16xi32>, vector<16xf32>, vector<16xf32>, vector<16xf32>, vector<16xf32>, vector<16xf32>, vector<16xi1>) {
          %reduce_or3A = arith.constant 1.000000e+00 : f32
          %reduce_or3A_1635 = arith.constant 0.000000e+00 : f32
          %reduce_or3A_1636 = vector.broadcast %reduce_or3A : f32 to vector<16xf32>
          %reduce_or3A_1637 = vector.broadcast %reduce_or3A_1635 : f32 to vector<16xf32>
          %reduce_or3A_1638 = arith.select %while3A_1634, %reduce_or3A_1636, %reduce_or3A_1637 : vector<16xi1>, vector<16xf32>
          %reduce_or3A_1639 = arith.constant true
          %reduce_or3A_1640 = vector.broadcast %reduce_or3A_1639 : i1 to vector<16xi1>
          %reduce_or3A_1641 = tpu.scan <max>, %reduce_or3A_1638 masked %reduce_or3A_1640 : vector<16xf32>, vector<16xi1> -> vector<16xf32>
          %reduce_or3A_1642 = vector.extract %reduce_or3A_1641[15] : f32 from vector<16xf32>
          %reduce_or3A_1643 = arith.constant 0.000000e+00 : f32
          %reduce_or3A_1644 = arith.cmpf ogt, %reduce_or3A_1642, %reduce_or3A_1643 : f32
          scf.condition(%reduce_or3A_1644) %while3A_1628, %while3A_1629, %while3A_1630, %while3A_1631, %while3A_1632, %while3A_1633, %while3A_1634 : vector<16xi32>, vector<16xf32>, vector<16xf32>, vector<16xf32>, vector<16xf32>, vector<16xf32>, vector<16xi1>
        } do {
        ^bb0(%while3A_1628: vector<16xi32>, %while3A_1629: vector<16xf32>, %while3A_1630: vector<16xf32>, %while3A_1631: vector<16xf32>, %while3A_1632: vector<16xf32>, %while3A_1633: vector<16xf32>, %while3A_1634: vector<16xi1>):
          %ge3A_1635 = arith.cmpf oge, %while3A_1629, %div3A : vector<16xf32>
          %sub3A_1636 = arith.constant 1 : i32
          %sub3A_1637 = vector.broadcast %sub3A_1636 : i32 to vector<16xi32>
          %sub3A_1638 = arith.subi %while3A_1628, %sub3A_1637 : vector<16xi32>
          %add3A_1639 = arith.constant 1 : i32
          %add3A_1640 = vector.broadcast %add3A_1639 : i32 to vector<16xi32>
          %add3A_1641 = arith.addi %while3A_1628, %add3A_1640 : vector<16xi32>
          %select_n3A = arith.select %ge3A_1635, %sub3A_1638, %add3A_1641 : vector<16xi1>, vector<16xi32>
          %select_n3A_1642 = arith.select %while3A_1634, %select_n3A, %while3A_1628 : vector<16xi1>, vector<16xi32>
          %shift_right_arithmetic3A = arith.constant 4 : i32
          %shift_right_arithmetic3A_1643 = vector.broadcast %shift_right_arithmetic3A : i32 to vector<16xi32>
          %shift_right_arithmetic3A_1644 = arith.shrsi %select_n3A_1642, %shift_right_arithmetic3A_1643 : vector<16xi32>
          %mul3A_1645 = arith.constant 3200 : i32
          %mul3A_1646 = vector.broadcast %mul3A_1645 : i32 to vector<16xi32>
          %mul3A_1647 = arith.muli %shift_right_arithmetic3A_1644, %mul3A_1646 : vector<16xi32>
          %add3A_1648 = arith.addi %get3A_1568, %mul3A_1647 : vector<16xi32>
          %and3A_1649 = arith.constant 15 : i32
          %and3A_1650 = vector.broadcast %and3A_1649 : i32 to vector<16xi32>
          %and3A_1651 = arith.andi %select_n3A_1642, %and3A_1650 : vector<16xi32>
          %add3A_1652 = arith.addi %add3A_1648, %and3A_1651 : vector<16xi32>
          %dma_start3A_1653 = arith.constant 0 : i32
          %dma_start3A_1654 = arith.constant 0 : i32
          %dma_start3A_1655 = tpu.memref_slice %arg8[%dma_start3A_1653, %dma_start3A_1654] : memref<2560000x8xf32, #tpu.memory_space<hbm>> -> memref<2560000x8xf32, #tpu.memory_space<hbm>>
          tpu.enqueue_indirect_dma source(%dma_start3A_1655 : memref<2560000x8xf32, #tpu.memory_space<hbm>>) target(%arg22 : memref<16x8xf32, #tpu.memory_space<vmem>>) offsets(%add3A_1652 : vector<16xi32>) semaphore(%arg24 : memref<!tpu.dma_semaphore, #tpu.memory_space<semaphore_mem>>)
          %dma_wait3A_1656 = arith.constant 0 : i32
          %dma_wait3A_1657 = arith.constant 0 : i32
          %dma_wait3A_1658 = tpu.memref_slice %arg8[%dma_wait3A_1656, %dma_wait3A_1657] : memref<2560000x8xf32, #tpu.memory_space<hbm>> -> memref<2560000x8xf32, #tpu.memory_space<hbm>>
          tpu.wait_indirect_dma semaphore(%arg24 : memref<!tpu.dma_semaphore, #tpu.memory_space<semaphore_mem>>) src(%dma_wait3A_1658 : memref<2560000x8xf32, #tpu.memory_space<hbm>>) dst(%arg22 : memref<16x8xf32, #tpu.memory_space<vmem>>)
          %broadcast_in_dim3A_1659 = arith.constant 0 : i32
          %broadcast_in_dim3A_1660 = vector.broadcast %broadcast_in_dim3A_1659 : i32 to vector<16xi32>
          %gather3A_1661 = tpu.vector_load_idx %arg22[%iota3A, %broadcast_in_dim3A_1660] : memref<16x8xf32, #tpu.memory_space<vmem>>[vector<16xi32>, vector<16xi32>], vector<16xf32>,
          %broadcast_in_dim3A_1662 = arith.constant 1 : i32
          %broadcast_in_dim3A_1663 = vector.broadcast %broadcast_in_dim3A_1662 : i32 to vector<16xi32>
          %gather3A_1664 = tpu.vector_load_idx %arg22[%iota3A, %broadcast_in_dim3A_1663] : memref<16x8xf32, #tpu.memory_space<vmem>>[vector<16xi32>, vector<16xi32>], vector<16xf32>,
          %broadcast_in_dim3A_1665 = arith.constant 2 : i32
          %broadcast_in_dim3A_1666 = vector.broadcast %broadcast_in_dim3A_1665 : i32 to vector<16xi32>
          %gather3A_1667 = tpu.vector_load_idx %arg22[%iota3A, %broadcast_in_dim3A_1666] : memref<16x8xf32, #tpu.memory_space<vmem>>[vector<16xi32>, vector<16xi32>], vector<16xf32>,
          %broadcast_in_dim3A_1668 = arith.constant 3 : i32
          %broadcast_in_dim3A_1669 = vector.broadcast %broadcast_in_dim3A_1668 : i32 to vector<16xi32>
          %gather3A_1670 = tpu.vector_load_idx %arg22[%iota3A, %broadcast_in_dim3A_1669] : memref<16x8xf32, #tpu.memory_space<vmem>>[vector<16xi32>, vector<16xi32>], vector<16xf32>,
          %broadcast_in_dim3A_1671 = arith.constant 4 : i32
          %broadcast_in_dim3A_1672 = vector.broadcast %broadcast_in_dim3A_1671 : i32 to vector<16xi32>
          %gather3A_1673 = tpu.vector_load_idx %arg22[%iota3A, %broadcast_in_dim3A_1672] : memref<16x8xf32, #tpu.memory_space<vmem>>[vector<16xi32>, vector<16xi32>], vector<16xf32>,
          %select_n3A_1674 = arith.select %while3A_1634, %gather3A_1661, %while3A_1629 : vector<16xi1>, vector<16xf32>
          %select_n3A_1675 = arith.select %while3A_1634, %gather3A_1664, %while3A_1630 : vector<16xi1>, vector<16xf32>
          %select_n3A_1676 = arith.select %while3A_1634, %gather3A_1667, %while3A_1631 : vector<16xi1>, vector<16xf32>
          %select_n3A_1677 = arith.select %while3A_1634, %gather3A_1670, %while3A_1632 : vector<16xi1>, vector<16xf32>
          %select_n3A_1678 = arith.select %while3A_1634, %gather3A_1673, %while3A_1633 : vector<16xi1>, vector<16xf32>
          %ge3A_1679 = arith.cmpf oge, %select_n3A_1674, %div3A : vector<16xf32>
          %gt3A_1680 = arith.constant 0 : i32
          %gt3A_1681 = vector.broadcast %gt3A_1680 : i32 to vector<16xi32>
          %gt3A_1682 = arith.cmpi sgt, %select_n3A_1642, %gt3A_1681 : vector<16xi32>
          %and3A_1683 = arith.andi %ge3A_1679, %gt3A_1682 : vector<16xi1>
          %lt3A_1684 = arith.cmpf olt, %select_n3A_1675, %div3A : vector<16xf32>
          %lt3A_1685 = arith.constant 30 : i32
          %lt3A_1686 = vector.broadcast %lt3A_1685 : i32 to vector<16xi32>
          %lt3A_1687 = arith.cmpi slt, %select_n3A_1642, %lt3A_1686 : vector<16xi32>
          %and3A_1688 = arith.andi %lt3A_1684, %lt3A_1687 : vector<16xi1>
          %or3A_1689 = arith.ori %and3A_1683, %and3A_1688 : vector<16xi1>
          scf.yield %select_n3A_1642, %select_n3A_1674, %select_n3A_1675, %select_n3A_1676, %select_n3A_1677, %select_n3A_1678, %or3A_1689 : vector<16xi32>, vector<16xf32>, vector<16xf32>, vector<16xf32>, vector<16xf32>, vector<16xf32>, vector<16xi1>
        }
        %mul3A_1590 = arith.mulf %gather3A_1561, %while3A#1 : vector<16xf32>
        %add3A_1591 = arith.addf %gather3A, %mul3A_1590 : vector<16xf32>
        %sub3A_1592 = arith.subf %while3A#2, %while3A#1 : vector<16xf32>
        %mul3A_1593 = arith.mulf %gather3A_1561, %sub3A_1592 : vector<16xf32>
        %sub3A_1594 = arith.subf %get3A_1553, %add3A_1591 : vector<16xf32>
        %max3A_1595 = arith.constant 9.99999996E-13 : f32
        %max3A_1596 = vector.broadcast %max3A_1595 : f32 to vector<16xf32>
        %max3A_1597 = arith.maximumf %mul3A_1593, %max3A_1596 : vector<16xf32>
        %div3A_1598 = arith.divf %sub3A_1594, %max3A_1597 : vector<16xf32>
        %jit3A_1599 = arith.constant 0.000000e+00 : f32
        %jit3A_1600 = arith.constant 1.000000e+00 : f32
        %max3A_1601 = vector.broadcast %jit3A_1599 : f32 to vector<16xf32>
        %max3A_1602 = arith.maximumf %max3A_1601, %div3A_1598 : vector<16xf32>
        %min3A_1603 = vector.broadcast %jit3A_1600 : f32 to vector<16xf32>
        %min3A_1604 = arith.minimumf %min3A_1603, %max3A_1602 : vector<16xf32>
        %mul3A_1605 = arith.mulf %min3A_1604, %mul3A_1593 : vector<16xf32>
        %mul3A_1606 = arith.mulf %mul3A_1605, %while3A#3 : vector<16xf32>
        %add3A_1607 = arith.addf %while3A#5, %mul3A_1606 : vector<16xf32>
        %mul3A_1608 = arith.constant 5.000000e-01 : f32
        %mul3A_1609 = vector.broadcast %mul3A_1608 : f32 to vector<16xf32>
        %mul3A_1610 = arith.mulf %mul3A_1609, %min3A_1604 : vector<16xf32>
        %mul3A_1611 = arith.mulf %mul3A_1610, %min3A_1604 : vector<16xf32>
        %mul3A_1612 = arith.mulf %mul3A_1611, %mul3A_1593 : vector<16xf32>
        %sub3A_1613 = arith.subf %while3A#4, %while3A#3 : vector<16xf32>
        %mul3A_1614 = arith.mulf %mul3A_1612, %sub3A_1613 : vector<16xf32>
        %add3A_1615 = arith.addf %add3A_1607, %mul3A_1614 : vector<16xf32>
        %sub3A_1616 = arith.subf %while3A#4, %while3A#3 : vector<16xf32>
        %mul3A_1617 = arith.mulf %min3A_1604, %sub3A_1616 : vector<16xf32>
        %add3A_1618 = arith.addf %while3A#3, %mul3A_1617 : vector<16xf32>
        %max3A_1619 = arith.constant 9.99999996E-13 : f32
        %max3A_1620 = vector.broadcast %max3A_1619 : f32 to vector<16xf32>
        %max3A_1621 = arith.maximumf %add3A_1618, %max3A_1620 : vector<16xf32>
        %swap3A = arith.index_cast %mul3A_1546 : i32 to index
        %swap3A_1622 = tpu.vector_load %arg20[%swap3A] {strides = array<i32>} : memref<3200xf32, #tpu.memory_space<vmem>>, vector<16xf32>,
        tpu.vector_store %arg20[%swap3A], %add3A_1615 {strides = array<i32>} : memref<3200xf32, #tpu.memory_space<vmem>>, vector<16xf32>,
        %get3A_1623 = arith.index_cast %mul3A_1546 : i32 to index
        %get3A_1624 = tpu.vector_load %arg21[%get3A_1623] {strides = array<i32>} : memref<3200xf32, #tpu.memory_space<vmem>>, vector<16xf32>,
        %mul3A_1625 = arith.mulf %get3A_1624, %max3A_1621 : vector<16xf32>
        %swap3A_1626 = arith.index_cast %mul3A_1546 : i32 to index
        %swap3A_1627 = tpu.vector_load %arg21[%swap3A_1626] {strides = array<i32>} : memref<3200xf32, #tpu.memory_space<vmem>>, vector<16xf32>,
        tpu.vector_store %arg21[%swap3A_1626], %mul3A_1625 {strides = array<i32>} : memref<3200xf32, #tpu.memory_space<vmem>>, vector<16xf32>,
      }
      %scan3A_1543 = arith.constant 200 : i32
      "tpu.region"() ({
        %run_scoped3A = tpu.sem_alloc : memref<!tpu.dma_semaphore, #tpu.memory_space<semaphore_mem>>
        %dma_start3A_1544 = tpu.memref_slice %arg10[%add3A_11] : memref<512000xf32, #tpu.memory_space<hbm>> -> memref<3200xf32, #tpu.memory_space<hbm>>
        %dma_start3A_1545 = tpu.memref_slice %arg10[%add3A_11] : memref<512000xf32, #tpu.memory_space<hbm>> -> memref<3200xf32, #tpu.memory_space<hbm>>
        tpu.enqueue_dma source(%arg20 : memref<3200xf32, #tpu.memory_space<vmem>>) target(%dma_start3A_1545 : memref<3200xf32, #tpu.memory_space<hbm>>) target_semaphore(%run_scoped3A : memref<!tpu.dma_semaphore, #tpu.memory_space<semaphore_mem>>)
        %dma_wait3A_1546 = tpu.memref_slice %arg10[%add3A_11] : memref<512000xf32, #tpu.memory_space<hbm>> -> memref<3200xf32, #tpu.memory_space<hbm>>
        %dma_wait3A_1547 = tpu.memref_slice %arg10[%add3A_11] : memref<512000xf32, #tpu.memory_space<hbm>> -> memref<3200xf32, #tpu.memory_space<hbm>>
        tpu.wait_dma2 semaphore(%run_scoped3A : memref<!tpu.dma_semaphore, #tpu.memory_space<semaphore_mem>>) src(%arg20 : memref<3200xf32, #tpu.memory_space<vmem>>) dst(%dma_wait3A_1547 : memref<3200xf32, #tpu.memory_space<hbm>>)
        tpu.yield
      }) : () -> ()
      "tpu.region"() ({
        %run_scoped3A = tpu.sem_alloc : memref<!tpu.dma_semaphore, #tpu.memory_space<semaphore_mem>>
        %dma_start3A_1544 = tpu.memref_slice %arg11[%add3A_11] : memref<512000xf32, #tpu.memory_space<hbm>> -> memref<3200xf32, #tpu.memory_space<hbm>>
        %dma_start3A_1545 = tpu.memref_slice %arg11[%add3A_11] : memref<512000xf32, #tpu.memory_space<hbm>> -> memref<3200xf32, #tpu.memory_space<hbm>>
        tpu.enqueue_dma source(%arg21 : memref<3200xf32, #tpu.memory_space<vmem>>) target(%dma_start3A_1545 : memref<3200xf32, #tpu.memory_space<hbm>>) target_semaphore(%run_scoped3A : memref<!tpu.dma_semaphore, #tpu.memory_space<semaphore_mem>>)
        %dma_wait3A_1546 = tpu.memref_slice %arg11[%add3A_11] : memref<512000xf32, #tpu.memory_space<hbm>> -> memref<3200xf32, #tpu.memory_space<hbm>>
        %dma_wait3A_1547 = tpu.memref_slice %arg11[%add3A_11] : memref<512000xf32, #tpu.memory_space<hbm>> -> memref<3200xf32, #tpu.memory_space<hbm>>
        tpu.wait_dma2 semaphore(%run_scoped3A : memref<!tpu.dma_semaphore, #tpu.memory_space<semaphore_mem>>) src(%arg21 : memref<3200xf32, #tpu.memory_space<vmem>>) dst(%dma_wait3A_1547 : memref<3200xf32, #tpu.memory_space<hbm>>)
        tpu.yield
      }) : () -> ()
    }
    %scan3A_7 = arith.constant 5 : i32
    return
  }
}

module attributes {stable_mosaic.version = 14 : i64} {
  func.func @_k2_body(%arg0: memref<16x5000xf32, #tpu.memory_space<vmem>>, %arg1: memref<16x5000xf32, #tpu.memory_space<vmem>>, %arg2: memref<16x5000xf32, #tpu.memory_space<vmem>>, %arg3: memref<16x5000xf32, #tpu.memory_space<vmem>>, %arg4: memref<16x5000xf32, #tpu.memory_space<vmem>>, %arg5: memref<16x5000xf32, #tpu.memory_space<vmem>>, %arg6: memref<16x1xf32, #tpu.memory_space<vmem>>, %arg7: memref<16x1xf32, #tpu.memory_space<vmem>>) attributes {dimension_semantics = [], scalar_prefetch = 0 : i64, scratch_operands = 0 : i64, tpu.core_type = #tpu.core_type<tc>} {
    %get3A = arith.constant 0 : index
    %get3A_0 = arith.constant 0 : index
    %get3A_1 = vector.load %arg0[%get3A, %get3A_0] : memref<16x5000xf32, #tpu.memory_space<vmem>>, vector<16x5000xf32>
    %mul3A = arith.constant 2.000000e-04 : f32
    %mul3A_2 = vector.broadcast %mul3A : f32 to vector<16x5000xf32>
    %mul3A_3 = arith.mulf %get3A_1, %mul3A_2 : vector<16x5000xf32>
    %reduce_sum3A = arith.constant dense<0.000000e+00> : vector<16xf32>
    %reduce_sum3A_4 = vector.multi_reduction <add>, %mul3A_3, %reduce_sum3A [1] : vector<16x5000xf32> to vector<16xf32>
    %broadcast_in_dim3A = vector.shape_cast %reduce_sum3A_4 : vector<16xf32> to vector<16x1xf32>
    %div3A = vector.broadcast %broadcast_in_dim3A : vector<16x1xf32> to vector<16x5000xf32>
    %div3A_5 = arith.divf %mul3A_3, %div3A : vector<16x5000xf32>
    %broadcast_in_dim3A_6 = arith.constant 0.000000e+00 : f32
    %broadcast_in_dim3A_7 = vector.broadcast %broadcast_in_dim3A_6 : f32 to vector<16x1xf32>
    %slice3A = vector.extract_strided_slice %div3A_5 {offsets = [0, 0], sizes = [16, 4999], strides = [1, 1]} : vector<16x5000xf32> to vector<16x4999xf32>
    %concatenate3A = tpu.concatenate %broadcast_in_dim3A_7, %slice3A in 1 : vector<16x1xf32>, vector<16x4999xf32> -> vector<16x5000xf32>
    %add3A = arith.addf %div3A_5, %concatenate3A : vector<16x5000xf32>
    %broadcast_in_dim3A_8 = arith.constant 0.000000e+00 : f32
    %broadcast_in_dim3A_9 = vector.broadcast %broadcast_in_dim3A_8 : f32 to vector<16x2xf32>
    %slice3A_10 = vector.extract_strided_slice %add3A {offsets = [0, 0], sizes = [16, 4998], strides = [1, 1]} : vector<16x5000xf32> to vector<16x4998xf32>
    %concatenate3A_11 = tpu.concatenate %broadcast_in_dim3A_9, %slice3A_10 in 1 : vector<16x2xf32>, vector<16x4998xf32> -> vector<16x5000xf32>
    %add3A_12 = arith.addf %add3A, %concatenate3A_11 : vector<16x5000xf32>
    %broadcast_in_dim3A_13 = arith.constant 0.000000e+00 : f32
    %broadcast_in_dim3A_14 = vector.broadcast %broadcast_in_dim3A_13 : f32 to vector<16x4xf32>
    %slice3A_15 = vector.extract_strided_slice %add3A_12 {offsets = [0, 0], sizes = [16, 4996], strides = [1, 1]} : vector<16x5000xf32> to vector<16x4996xf32>
    %concatenate3A_16 = tpu.concatenate %broadcast_in_dim3A_14, %slice3A_15 in 1 : vector<16x4xf32>, vector<16x4996xf32> -> vector<16x5000xf32>
    %add3A_17 = arith.addf %add3A_12, %concatenate3A_16 : vector<16x5000xf32>
    %broadcast_in_dim3A_18 = arith.constant 0.000000e+00 : f32
    %broadcast_in_dim3A_19 = vector.broadcast %broadcast_in_dim3A_18 : f32 to vector<16x8xf32>
    %slice3A_20 = vector.extract_strided_slice %add3A_17 {offsets = [0, 0], sizes = [16, 4992], strides = [1, 1]} : vector<16x5000xf32> to vector<16x4992xf32>
    %concatenate3A_21 = tpu.concatenate %broadcast_in_dim3A_19, %slice3A_20 in 1 : vector<16x8xf32>, vector<16x4992xf32> -> vector<16x5000xf32>
    %add3A_22 = arith.addf %add3A_17, %concatenate3A_21 : vector<16x5000xf32>
    %broadcast_in_dim3A_23 = arith.constant 0.000000e+00 : f32
    %broadcast_in_dim3A_24 = vector.broadcast %broadcast_in_dim3A_23 : f32 to vector<16x16xf32>
    %slice3A_25 = vector.extract_strided_slice %add3A_22 {offsets = [0, 0], sizes = [16, 4984], strides = [1, 1]} : vector<16x5000xf32> to vector<16x4984xf32>
    %concatenate3A_26 = tpu.concatenate %broadcast_in_dim3A_24, %slice3A_25 in 1 : vector<16x16xf32>, vector<16x4984xf32> -> vector<16x5000xf32>
    %add3A_27 = arith.addf %add3A_22, %concatenate3A_26 : vector<16x5000xf32>
    %broadcast_in_dim3A_28 = arith.constant 0.000000e+00 : f32
    %broadcast_in_dim3A_29 = vector.broadcast %broadcast_in_dim3A_28 : f32 to vector<16x32xf32>
    %slice3A_30 = vector.extract_strided_slice %add3A_27 {offsets = [0, 0], sizes = [16, 4968], strides = [1, 1]} : vector<16x5000xf32> to vector<16x4968xf32>
    %concatenate3A_31 = tpu.concatenate %broadcast_in_dim3A_29, %slice3A_30 in 1 : vector<16x32xf32>, vector<16x4968xf32> -> vector<16x5000xf32>
    %add3A_32 = arith.addf %add3A_27, %concatenate3A_31 : vector<16x5000xf32>
    %broadcast_in_dim3A_33 = arith.constant 0.000000e+00 : f32
    %broadcast_in_dim3A_34 = vector.broadcast %broadcast_in_dim3A_33 : f32 to vector<16x64xf32>
    %slice3A_35 = vector.extract_strided_slice %add3A_32 {offsets = [0, 0], sizes = [16, 4936], strides = [1, 1]} : vector<16x5000xf32> to vector<16x4936xf32>
    %concatenate3A_36 = tpu.concatenate %broadcast_in_dim3A_34, %slice3A_35 in 1 : vector<16x64xf32>, vector<16x4936xf32> -> vector<16x5000xf32>
    %add3A_37 = arith.addf %add3A_32, %concatenate3A_36 : vector<16x5000xf32>
    %broadcast_in_dim3A_38 = arith.constant 0.000000e+00 : f32
    %broadcast_in_dim3A_39 = vector.broadcast %broadcast_in_dim3A_38 : f32 to vector<16x128xf32>
    %slice3A_40 = vector.extract_strided_slice %add3A_37 {offsets = [0, 0], sizes = [16, 4872], strides = [1, 1]} : vector<16x5000xf32> to vector<16x4872xf32>
    %concatenate3A_41 = tpu.concatenate %broadcast_in_dim3A_39, %slice3A_40 in 1 : vector<16x128xf32>, vector<16x4872xf32> -> vector<16x5000xf32>
    %add3A_42 = arith.addf %add3A_37, %concatenate3A_41 : vector<16x5000xf32>
    %broadcast_in_dim3A_43 = arith.constant 0.000000e+00 : f32
    %broadcast_in_dim3A_44 = vector.broadcast %broadcast_in_dim3A_43 : f32 to vector<16x256xf32>
    %slice3A_45 = vector.extract_strided_slice %add3A_42 {offsets = [0, 0], sizes = [16, 4744], strides = [1, 1]} : vector<16x5000xf32> to vector<16x4744xf32>
    %concatenate3A_46 = tpu.concatenate %broadcast_in_dim3A_44, %slice3A_45 in 1 : vector<16x256xf32>, vector<16x4744xf32> -> vector<16x5000xf32>
    %add3A_47 = arith.addf %add3A_42, %concatenate3A_46 : vector<16x5000xf32>
    %broadcast_in_dim3A_48 = arith.constant 0.000000e+00 : f32
    %broadcast_in_dim3A_49 = vector.broadcast %broadcast_in_dim3A_48 : f32 to vector<16x512xf32>
    %slice3A_50 = vector.extract_strided_slice %add3A_47 {offsets = [0, 0], sizes = [16, 4488], strides = [1, 1]} : vector<16x5000xf32> to vector<16x4488xf32>
    %concatenate3A_51 = tpu.concatenate %broadcast_in_dim3A_49, %slice3A_50 in 1 : vector<16x512xf32>, vector<16x4488xf32> -> vector<16x5000xf32>
    %add3A_52 = arith.addf %add3A_47, %concatenate3A_51 : vector<16x5000xf32>
    %broadcast_in_dim3A_53 = arith.constant 0.000000e+00 : f32
    %broadcast_in_dim3A_54 = vector.broadcast %broadcast_in_dim3A_53 : f32 to vector<16x1024xf32>
    %slice3A_55 = vector.extract_strided_slice %add3A_52 {offsets = [0, 0], sizes = [16, 3976], strides = [1, 1]} : vector<16x5000xf32> to vector<16x3976xf32>
    %concatenate3A_56 = tpu.concatenate %broadcast_in_dim3A_54, %slice3A_55 in 1 : vector<16x1024xf32>, vector<16x3976xf32> -> vector<16x5000xf32>
    %add3A_57 = arith.addf %add3A_52, %concatenate3A_56 : vector<16x5000xf32>
    %broadcast_in_dim3A_58 = arith.constant 0.000000e+00 : f32
    %broadcast_in_dim3A_59 = vector.broadcast %broadcast_in_dim3A_58 : f32 to vector<16x2048xf32>
    %slice3A_60 = vector.extract_strided_slice %add3A_57 {offsets = [0, 0], sizes = [16, 2952], strides = [1, 1]} : vector<16x5000xf32> to vector<16x2952xf32>
    %concatenate3A_61 = tpu.concatenate %broadcast_in_dim3A_59, %slice3A_60 in 1 : vector<16x2048xf32>, vector<16x2952xf32> -> vector<16x5000xf32>
    %add3A_62 = arith.addf %add3A_57, %concatenate3A_61 : vector<16x5000xf32>
    %broadcast_in_dim3A_63 = arith.constant 0.000000e+00 : f32
    %broadcast_in_dim3A_64 = vector.broadcast %broadcast_in_dim3A_63 : f32 to vector<16x4096xf32>
    %slice3A_65 = vector.extract_strided_slice %add3A_62 {offsets = [0, 0], sizes = [16, 904], strides = [1, 1]} : vector<16x5000xf32> to vector<16x904xf32>
    %concatenate3A_66 = tpu.concatenate %broadcast_in_dim3A_64, %slice3A_65 in 1 : vector<16x4096xf32>, vector<16x904xf32> -> vector<16x5000xf32>
    %add3A_67 = arith.addf %add3A_62, %concatenate3A_66 : vector<16x5000xf32>
    %broadcast_in_dim3A_68 = arith.constant 0.000000e+00 : f32
    %broadcast_in_dim3A_69 = vector.broadcast %broadcast_in_dim3A_68 : f32 to vector<16x1xf32>
    %slice3A_70 = vector.extract_strided_slice %add3A_67 {offsets = [0, 0], sizes = [16, 4999], strides = [1, 1]} : vector<16x5000xf32> to vector<16x4999xf32>
    %concatenate3A_71 = tpu.concatenate %broadcast_in_dim3A_69, %slice3A_70 in 1 : vector<16x1xf32>, vector<16x4999xf32> -> vector<16x5000xf32>
    %get3A_72 = arith.constant 0 : index
    %get3A_73 = arith.constant 0 : index
    %get3A_74 = vector.load %arg1[%get3A_72, %get3A_73] : memref<16x5000xf32, #tpu.memory_space<vmem>>, vector<16x5000xf32>
    %mul3A_75 = arith.mulf %div3A_5, %get3A_74 : vector<16x5000xf32>
    %reduce_sum3A_76 = arith.constant dense<0.000000e+00> : vector<16xf32>
    %reduce_sum3A_77 = vector.multi_reduction <add>, %mul3A_75, %reduce_sum3A_76 [1] : vector<16x5000xf32> to vector<16xf32>
    %broadcast_in_dim3A_78 = vector.shape_cast %reduce_sum3A_77 : vector<16xf32> to vector<16x1xf32>
    %div3A_79 = vector.broadcast %broadcast_in_dim3A_78 : vector<16x1xf32> to vector<16x5000xf32>
    %div3A_80 = arith.divf %mul3A_75, %div3A_79 : vector<16x5000xf32>
    %broadcast_in_dim3A_81 = arith.constant 0.000000e+00 : f32
    %broadcast_in_dim3A_82 = vector.broadcast %broadcast_in_dim3A_81 : f32 to vector<16x1xf32>
    %slice3A_83 = vector.extract_strided_slice %div3A_80 {offsets = [0, 0], sizes = [16, 4999], strides = [1, 1]} : vector<16x5000xf32> to vector<16x4999xf32>
    %concatenate3A_84 = tpu.concatenate %broadcast_in_dim3A_82, %slice3A_83 in 1 : vector<16x1xf32>, vector<16x4999xf32> -> vector<16x5000xf32>
    %add3A_85 = arith.addf %div3A_80, %concatenate3A_84 : vector<16x5000xf32>
    %broadcast_in_dim3A_86 = arith.constant 0.000000e+00 : f32
    %broadcast_in_dim3A_87 = vector.broadcast %broadcast_in_dim3A_86 : f32 to vector<16x2xf32>
    %slice3A_88 = vector.extract_strided_slice %add3A_85 {offsets = [0, 0], sizes = [16, 4998], strides = [1, 1]} : vector<16x5000xf32> to vector<16x4998xf32>
    %concatenate3A_89 = tpu.concatenate %broadcast_in_dim3A_87, %slice3A_88 in 1 : vector<16x2xf32>, vector<16x4998xf32> -> vector<16x5000xf32>
    %add3A_90 = arith.addf %add3A_85, %concatenate3A_89 : vector<16x5000xf32>
    %broadcast_in_dim3A_91 = arith.constant 0.000000e+00 : f32
    %broadcast_in_dim3A_92 = vector.broadcast %broadcast_in_dim3A_91 : f32 to vector<16x4xf32>
    %slice3A_93 = vector.extract_strided_slice %add3A_90 {offsets = [0, 0], sizes = [16, 4996], strides = [1, 1]} : vector<16x5000xf32> to vector<16x4996xf32>
    %concatenate3A_94 = tpu.concatenate %broadcast_in_dim3A_92, %slice3A_93 in 1 : vector<16x4xf32>, vector<16x4996xf32> -> vector<16x5000xf32>
    %add3A_95 = arith.addf %add3A_90, %concatenate3A_94 : vector<16x5000xf32>
    %broadcast_in_dim3A_96 = arith.constant 0.000000e+00 : f32
    %broadcast_in_dim3A_97 = vector.broadcast %broadcast_in_dim3A_96 : f32 to vector<16x8xf32>
    %slice3A_98 = vector.extract_strided_slice %add3A_95 {offsets = [0, 0], sizes = [16, 4992], strides = [1, 1]} : vector<16x5000xf32> to vector<16x4992xf32>
    %concatenate3A_99 = tpu.concatenate %broadcast_in_dim3A_97, %slice3A_98 in 1 : vector<16x8xf32>, vector<16x4992xf32> -> vector<16x5000xf32>
    %add3A_100 = arith.addf %add3A_95, %concatenate3A_99 : vector<16x5000xf32>
    %broadcast_in_dim3A_101 = arith.constant 0.000000e+00 : f32
    %broadcast_in_dim3A_102 = vector.broadcast %broadcast_in_dim3A_101 : f32 to vector<16x16xf32>
    %slice3A_103 = vector.extract_strided_slice %add3A_100 {offsets = [0, 0], sizes = [16, 4984], strides = [1, 1]} : vector<16x5000xf32> to vector<16x4984xf32>
    %concatenate3A_104 = tpu.concatenate %broadcast_in_dim3A_102, %slice3A_103 in 1 : vector<16x16xf32>, vector<16x4984xf32> -> vector<16x5000xf32>
    %add3A_105 = arith.addf %add3A_100, %concatenate3A_104 : vector<16x5000xf32>
    %broadcast_in_dim3A_106 = arith.constant 0.000000e+00 : f32
    %broadcast_in_dim3A_107 = vector.broadcast %broadcast_in_dim3A_106 : f32 to vector<16x32xf32>
    %slice3A_108 = vector.extract_strided_slice %add3A_105 {offsets = [0, 0], sizes = [16, 4968], strides = [1, 1]} : vector<16x5000xf32> to vector<16x4968xf32>
    %concatenate3A_109 = tpu.concatenate %broadcast_in_dim3A_107, %slice3A_108 in 1 : vector<16x32xf32>, vector<16x4968xf32> -> vector<16x5000xf32>
    %add3A_110 = arith.addf %add3A_105, %concatenate3A_109 : vector<16x5000xf32>
    %broadcast_in_dim3A_111 = arith.constant 0.000000e+00 : f32
    %broadcast_in_dim3A_112 = vector.broadcast %broadcast_in_dim3A_111 : f32 to vector<16x64xf32>
    %slice3A_113 = vector.extract_strided_slice %add3A_110 {offsets = [0, 0], sizes = [16, 4936], strides = [1, 1]} : vector<16x5000xf32> to vector<16x4936xf32>
    %concatenate3A_114 = tpu.concatenate %broadcast_in_dim3A_112, %slice3A_113 in 1 : vector<16x64xf32>, vector<16x4936xf32> -> vector<16x5000xf32>
    %add3A_115 = arith.addf %add3A_110, %concatenate3A_114 : vector<16x5000xf32>
    %broadcast_in_dim3A_116 = arith.constant 0.000000e+00 : f32
    %broadcast_in_dim3A_117 = vector.broadcast %broadcast_in_dim3A_116 : f32 to vector<16x128xf32>
    %slice3A_118 = vector.extract_strided_slice %add3A_115 {offsets = [0, 0], sizes = [16, 4872], strides = [1, 1]} : vector<16x5000xf32> to vector<16x4872xf32>
    %concatenate3A_119 = tpu.concatenate %broadcast_in_dim3A_117, %slice3A_118 in 1 : vector<16x128xf32>, vector<16x4872xf32> -> vector<16x5000xf32>
    %add3A_120 = arith.addf %add3A_115, %concatenate3A_119 : vector<16x5000xf32>
    %broadcast_in_dim3A_121 = arith.constant 0.000000e+00 : f32
    %broadcast_in_dim3A_122 = vector.broadcast %broadcast_in_dim3A_121 : f32 to vector<16x256xf32>
    %slice3A_123 = vector.extract_strided_slice %add3A_120 {offsets = [0, 0], sizes = [16, 4744], strides = [1, 1]} : vector<16x5000xf32> to vector<16x4744xf32>
    %concatenate3A_124 = tpu.concatenate %broadcast_in_dim3A_122, %slice3A_123 in 1 : vector<16x256xf32>, vector<16x4744xf32> -> vector<16x5000xf32>
    %add3A_125 = arith.addf %add3A_120, %concatenate3A_124 : vector<16x5000xf32>
    %broadcast_in_dim3A_126 = arith.constant 0.000000e+00 : f32
    %broadcast_in_dim3A_127 = vector.broadcast %broadcast_in_dim3A_126 : f32 to vector<16x512xf32>
    %slice3A_128 = vector.extract_strided_slice %add3A_125 {offsets = [0, 0], sizes = [16, 4488], strides = [1, 1]} : vector<16x5000xf32> to vector<16x4488xf32>
    %concatenate3A_129 = tpu.concatenate %broadcast_in_dim3A_127, %slice3A_128 in 1 : vector<16x512xf32>, vector<16x4488xf32> -> vector<16x5000xf32>
    %add3A_130 = arith.addf %add3A_125, %concatenate3A_129 : vector<16x5000xf32>
    %broadcast_in_dim3A_131 = arith.constant 0.000000e+00 : f32
    %broadcast_in_dim3A_132 = vector.broadcast %broadcast_in_dim3A_131 : f32 to vector<16x1024xf32>
    %slice3A_133 = vector.extract_strided_slice %add3A_130 {offsets = [0, 0], sizes = [16, 3976], strides = [1, 1]} : vector<16x5000xf32> to vector<16x3976xf32>
    %concatenate3A_134 = tpu.concatenate %broadcast_in_dim3A_132, %slice3A_133 in 1 : vector<16x1024xf32>, vector<16x3976xf32> -> vector<16x5000xf32>
    %add3A_135 = arith.addf %add3A_130, %concatenate3A_134 : vector<16x5000xf32>
    %broadcast_in_dim3A_136 = arith.constant 0.000000e+00 : f32
    %broadcast_in_dim3A_137 = vector.broadcast %broadcast_in_dim3A_136 : f32 to vector<16x2048xf32>
    %slice3A_138 = vector.extract_strided_slice %add3A_135 {offsets = [0, 0], sizes = [16, 2952], strides = [1, 1]} : vector<16x5000xf32> to vector<16x2952xf32>
    %concatenate3A_139 = tpu.concatenate %broadcast_in_dim3A_137, %slice3A_138 in 1 : vector<16x2048xf32>, vector<16x2952xf32> -> vector<16x5000xf32>
    %add3A_140 = arith.addf %add3A_135, %concatenate3A_139 : vector<16x5000xf32>
    %broadcast_in_dim3A_141 = arith.constant 0.000000e+00 : f32
    %broadcast_in_dim3A_142 = vector.broadcast %broadcast_in_dim3A_141 : f32 to vector<16x4096xf32>
    %slice3A_143 = vector.extract_strided_slice %add3A_140 {offsets = [0, 0], sizes = [16, 904], strides = [1, 1]} : vector<16x5000xf32> to vector<16x904xf32>
    %concatenate3A_144 = tpu.concatenate %broadcast_in_dim3A_142, %slice3A_143 in 1 : vector<16x4096xf32>, vector<16x904xf32> -> vector<16x5000xf32>
    %add3A_145 = arith.addf %add3A_140, %concatenate3A_144 : vector<16x5000xf32>
    %broadcast_in_dim3A_146 = arith.constant 0.000000e+00 : f32
    %broadcast_in_dim3A_147 = vector.broadcast %broadcast_in_dim3A_146 : f32 to vector<16x1xf32>
    %slice3A_148 = vector.extract_strided_slice %add3A_145 {offsets = [0, 0], sizes = [16, 4999], strides = [1, 1]} : vector<16x5000xf32> to vector<16x4999xf32>
    %concatenate3A_149 = tpu.concatenate %broadcast_in_dim3A_147, %slice3A_148 in 1 : vector<16x1xf32>, vector<16x4999xf32> -> vector<16x5000xf32>
    %div3A_150 = vector.broadcast %broadcast_in_dim3A_78 : vector<16x1xf32> to vector<16x5000xf32>
    %div3A_151 = arith.divf %div3A_5, %div3A_150 : vector<16x5000xf32>
    %swap3A = arith.constant 0 : index
    %swap3A_152 = arith.constant 0 : index
    %swap3A_153 = vector.load %arg2[%swap3A, %swap3A_152] : memref<16x5000xf32, #tpu.memory_space<vmem>>, vector<16x5000xf32>
    tpu.vector_store %arg2[%swap3A, %swap3A_152], %concatenate3A_71 {strides = array<i32>} : memref<16x5000xf32, #tpu.memory_space<vmem>>, vector<16x5000xf32>,
    %swap3A_154 = arith.constant 0 : index
    %swap3A_155 = arith.constant 0 : index
    %swap3A_156 = vector.load %arg3[%swap3A_154, %swap3A_155] : memref<16x5000xf32, #tpu.memory_space<vmem>>, vector<16x5000xf32>
    tpu.vector_store %arg3[%swap3A_154, %swap3A_155], %div3A_5 {strides = array<i32>} : memref<16x5000xf32, #tpu.memory_space<vmem>>, vector<16x5000xf32>,
    %swap3A_157 = arith.constant 0 : index
    %swap3A_158 = arith.constant 0 : index
    %swap3A_159 = vector.load %arg4[%swap3A_157, %swap3A_158] : memref<16x5000xf32, #tpu.memory_space<vmem>>, vector<16x5000xf32>
    tpu.vector_store %arg4[%swap3A_157, %swap3A_158], %concatenate3A_149 {strides = array<i32>} : memref<16x5000xf32, #tpu.memory_space<vmem>>, vector<16x5000xf32>,
    %swap3A_160 = arith.constant 0 : index
    %swap3A_161 = arith.constant 0 : index
    %swap3A_162 = vector.load %arg5[%swap3A_160, %swap3A_161] : memref<16x5000xf32, #tpu.memory_space<vmem>>, vector<16x5000xf32>
    tpu.vector_store %arg5[%swap3A_160, %swap3A_161], %div3A_151 {strides = array<i32>} : memref<16x5000xf32, #tpu.memory_space<vmem>>, vector<16x5000xf32>,
    %div3A_163 = arith.constant 1.000000e+00 : f32
    %div3A_164 = vector.broadcast %div3A_163 : f32 to vector<16x1xf32>
    %div3A_165 = arith.divf %div3A_164, %broadcast_in_dim3A : vector<16x1xf32>
    %swap3A_166 = arith.constant 0 : index
    %swap3A_167 = arith.constant 0 : index
    %swap3A_168 = vector.load %arg6[%swap3A_166, %swap3A_167] : memref<16x1xf32, #tpu.memory_space<vmem>>, vector<16x1xf32>
    tpu.vector_store %arg6[%swap3A_166, %swap3A_167], %div3A_165 {strides = array<i32>} : memref<16x1xf32, #tpu.memory_space<vmem>>, vector<16x1xf32>,
    %div3A_169 = arith.constant 1.000000e+00 : f32
    %div3A_170 = vector.broadcast %div3A_169 : f32 to vector<16x1xf32>
    %div3A_171 = arith.divf %div3A_170, %broadcast_in_dim3A_78 : vector<16x1xf32>
    %swap3A_172 = arith.constant 0 : index
    %swap3A_173 = arith.constant 0 : index
    %swap3A_174 = vector.load %arg7[%swap3A_172, %swap3A_173] : memref<16x1xf32, #tpu.memory_space<vmem>>, vector<16x1xf32>
    tpu.vector_store %arg7[%swap3A_172, %swap3A_173], %div3A_171 {strides = array<i32>} : memref<16x1xf32, #tpu.memory_space<vmem>>, vector<16x1xf32>,
    return
  }
}

module attributes {stable_mosaic.version = 14 : i64} {
  func.func @_k1_body(%arg0: i32, %arg1: memref<200x94xf32, #tpu.memory_space<vmem>>, %arg2: memref<200x96xf32, #tpu.memory_space<vmem>>, %arg3: memref<16x200x96xf32, #tpu.memory_space<vmem>>, %arg4: memref<200x64xf32, #tpu.memory_space<vmem>>, %arg5: memref<200x32xf32, #tpu.memory_space<vmem>>, %arg6: memref<200x64xf32, #tpu.memory_space<vmem>>, %arg7: memref<200x32xf32, #tpu.memory_space<vmem>>, %arg8: memref<16x200x1xf32, #tpu.memory_space<vmem>>, %arg9: memref<16x200x1xf32, #tpu.memory_space<vmem>>) attributes {dimension_semantics = [#tpu.dimension_semantics<arbitrary>], iteration_bounds = array<i64: 25>, scalar_prefetch = 0 : i64, scratch_operands = 0 : i64, tpu.core_type = #tpu.core_type<tc>, window_params = [{transform_indices = @transform_0, window_bounds = array<i64: 200, 94>}, {transform_indices = @transform_1, window_bounds = array<i64: 200, 96>}, {transform_indices = @transform_2, window_bounds = array<i64: 16, 200, 96>}, {transform_indices = @transform_3, window_bounds = array<i64: 200, 64>}, {transform_indices = @transform_4, window_bounds = array<i64: 200, 32>}, {transform_indices = @transform_5, window_bounds = array<i64: 200, 64>}, {transform_indices = @transform_6, window_bounds = array<i64: 200, 32>}, {transform_indices = @transform_7, window_bounds = array<i64: 16, 200, 1>}, {transform_indices = @transform_8, window_bounds = array<i64: 16, 200, 1>}]} {
    %get3A = arith.constant 0 : index
    %get3A_0 = arith.constant 0 : index
    %get3A_1 = vector.load %arg1[%get3A, %get3A_0] : memref<200x94xf32, #tpu.memory_space<vmem>>, vector<200x94xf32>
    %get3A_2 = arith.constant 0 : index
    %get3A_3 = arith.constant 0 : index
    %get3A_4 = vector.load %arg2[%get3A_2, %get3A_3] : memref<200x96xf32, #tpu.memory_space<vmem>>, vector<200x96xf32>
    %get3A_5 = arith.constant 0 : index
    %get3A_6 = arith.constant 0 : index
    %get3A_7 = arith.constant 0 : index
    %get3A_8 = vector.load %arg3[%get3A_5, %get3A_6, %get3A_7] : memref<16x200x96xf32, #tpu.memory_space<vmem>>, vector<16x200x96xf32>
    %slice3A = vector.extract_strided_slice %get3A_1 {offsets = [0, 0], sizes = [200, 63], strides = [1, 1]} : vector<200x94xf32> to vector<200x63xf32>
    %reduce_max3A = arith.constant dense<0xFF800000> : vector<200xf32>
    %reduce_max3A_9 = vector.multi_reduction <maximumf>, %slice3A, %reduce_max3A [1] : vector<200x63xf32> to vector<200xf32>
    %broadcast_in_dim3A = vector.shape_cast %reduce_max3A_9 : vector<200xf32> to vector<200x1xf32>
    %sub3A = vector.broadcast %broadcast_in_dim3A : vector<200x1xf32> to vector<200x63xf32>
    %sub3A_10 = arith.subf %slice3A, %sub3A : vector<200x63xf32>
    %exp3A = math.exp %sub3A_10 : vector<200x63xf32>
    %reduce_sum3A = arith.constant dense<0.000000e+00> : vector<200xf32>
    %reduce_sum3A_11 = vector.multi_reduction <add>, %exp3A, %reduce_sum3A [1] : vector<200x63xf32> to vector<200xf32>
    %broadcast_in_dim3A_12 = vector.shape_cast %reduce_sum3A_11 : vector<200xf32> to vector<200x1xf32>
    %div3A = vector.broadcast %broadcast_in_dim3A_12 : vector<200x1xf32> to vector<200x63xf32>
    %div3A_13 = arith.divf %exp3A, %div3A : vector<200x63xf32>
    %broadcast_in_dim3A_14 = arith.constant 0.000000e+00 : f32
    %broadcast_in_dim3A_15 = vector.broadcast %broadcast_in_dim3A_14 : f32 to vector<200x1xf32>
    %slice3A_16 = vector.extract_strided_slice %div3A_13 {offsets = [0, 0], sizes = [200, 62], strides = [1, 1]} : vector<200x63xf32> to vector<200x62xf32>
    %concatenate3A = tpu.concatenate %broadcast_in_dim3A_15, %slice3A_16 in 1 : vector<200x1xf32>, vector<200x62xf32> -> vector<200x63xf32>
    %add3A = arith.addf %div3A_13, %concatenate3A : vector<200x63xf32>
    %broadcast_in_dim3A_17 = arith.constant 0.000000e+00 : f32
    %broadcast_in_dim3A_18 = vector.broadcast %broadcast_in_dim3A_17 : f32 to vector<200x2xf32>
    %slice3A_19 = vector.extract_strided_slice %add3A {offsets = [0, 0], sizes = [200, 61], strides = [1, 1]} : vector<200x63xf32> to vector<200x61xf32>
    %concatenate3A_20 = tpu.concatenate %broadcast_in_dim3A_18, %slice3A_19 in 1 : vector<200x2xf32>, vector<200x61xf32> -> vector<200x63xf32>
    %add3A_21 = arith.addf %add3A, %concatenate3A_20 : vector<200x63xf32>
    %broadcast_in_dim3A_22 = arith.constant 0.000000e+00 : f32
    %broadcast_in_dim3A_23 = vector.broadcast %broadcast_in_dim3A_22 : f32 to vector<200x4xf32>
    %slice3A_24 = vector.extract_strided_slice %add3A_21 {offsets = [0, 0], sizes = [200, 59], strides = [1, 1]} : vector<200x63xf32> to vector<200x59xf32>
    %concatenate3A_25 = tpu.concatenate %broadcast_in_dim3A_23, %slice3A_24 in 1 : vector<200x4xf32>, vector<200x59xf32> -> vector<200x63xf32>
    %add3A_26 = arith.addf %add3A_21, %concatenate3A_25 : vector<200x63xf32>
    %broadcast_in_dim3A_27 = arith.constant 0.000000e+00 : f32
    %broadcast_in_dim3A_28 = vector.broadcast %broadcast_in_dim3A_27 : f32 to vector<200x8xf32>
    %slice3A_29 = vector.extract_strided_slice %add3A_26 {offsets = [0, 0], sizes = [200, 55], strides = [1, 1]} : vector<200x63xf32> to vector<200x55xf32>
    %concatenate3A_30 = tpu.concatenate %broadcast_in_dim3A_28, %slice3A_29 in 1 : vector<200x8xf32>, vector<200x55xf32> -> vector<200x63xf32>
    %add3A_31 = arith.addf %add3A_26, %concatenate3A_30 : vector<200x63xf32>
    %broadcast_in_dim3A_32 = arith.constant 0.000000e+00 : f32
    %broadcast_in_dim3A_33 = vector.broadcast %broadcast_in_dim3A_32 : f32 to vector<200x16xf32>
    %slice3A_34 = vector.extract_strided_slice %add3A_31 {offsets = [0, 0], sizes = [200, 47], strides = [1, 1]} : vector<200x63xf32> to vector<200x47xf32>
    %concatenate3A_35 = tpu.concatenate %broadcast_in_dim3A_33, %slice3A_34 in 1 : vector<200x16xf32>, vector<200x47xf32> -> vector<200x63xf32>
    %add3A_36 = arith.addf %add3A_31, %concatenate3A_35 : vector<200x63xf32>
    %broadcast_in_dim3A_37 = arith.constant 0.000000e+00 : f32
    %broadcast_in_dim3A_38 = vector.broadcast %broadcast_in_dim3A_37 : f32 to vector<200x32xf32>
    %slice3A_39 = vector.extract_strided_slice %add3A_36 {offsets = [0, 0], sizes = [200, 31], strides = [1, 1]} : vector<200x63xf32> to vector<200x31xf32>
    %concatenate3A_40 = tpu.concatenate %broadcast_in_dim3A_38, %slice3A_39 in 1 : vector<200x32xf32>, vector<200x31xf32> -> vector<200x63xf32>
    %add3A_41 = arith.addf %add3A_36, %concatenate3A_40 : vector<200x63xf32>
    %broadcast_in_dim3A_42 = arith.constant 0.000000e+00 : f32
    %broadcast_in_dim3A_43 = vector.broadcast %broadcast_in_dim3A_42 : f32 to vector<200x1xf32>
    %concatenate3A_44 = tpu.concatenate %broadcast_in_dim3A_43, %add3A_41 in 1 : vector<200x1xf32>, vector<200x63xf32> -> vector<200x64xf32>
    %slice3A_45 = vector.extract_strided_slice %get3A_4 {offsets = [0, 0], sizes = [200, 64], strides = [1, 1]} : vector<200x96xf32> to vector<200x64xf32>
    %broadcast_in_dim3A_46 = vector.shape_cast %slice3A_45 : vector<200x64xf32> to vector<1x200x64xf32>
    %slice3A_47 = vector.extract_strided_slice %get3A_8 {offsets = [0, 0, 0], sizes = [16, 200, 64], strides = [1, 1, 1]} : vector<16x200x96xf32> to vector<16x200x64xf32>
    %add3A_48 = vector.broadcast %broadcast_in_dim3A_46 : vector<1x200x64xf32> to vector<16x200x64xf32>
    %add3A_49 = arith.addf %add3A_48, %slice3A_47 : vector<16x200x64xf32>
    %exp3A_50 = math.exp %add3A_49 : vector<16x200x64xf32>
    %slice3A_51 = vector.extract_strided_slice %exp3A_50 {offsets = [0, 0, 0], sizes = [16, 200, 63], strides = [1, 1, 1]} : vector<16x200x64xf32> to vector<16x200x63xf32>
    %slice3A_52 = vector.extract_strided_slice %exp3A_50 {offsets = [0, 0, 1], sizes = [16, 200, 63], strides = [1, 1, 1]} : vector<16x200x64xf32> to vector<16x200x63xf32>
    %add3A_53 = arith.addf %slice3A_51, %slice3A_52 : vector<16x200x63xf32>
    %mul3A = arith.constant 5.000000e-01 : f32
    %mul3A_54 = vector.broadcast %mul3A : f32 to vector<16x200x63xf32>
    %mul3A_55 = arith.mulf %add3A_53, %mul3A_54 : vector<16x200x63xf32>
    %broadcast_in_dim3A_56 = vector.shape_cast %div3A_13 : vector<200x63xf32> to vector<1x200x63xf32>
    %mul3A_57 = vector.broadcast %broadcast_in_dim3A_56 : vector<1x200x63xf32> to vector<16x200x63xf32>
    %mul3A_58 = arith.mulf %mul3A_55, %mul3A_57 : vector<16x200x63xf32>
    %reduce_sum3A_59 = arith.constant dense<0.000000e+00> : vector<16x200xf32>
    %reduce_sum3A_60 = vector.multi_reduction <add>, %mul3A_58, %reduce_sum3A_59 [2] : vector<16x200x63xf32> to vector<16x200xf32>
    %slice3A_61 = vector.extract_strided_slice %concatenate3A_44 {offsets = [0, 1], sizes = [200, 63], strides = [1, 1]} : vector<200x64xf32> to vector<200x63xf32>
    %slice3A_62 = vector.extract_strided_slice %concatenate3A_44 {offsets = [0, 63], sizes = [200, 1], strides = [1, 1]} : vector<200x64xf32> to vector<200x1xf32>
    %add3A_63 = arith.constant 1.000000e+00 : f32
    %add3A_64 = vector.broadcast %add3A_63 : f32 to vector<200x1xf32>
    %add3A_65 = arith.addf %slice3A_62, %add3A_64 : vector<200x1xf32>
    %concatenate3A_66 = tpu.concatenate %slice3A_61, %add3A_65 in 1 : vector<200x63xf32>, vector<200x1xf32> -> vector<200x64xf32>
    %swap3A = arith.constant 0 : index
    %swap3A_67 = arith.constant 0 : index
    %swap3A_68 = vector.load %arg4[%swap3A, %swap3A_67] : memref<200x64xf32, #tpu.memory_space<vmem>>, vector<200x64xf32>
    tpu.vector_store %arg4[%swap3A, %swap3A_67], %concatenate3A_44 {strides = array<i32>} : memref<200x64xf32, #tpu.memory_space<vmem>>, vector<200x64xf32>,
    %swap3A_69 = arith.constant 0 : index
    %swap3A_70 = arith.constant 0 : index
    %swap3A_71 = vector.load %arg6[%swap3A_69, %swap3A_70] : memref<200x64xf32, #tpu.memory_space<vmem>>, vector<200x64xf32>
    tpu.vector_store %arg6[%swap3A_69, %swap3A_70], %concatenate3A_66 {strides = array<i32>} : memref<200x64xf32, #tpu.memory_space<vmem>>, vector<200x64xf32>,
    %broadcast_in_dim3A_72 = vector.shape_cast %reduce_sum3A_60 : vector<16x200xf32> to vector<16x200x1xf32>
    %swap3A_73 = arith.constant 0 : index
    %swap3A_74 = arith.constant 0 : index
    %swap3A_75 = arith.constant 0 : index
    %swap3A_76 = vector.load %arg8[%swap3A_73, %swap3A_74, %swap3A_75] : memref<16x200x1xf32, #tpu.memory_space<vmem>>, vector<16x200x1xf32>
    tpu.vector_store %arg8[%swap3A_73, %swap3A_74, %swap3A_75], %broadcast_in_dim3A_72 {strides = array<i32>} : memref<16x200x1xf32, #tpu.memory_space<vmem>>, vector<16x200x1xf32>,
    %slice3A_77 = vector.extract_strided_slice %get3A_1 {offsets = [0, 63], sizes = [200, 31], strides = [1, 1]} : vector<200x94xf32> to vector<200x31xf32>
    %reduce_max3A_78 = arith.constant dense<0xFF800000> : vector<200xf32>
    %reduce_max3A_79 = vector.multi_reduction <maximumf>, %slice3A_77, %reduce_max3A_78 [1] : vector<200x31xf32> to vector<200xf32>
    %broadcast_in_dim3A_80 = vector.shape_cast %reduce_max3A_79 : vector<200xf32> to vector<200x1xf32>
    %sub3A_81 = vector.broadcast %broadcast_in_dim3A_80 : vector<200x1xf32> to vector<200x31xf32>
    %sub3A_82 = arith.subf %slice3A_77, %sub3A_81 : vector<200x31xf32>
    %exp3A_83 = math.exp %sub3A_82 : vector<200x31xf32>
    %reduce_sum3A_84 = arith.constant dense<0.000000e+00> : vector<200xf32>
    %reduce_sum3A_85 = vector.multi_reduction <add>, %exp3A_83, %reduce_sum3A_84 [1] : vector<200x31xf32> to vector<200xf32>
    %broadcast_in_dim3A_86 = vector.shape_cast %reduce_sum3A_85 : vector<200xf32> to vector<200x1xf32>
    %div3A_87 = vector.broadcast %broadcast_in_dim3A_86 : vector<200x1xf32> to vector<200x31xf32>
    %div3A_88 = arith.divf %exp3A_83, %div3A_87 : vector<200x31xf32>
    %broadcast_in_dim3A_89 = arith.constant 0.000000e+00 : f32
    %broadcast_in_dim3A_90 = vector.broadcast %broadcast_in_dim3A_89 : f32 to vector<200x1xf32>
    %slice3A_91 = vector.extract_strided_slice %div3A_88 {offsets = [0, 0], sizes = [200, 30], strides = [1, 1]} : vector<200x31xf32> to vector<200x30xf32>
    %concatenate3A_92 = tpu.concatenate %broadcast_in_dim3A_90, %slice3A_91 in 1 : vector<200x1xf32>, vector<200x30xf32> -> vector<200x31xf32>
    %add3A_93 = arith.addf %div3A_88, %concatenate3A_92 : vector<200x31xf32>
    %broadcast_in_dim3A_94 = arith.constant 0.000000e+00 : f32
    %broadcast_in_dim3A_95 = vector.broadcast %broadcast_in_dim3A_94 : f32 to vector<200x2xf32>
    %slice3A_96 = vector.extract_strided_slice %add3A_93 {offsets = [0, 0], sizes = [200, 29], strides = [1, 1]} : vector<200x31xf32> to vector<200x29xf32>
    %concatenate3A_97 = tpu.concatenate %broadcast_in_dim3A_95, %slice3A_96 in 1 : vector<200x2xf32>, vector<200x29xf32> -> vector<200x31xf32>
    %add3A_98 = arith.addf %add3A_93, %concatenate3A_97 : vector<200x31xf32>
    %broadcast_in_dim3A_99 = arith.constant 0.000000e+00 : f32
    %broadcast_in_dim3A_100 = vector.broadcast %broadcast_in_dim3A_99 : f32 to vector<200x4xf32>
    %slice3A_101 = vector.extract_strided_slice %add3A_98 {offsets = [0, 0], sizes = [200, 27], strides = [1, 1]} : vector<200x31xf32> to vector<200x27xf32>
    %concatenate3A_102 = tpu.concatenate %broadcast_in_dim3A_100, %slice3A_101 in 1 : vector<200x4xf32>, vector<200x27xf32> -> vector<200x31xf32>
    %add3A_103 = arith.addf %add3A_98, %concatenate3A_102 : vector<200x31xf32>
    %broadcast_in_dim3A_104 = arith.constant 0.000000e+00 : f32
    %broadcast_in_dim3A_105 = vector.broadcast %broadcast_in_dim3A_104 : f32 to vector<200x8xf32>
    %slice3A_106 = vector.extract_strided_slice %add3A_103 {offsets = [0, 0], sizes = [200, 23], strides = [1, 1]} : vector<200x31xf32> to vector<200x23xf32>
    %concatenate3A_107 = tpu.concatenate %broadcast_in_dim3A_105, %slice3A_106 in 1 : vector<200x8xf32>, vector<200x23xf32> -> vector<200x31xf32>
    %add3A_108 = arith.addf %add3A_103, %concatenate3A_107 : vector<200x31xf32>
    %broadcast_in_dim3A_109 = arith.constant 0.000000e+00 : f32
    %broadcast_in_dim3A_110 = vector.broadcast %broadcast_in_dim3A_109 : f32 to vector<200x16xf32>
    %slice3A_111 = vector.extract_strided_slice %add3A_108 {offsets = [0, 0], sizes = [200, 15], strides = [1, 1]} : vector<200x31xf32> to vector<200x15xf32>
    %concatenate3A_112 = tpu.concatenate %broadcast_in_dim3A_110, %slice3A_111 in 1 : vector<200x16xf32>, vector<200x15xf32> -> vector<200x31xf32>
    %add3A_113 = arith.addf %add3A_108, %concatenate3A_112 : vector<200x31xf32>
    %broadcast_in_dim3A_114 = arith.constant 0.000000e+00 : f32
    %broadcast_in_dim3A_115 = vector.broadcast %broadcast_in_dim3A_114 : f32 to vector<200x1xf32>
    %concatenate3A_116 = tpu.concatenate %broadcast_in_dim3A_115, %add3A_113 in 1 : vector<200x1xf32>, vector<200x31xf32> -> vector<200x32xf32>
    %slice3A_117 = vector.extract_strided_slice %get3A_4 {offsets = [0, 64], sizes = [200, 32], strides = [1, 1]} : vector<200x96xf32> to vector<200x32xf32>
    %broadcast_in_dim3A_118 = vector.shape_cast %slice3A_117 : vector<200x32xf32> to vector<1x200x32xf32>
    %slice3A_119 = vector.extract_strided_slice %get3A_8 {offsets = [0, 0, 64], sizes = [16, 200, 32], strides = [1, 1, 1]} : vector<16x200x96xf32> to vector<16x200x32xf32>
    %add3A_120 = vector.broadcast %broadcast_in_dim3A_118 : vector<1x200x32xf32> to vector<16x200x32xf32>
    %add3A_121 = arith.addf %add3A_120, %slice3A_119 : vector<16x200x32xf32>
    %exp3A_122 = math.exp %add3A_121 : vector<16x200x32xf32>
    %slice3A_123 = vector.extract_strided_slice %exp3A_122 {offsets = [0, 0, 0], sizes = [16, 200, 31], strides = [1, 1, 1]} : vector<16x200x32xf32> to vector<16x200x31xf32>
    %slice3A_124 = vector.extract_strided_slice %exp3A_122 {offsets = [0, 0, 1], sizes = [16, 200, 31], strides = [1, 1, 1]} : vector<16x200x32xf32> to vector<16x200x31xf32>
    %add3A_125 = arith.addf %slice3A_123, %slice3A_124 : vector<16x200x31xf32>
    %mul3A_126 = arith.constant 5.000000e-01 : f32
    %mul3A_127 = vector.broadcast %mul3A_126 : f32 to vector<16x200x31xf32>
    %mul3A_128 = arith.mulf %add3A_125, %mul3A_127 : vector<16x200x31xf32>
    %broadcast_in_dim3A_129 = vector.shape_cast %div3A_88 : vector<200x31xf32> to vector<1x200x31xf32>
    %mul3A_130 = vector.broadcast %broadcast_in_dim3A_129 : vector<1x200x31xf32> to vector<16x200x31xf32>
    %mul3A_131 = arith.mulf %mul3A_128, %mul3A_130 : vector<16x200x31xf32>
    %reduce_sum3A_132 = arith.constant dense<0.000000e+00> : vector<16x200xf32>
    %reduce_sum3A_133 = vector.multi_reduction <add>, %mul3A_131, %reduce_sum3A_132 [2] : vector<16x200x31xf32> to vector<16x200xf32>
    %slice3A_134 = vector.extract_strided_slice %concatenate3A_116 {offsets = [0, 1], sizes = [200, 31], strides = [1, 1]} : vector<200x32xf32> to vector<200x31xf32>
    %slice3A_135 = vector.extract_strided_slice %concatenate3A_116 {offsets = [0, 31], sizes = [200, 1], strides = [1, 1]} : vector<200x32xf32> to vector<200x1xf32>
    %add3A_136 = arith.constant 1.000000e+00 : f32
    %add3A_137 = vector.broadcast %add3A_136 : f32 to vector<200x1xf32>
    %add3A_138 = arith.addf %slice3A_135, %add3A_137 : vector<200x1xf32>
    %concatenate3A_139 = tpu.concatenate %slice3A_134, %add3A_138 in 1 : vector<200x31xf32>, vector<200x1xf32> -> vector<200x32xf32>
    %swap3A_140 = arith.constant 0 : index
    %swap3A_141 = arith.constant 0 : index
    %swap3A_142 = vector.load %arg5[%swap3A_140, %swap3A_141] : memref<200x32xf32, #tpu.memory_space<vmem>>, vector<200x32xf32>
    tpu.vector_store %arg5[%swap3A_140, %swap3A_141], %concatenate3A_116 {strides = array<i32>} : memref<200x32xf32, #tpu.memory_space<vmem>>, vector<200x32xf32>,
    %swap3A_143 = arith.constant 0 : index
    %swap3A_144 = arith.constant 0 : index
    %swap3A_145 = vector.load %arg7[%swap3A_143, %swap3A_144] : memref<200x32xf32, #tpu.memory_space<vmem>>, vector<200x32xf32>
    tpu.vector_store %arg7[%swap3A_143, %swap3A_144], %concatenate3A_139 {strides = array<i32>} : memref<200x32xf32, #tpu.memory_space<vmem>>, vector<200x32xf32>,
    %broadcast_in_dim3A_146 = vector.shape_cast %reduce_sum3A_133 : vector<16x200xf32> to vector<16x200x1xf32>
    %swap3A_147 = arith.constant 0 : index
    %swap3A_148 = arith.constant 0 : index
    %swap3A_149 = arith.constant 0 : index
    %swap3A_150 = vector.load %arg9[%swap3A_147, %swap3A_148, %swap3A_149] : memref<16x200x1xf32, #tpu.memory_space<vmem>>, vector<16x200x1xf32>
    tpu.vector_store %arg9[%swap3A_147, %swap3A_148, %swap3A_149], %broadcast_in_dim3A_146 {strides = array<i32>} : memref<16x200x1xf32, #tpu.memory_space<vmem>>, vector<16x200x1xf32>,
    return
  }
  func.func @transform_0(%arg0: i32) -> (i32, i32) {
    %c0_i32 = arith.constant 0 : i32
    %c0_i32_0 = arith.constant 0 : i32
    return %arg0, %c0_i32 : i32, i32
  }
  func.func @transform_1(%arg0: i32) -> (i32, i32) {
    %c0_i32 = arith.constant 0 : i32
    %c0_i32_0 = arith.constant 0 : i32
    return %arg0, %c0_i32 : i32, i32
  }
  func.func @transform_2(%arg0: i32) -> (i32, i32, i32) {
    %c0_i32 = arith.constant 0 : i32
    %c0_i32_0 = arith.constant 0 : i32
    %c0_i32_1 = arith.constant 0 : i32
    return %c0_i32, %arg0, %c0_i32_0 : i32, i32, i32
  }
  func.func @transform_3(%arg0: i32) -> (i32, i32) {
    %c0_i32 = arith.constant 0 : i32
    %c0_i32_0 = arith.constant 0 : i32
    return %arg0, %c0_i32 : i32, i32
  }
  func.func @transform_4(%arg0: i32) -> (i32, i32) {
    %c0_i32 = arith.constant 0 : i32
    %c0_i32_0 = arith.constant 0 : i32
    return %arg0, %c0_i32 : i32, i32
  }
  func.func @transform_5(%arg0: i32) -> (i32, i32) {
    %c0_i32 = arith.constant 0 : i32
    %c0_i32_0 = arith.constant 0 : i32
    return %arg0, %c0_i32 : i32, i32
  }
  func.func @transform_6(%arg0: i32) -> (i32, i32) {
    %c0_i32 = arith.constant 0 : i32
    %c0_i32_0 = arith.constant 0 : i32
    return %arg0, %c0_i32 : i32, i32
  }
  func.func @transform_7(%arg0: i32) -> (i32, i32, i32) {
    %c0_i32 = arith.constant 0 : i32
    %c0_i32_0 = arith.constant 0 : i32
    %c0_i32_1 = arith.constant 0 : i32
    return %c0_i32, %arg0, %c0_i32_0 : i32, i32, i32
  }
  func.func @transform_8(%arg0: i32) -> (i32, i32, i32) {
    %c0_i32 = arith.constant 0 : i32
    %c0_i32_0 = arith.constant 0 : i32
    %c0_i32_1 = arith.constant 0 : i32
    return %c0_i32, %arg0, %c0_i32_0 : i32, i32, i32
  }
}

module attributes {stable_mosaic.version = 14 : i64} {
  func.func @_k4_body(%arg0: memref<4000x128xf32, #tpu.memory_space<vmem>>, %arg1: memref<4000x128xf32, #tpu.memory_space<vmem>>) attributes {dimension_semantics = [], scalar_prefetch = 0 : i64, scratch_operands = 0 : i64, tpu.core_type = #tpu.core_type<tc>} {
    %get3A = arith.constant 0 : index
    %get3A_0 = arith.constant 0 : index
    %get3A_1 = vector.load %arg0[%get3A, %get3A_0] : memref<4000x128xf32, #tpu.memory_space<vmem>>, vector<4000x128xf32>
    %log3A = math.log %get3A_1 : vector<4000x128xf32>
    %swap3A = arith.constant 0 : index
    %swap3A_2 = arith.constant 0 : index
    %swap3A_3 = vector.load %arg1[%swap3A, %swap3A_2] : memref<4000x128xf32, #tpu.memory_space<vmem>>, vector<4000x128xf32>
    tpu.vector_store %arg1[%swap3A, %swap3A_2], %log3A {strides = array<i32>} : memref<4000x128xf32, #tpu.memory_space<vmem>>, vector<4000x128xf32>,
    return
  }
}

module attributes {stable_mosaic.version = 14 : i64} {
  func.func @_k3_body(%arg0: i32, %arg1: i32, %arg2: memref<200x94xf32, #tpu.memory_space<vmem>>, %arg3: memref<200x96xf32, #tpu.memory_space<vmem>>, %arg4: memref<1x200x96xf32, #tpu.memory_space<vmem>>, %arg5: memref<200x64xf32, #tpu.memory_space<vmem>>, %arg6: memref<200x32xf32, #tpu.memory_space<vmem>>, %arg7: memref<200x64xf32, #tpu.memory_space<vmem>>, %arg8: memref<200x32xf32, #tpu.memory_space<vmem>>, %arg9: memref<1x200x1xf32, #tpu.memory_space<vmem>>, %arg10: memref<1x200x1xf32, #tpu.memory_space<vmem>>, %arg11: memref<1x200x1xf32, #tpu.memory_space<vmem>>, %arg12: memref<1x200x1xf32, #tpu.memory_space<vmem>>, %arg13: memref<1x200x1xf32, #tpu.memory_space<vmem>>, %arg14: memref<1x200x1xf32, #tpu.memory_space<vmem>>, %arg15: memref<800x128xf32, #tpu.memory_space<vmem>>, %arg16: memref<400x128xf32, #tpu.memory_space<vmem>>) attributes {dimension_semantics = [#tpu.dimension_semantics<arbitrary>, #tpu.dimension_semantics<arbitrary>], iteration_bounds = array<i64: 16, 25>, scalar_prefetch = 0 : i64, scratch_operands = 0 : i64, tpu.core_type = #tpu.core_type<tc>, window_params = [{transform_indices = @transform_0, window_bounds = array<i64: 200, 94>}, {transform_indices = @transform_1, window_bounds = array<i64: 200, 96>}, {transform_indices = @transform_2, window_bounds = array<i64: 1, 200, 96>}, {transform_indices = @transform_3, window_bounds = array<i64: 200, 64>}, {transform_indices = @transform_4, window_bounds = array<i64: 200, 32>}, {transform_indices = @transform_5, window_bounds = array<i64: 200, 64>}, {transform_indices = @transform_6, window_bounds = array<i64: 200, 32>}, {transform_indices = @transform_7, window_bounds = array<i64: 1, 200, 1>}, {transform_indices = @transform_8, window_bounds = array<i64: 1, 200, 1>}, {transform_indices = @transform_9, window_bounds = array<i64: 1, 200, 1>}, {transform_indices = @transform_10, window_bounds = array<i64: 1, 200, 1>}, {transform_indices = @transform_11, window_bounds = array<i64: 1, 200, 1>}, {transform_indices = @transform_12, window_bounds = array<i64: 1, 200, 1>}, {transform_indices = @transform_13, window_bounds = array<i64: 800, 128>}, {transform_indices = @transform_14, window_bounds = array<i64: 400, 128>}]} {
    %get3A = arith.constant 0 : index
    %get3A_0 = arith.constant 0 : index
    %get3A_1 = vector.load %arg2[%get3A, %get3A_0] : memref<200x94xf32, #tpu.memory_space<vmem>>, vector<200x94xf32>
    %get3A_2 = arith.constant 0 : index
    %get3A_3 = arith.constant 0 : index
    %get3A_4 = vector.load %arg3[%get3A_2, %get3A_3] : memref<200x96xf32, #tpu.memory_space<vmem>>, vector<200x96xf32>
    %get3A_5 = arith.constant 0 : index
    %get3A_6 = arith.constant 0 : index
    %get3A_7 = arith.constant 0 : index
    %get3A_8 = vector.load %arg4[%get3A_5, %get3A_6, %get3A_7] : memref<1x200x96xf32, #tpu.memory_space<vmem>>, vector<1x200x96xf32>
    %get3A_9 = vector.shape_cast %get3A_8 : vector<1x200x96xf32> to vector<200x96xf32>
    %slice3A = vector.extract_strided_slice %get3A_1 {offsets = [0, 0], sizes = [200, 63], strides = [1, 1]} : vector<200x94xf32> to vector<200x63xf32>
    %reduce_max3A = arith.constant dense<0xFF800000> : vector<200xf32>
    %reduce_max3A_10 = vector.multi_reduction <maximumf>, %slice3A, %reduce_max3A [1] : vector<200x63xf32> to vector<200xf32>
    %broadcast_in_dim3A = vector.shape_cast %reduce_max3A_10 : vector<200xf32> to vector<200x1xf32>
    %sub3A = vector.broadcast %broadcast_in_dim3A : vector<200x1xf32> to vector<200x63xf32>
    %sub3A_11 = arith.subf %slice3A, %sub3A : vector<200x63xf32>
    %exp3A = math.exp %sub3A_11 : vector<200x63xf32>
    %reduce_sum3A = arith.constant dense<0.000000e+00> : vector<200xf32>
    %reduce_sum3A_12 = vector.multi_reduction <add>, %exp3A, %reduce_sum3A [1] : vector<200x63xf32> to vector<200xf32>
    %broadcast_in_dim3A_13 = vector.shape_cast %reduce_sum3A_12 : vector<200xf32> to vector<200x1xf32>
    %div3A = vector.broadcast %broadcast_in_dim3A_13 : vector<200x1xf32> to vector<200x63xf32>
    %div3A_14 = arith.divf %exp3A, %div3A : vector<200x63xf32>
    %slice3A_15 = vector.extract_strided_slice %get3A_4 {offsets = [0, 0], sizes = [200, 64], strides = [1, 1]} : vector<200x96xf32> to vector<200x64xf32>
    %slice3A_16 = vector.extract_strided_slice %get3A_9 {offsets = [0, 0], sizes = [200, 64], strides = [1, 1]} : vector<200x96xf32> to vector<200x64xf32>
    %add3A = arith.addf %slice3A_15, %slice3A_16 : vector<200x64xf32>
    %exp3A_17 = math.exp %add3A : vector<200x64xf32>
    %slice3A_18 = vector.extract_strided_slice %exp3A_17 {offsets = [0, 0], sizes = [200, 63], strides = [1, 1]} : vector<200x64xf32> to vector<200x63xf32>
    %slice3A_19 = vector.extract_strided_slice %exp3A_17 {offsets = [0, 1], sizes = [200, 63], strides = [1, 1]} : vector<200x64xf32> to vector<200x63xf32>
    %add3A_20 = arith.addf %slice3A_18, %slice3A_19 : vector<200x63xf32>
    %mul3A = arith.constant 5.000000e-01 : f32
    %mul3A_21 = vector.broadcast %mul3A : f32 to vector<200x63xf32>
    %mul3A_22 = arith.mulf %add3A_20, %mul3A_21 : vector<200x63xf32>
    %mul3A_23 = arith.mulf %mul3A_22, %div3A_14 : vector<200x63xf32>
    %broadcast_in_dim3A_24 = arith.constant 0.000000e+00 : f32
    %broadcast_in_dim3A_25 = vector.broadcast %broadcast_in_dim3A_24 : f32 to vector<200x1xf32>
    %broadcast_in_dim3A_26 = arith.constant 0.000000e+00 : f32
    %broadcast_in_dim3A_27 = vector.broadcast %broadcast_in_dim3A_26 : f32 to vector<200x1xf32>
    %slice3A_28 = vector.extract_strided_slice %mul3A_23 {offsets = [0, 0], sizes = [200, 62], strides = [1, 1]} : vector<200x63xf32> to vector<200x62xf32>
    %concatenate3A = tpu.concatenate %broadcast_in_dim3A_27, %slice3A_28 in 1 : vector<200x1xf32>, vector<200x62xf32> -> vector<200x63xf32>
    %add3A_29 = arith.addf %mul3A_23, %concatenate3A : vector<200x63xf32>
    %broadcast_in_dim3A_30 = arith.constant 0.000000e+00 : f32
    %broadcast_in_dim3A_31 = vector.broadcast %broadcast_in_dim3A_30 : f32 to vector<200x2xf32>
    %slice3A_32 = vector.extract_strided_slice %add3A_29 {offsets = [0, 0], sizes = [200, 61], strides = [1, 1]} : vector<200x63xf32> to vector<200x61xf32>
    %concatenate3A_33 = tpu.concatenate %broadcast_in_dim3A_31, %slice3A_32 in 1 : vector<200x2xf32>, vector<200x61xf32> -> vector<200x63xf32>
    %add3A_34 = arith.addf %add3A_29, %concatenate3A_33 : vector<200x63xf32>
    %broadcast_in_dim3A_35 = arith.constant 0.000000e+00 : f32
    %broadcast_in_dim3A_36 = vector.broadcast %broadcast_in_dim3A_35 : f32 to vector<200x4xf32>
    %slice3A_37 = vector.extract_strided_slice %add3A_34 {offsets = [0, 0], sizes = [200, 59], strides = [1, 1]} : vector<200x63xf32> to vector<200x59xf32>
    %concatenate3A_38 = tpu.concatenate %broadcast_in_dim3A_36, %slice3A_37 in 1 : vector<200x4xf32>, vector<200x59xf32> -> vector<200x63xf32>
    %add3A_39 = arith.addf %add3A_34, %concatenate3A_38 : vector<200x63xf32>
    %broadcast_in_dim3A_40 = arith.constant 0.000000e+00 : f32
    %broadcast_in_dim3A_41 = vector.broadcast %broadcast_in_dim3A_40 : f32 to vector<200x8xf32>
    %slice3A_42 = vector.extract_strided_slice %add3A_39 {offsets = [0, 0], sizes = [200, 55], strides = [1, 1]} : vector<200x63xf32> to vector<200x55xf32>
    %concatenate3A_43 = tpu.concatenate %broadcast_in_dim3A_41, %slice3A_42 in 1 : vector<200x8xf32>, vector<200x55xf32> -> vector<200x63xf32>
    %add3A_44 = arith.addf %add3A_39, %concatenate3A_43 : vector<200x63xf32>
    %broadcast_in_dim3A_45 = arith.constant 0.000000e+00 : f32
    %broadcast_in_dim3A_46 = vector.broadcast %broadcast_in_dim3A_45 : f32 to vector<200x16xf32>
    %slice3A_47 = vector.extract_strided_slice %add3A_44 {offsets = [0, 0], sizes = [200, 47], strides = [1, 1]} : vector<200x63xf32> to vector<200x47xf32>
    %concatenate3A_48 = tpu.concatenate %broadcast_in_dim3A_46, %slice3A_47 in 1 : vector<200x16xf32>, vector<200x47xf32> -> vector<200x63xf32>
    %add3A_49 = arith.addf %add3A_44, %concatenate3A_48 : vector<200x63xf32>
    %broadcast_in_dim3A_50 = arith.constant 0.000000e+00 : f32
    %broadcast_in_dim3A_51 = vector.broadcast %broadcast_in_dim3A_50 : f32 to vector<200x32xf32>
    %slice3A_52 = vector.extract_strided_slice %add3A_49 {offsets = [0, 0], sizes = [200, 31], strides = [1, 1]} : vector<200x63xf32> to vector<200x31xf32>
    %concatenate3A_53 = tpu.concatenate %broadcast_in_dim3A_51, %slice3A_52 in 1 : vector<200x32xf32>, vector<200x31xf32> -> vector<200x63xf32>
    %add3A_54 = arith.addf %add3A_49, %concatenate3A_53 : vector<200x63xf32>
    %concatenate3A_55 = tpu.concatenate %broadcast_in_dim3A_25, %add3A_54 in 1 : vector<200x1xf32>, vector<200x63xf32> -> vector<200x64xf32>
    %get3A_56 = arith.constant 0 : index
    %get3A_57 = arith.constant 0 : index
    %get3A_58 = vector.load %arg5[%get3A_56, %get3A_57] : memref<200x64xf32, #tpu.memory_space<vmem>>, vector<200x64xf32>
    %get3A_59 = arith.constant 0 : index
    %get3A_60 = arith.constant 0 : index
    %get3A_61 = vector.load %arg7[%get3A_59, %get3A_60] : memref<200x64xf32, #tpu.memory_space<vmem>>, vector<200x64xf32>
    %get3A_62 = arith.constant 0 : index
    %get3A_63 = arith.constant 0 : index
    %get3A_64 = arith.constant 0 : index
    %get3A_65 = vector.load %arg9[%get3A_62, %get3A_63, %get3A_64] : memref<1x200x1xf32, #tpu.memory_space<vmem>>, vector<1x200x1xf32>
    %get3A_66 = vector.shape_cast %get3A_65 : vector<1x200x1xf32> to vector<200x1xf32>
    %get3A_67 = arith.constant 0 : index
    %get3A_68 = arith.constant 0 : index
    %get3A_69 = arith.constant 0 : index
    %get3A_70 = vector.load %arg10[%get3A_67, %get3A_68, %get3A_69] : memref<1x200x1xf32, #tpu.memory_space<vmem>>, vector<1x200x1xf32>
    %get3A_71 = vector.shape_cast %get3A_70 : vector<1x200x1xf32> to vector<200x1xf32>
    %get3A_72 = arith.constant 0 : index
    %get3A_73 = arith.constant 0 : index
    %get3A_74 = arith.constant 0 : index
    %get3A_75 = vector.load %arg13[%get3A_72, %get3A_73, %get3A_74] : memref<1x200x1xf32, #tpu.memory_space<vmem>>, vector<1x200x1xf32>
    %get3A_76 = vector.shape_cast %get3A_75 : vector<1x200x1xf32> to vector<200x1xf32>
    %mul3A_77 = vector.broadcast %get3A_76 : vector<200x1xf32> to vector<200x64xf32>
    %mul3A_78 = arith.mulf %exp3A_17, %mul3A_77 : vector<200x64xf32>
    %mul3A_79 = vector.broadcast %get3A_71 : vector<200x1xf32> to vector<200x64xf32>
    %mul3A_80 = arith.mulf %mul3A_79, %concatenate3A_55 : vector<200x64xf32>
    %add3A_81 = vector.broadcast %get3A_66 : vector<200x1xf32> to vector<200x64xf32>
    %add3A_82 = arith.addf %add3A_81, %mul3A_80 : vector<200x64xf32>
    %slice3A_83 = vector.extract_strided_slice %mul3A_78 {offsets = [0, 1], sizes = [200, 63], strides = [1, 1]} : vector<200x64xf32> to vector<200x63xf32>
    %slice3A_84 = vector.extract_strided_slice %mul3A_78 {offsets = [0, 63], sizes = [200, 1], strides = [1, 1]} : vector<200x64xf32> to vector<200x1xf32>
    %concatenate3A_85 = tpu.concatenate %slice3A_83, %slice3A_84 in 1 : vector<200x63xf32>, vector<200x1xf32> -> vector<200x64xf32>
    %broadcast_in_dim3A_86 = arith.constant 0.000000e+00 : f32
    %broadcast_in_dim3A_87 = vector.broadcast %broadcast_in_dim3A_86 : f32 to vector<200x48xf32>
    %iota3A = tpu.iota {dimensions = array<i32: 0>} : vector<128x128xi32>
    %iota3A_88 = tpu.iota {dimensions = array<i32: 1>} : vector<128x128xi32>
    %jit3A = arith.constant 8 : i32
    %eq3A = arith.constant 0 : i32
    %eq3A_89 = arith.cmpi eq, %jit3A, %eq3A : i32
    %jit3A_90 = arith.constant 1 : i32
    %select_n3A = arith.select %eq3A_89, %jit3A_90, %jit3A : i32
    %rem3A = vector.broadcast %select_n3A : i32 to vector<128x128xi32>
    %rem3A_91 = arith.remsi %iota3A_88, %rem3A : vector<128x128xi32>
    %ne3A = arith.constant 0 : i32
    %ne3A_92 = vector.broadcast %ne3A : i32 to vector<128x128xi32>
    %ne3A_93 = arith.cmpi ne, %rem3A_91, %ne3A_92 : vector<128x128xi32>
    %lt3A = arith.constant 0 : i32
    %lt3A_94 = vector.broadcast %lt3A : i32 to vector<128x128xi32>
    %lt3A_95 = arith.cmpi slt, %rem3A_91, %lt3A_94 : vector<128x128xi32>
    %lt3A_96 = arith.constant 0 : i32
    %lt3A_97 = arith.cmpi slt, %select_n3A, %lt3A_96 : i32
    %ne3A_98 = vector.broadcast %lt3A_97 : i1 to vector<128x128xi1>
    %ne3A_99 = vector.broadcast %ne3A_98 : vector<128x128xi1> to vector<128x128xi1>
    %ne3A_100 = arith.xori %lt3A_95, %ne3A_99 : vector<128x128xi1>
    %and3A = arith.andi %ne3A_100, %ne3A_93 : vector<128x128xi1>
    %add3A_101 = vector.broadcast %select_n3A : i32 to vector<128x128xi32>
    %add3A_102 = arith.addi %rem3A_91, %add3A_101 : vector<128x128xi32>
    %select_n3A_103 = arith.select %and3A, %add3A_102, %rem3A_91 : vector<128x128xi1>, vector<128x128xi32>
    %mul3A_104 = arith.constant 16 : i32
    %mul3A_105 = vector.broadcast %mul3A_104 : i32 to vector<128x128xi32>
    %mul3A_106 = arith.muli %select_n3A_103, %mul3A_105 : vector<128x128xi32>
    %jit3A_107 = arith.constant 8 : i32
    %div3A_108 = vector.broadcast %jit3A_107 : i32 to vector<128x128xi32>
    %div3A_109 = arith.divsi %iota3A_88, %div3A_108 : vector<128x128xi32>
    %sign3A = arith.constant 0 : i32
    %sign3A_110 = vector.broadcast %sign3A : i32 to vector<128x128xi32>
    %sign3A_111 = arith.cmpi sgt, %iota3A_88, %sign3A_110 : vector<128x128xi32>
    %sign3A_112 = arith.extui %sign3A_111 : vector<128x128xi1> to vector<128x128xi32>
    %sign3A_113 = arith.constant 0 : i32
    %sign3A_114 = vector.broadcast %sign3A_113 : i32 to vector<128x128xi32>
    %sign3A_115 = arith.cmpi slt, %iota3A_88, %sign3A_114 : vector<128x128xi32>
    %sign3A_116 = arith.extui %sign3A_115 : vector<128x128xi1> to vector<128x128xi32>
    %sign3A_117 = arith.subi %sign3A_112, %sign3A_116 : vector<128x128xi32>
    %sign3A_118 = arith.constant 0 : i32
    %sign3A_119 = arith.cmpi sgt, %jit3A_107, %sign3A_118 : i32
    %sign3A_120 = arith.extui %sign3A_119 : i1 to i32
    %sign3A_121 = arith.constant 0 : i32
    %sign3A_122 = arith.cmpi slt, %jit3A_107, %sign3A_121 : i32
    %sign3A_123 = arith.extui %sign3A_122 : i1 to i32
    %sign3A_124 = arith.subi %sign3A_120, %sign3A_123 : i32
    %ne3A_125 = vector.broadcast %sign3A_124 : i32 to vector<128x128xi32>
    %ne3A_126 = arith.cmpi ne, %sign3A_117, %ne3A_125 : vector<128x128xi32>
    %rem3A_127 = vector.broadcast %jit3A_107 : i32 to vector<128x128xi32>
    %rem3A_128 = arith.remsi %iota3A_88, %rem3A_127 : vector<128x128xi32>
    %ne3A_129 = arith.constant 0 : i32
    %ne3A_130 = vector.broadcast %ne3A_129 : i32 to vector<128x128xi32>
    %ne3A_131 = arith.cmpi ne, %rem3A_128, %ne3A_130 : vector<128x128xi32>
    %and3A_132 = arith.andi %ne3A_126, %ne3A_131 : vector<128x128xi1>
    %sub3A_133 = arith.constant 1 : i32
    %sub3A_134 = vector.broadcast %sub3A_133 : i32 to vector<128x128xi32>
    %sub3A_135 = arith.subi %div3A_109, %sub3A_134 : vector<128x128xi32>
    %select_n3A_136 = arith.select %and3A_132, %sub3A_135, %div3A_109 : vector<128x128xi1>, vector<128x128xi32>
    %add3A_137 = arith.addi %mul3A_106, %select_n3A_136 : vector<128x128xi32>
    %eq3A_138 = arith.cmpi eq, %iota3A, %add3A_137 : vector<128x128xi32>
    %convert_element_type3A = arith.extui %eq3A_138 : vector<128x128xi1> to vector<128x128xi32>
    %convert_element_type3A_139 = arith.sitofp %convert_element_type3A : vector<128x128xi32> to vector<128x128xf32>
    %slice3A_140 = vector.extract_strided_slice %get3A_58 {offsets = [0, 0], sizes = [200, 16], strides = [1, 1]} : vector<200x64xf32> to vector<200x16xf32>
    %slice3A_141 = vector.extract_strided_slice %get3A_61 {offsets = [0, 0], sizes = [200, 16], strides = [1, 1]} : vector<200x64xf32> to vector<200x16xf32>
    %slice3A_142 = vector.extract_strided_slice %mul3A_78 {offsets = [0, 0], sizes = [200, 16], strides = [1, 1]} : vector<200x64xf32> to vector<200x16xf32>
    %slice3A_143 = vector.extract_strided_slice %concatenate3A_85 {offsets = [0, 0], sizes = [200, 16], strides = [1, 1]} : vector<200x64xf32> to vector<200x16xf32>
    %slice3A_144 = vector.extract_strided_slice %add3A_82 {offsets = [0, 0], sizes = [200, 16], strides = [1, 1]} : vector<200x64xf32> to vector<200x16xf32>
    %concatenate3A_145 = tpu.concatenate %slice3A_140, %slice3A_141, %slice3A_142, %slice3A_143, %slice3A_144, %broadcast_in_dim3A_87 in 1 : vector<200x16xf32>, vector<200x16xf32>, vector<200x16xf32>, vector<200x16xf32>, vector<200x16xf32>, vector<200x48xf32> -> vector<200x128xf32>
    %dot_general3A = arith.constant dense<0.000000e+00> : vector<200x128xf32>
    %dot_general3A_146 = tpu.matmul %concatenate3A_145, %convert_element_type3A_139, %dot_general3A {dimension_numbers = #tpu.dot_dimension_numbers<[1], [0], [0], [1], [0, 0, 1, 1], [], []>, precision = #tpu.contract_precision<fp32>, transpose_lhs_hint = false} : vector<200x128xf32>, vector<128x128xf32>, vector<200x128xf32> -> vector<200x128xf32>
    %slice3A_147 = vector.extract_strided_slice %get3A_58 {offsets = [0, 16], sizes = [200, 16], strides = [1, 1]} : vector<200x64xf32> to vector<200x16xf32>
    %slice3A_148 = vector.extract_strided_slice %get3A_61 {offsets = [0, 16], sizes = [200, 16], strides = [1, 1]} : vector<200x64xf32> to vector<200x16xf32>
    %slice3A_149 = vector.extract_strided_slice %mul3A_78 {offsets = [0, 16], sizes = [200, 16], strides = [1, 1]} : vector<200x64xf32> to vector<200x16xf32>
    %slice3A_150 = vector.extract_strided_slice %concatenate3A_85 {offsets = [0, 16], sizes = [200, 16], strides = [1, 1]} : vector<200x64xf32> to vector<200x16xf32>
    %slice3A_151 = vector.extract_strided_slice %add3A_82 {offsets = [0, 16], sizes = [200, 16], strides = [1, 1]} : vector<200x64xf32> to vector<200x16xf32>
    %concatenate3A_152 = tpu.concatenate %slice3A_147, %slice3A_148, %slice3A_149, %slice3A_150, %slice3A_151, %broadcast_in_dim3A_87 in 1 : vector<200x16xf32>, vector<200x16xf32>, vector<200x16xf32>, vector<200x16xf32>, vector<200x16xf32>, vector<200x48xf32> -> vector<200x128xf32>
    %dot_general3A_153 = arith.constant dense<0.000000e+00> : vector<200x128xf32>
    %dot_general3A_154 = tpu.matmul %concatenate3A_152, %convert_element_type3A_139, %dot_general3A_153 {dimension_numbers = #tpu.dot_dimension_numbers<[1], [0], [0], [1], [0, 0, 1, 1], [], []>, precision = #tpu.contract_precision<fp32>, transpose_lhs_hint = false} : vector<200x128xf32>, vector<128x128xf32>, vector<200x128xf32> -> vector<200x128xf32>
    %slice3A_155 = vector.extract_strided_slice %get3A_58 {offsets = [0, 32], sizes = [200, 16], strides = [1, 1]} : vector<200x64xf32> to vector<200x16xf32>
    %slice3A_156 = vector.extract_strided_slice %get3A_61 {offsets = [0, 32], sizes = [200, 16], strides = [1, 1]} : vector<200x64xf32> to vector<200x16xf32>
    %slice3A_157 = vector.extract_strided_slice %mul3A_78 {offsets = [0, 32], sizes = [200, 16], strides = [1, 1]} : vector<200x64xf32> to vector<200x16xf32>
    %slice3A_158 = vector.extract_strided_slice %concatenate3A_85 {offsets = [0, 32], sizes = [200, 16], strides = [1, 1]} : vector<200x64xf32> to vector<200x16xf32>
    %slice3A_159 = vector.extract_strided_slice %add3A_82 {offsets = [0, 32], sizes = [200, 16], strides = [1, 1]} : vector<200x64xf32> to vector<200x16xf32>
    %concatenate3A_160 = tpu.concatenate %slice3A_155, %slice3A_156, %slice3A_157, %slice3A_158, %slice3A_159, %broadcast_in_dim3A_87 in 1 : vector<200x16xf32>, vector<200x16xf32>, vector<200x16xf32>, vector<200x16xf32>, vector<200x16xf32>, vector<200x48xf32> -> vector<200x128xf32>
    %dot_general3A_161 = arith.constant dense<0.000000e+00> : vector<200x128xf32>
    %dot_general3A_162 = tpu.matmul %concatenate3A_160, %convert_element_type3A_139, %dot_general3A_161 {dimension_numbers = #tpu.dot_dimension_numbers<[1], [0], [0], [1], [0, 0, 1, 1], [], []>, precision = #tpu.contract_precision<fp32>, transpose_lhs_hint = false} : vector<200x128xf32>, vector<128x128xf32>, vector<200x128xf32> -> vector<200x128xf32>
    %slice3A_163 = vector.extract_strided_slice %get3A_58 {offsets = [0, 48], sizes = [200, 16], strides = [1, 1]} : vector<200x64xf32> to vector<200x16xf32>
    %slice3A_164 = vector.extract_strided_slice %get3A_61 {offsets = [0, 48], sizes = [200, 16], strides = [1, 1]} : vector<200x64xf32> to vector<200x16xf32>
    %slice3A_165 = vector.extract_strided_slice %mul3A_78 {offsets = [0, 48], sizes = [200, 16], strides = [1, 1]} : vector<200x64xf32> to vector<200x16xf32>
    %slice3A_166 = vector.extract_strided_slice %concatenate3A_85 {offsets = [0, 48], sizes = [200, 16], strides = [1, 1]} : vector<200x64xf32> to vector<200x16xf32>
    %slice3A_167 = vector.extract_strided_slice %add3A_82 {offsets = [0, 48], sizes = [200, 16], strides = [1, 1]} : vector<200x64xf32> to vector<200x16xf32>
    %concatenate3A_168 = tpu.concatenate %slice3A_163, %slice3A_164, %slice3A_165, %slice3A_166, %slice3A_167, %broadcast_in_dim3A_87 in 1 : vector<200x16xf32>, vector<200x16xf32>, vector<200x16xf32>, vector<200x16xf32>, vector<200x16xf32>, vector<200x48xf32> -> vector<200x128xf32>
    %dot_general3A_169 = arith.constant dense<0.000000e+00> : vector<200x128xf32>
    %dot_general3A_170 = tpu.matmul %concatenate3A_168, %convert_element_type3A_139, %dot_general3A_169 {dimension_numbers = #tpu.dot_dimension_numbers<[1], [0], [0], [1], [0, 0, 1, 1], [], []>, precision = #tpu.contract_precision<fp32>, transpose_lhs_hint = false} : vector<200x128xf32>, vector<128x128xf32>, vector<200x128xf32> -> vector<200x128xf32>
    %concatenate3A_171 = tpu.concatenate %dot_general3A_146, %dot_general3A_154, %dot_general3A_162, %dot_general3A_170 in 0 : vector<200x128xf32>, vector<200x128xf32>, vector<200x128xf32>, vector<200x128xf32> -> vector<800x128xf32>
    %swap3A = arith.constant 0 : index
    %swap3A_172 = arith.constant 0 : index
    %swap3A_173 = vector.load %arg15[%swap3A, %swap3A_172] : memref<800x128xf32, #tpu.memory_space<vmem>>, vector<800x128xf32>
    tpu.vector_store %arg15[%swap3A, %swap3A_172], %concatenate3A_171 {strides = array<i32>} : memref<800x128xf32, #tpu.memory_space<vmem>>, vector<800x128xf32>,
    %slice3A_174 = vector.extract_strided_slice %get3A_1 {offsets = [0, 63], sizes = [200, 31], strides = [1, 1]} : vector<200x94xf32> to vector<200x31xf32>
    %reduce_max3A_175 = arith.constant dense<0xFF800000> : vector<200xf32>
    %reduce_max3A_176 = vector.multi_reduction <maximumf>, %slice3A_174, %reduce_max3A_175 [1] : vector<200x31xf32> to vector<200xf32>
    %broadcast_in_dim3A_177 = vector.shape_cast %reduce_max3A_176 : vector<200xf32> to vector<200x1xf32>
    %sub3A_178 = vector.broadcast %broadcast_in_dim3A_177 : vector<200x1xf32> to vector<200x31xf32>
    %sub3A_179 = arith.subf %slice3A_174, %sub3A_178 : vector<200x31xf32>
    %exp3A_180 = math.exp %sub3A_179 : vector<200x31xf32>
    %reduce_sum3A_181 = arith.constant dense<0.000000e+00> : vector<200xf32>
    %reduce_sum3A_182 = vector.multi_reduction <add>, %exp3A_180, %reduce_sum3A_181 [1] : vector<200x31xf32> to vector<200xf32>
    %broadcast_in_dim3A_183 = vector.shape_cast %reduce_sum3A_182 : vector<200xf32> to vector<200x1xf32>
    %div3A_184 = vector.broadcast %broadcast_in_dim3A_183 : vector<200x1xf32> to vector<200x31xf32>
    %div3A_185 = arith.divf %exp3A_180, %div3A_184 : vector<200x31xf32>
    %slice3A_186 = vector.extract_strided_slice %get3A_4 {offsets = [0, 64], sizes = [200, 32], strides = [1, 1]} : vector<200x96xf32> to vector<200x32xf32>
    %slice3A_187 = vector.extract_strided_slice %get3A_9 {offsets = [0, 64], sizes = [200, 32], strides = [1, 1]} : vector<200x96xf32> to vector<200x32xf32>
    %add3A_188 = arith.addf %slice3A_186, %slice3A_187 : vector<200x32xf32>
    %exp3A_189 = math.exp %add3A_188 : vector<200x32xf32>
    %slice3A_190 = vector.extract_strided_slice %exp3A_189 {offsets = [0, 0], sizes = [200, 31], strides = [1, 1]} : vector<200x32xf32> to vector<200x31xf32>
    %slice3A_191 = vector.extract_strided_slice %exp3A_189 {offsets = [0, 1], sizes = [200, 31], strides = [1, 1]} : vector<200x32xf32> to vector<200x31xf32>
    %add3A_192 = arith.addf %slice3A_190, %slice3A_191 : vector<200x31xf32>
    %mul3A_193 = arith.constant 5.000000e-01 : f32
    %mul3A_194 = vector.broadcast %mul3A_193 : f32 to vector<200x31xf32>
    %mul3A_195 = arith.mulf %add3A_192, %mul3A_194 : vector<200x31xf32>
    %mul3A_196 = arith.mulf %mul3A_195, %div3A_185 : vector<200x31xf32>
    %broadcast_in_dim3A_197 = arith.constant 0.000000e+00 : f32
    %broadcast_in_dim3A_198 = vector.broadcast %broadcast_in_dim3A_197 : f32 to vector<200x1xf32>
    %broadcast_in_dim3A_199 = arith.constant 0.000000e+00 : f32
    %broadcast_in_dim3A_200 = vector.broadcast %broadcast_in_dim3A_199 : f32 to vector<200x1xf32>
    %slice3A_201 = vector.extract_strided_slice %mul3A_196 {offsets = [0, 0], sizes = [200, 30], strides = [1, 1]} : vector<200x31xf32> to vector<200x30xf32>
    %concatenate3A_202 = tpu.concatenate %broadcast_in_dim3A_200, %slice3A_201 in 1 : vector<200x1xf32>, vector<200x30xf32> -> vector<200x31xf32>
    %add3A_203 = arith.addf %mul3A_196, %concatenate3A_202 : vector<200x31xf32>
    %broadcast_in_dim3A_204 = arith.constant 0.000000e+00 : f32
    %broadcast_in_dim3A_205 = vector.broadcast %broadcast_in_dim3A_204 : f32 to vector<200x2xf32>
    %slice3A_206 = vector.extract_strided_slice %add3A_203 {offsets = [0, 0], sizes = [200, 29], strides = [1, 1]} : vector<200x31xf32> to vector<200x29xf32>
    %concatenate3A_207 = tpu.concatenate %broadcast_in_dim3A_205, %slice3A_206 in 1 : vector<200x2xf32>, vector<200x29xf32> -> vector<200x31xf32>
    %add3A_208 = arith.addf %add3A_203, %concatenate3A_207 : vector<200x31xf32>
    %broadcast_in_dim3A_209 = arith.constant 0.000000e+00 : f32
    %broadcast_in_dim3A_210 = vector.broadcast %broadcast_in_dim3A_209 : f32 to vector<200x4xf32>
    %slice3A_211 = vector.extract_strided_slice %add3A_208 {offsets = [0, 0], sizes = [200, 27], strides = [1, 1]} : vector<200x31xf32> to vector<200x27xf32>
    %concatenate3A_212 = tpu.concatenate %broadcast_in_dim3A_210, %slice3A_211 in 1 : vector<200x4xf32>, vector<200x27xf32> -> vector<200x31xf32>
    %add3A_213 = arith.addf %add3A_208, %concatenate3A_212 : vector<200x31xf32>
    %broadcast_in_dim3A_214 = arith.constant 0.000000e+00 : f32
    %broadcast_in_dim3A_215 = vector.broadcast %broadcast_in_dim3A_214 : f32 to vector<200x8xf32>
    %slice3A_216 = vector.extract_strided_slice %add3A_213 {offsets = [0, 0], sizes = [200, 23], strides = [1, 1]} : vector<200x31xf32> to vector<200x23xf32>
    %concatenate3A_217 = tpu.concatenate %broadcast_in_dim3A_215, %slice3A_216 in 1 : vector<200x8xf32>, vector<200x23xf32> -> vector<200x31xf32>
    %add3A_218 = arith.addf %add3A_213, %concatenate3A_217 : vector<200x31xf32>
    %broadcast_in_dim3A_219 = arith.constant 0.000000e+00 : f32
    %broadcast_in_dim3A_220 = vector.broadcast %broadcast_in_dim3A_219 : f32 to vector<200x16xf32>
    %slice3A_221 = vector.extract_strided_slice %add3A_218 {offsets = [0, 0], sizes = [200, 15], strides = [1, 1]} : vector<200x31xf32> to vector<200x15xf32>
    %concatenate3A_222 = tpu.concatenate %broadcast_in_dim3A_220, %slice3A_221 in 1 : vector<200x16xf32>, vector<200x15xf32> -> vector<200x31xf32>
    %add3A_223 = arith.addf %add3A_218, %concatenate3A_222 : vector<200x31xf32>
    %concatenate3A_224 = tpu.concatenate %broadcast_in_dim3A_198, %add3A_223 in 1 : vector<200x1xf32>, vector<200x31xf32> -> vector<200x32xf32>
    %get3A_225 = arith.constant 0 : index
    %get3A_226 = arith.constant 0 : index
    %get3A_227 = vector.load %arg6[%get3A_225, %get3A_226] : memref<200x32xf32, #tpu.memory_space<vmem>>, vector<200x32xf32>
    %get3A_228 = arith.constant 0 : index
    %get3A_229 = arith.constant 0 : index
    %get3A_230 = vector.load %arg8[%get3A_228, %get3A_229] : memref<200x32xf32, #tpu.memory_space<vmem>>, vector<200x32xf32>
    %get3A_231 = arith.constant 0 : index
    %get3A_232 = arith.constant 0 : index
    %get3A_233 = arith.constant 0 : index
    %get3A_234 = vector.load %arg11[%get3A_231, %get3A_232, %get3A_233] : memref<1x200x1xf32, #tpu.memory_space<vmem>>, vector<1x200x1xf32>
    %get3A_235 = vector.shape_cast %get3A_234 : vector<1x200x1xf32> to vector<200x1xf32>
    %get3A_236 = arith.constant 0 : index
    %get3A_237 = arith.constant 0 : index
    %get3A_238 = arith.constant 0 : index
    %get3A_239 = vector.load %arg12[%get3A_236, %get3A_237, %get3A_238] : memref<1x200x1xf32, #tpu.memory_space<vmem>>, vector<1x200x1xf32>
    %get3A_240 = vector.shape_cast %get3A_239 : vector<1x200x1xf32> to vector<200x1xf32>
    %get3A_241 = arith.constant 0 : index
    %get3A_242 = arith.constant 0 : index
    %get3A_243 = arith.constant 0 : index
    %get3A_244 = vector.load %arg14[%get3A_241, %get3A_242, %get3A_243] : memref<1x200x1xf32, #tpu.memory_space<vmem>>, vector<1x200x1xf32>
    %get3A_245 = vector.shape_cast %get3A_244 : vector<1x200x1xf32> to vector<200x1xf32>
    %mul3A_246 = vector.broadcast %get3A_245 : vector<200x1xf32> to vector<200x32xf32>
    %mul3A_247 = arith.mulf %exp3A_189, %mul3A_246 : vector<200x32xf32>
    %mul3A_248 = vector.broadcast %get3A_240 : vector<200x1xf32> to vector<200x32xf32>
    %mul3A_249 = arith.mulf %mul3A_248, %concatenate3A_224 : vector<200x32xf32>
    %add3A_250 = vector.broadcast %get3A_235 : vector<200x1xf32> to vector<200x32xf32>
    %add3A_251 = arith.addf %add3A_250, %mul3A_249 : vector<200x32xf32>
    %slice3A_252 = vector.extract_strided_slice %mul3A_247 {offsets = [0, 1], sizes = [200, 31], strides = [1, 1]} : vector<200x32xf32> to vector<200x31xf32>
    %slice3A_253 = vector.extract_strided_slice %mul3A_247 {offsets = [0, 31], sizes = [200, 1], strides = [1, 1]} : vector<200x32xf32> to vector<200x1xf32>
    %concatenate3A_254 = tpu.concatenate %slice3A_252, %slice3A_253 in 1 : vector<200x31xf32>, vector<200x1xf32> -> vector<200x32xf32>
    %broadcast_in_dim3A_255 = arith.constant 0.000000e+00 : f32
    %broadcast_in_dim3A_256 = vector.broadcast %broadcast_in_dim3A_255 : f32 to vector<200x48xf32>
    %iota3A_257 = tpu.iota {dimensions = array<i32: 0>} : vector<128x128xi32>
    %iota3A_258 = tpu.iota {dimensions = array<i32: 1>} : vector<128x128xi32>
    %jit3A_259 = arith.constant 8 : i32
    %eq3A_260 = arith.constant 0 : i32
    %eq3A_261 = arith.cmpi eq, %jit3A_259, %eq3A_260 : i32
    %jit3A_262 = arith.constant 1 : i32
    %select_n3A_263 = arith.select %eq3A_261, %jit3A_262, %jit3A_259 : i32
    %rem3A_264 = vector.broadcast %select_n3A_263 : i32 to vector<128x128xi32>
    %rem3A_265 = arith.remsi %iota3A_258, %rem3A_264 : vector<128x128xi32>
    %ne3A_266 = arith.constant 0 : i32
    %ne3A_267 = vector.broadcast %ne3A_266 : i32 to vector<128x128xi32>
    %ne3A_268 = arith.cmpi ne, %rem3A_265, %ne3A_267 : vector<128x128xi32>
    %lt3A_269 = arith.constant 0 : i32
    %lt3A_270 = vector.broadcast %lt3A_269 : i32 to vector<128x128xi32>
    %lt3A_271 = arith.cmpi slt, %rem3A_265, %lt3A_270 : vector<128x128xi32>
    %lt3A_272 = arith.constant 0 : i32
    %lt3A_273 = arith.cmpi slt, %select_n3A_263, %lt3A_272 : i32
    %ne3A_274 = vector.broadcast %lt3A_273 : i1 to vector<128x128xi1>
    %ne3A_275 = vector.broadcast %ne3A_274 : vector<128x128xi1> to vector<128x128xi1>
    %ne3A_276 = arith.xori %lt3A_271, %ne3A_275 : vector<128x128xi1>
    %and3A_277 = arith.andi %ne3A_276, %ne3A_268 : vector<128x128xi1>
    %add3A_278 = vector.broadcast %select_n3A_263 : i32 to vector<128x128xi32>
    %add3A_279 = arith.addi %rem3A_265, %add3A_278 : vector<128x128xi32>
    %select_n3A_280 = arith.select %and3A_277, %add3A_279, %rem3A_265 : vector<128x128xi1>, vector<128x128xi32>
    %mul3A_281 = arith.constant 16 : i32
    %mul3A_282 = vector.broadcast %mul3A_281 : i32 to vector<128x128xi32>
    %mul3A_283 = arith.muli %select_n3A_280, %mul3A_282 : vector<128x128xi32>
    %jit3A_284 = arith.constant 8 : i32
    %div3A_285 = vector.broadcast %jit3A_284 : i32 to vector<128x128xi32>
    %div3A_286 = arith.divsi %iota3A_258, %div3A_285 : vector<128x128xi32>
    %sign3A_287 = arith.constant 0 : i32
    %sign3A_288 = vector.broadcast %sign3A_287 : i32 to vector<128x128xi32>
    %sign3A_289 = arith.cmpi sgt, %iota3A_258, %sign3A_288 : vector<128x128xi32>
    %sign3A_290 = arith.extui %sign3A_289 : vector<128x128xi1> to vector<128x128xi32>
    %sign3A_291 = arith.constant 0 : i32
    %sign3A_292 = vector.broadcast %sign3A_291 : i32 to vector<128x128xi32>
    %sign3A_293 = arith.cmpi slt, %iota3A_258, %sign3A_292 : vector<128x128xi32>
    %sign3A_294 = arith.extui %sign3A_293 : vector<128x128xi1> to vector<128x128xi32>
    %sign3A_295 = arith.subi %sign3A_290, %sign3A_294 : vector<128x128xi32>
    %sign3A_296 = arith.constant 0 : i32
    %sign3A_297 = arith.cmpi sgt, %jit3A_284, %sign3A_296 : i32
    %sign3A_298 = arith.extui %sign3A_297 : i1 to i32
    %sign3A_299 = arith.constant 0 : i32
    %sign3A_300 = arith.cmpi slt, %jit3A_284, %sign3A_299 : i32
    %sign3A_301 = arith.extui %sign3A_300 : i1 to i32
    %sign3A_302 = arith.subi %sign3A_298, %sign3A_301 : i32
    %ne3A_303 = vector.broadcast %sign3A_302 : i32 to vector<128x128xi32>
    %ne3A_304 = arith.cmpi ne, %sign3A_295, %ne3A_303 : vector<128x128xi32>
    %rem3A_305 = vector.broadcast %jit3A_284 : i32 to vector<128x128xi32>
    %rem3A_306 = arith.remsi %iota3A_258, %rem3A_305 : vector<128x128xi32>
    %ne3A_307 = arith.constant 0 : i32
    %ne3A_308 = vector.broadcast %ne3A_307 : i32 to vector<128x128xi32>
    %ne3A_309 = arith.cmpi ne, %rem3A_306, %ne3A_308 : vector<128x128xi32>
    %and3A_310 = arith.andi %ne3A_304, %ne3A_309 : vector<128x128xi1>
    %sub3A_311 = arith.constant 1 : i32
    %sub3A_312 = vector.broadcast %sub3A_311 : i32 to vector<128x128xi32>
    %sub3A_313 = arith.subi %div3A_286, %sub3A_312 : vector<128x128xi32>
    %select_n3A_314 = arith.select %and3A_310, %sub3A_313, %div3A_286 : vector<128x128xi1>, vector<128x128xi32>
    %add3A_315 = arith.addi %mul3A_283, %select_n3A_314 : vector<128x128xi32>
    %eq3A_316 = arith.cmpi eq, %iota3A_257, %add3A_315 : vector<128x128xi32>
    %convert_element_type3A_317 = arith.extui %eq3A_316 : vector<128x128xi1> to vector<128x128xi32>
    %convert_element_type3A_318 = arith.sitofp %convert_element_type3A_317 : vector<128x128xi32> to vector<128x128xf32>
    %slice3A_319 = vector.extract_strided_slice %get3A_227 {offsets = [0, 0], sizes = [200, 16], strides = [1, 1]} : vector<200x32xf32> to vector<200x16xf32>
    %slice3A_320 = vector.extract_strided_slice %get3A_230 {offsets = [0, 0], sizes = [200, 16], strides = [1, 1]} : vector<200x32xf32> to vector<200x16xf32>
    %slice3A_321 = vector.extract_strided_slice %mul3A_247 {offsets = [0, 0], sizes = [200, 16], strides = [1, 1]} : vector<200x32xf32> to vector<200x16xf32>
    %slice3A_322 = vector.extract_strided_slice %concatenate3A_254 {offsets = [0, 0], sizes = [200, 16], strides = [1, 1]} : vector<200x32xf32> to vector<200x16xf32>
    %slice3A_323 = vector.extract_strided_slice %add3A_251 {offsets = [0, 0], sizes = [200, 16], strides = [1, 1]} : vector<200x32xf32> to vector<200x16xf32>
    %concatenate3A_324 = tpu.concatenate %slice3A_319, %slice3A_320, %slice3A_321, %slice3A_322, %slice3A_323, %broadcast_in_dim3A_256 in 1 : vector<200x16xf32>, vector<200x16xf32>, vector<200x16xf32>, vector<200x16xf32>, vector<200x16xf32>, vector<200x48xf32> -> vector<200x128xf32>
    %dot_general3A_325 = arith.constant dense<0.000000e+00> : vector<200x128xf32>
    %dot_general3A_326 = tpu.matmul %concatenate3A_324, %convert_element_type3A_318, %dot_general3A_325 {dimension_numbers = #tpu.dot_dimension_numbers<[1], [0], [0], [1], [0, 0, 1, 1], [], []>, precision = #tpu.contract_precision<fp32>, transpose_lhs_hint = false} : vector<200x128xf32>, vector<128x128xf32>, vector<200x128xf32> -> vector<200x128xf32>
    %slice3A_327 = vector.extract_strided_slice %get3A_227 {offsets = [0, 16], sizes = [200, 16], strides = [1, 1]} : vector<200x32xf32> to vector<200x16xf32>
    %slice3A_328 = vector.extract_strided_slice %get3A_230 {offsets = [0, 16], sizes = [200, 16], strides = [1, 1]} : vector<200x32xf32> to vector<200x16xf32>
    %slice3A_329 = vector.extract_strided_slice %mul3A_247 {offsets = [0, 16], sizes = [200, 16], strides = [1, 1]} : vector<200x32xf32> to vector<200x16xf32>
    %slice3A_330 = vector.extract_strided_slice %concatenate3A_254 {offsets = [0, 16], sizes = [200, 16], strides = [1, 1]} : vector<200x32xf32> to vector<200x16xf32>
    %slice3A_331 = vector.extract_strided_slice %add3A_251 {offsets = [0, 16], sizes = [200, 16], strides = [1, 1]} : vector<200x32xf32> to vector<200x16xf32>
    %concatenate3A_332 = tpu.concatenate %slice3A_327, %slice3A_328, %slice3A_329, %slice3A_330, %slice3A_331, %broadcast_in_dim3A_256 in 1 : vector<200x16xf32>, vector<200x16xf32>, vector<200x16xf32>, vector<200x16xf32>, vector<200x16xf32>, vector<200x48xf32> -> vector<200x128xf32>
    %dot_general3A_333 = arith.constant dense<0.000000e+00> : vector<200x128xf32>
    %dot_general3A_334 = tpu.matmul %concatenate3A_332, %convert_element_type3A_318, %dot_general3A_333 {dimension_numbers = #tpu.dot_dimension_numbers<[1], [0], [0], [1], [0, 0, 1, 1], [], []>, precision = #tpu.contract_precision<fp32>, transpose_lhs_hint = false} : vector<200x128xf32>, vector<128x128xf32>, vector<200x128xf32> -> vector<200x128xf32>
    %concatenate3A_335 = tpu.concatenate %dot_general3A_326, %dot_general3A_334 in 0 : vector<200x128xf32>, vector<200x128xf32> -> vector<400x128xf32>
    %swap3A_336 = arith.constant 0 : index
    %swap3A_337 = arith.constant 0 : index
    %swap3A_338 = vector.load %arg16[%swap3A_336, %swap3A_337] : memref<400x128xf32, #tpu.memory_space<vmem>>, vector<400x128xf32>
    tpu.vector_store %arg16[%swap3A_336, %swap3A_337], %concatenate3A_335 {strides = array<i32>} : memref<400x128xf32, #tpu.memory_space<vmem>>, vector<400x128xf32>,
    return
  }
  func.func @transform_0(%arg0: i32, %arg1: i32) -> (i32, i32) {
    %c0_i32 = arith.constant 0 : i32
    %c0_i32_0 = arith.constant 0 : i32
    return %arg1, %c0_i32 : i32, i32
  }
  func.func @transform_1(%arg0: i32, %arg1: i32) -> (i32, i32) {
    %c0_i32 = arith.constant 0 : i32
    %c0_i32_0 = arith.constant 0 : i32
    return %arg1, %c0_i32 : i32, i32
  }
  func.func @transform_2(%arg0: i32, %arg1: i32) -> (i32, i32, i32) {
    %c0_i32 = arith.constant 0 : i32
    %c0_i32_0 = arith.constant 0 : i32
    return %arg0, %arg1, %c0_i32 : i32, i32, i32
  }
  func.func @transform_3(%arg0: i32, %arg1: i32) -> (i32, i32) {
    %c0_i32 = arith.constant 0 : i32
    %c0_i32_0 = arith.constant 0 : i32
    return %arg1, %c0_i32 : i32, i32
  }
  func.func @transform_4(%arg0: i32, %arg1: i32) -> (i32, i32) {
    %c0_i32 = arith.constant 0 : i32
    %c0_i32_0 = arith.constant 0 : i32
    return %arg1, %c0_i32 : i32, i32
  }
  func.func @transform_5(%arg0: i32, %arg1: i32) -> (i32, i32) {
    %c0_i32 = arith.constant 0 : i32
    %c0_i32_0 = arith.constant 0 : i32
    return %arg1, %c0_i32 : i32, i32
  }
  func.func @transform_6(%arg0: i32, %arg1: i32) -> (i32, i32) {
    %c0_i32 = arith.constant 0 : i32
    %c0_i32_0 = arith.constant 0 : i32
    return %arg1, %c0_i32 : i32, i32
  }
  func.func @transform_7(%arg0: i32, %arg1: i32) -> (i32, i32, i32) {
    %c0_i32 = arith.constant 0 : i32
    %c0_i32_0 = arith.constant 0 : i32
    return %arg0, %arg1, %c0_i32 : i32, i32, i32
  }
  func.func @transform_8(%arg0: i32, %arg1: i32) -> (i32, i32, i32) {
    %c0_i32 = arith.constant 0 : i32
    %c0_i32_0 = arith.constant 0 : i32
    return %arg0, %arg1, %c0_i32 : i32, i32, i32
  }
  func.func @transform_9(%arg0: i32, %arg1: i32) -> (i32, i32, i32) {
    %c0_i32 = arith.constant 0 : i32
    %c0_i32_0 = arith.constant 0 : i32
    return %arg0, %arg1, %c0_i32 : i32, i32, i32
  }
  func.func @transform_10(%arg0: i32, %arg1: i32) -> (i32, i32, i32) {
    %c0_i32 = arith.constant 0 : i32
    %c0_i32_0 = arith.constant 0 : i32
    return %arg0, %arg1, %c0_i32 : i32, i32, i32
  }
  func.func @transform_11(%arg0: i32, %arg1: i32) -> (i32, i32, i32) {
    %c0_i32 = arith.constant 0 : i32
    %c0_i32_0 = arith.constant 0 : i32
    return %arg0, %arg1, %c0_i32 : i32, i32, i32
  }
  func.func @transform_12(%arg0: i32, %arg1: i32) -> (i32, i32, i32) {
    %c0_i32 = arith.constant 0 : i32
    %c0_i32_0 = arith.constant 0 : i32
    return %arg0, %arg1, %c0_i32 : i32, i32, i32
  }
  func.func @transform_13(%arg0: i32, %arg1: i32) -> (i32, i32) {
    %mul3A = arith.constant 25 : i32
    %mul3A_0 = arith.muli %arg0, %mul3A : i32
    %add3A = arith.addi %mul3A_0, %arg1 : i32
    %c0_i32 = arith.constant 0 : i32
    %c0_i32_1 = arith.constant 0 : i32
    return %add3A, %c0_i32 : i32, i32
  }
  func.func @transform_14(%arg0: i32, %arg1: i32) -> (i32, i32) {
    %mul3A = arith.constant 25 : i32
    %mul3A_0 = arith.muli %arg0, %mul3A : i32
    %add3A = arith.addi %mul3A_0, %arg1 : i32
    %c0_i32 = arith.constant 0 : i32
    %c0_i32_1 = arith.constant 0 : i32
    return %add3A, %c0_i32 : i32, i32
  }
}

</mosaic_0001>

<sc_bundles>
// kernel: kernel.7.cloned.1.call-start
scs
__scs_entry_jumppad:
0x0: {  	(pc) =	sbr.rel $0x88, $3  }
0x1: {  	(tag) =	ssettag $0x0;
	lr =	simm.s32 $0x1  }
0x2: {  	[smem:$0x3F9A] =	sst lr;
	_ =	strace $0xD0000000  }
0x3: {  	_ = 	snop  }
0x4: {  	_ = 	snop  }
0x5: {  	_ = 	snop  }
0x6: {  	_ = 	snop  }
0x7: {  	_ = 	snop  }
__scs_overlays_trampoline_lowered:
0x8: {  	[smem:$0x3FA9] =	sst s0  }
0x9: {  	[smem:$0x3FAA] =	sst s1  }
0xa: {  	[smem:$0x3FAB] =	sst s2  }
0xb: {  	[smem:$0x3FAC] =	sst s3  }
0xc: {  	[smem:$0x3FAD] =	sst s4  }
0xd: {  	[smem:$0x3FAE] =	sst s5  }
0xe: {  	[smem:$0x3FAF] =	sst s6  }
0xf: {  	[smem:$0x3FB0] =	sst s7  }
0x10: {  	[smem:$0x3FB1] =	sst s8  }
0x11: {  	[smem:$0x3FB2] =	sst s9;
	s0 =	simm.s32 @!p0 $0x0  }
0x12: {  	s1 =	sld [smem:$0x3F98];
	s0 =	simm.s32 @p0 $0x1  }
0x13: {  	[smem:$0x3FB3] =	sst s0;
	s0 =	simm.s32 @!p1 $0x0  }
0x14: {  	s2 =	sld [smem:$0x3F97];
	s0 =	simm.s32 @p1 $0x1  }
0x15: {  	[smem:$0x3FB4] =	sst s0;
	s0 =	simm.s32 @!p2 $0x0  }
0x16: {  	s3 =	sld [smem:$0x3FDB];
	s0 =	simm.s32 @p2 $0x1  }
0x17: {  	s4 =	simm.s32 $0x1BF5;
	[smem:$0x3FB6] =	sst s0  }
0x18: {  	s0 =	sld [smem:$0x3F99];
	_ =	swait.ge [sflag:s4], $0x0  }
0x19: {  	s7 =	sld [smem:$0x3F9A]  }
0x1a: {  	s8 =	sadd.s32 $0xFFFFE003, lr  }
0x1b: {  	s9 =	sadd.s32 $0xFFFFFEF7, lr;
	s5 =	simm.s32 $0xFFFFFFFF;
	p2 =	slt.u32 s8, $0xFFFFF086  }
0x1c: {  	p1 =	slt.u32 s9, $0xF7A;
	s5 =	simm.s32 @!p2 $0x0  }
0x1d: {  	s5 =	simm.s32 @p1 $0x1;
	p0 =	seq.s32 s7, s2  }
0x1e: {  	s7 =	smul.u32 @!p0 $0xF7A, s2;
	p2 =	seq.s32 @!p0 s5, $0x0  }
0x1f: {  	s9 =	smul.u32 $0xF7A, s1;
	s8 =	simm.s32 @!p0 $0x1BF5;
	p2 =	por !p2, p0  }
0x20: {  	[sflag:s8] =	ssyncset.s32 @!p0 $0xFFFFF086;
	s6 =	sadd.s32 @!p0 s3, s7;
	s7 =	simm.s32 @!p0 $0x108  }
0x21: {  	s3 =	sadd.s32 s3, s9;
	s6 =	sadd.s32 @!p0 $0x88, s6;
	s7 =	simm.s32 @p2 $0x1082  }
0x22: {  	[simem:s7], [sflag:s8] =	dma.local @!p0 [hbm:s6], $0xF7A  }
0x23: {  	s9 =	sor.u32 $0xD0000000, s2;
	s6 =	simm.s32 $0x108;
	_ =	swait.ge @!p0 [sflag:s8], $0x0  }
0x24: {  	s3 =	sadd.s32 $0x88, s3;
	s6 =	simm.s32 @!p1 $0x1082;
	[sflag:s4] =	ssyncset.s32 $0xFFFFF086  }
0x25: {  	[simem:s6], [sflag:s4] =	dma.local [hbm:s3], $0xF7A  }
0x26: {  	[smem:$0x3F9A] =	sst s1;
	(tag) =	ssettag s2;
	_ =	strace s9  }
0x27: {  	s1 =	sld [smem:$0x3FAA]  }
0x28: {  	s2 =	sld [smem:$0x3FAB]  }
0x29: {  	s4 =	sld [smem:$0x3FAD]  }
0x2a: {  	p0 =	seq.s32 s5, $0x0;
	s5 =	sld [smem:$0x3FAE]  }
0x2b: {  	s6 =	sld [smem:$0x3FAF]  }
0x2c: {  	s7 =	sld [smem:$0x3FB0]  }
0x2d: {  	s3 =	simm.s32 $0x108;
	s8 =	sld [smem:$0x3FB1]  }
0x2e: {  	s3 =	simm.s32 @!p0 $0x1082;
	s9 =	sld [smem:$0x3FB2]  }
0x2f: {  	lr =	sadd.s32 s0, s3;
	s0 =	sld [smem:$0x3FA9]  }
0x30: {  	s3 =	sld [smem:$0x3FAC]  }
0x31: {  	[smem:$0x3FB5] =	sst s10  }
0x32: {  	s10 =	sld [smem:$0x3FB3];
	_ =	sdelay $0x3  }
0x33: {  	p0 =	seq.s32 s10, $0x1;
	s10 =	sld [smem:$0x3FB5];
	_ =	sdelay $0x3  }
0x34: {  	[smem:$0x3FB5] =	sst s10  }
0x35: {  	s10 =	sld [smem:$0x3FB4];
	_ =	sdelay $0x3  }
0x36: {  	p1 =	seq.s32 s10, $0x1;
	s10 =	sld [smem:$0x3FB5];
	_ =	sdelay $0x3  }
0x37: {  	[smem:$0x3FB5] =	sst s10  }
0x38: {  	s10 =	sld [smem:$0x3FB6]  }
0x39: {  	_ = 	snop;
	(pc) =	sbr.ind lr, $3  }
0x3a: {  	_ = 	snop  }
0x3b: {  	_ = 	snop  }
0x3c: {  	p2 =	seq.s32 s10, $0x1;
	s10 =	sld [smem:$0x3FB5]  }
0x3d: {  	_ =	shalt  }
0x3e: {  	_ =	shalt  }
0x3f: {  	_ =	shalt  }
0x40: {  	_ =	shalt  }
0x41: {  	_ =	shalt  }
0x42: {  	_ =	shalt  }
0x43: {  	_ =	shalt  }
0x44: {  	_ =	shalt  }
0x45: {  	_ =	shalt  }
0x46: {  	_ =	shalt  }
0x47: {  	_ =	shalt  }
0x48: {  	_ =	shalt  }
0x49: {  	_ =	shalt  }
0x4a: {  	_ =	shalt  }
0x4b: {  	_ =	shalt  }
0x4c: {  	_ =	shalt  }
0x4d: {  	_ =	shalt  }
0x4e: {  	_ =	shalt  }
0x4f: {  	_ =	shalt  }
0x50: {  	_ =	shalt  }
0x51: {  	_ =	shalt  }
0x52: {  	_ =	shalt  }
0x53: {  	_ =	shalt  }
0x54: {  	_ =	shalt  }
0x55: {  	_ =	shalt  }
0x56: {  	_ =	shalt  }
0x57: {  	_ =	shalt  }
0x58: {  	_ =	shalt  }
0x59: {  	_ =	shalt  }
0x5a: {  	_ =	shalt  }
0x5b: {  	_ =	shalt  }
0x5c: {  	_ =	shalt  }
0x5d: {  	_ =	shalt  }
0x5e: {  	_ =	shalt  }
0x5f: {  	_ =	shalt  }
0x60: {  	_ =	shalt  }
0x61: {  	_ =	shalt  }
0x62: {  	_ =	shalt  }
0x63: {  	_ =	shalt  }
0x64: {  	_ =	shalt  }
0x65: {  	_ =	shalt  }
0x66: {  	_ =	shalt  }
0x67: {  	_ =	shalt  }
0x68: {  	_ =	shalt  }
0x69: {  	_ =	shalt  }
0x6a: {  	_ =	shalt  }
0x6b: {  	_ =	shalt  }
0x6c: {  	_ =	shalt  }
0x6d: {  	_ =	shalt  }
0x6e: {  	_ =	shalt  }
0x6f: {  	_ =	shalt  }
0x70: {  	_ =	shalt  }
0x71: {  	_ =	shalt  }
0x72: {  	_ =	shalt  }
0x73: {  	_ =	shalt  }
0x74: {  	_ =	shalt  }
0x75: {  	_ =	shalt  }
0x76: {  	_ =	shalt  }
0x77: {  	_ =	shalt  }
0x78: {  	_ =	shalt  }
0x79: {  	_ =	shalt  }
0x7a: {  	_ =	shalt  }
0x7b: {  	_ =	shalt  }
0x7c: {  	_ =	shalt  }
0x7d: {  	_ =	shalt  }
0x7e: {  	_ =	shalt  }
0x7f: {  	_ =	shalt  }
0x80: {  	_ =	shalt  }
0x81: {  	_ =	shalt  }
0x82: {  	_ =	shalt  }
0x83: {  	_ =	shalt  }
0x84: {  	_ =	shalt  }
0x85: {  	_ =	shalt  }
0x86: {  	_ =	shalt  }
0x87: {  	_ =	shalt  }
.Lfunc_end0:
.L_simem_size_0:
called_computation_lowered:
.L_overlay_start_0:
0x88: {  	s2 =	sld [smem:$0x3FD9]  }
0x89: {  	s3 =	sld [smem:$0x3FFE];
	_ =	sdelay $0x1  }
0x8a: {  	s1 =	srdreg.scid  }
0x8b: {  	s0 =	sand.u32 $0x1, s1  }
0x8c: {  	s16 =	sshll.u32 s0, $0xA;
	s2 =	sadd.s32 s3, s2  }
0x8d: {  	s2 =	sadd.s32 s2, s16  }
0x8e: {  	[smem:$0x3FC1] =	sst s2  }
0x8f: {  	_ = 	snop  }
0x90: {  	(tm) =	ssettm $0x1  }
0x91: {  	s17 =	sld [smem:$0x3FFB];
	_ =	sdelay $0x3  }
0x92: {  	_ =	strace s17  }
0x93: {  	s2 =	sld [smem:$0x3FFC];
	_ =	sdelay $0x3  }
0x94: {  	_ =	strace s2  }
0x95: {  	s2 =	sld [smem:$0x3FFD];
	_ =	sdelay $0x3  }
0x96: {  	_ =	strace s2  }
0x97: {  	_ =	strace $0x8FFFFFFF  }
0x98: {  	s18 =	sld [smem:$0x3FDB];
	_ =	sdelay $0x1  }
0x99: {  	s19 =	simm.s32 $_scs_section_size  }
0x9a: {  	s4 =	simm.s32 $_size__tile_overlayer_lowered;
	s5 =	simm.s32 $_tile_overlayer_lowered  }
0x9b: {  	s22 =	simm.s32 $0x1BFF;
	s21 =	sshll.u32 s5, $0x1;
	s2 =	sadd.s32 s19, s18  }
0x9c: {  	s6 =	simm.s32 $0x0;
	s20 =	sshll.u32 s4, $0x1;
	s4 =	sadd.s32 s21, s2  }
0x9d: {  	[timem:s6], [sflag:s22] =	dma.local [hbm:s4], s20  }
0x9e: {  	_ =	swait.ge [sflag:s22], s20  }
0x9f: {  	s3 =	ssub.s32 $0x0, s20;
	[sflag:s22] =	ssyncset.done $0x0  }
0xa0: {  	[sflag:s22] =	ssyncadd.s32 s3;
	_ =	sdelay $0x1  }
0xa1: {  	s23 =	simm.s32 $0x1B8B  }
0xa2: {  	_ =	swait.ge [sflag:s23], $0x1  }
0xa3: {  	[sflag:s23] =	ssyncset.done $0x0  }
0xa4: {  	s25 =	simm.s32 $0x1B8E;
	s24 =	sld [smem:$0x3FFE];
	[sflag:s23] =	ssyncadd.s32 $0xFFFFFFFF  }
0xa5: {  	s26 =	simm.s32 $execute0_lowered;
	[smem:$0x3FD2] =	sst s25  }
0xa6: {  	s4 =	sshll.u32 s26, $0x1;
	_ =	strace $0x80000046;
	[dreg:$0x1] =	wrdreg $0xFFFFFFFF  }
0xa7: {  	s28 =	simm.s32 $_size_execute0_lowered;
	s2 =	sadd.s32 s2, s4;
	[dreg:$0x0] =	wrdreg $0x0  }
0xa8: {  	s4 =	sshll.u32 s28, $0x1;
	[dreg:$0x2] =	wrdreg s2  }
0xa9: {  	[dreg:$0x3] =	wrdreg s4  }
0xaa: {  	[dreg:$0x4] =	wrdreg $0xC0  }
0xab: {  	_ =	task [dreg:s6], $0x5FFFF  }
0xac: {  	[dreg:$0x1] =	wrdreg $0xFFFFFFFF  }
0xad: {  	[dreg:$0x0] =	wrdreg $0x60  }
0xae: {  	[dreg:$0x2] =	wrdreg s24  }
0xaf: {  	[dreg:$0x3] =	wrdreg $0x9  }
0xb0: {  	_ =	task.clear_ibuf [dreg:s6], $0x4FFFF;
	_ =	strace $0x90000046  }
0xb1: {  	s29 =	simm.s32 $0x9;
	_ =	strace $0x80000048  }
0xb2: {  	_ =	swait.ge [sflag:s29], $0x1  }
0xb3: {  	[sflag:s29] =	ssyncadd.s32 $0xFFFFFFFF  }
0xb4: {  	_ =	strace $0x90000048  }
0xb5: {  	_ =	sfence  }
0xb6: {  	s30 =	sld [smem:$0x0];
	_ =	sdelay $0x2  }
0xb7: {  	s31 =	sshll.u32 s1, $0xD;
	s1 =	sshrl.u32 s1, $0x2  }
0xb8: {  	s3 =	sand.u32 $0x4000, s31;
	s1 =	sadd.s32 s1, s30  }
0xb9: {  	s0 =	sor.u32 s3, s0;
	s1 =	sshll.u32 s1, $0x11  }
0xba: {  	s0 =	sor.u32 s1, s0  }
0xbb: {  	s0 =	sadd.s32 $0x8F2B, s0  }
0xbc: {  	[sflag:s0] =	ssyncadd.remote.s32 $0x1  }
0xbd: {  	_ =	sfence.sel $0xFFFF  }
0xbe: {  	[dreg:$0x0] =	wrdreg $0xFFFFFFFF;
	(pc) =	sbr.abs _section_cstart, $3  }
0xbf: {  	[dreg:$0x1] =	wrdreg $0xFFFFFFFF  }
0xc0: {  	_ =	task.clear_ibuf [dreg:s6], $0x2FFFF;
	_ =	strace $0x9FFFFFFF  }
0xc1: {  	(tm) =	ssettm $0x7FFFFFFF  }
tec
execute0_lowered:
.L_overlay_start_1:
0x0: {  	(tag) =	ssettag $0x1  }
0x1: {  	s0 =	rddreg [dreg:$0x0]  }
0x2: {  	s1 =	simm.s32 $0x0;
	s23 =	srdreg.scid;
	s5 =	stileid.u32  }
0x3: {  	s15 =	simm.s32 $0x3;
	s13 =	simm.s32 $0x3E80;
	s31 =	simm.s32 $0x4580  }
0x4: {  	s16 =	simm.s32 $0x4600;
	s7 =	simm.s32 $0x4700;
	s29 =	simm.s32 $0x4900  }
0x5: {  	s12 =	simm.s32 $0x4980;
	s18 =	simm.s32 $0x4A00;
	s28 =	simm.s32 $0x2  }
0x6: {  	s30 =	simm.s32 $0xAF00;
	[smem:$0x7FF] =	sst s1;
	s2 =	sadd.s32 $0x534800, s0  }
0x7: {  	s20 =	sadd.s32 $0x524E00, s0;
	_ =	strace $0x80000047;
	[dreg:$0x2] =	wrdreg s2  }
0x8: {  	s21 =	sadd.s32 $0x505A00, s0;
	s22 =	sadd.s32 $0x4F6000, s0;
	[dreg:$0x3] =	wrdreg s20  }
0x9: {  	v0 =	vimm.f32 $1.999999950e-04;
	s3 =	sadd.s32 $0x515400, s0;
	s8 =	sadd.s32 $0x8EDA00, s0;
	[dreg:$0x4] =	wrdreg s21  }
0xa: {  	s9 =	sadd.s32 $0xDCFA00, s0;
	s10 =	sadd.s32 $0x4E2600, s0;
	[dreg:$0x5] =	wrdreg s22;
	(erf) = vrcp.f32 v0  }
0xb: {  	s5 =	sshll.u32 s5, $0x1;
	s6 =	sadd.s32 $0x553C00, s0;
	[dreg:$0x6] =	wrdreg s3  }
0xc: {  	s0 =	sadd.s32 $0x544200, s0;
	s2 =	sand.u32 $0x1, s23;
	[dreg:$0x7] =	wrdreg s6  }
0xd: {  	[dreg:$0x8] =	wrdreg s0;
	s20 =	simm.s32 $0x80;
	s22 =	simm.s32 $0x4B00  }
0xe: {  	s6 =	simm.s32 $0x4800;
	s21 =	simm.s32 $0x4A80;
	s23 =	simm.s32 $0x1  }
.Ltmp0:
0xf: {  	s24 =	ssub.s32 $0x2, s2;
	s2 =	sor.u32 s2, s5;
	v0 =	vlaneseq.u32;
	(pc) =	sbr.rel .LBB2_1-.Ltmp0, $4  }
0x10: {  	s4 =	sshrl.u32 s24, $0x1;
	s25 =	smul.u32 $0x3E80, s2;
	s2 =	simm.s32 $0x4680;
	v0 =	vmul.u32 $0x8, v0  }
0x11: {  	v1 =	vimm.f32 $0.0e+00;
	s3 =	ssub.s32 s24, s4;
	s24 =	simm.s32 $0x4780;
	s4 =	simm.s32 $0x4880  }
0x12: {  	v2 =	vimm.s32 $0x1;
	vm0 =	vmmov $0xffff;
	[dreg:$0x9] =	wrdreg s25;
	s26 =	smax.u32 s3, $0x1;
	s25 =	simm.s32 $0x12C00;
	v3 =	vor.u32 $0x1, v0  }
0x13: {  	v5 =	vor.u32 $0x2, v0;
	v6 =	vor.u32 $0x3, v0;
	v7 =	vor.u32 $0x4, v0;
	s3 =	simm.s32 $0x0;
	[dreg:$0xa] =	wrdreg s26;
	s26 =	simm.s32 $0x3F00;
	v4 =	vpop (erf)  }
.LBB2_17:
0x14: {  	s3 =	rddreg [dreg:$0xb]  }
0x15: {  	s0 =	rddreg [dreg:$0xa];
	s3 =	sadd.s32 $0x1, s3  }
0x16: {  	p0 =	sne.s32 s3, s0  }
.Ltmp1:
0x17: {  	_ = 	snop;
	(pc) =	sbr.rel @!p0 .LBB2_18-.Ltmp1, $1  }
0x18: {  	_ =	sdelay $0x3  }
.LBB2_1:
.Ltmp2:
0x19: {  	(pc) =	sbr.rel .LBB2_2-.Ltmp2, $2  }
0x1a: {  	_ =	sdelay $0x2  }
0x1b: {  	[dreg:$0xb] =	wrdreg s3;
	s0 =	simm.s32 $0x0  }
.LBB2_16:
0x1c: {  	s3 =	rddreg [dreg:$0x7]  }
0x1d: {  	s5 =	simm.s32 $0x11300;
	s3 =	sadd.s32 s3, s14  }
0x1e: {  	[hbm4b:s3+s1] =	stream.linear.scatter [tilespmem:s5], [sflag:$0x3], $0xC80, $0x38;
	[tilespmem:$0x12C80] =	vst v63  }
0x1f: {  	s19 =	simm.s32 $0x11F80;
	s0 =	sadd.s32 $0x1, s0;
	_ =	swait.ge [sflag:s15], $0xC80  }
0x20: {  	p0 =	sne.s32 s0, $0x5;
	[sflag:s15] =	ssyncset.done $0x0;
	s17 =	rddreg [dreg:$0x8]  }
.Ltmp3:
0x21: {  	[sflag:s15] =	ssyncadd.s32 $0xFFFFF380;
	s3 =	sadd.s32 s17, s14;
	(pc) =	sbr.rel @!p0 .LBB2_17-.Ltmp3, $4  }
0x22: {  	[hbm4b:s3+s1] =	stream.linear.scatter [tilespmem:s19], [sflag:$0x3], $0xC80, $0x38;
	[tilespmem:$0x12C80] =	vst v63  }
0x23: {  	_ =	swait.ge [sflag:s15], $0xC80  }
0x24: {  	[sflag:s15] =	ssyncset.done $0x0  }
0x25: {  	[sflag:s15] =	ssyncadd.s32 $0xFFFFF380  }
.LBB2_2:
0x26: {  	s3 =	smul.u32 $0xC80, s0  }
0x27: {  	s5 =	rddreg [dreg:$0x9]  }
0x28: {  	s3 =	sadd.s32 s5, s3  }
0x29: {  	s5 =	rddreg [dreg:$0x2];
	s14 =	sshrl.u32 s3, $0x3  }
0x2a: {  	s17 =	simm.s32 $0x0;
	s3 =	sadd.s32 s5, s14  }
0x2b: {  	[tilespmem:s17], [sflag:$0x3] =	stream.linear.gather [hbm4b:s3+s17], $0xC80, $0x38;
	[tilespmem:$0x12C80] =	vst v63  }
0x2c: {  	_ =	swait.ge [sflag:s15], $0xC80  }
0x2d: {  	[sflag:s15] =	ssyncset.done $0x0;
	s11 =	rddreg [dreg:$0x3]  }
0x2e: {  	s19 =	simm.s32 $0xC80;
	[sflag:s15] =	ssyncadd.s32 $0xFFFFF380;
	s3 =	sadd.s32 s11, s14  }
0x2f: {  	[tilespmem:s19], [sflag:$0x3] =	stream.linear.gather [hbm4b:s3+s17], $0xC80, $0x38;
	[tilespmem:$0x12C80] =	vst v63  }
0x30: {  	_ =	swait.ge [sflag:s15], $0xC80  }
0x31: {  	[sflag:s15] =	ssyncset.done $0x0;
	s11 =	rddreg [dreg:$0x4]  }
0x32: {  	s19 =	simm.s32 $0x1900;
	[sflag:s15] =	ssyncadd.s32 $0xFFFFF380;
	s3 =	sadd.s32 s11, s14  }
0x33: {  	[tilespmem:s19], [sflag:$0x3] =	stream.linear.gather [hbm4b:s3+s17], $0xC80, $0x38;
	[tilespmem:$0x12C80] =	vst v63  }
0x34: {  	_ =	swait.ge [sflag:s15], $0xC80  }
0x35: {  	[sflag:s15] =	ssyncset.done $0x0;
	s11 =	rddreg [dreg:$0x5]  }
0x36: {  	s19 =	simm.s32 $0x2580;
	[sflag:s15] =	ssyncadd.s32 $0xFFFFF380;
	s3 =	sadd.s32 s11, s14  }
0x37: {  	[tilespmem:s19], [sflag:$0x3] =	stream.linear.gather [hbm4b:s3+s17], $0xC80, $0x38;
	[tilespmem:$0x12C80] =	vst v63  }
0x38: {  	_ =	swait.ge [sflag:s15], $0xC80  }
0x39: {  	[sflag:s15] =	ssyncset.done $0x0;
	s11 =	rddreg [dreg:$0x6]  }
0x3a: {  	s19 =	simm.s32 $0x3200;
	[sflag:s15] =	ssyncadd.s32 $0xFFFFF380;
	s3 =	sadd.s32 s11, s14  }
0x3b: {  	[tilespmem:s19], [sflag:$0x3] =	stream.linear.gather [hbm4b:s3+s17], $0xC80, $0x38;
	[tilespmem:$0x12C80] =	vst v63  }
0x3c: {  	_ =	swait.ge [sflag:s15], $0xC80  }
0x3d: {  	[sflag:s15] =	ssyncset.done $0x0  }
0x3e: {  	s5 =	simm.s32 $0x0;
	[sflag:s15] =	ssyncadd.s32 $0xFFFFF380  }
0x3f: {  	v8 =	vld [tilespmem:s5+$0x3200]  }
0x40: {  	v9 =	vld [tilespmem:s5+$0x0];
	_ =	sdelay $0x4  }
0x41: {  	v8 =	vsub.f32 v9, v8;
	_ =	sdelay $0x1  }
0x42: {  	v8 =	vmul.f32 v8, v4;
	_ =	sdelay $0x1  }
0x43: {  	v8 =	vmul.f32 $6.300000000e+01, v8;
	_ =	sdelay $0x1  }
0x44: {  	v8 =	vmax.f32 v8, $0.0e+00  }
0x45: {  	v8 =	vmin.f32 v8, $6.200000000e+01  }
0x46: {  	v9 =	vld [tilespmem:s5+$0x1900];
	v8 =	vtrunc.f32 v8  }
0x47: {  	v8 =	vcvt.f32.s32 v8;
	_ =	sdelay $0x1  }
0x48: {  	v10 =	vshrl.u32 v8, $0x4  }
0x49: {  	s11 =	sand.u32 $0x3E00, s17;
	v8 =	vand.u32 $0xF, v8;
	v10 =	vmul.u32 $0xC80, v10  }
0x4a: {  	s19 =	sand.u32 $0x70, s17;
	s3 =	sshrl.u32 s11, $0x2;
	v8 =	vadd.s32 v9, v8  }
0x4b: {  	s3 =	sor.u32 s19, s3;
	v8 =	vadd.s32 v10, v8  }
0x4c: {  	s11 =	simm.s32 $0x10;
	[tilespmem:s3+$0x3E80] =	vst v8  }
0x4d: {  	s5 =	simm.s32 $0x80;
	s3 =	simm.s32 $0x40;
	v8 =	vld [tilespmem:s11+$0x3200]  }
.LBB2_3:
0x4e: {  	p0 =	sne.s32 s5, $0x31C0;
	v9 =	vld [tilespmem:s11+$0x0];
	_ =	sdelay $0x4  }
0x4f: {  	v8 =	vsub.f32 v9, v8;
	_ =	sdelay $0x1  }
0x50: {  	v8 =	vmul.f32 v8, v4;
	_ =	sdelay $0x1  }
0x51: {  	v8 =	vmul.f32 $6.300000000e+01, v8;
	_ =	sdelay $0x1  }
0x52: {  	v8 =	vmax.f32 v8, $0.0e+00  }
0x53: {  	v8 =	vmin.f32 v8, $6.200000000e+01  }
0x54: {  	v8 =	vtrunc.f32 v8;
	v9 =	vld [tilespmem:s11+$0x1900]  }
0x55: {  	v8 =	vcvt.f32.s32 v8;
	_ =	sdelay $0x1  }
0x56: {  	v10 =	vshrl.u32 v8, $0x4  }
.Ltmp4:
0x57: {  	s3 =	sand.u32 $0x3E00, s3;
	s17 =	sadd.s32 $0x10, s17;
	v8 =	vand.u32 $0xF, v8;
	v10 =	vmul.u32 $0xC80, v10;
	(pc) =	sbr.rel @p0 .LBB2_3-.Ltmp4, $4  }
0x58: {  	s19 =	sshrl.u32 s3, $0x2;
	s3 =	smov.u32 s5;
	s11 =	sand.u32 $0x70, s17;
	v8 =	vadd.s32 v9, v8  }
0x59: {  	s19 =	sor.u32 s11, s19;
	v8 =	vadd.s32 v10, v8  }
0x5a: {  	s11 =	sshra.s32 s5, $0x2;
	[tilespmem:s19+$0x3E80] =	vst v8  }
0x5b: {  	s5 =	sadd.s32 $0x40, s5;
	v8 =	vld [tilespmem:s11+$0x3200]  }
0x5c: {  	v9 =	vld [tilespmem:s11+$0x0];
	_ =	sdelay $0x4  }
0x5d: {  	v8 =	vsub.f32 v9, v8;
	_ =	sdelay $0x1  }
0x5e: {  	v8 =	vmul.f32 v8, v4;
	_ =	sdelay $0x1  }
0x5f: {  	v8 =	vmul.f32 $6.300000000e+01, v8;
	_ =	sdelay $0x1  }
0x60: {  	v8 =	vmax.f32 v8, $0.0e+00  }
0x61: {  	v8 =	vmin.f32 v8, $6.200000000e+01  }
0x62: {  	v63 =	vld [tilespmem:s11+$0x1900];
	v8 =	vtrunc.f32 v8  }
0x63: {  	v8 =	vcvt.f32.s32 v8;
	_ =	sdelay $0x1  }
0x64: {  	v10 =	vshrl.u32 v8, $0x4  }
0x65: {  	s3 =	sand.u32 $0x3E00, s3;
	s5 =	sadd.s32 $0x10, s17;
	v8 =	vand.u32 $0xF, v8;
	v10 =	vmul.u32 $0xC80, v10  }
0x66: {  	s5 =	sand.u32 $0x70, s5;
	s3 =	sshrl.u32 s3, $0x2;
	v8 =	vadd.s32 v63, v8  }
0x67: {  	s3 =	sor.u32 s5, s3;
	v8 =	vadd.s32 v10, v8  }
0x68: {  	[tilespmem:s3+$0x3E80] =	vst v8  }
0x69: {  	[tilespmem:s22], [sflag:$0x1] =	stream.indirect.gather [hbm4b:s8+s20], $0x8, s13, s20, $0xb8;
	[tilespmem:$0x12C80] =	vst v63  }
0x6a: {  	s19 =	simm.s32 $0x4F00  }
0x6b: {  	[tilespmem:s19], [sflag:$0x1] =	stream.indirect.gather [hbm4b:s8+s20], $0x8, s26, s20, $0xb8;
	[tilespmem:$0x12C80] =	vst v63  }
0x6c: {  	s11 =	simm.s32 $0x5300;
	s5 =	simm.s32 $0x3F80  }
0x6d: {  	[tilespmem:s11], [sflag:$0x1] =	stream.indirect.gather [hbm4b:s8+s20], $0x8, s5, s20, $0xb8;
	[tilespmem:$0x12C80] =	vst v63  }
0x6e: {  	s17 =	simm.s32 $0x4000;
	s19 =	simm.s32 $0x5700  }
0x6f: {  	[tilespmem:s19], [sflag:$0x1] =	stream.indirect.gather [hbm4b:s8+s20], $0x8, s17, s20, $0xb8;
	[tilespmem:$0x12C80] =	vst v63  }
0x70: {  	s5 =	simm.s32 $0x4080;
	s11 =	simm.s32 $0x5B00  }
0x71: {  	[tilespmem:s11], [sflag:$0x1] =	stream.indirect.gather [hbm4b:s8+s20], $0x8, s5, s20, $0xb8;
	[tilespmem:$0x12C80] =	vst v63  }
0x72: {  	s17 =	simm.s32 $0x4100;
	s19 =	simm.s32 $0x5F00  }
0x73: {  	[tilespmem:s19], [sflag:$0x1] =	stream.indirect.gather [hbm4b:s8+s20], $0x8, s17, s20, $0xb8;
	[tilespmem:$0x12C80] =	vst v63  }
0x74: {  	s5 =	simm.s32 $0x4180;
	s11 =	simm.s32 $0x6300  }
0x75: {  	[tilespmem:s11], [sflag:$0x1] =	stream.indirect.gather [hbm4b:s8+s20], $0x8, s5, s20, $0xb8;
	[tilespmem:$0x12C80] =	vst v63  }
0x76: {  	s17 =	simm.s32 $0x4200;
	s19 =	simm.s32 $0x6700  }
0x77: {  	[tilespmem:s19], [sflag:$0x1] =	stream.indirect.gather [hbm4b:s8+s20], $0x8, s17, s20, $0xb8;
	[tilespmem:$0x12C80] =	vst v63  }
0x78: {  	s5 =	simm.s32 $0x4280;
	s11 =	simm.s32 $0x6B00  }
0x79: {  	[tilespmem:s11], [sflag:$0x1] =	stream.indirect.gather [hbm4b:s8+s20], $0x8, s5, s20, $0xb8;
	[tilespmem:$0x12C80] =	vst v63  }
0x7a: {  	s17 =	simm.s32 $0x4300;
	s19 =	simm.s32 $0x6F00  }
0x7b: {  	[tilespmem:s19], [sflag:$0x1] =	stream.indirect.gather [hbm4b:s8+s20], $0x8, s17, s20, $0xb8;
	[tilespmem:$0x12C80] =	vst v63  }
0x7c: {  	s5 =	simm.s32 $0x4380;
	s11 =	simm.s32 $0x7300  }
0x7d: {  	[tilespmem:s11], [sflag:$0x1] =	stream.indirect.gather [hbm4b:s8+s20], $0x8, s5, s20, $0xb8;
	[tilespmem:$0x12C80] =	vst v63  }
0x7e: {  	s17 =	simm.s32 $0x4400;
	s19 =	simm.s32 $0x7700  }
0x7f: {  	[tilespmem:s19], [sflag:$0x1] =	stream.indirect.gather [hbm4b:s8+s20], $0x8, s17, s20, $0xb8;
	[tilespmem:$0x12C80] =	vst v63  }
0x80: {  	s5 =	simm.s32 $0x4480;
	s11 =	simm.s32 $0x7B00  }
0x81: {  	[tilespmem:s11], [sflag:$0x1] =	stream.indirect.gather [hbm4b:s8+s20], $0x8, s5, s20, $0xb8;
	[tilespmem:$0x12C80] =	vst v63  }
0x82: {  	s17 =	simm.s32 $0x4500;
	s19 =	simm.s32 $0x7F00  }
0x83: {  	[tilespmem:s19], [sflag:$0x1] =	stream.indirect.gather [hbm4b:s8+s20], $0x8, s17, s20, $0xb8;
	[tilespmem:$0x12C80] =	vst v63  }
0x84: {  	s11 =	simm.s32 $0x8300  }
0x85: {  	[tilespmem:s11], [sflag:$0x1] =	stream.indirect.gather [hbm4b:s8+s20], $0x8, s31, s20, $0xb8;
	[tilespmem:$0x12C80] =	vst v63  }
0x86: {  	s17 =	simm.s32 $0x8700  }
0x87: {  	[tilespmem:s17], [sflag:$0x1] =	stream.indirect.gather [hbm4b:s8+s20], $0x8, s16, s20, $0xb8;
	[tilespmem:$0x12C80] =	vst v63  }
0x88: {  	s19 =	simm.s32 $0x8B00  }
0x89: {  	[tilespmem:s19], [sflag:$0x1] =	stream.indirect.gather [hbm4b:s8+s20], $0x8, s2, s20, $0xb8;
	[tilespmem:$0x12C80] =	vst v63  }
0x8a: {  	s5 =	simm.s32 $0x8F00  }
0x8b: {  	[tilespmem:s5], [sflag:$0x1] =	stream.indirect.gather [hbm4b:s8+s20], $0x8, s7, s20, $0xb8;
	[tilespmem:$0x12C80] =	vst v63  }
0x8c: {  	s11 =	simm.s32 $0x9300  }
0x8d: {  	[tilespmem:s11], [sflag:$0x1] =	stream.indirect.gather [hbm4b:s8+s20], $0x8, s24, s20, $0xb8;
	[tilespmem:$0x12C80] =	vst v63  }
0x8e: {  	s17 =	simm.s32 $0x9700  }
0x8f: {  	[tilespmem:s17], [sflag:$0x1] =	stream.indirect.gather [hbm4b:s8+s20], $0x8, s6, s20, $0xb8;
	[tilespmem:$0x12C80] =	vst v63  }
0x90: {  	s19 =	simm.s32 $0x9B00  }
0x91: {  	[tilespmem:s19], [sflag:$0x1] =	stream.indirect.gather [hbm4b:s8+s20], $0x8, s4, s20, $0xb8;
	[tilespmem:$0x12C80] =	vst v63  }
0x92: {  	s5 =	simm.s32 $0x9F00  }
0x93: {  	[tilespmem:s5], [sflag:$0x1] =	stream.indirect.gather [hbm4b:s8+s20], $0x8, s29, s20, $0xb8;
	[tilespmem:$0x12C80] =	vst v63  }
0x94: {  	s11 =	simm.s32 $0xA300  }
0x95: {  	[tilespmem:s11], [sflag:$0x1] =	stream.indirect.gather [hbm4b:s8+s20], $0x8, s12, s20, $0xb8;
	[tilespmem:$0x12C80] =	vst v63  }
0x96: {  	s17 =	simm.s32 $0xA700  }
0x97: {  	[tilespmem:s17], [sflag:$0x1] =	stream.indirect.gather [hbm4b:s8+s20], $0x8, s18, s20, $0xb8;
	[tilespmem:$0x12C80] =	vst v63  }
0x98: {  	s19 =	simm.s32 $0xAB00  }
0x99: {  	[tilespmem:s19], [sflag:$0x1] =	stream.indirect.gather [hbm4b:s8+s20], $0x8, s21, s20, $0xb8;
	[tilespmem:$0x12C80] =	vst v63  }
0x9a: {  	_ =	swait.ge [sflag:s23], $0x400  }
0x9b: {  	[sflag:s23] =	ssyncset.done $0x0  }
0x9c: {  	[sflag:s23] =	ssyncadd.s32 $0xFFFFFC00  }
0x9d: {  	_ =	swait.ge [sflag:s23], $0x400  }
0x9e: {  	[sflag:s23] =	ssyncset.done $0x0  }
0x9f: {  	[sflag:s23] =	ssyncadd.s32 $0xFFFFFC00  }
0xa0: {  	_ =	swait.ge [sflag:s23], $0x400  }
0xa1: {  	[sflag:s23] =	ssyncset.done $0x0  }
0xa2: {  	[sflag:s23] =	ssyncadd.s32 $0xFFFFFC00  }
0xa3: {  	_ =	swait.ge [sflag:s23], $0x400  }
0xa4: {  	[sflag:s23] =	ssyncset.done $0x0  }
0xa5: {  	[sflag:s23] =	ssyncadd.s32 $0xFFFFFC00  }
0xa6: {  	_ =	swait.ge [sflag:s23], $0x400  }
0xa7: {  	[sflag:s23] =	ssyncset.done $0x0  }
0xa8: {  	[sflag:s23] =	ssyncadd.s32 $0xFFFFFC00  }
0xa9: {  	_ =	swait.ge [sflag:s23], $0x400  }
0xaa: {  	[sflag:s23] =	ssyncset.done $0x0  }
0xab: {  	[sflag:s23] =	ssyncadd.s32 $0xFFFFFC00  }
0xac: {  	_ =	swait.ge [sflag:s23], $0x400  }
0xad: {  	[sflag:s23] =	ssyncset.done $0x0  }
0xae: {  	[sflag:s23] =	ssyncadd.s32 $0xFFFFFC00  }
0xaf: {  	_ =	swait.ge [sflag:s23], $0x400  }
0xb0: {  	[sflag:s23] =	ssyncset.done $0x0  }
0xb1: {  	[sflag:s23] =	ssyncadd.s32 $0xFFFFFC00  }
0xb2: {  	_ =	swait.ge [sflag:s23], $0x400  }
0xb3: {  	[sflag:s23] =	ssyncset.done $0x0  }
0xb4: {  	[sflag:s23] =	ssyncadd.s32 $0xFFFFFC00  }
0xb5: {  	_ =	swait.ge [sflag:s23], $0x400  }
0xb6: {  	[sflag:s23] =	ssyncset.done $0x0  }
0xb7: {  	[sflag:s23] =	ssyncadd.s32 $0xFFFFFC00  }
0xb8: {  	_ =	swait.ge [sflag:s23], $0x400  }
0xb9: {  	[sflag:s23] =	ssyncset.done $0x0  }
0xba: {  	[sflag:s23] =	ssyncadd.s32 $0xFFFFFC00  }
0xbb: {  	_ =	swait.ge [sflag:s23], $0x400  }
0xbc: {  	[sflag:s23] =	ssyncset.done $0x0  }
0xbd: {  	[sflag:s23] =	ssyncadd.s32 $0xFFFFFC00  }
0xbe: {  	_ =	swait.ge [sflag:s23], $0x400  }
0xbf: {  	[sflag:s23] =	ssyncset.done $0x0  }
0xc0: {  	[sflag:s23] =	ssyncadd.s32 $0xFFFFFC00  }
0xc1: {  	_ =	swait.ge [sflag:s23], $0x400  }
0xc2: {  	[sflag:s23] =	ssyncset.done $0x0  }
0xc3: {  	[sflag:s23] =	ssyncadd.s32 $0xFFFFFC00  }
0xc4: {  	_ =	swait.ge [sflag:s23], $0x400  }
0xc5: {  	[sflag:s23] =	ssyncset.done $0x0  }
0xc6: {  	[sflag:s23] =	ssyncadd.s32 $0xFFFFFC00  }
0xc7: {  	_ =	swait.ge [sflag:s23], $0x400  }
0xc8: {  	[sflag:s23] =	ssyncset.done $0x0  }
0xc9: {  	[sflag:s23] =	ssyncadd.s32 $0xFFFFFC00  }
0xca: {  	_ =	swait.ge [sflag:s23], $0x400  }
0xcb: {  	[sflag:s23] =	ssyncset.done $0x0  }
0xcc: {  	[sflag:s23] =	ssyncadd.s32 $0xFFFFFC00  }
0xcd: {  	_ =	swait.ge [sflag:s23], $0x400  }
0xce: {  	[sflag:s23] =	ssyncset.done $0x0  }
0xcf: {  	[sflag:s23] =	ssyncadd.s32 $0xFFFFFC00  }
0xd0: {  	_ =	swait.ge [sflag:s23], $0x400  }
0xd1: {  	[sflag:s23] =	ssyncset.done $0x0  }
0xd2: {  	[sflag:s23] =	ssyncadd.s32 $0xFFFFFC00  }
0xd3: {  	_ =	swait.ge [sflag:s23], $0x400  }
0xd4: {  	[sflag:s23] =	ssyncset.done $0x0  }
0xd5: {  	[sflag:s23] =	ssyncadd.s32 $0xFFFFFC00  }
0xd6: {  	_ =	swait.ge [sflag:s23], $0x400  }
0xd7: {  	[sflag:s23] =	ssyncset.done $0x0  }
0xd8: {  	[sflag:s23] =	ssyncadd.s32 $0xFFFFFC00  }
0xd9: {  	_ =	swait.ge [sflag:s23], $0x400  }
0xda: {  	[sflag:s23] =	ssyncset.done $0x0  }
0xdb: {  	[sflag:s23] =	ssyncadd.s32 $0xFFFFFC00  }
0xdc: {  	_ =	swait.ge [sflag:s23], $0x400  }
0xdd: {  	[sflag:s23] =	ssyncset.done $0x0  }
0xde: {  	[sflag:s23] =	ssyncadd.s32 $0xFFFFFC00  }
0xdf: {  	_ =	swait.ge [sflag:s23], $0x400  }
.Ltmp5:
0xe0: {  	[sflag:s23] =	ssyncset.done $0x0;
	(pc) =	sbr.rel .LBB2_5-.Ltmp5, $4  }
0xe1: {  	[sflag:s23] =	ssyncadd.s32 $0xFFFFFC00  }
0xe2: {  	_ =	swait.ge [sflag:s23], $0x400  }
0xe3: {  	[sflag:s23] =	ssyncset.done $0x0  }
0xe4: {  	s17 =	simm.s32 $0x0;
	[sflag:s23] =	ssyncadd.s32 $0xFFFFFC00  }
.LBB2_7:
0xe5: {  	v11 =	vsub.f32 v13, v10;
	_ =	sdelay $0x1  }
0xe6: {  	v11 =	vmul.f32 $1.999999950e-04, v11;
	_ =	sdelay $0x1  }
0xe7: {  	v58 =	vmax.f32 v11, $9.999999960e-13  }
0xe8: {  	(erf) = vrcp.f32 v58;
	_ =	sdelay $0x3  }
0xe9: {  	v59 =	vmul.f32 $1.999999950e-04, v10;
	_ =	sdelay $0x1  }
0xea: {  	v9 =	vadd.f32 v59, v9;
	_ =	sdelay $0x1  }
0xeb: {  	v8 =	vsub.f32 v8, v9  }
0xec: {  	v60 =	vpop (erf)  }
0xed: {  	v8 =	vmul.f32 v60, v8;
	_ =	sdelay $0x1  }
0xee: {  	v8 =	vmax.f32 v8, $0.0e+00  }
0xef: {  	v8 =	vmin.f32 v8, $1.000000000e+00  }
0xf0: {  	v61 =	vmul.f32 $5.000000000e-01, v8  }
0xf1: {  	v62 =	vmul.f32 v8, v11  }
0xf2: {  	v63 =	vsub.f32 v16, v12;
	v9 =	vmul.f32 v61, v8  }
0xf3: {  	v10 =	vmul.f32 v62, v12  }
0xf4: {  	s17 =	sadd.s32 $0x1, s17;
	v8 =	vmul.f32 v8, v63;
	v9 =	vmul.f32 v9, v11  }
0xf5: {  	p0 =	sne.s32 s17, $0xC8  }
.Ltmp6:
0xf6: {  	v10 =	vadd.f32 v10, v15;
	v8 =	vadd.f32 v8, v12;
	v9 =	vmul.f32 v9, v63;
	(pc) =	sbr.rel @!p0 .LBB2_8-.Ltmp6, $4  }
0xf7: {  	_ = 	snop  }
0xf8: {  	v8 =	vmax.f32 v8, $9.999999960e-13;
	v9 =	vadd.f32 v9, v10  }
0xf9: {  	[tilespmem:s3+$0x11F80] =	vst v8  }
0xfa: {  	[tilespmem:s3+$0x11300] =	vst v9  }
.LBB2_5:
0xfb: {  	s3 =	sshll.u32 s17, $0x4  }
0xfc: {  	v8 =	vld [tilespmem:s3+$0x0]  }
0xfd: {  	v9 =	vld [tilespmem:s3+$0x3200];
	_ =	sdelay $0x2  }
0xfe: {  	v10 =	vmov s3  }
0xff: {  	v10 =	vshll.u32 v10, $0x3  }
0x100: {  	v12 =	vor.u32 v0, v10;
	v11 =	vsub.f32 v8, v9  }
0x101: {  	v13 =	vor.u32 $0x1, v12  }
0x102: {  	v11 =	vmul.f32 v11, v4;
	_ =	sdelay $0x1  }
0x103: {  	v14 =	vmul.f32 $6.300000000e+01, v11  }
0x104: {  	v10 =	vld.idx.msk [tilespmem:v12+s22+$0x0], $0xffff  }
0x105: {  	v13 =	vld.idx.msk [tilespmem:v13+s22+$0x0], $0xffff;
	v14 =	vmax.f32 v14, $0.0e+00  }
0x106: {  	v14 =	vmin.f32 v14, $6.200000000e+01  }
0x107: {  	v14 =	vtrunc.f32 v14  }
0x108: {  	v14 =	vcvt.f32.s32 v14  }
0x109: {  	vm1 =	vge.f32 v10, v11  }
0x10a: {  	vm3 =	vlt.f32 v13, v11;
	vm2 =	vgt.s32 v14, $0x0;
	vm4 =	vlt.s32 v14, $0x3E  }
0x10b: {  	vm1 =	vmand vm1, vm2;
	vm2 =	vmand vm3, vm4  }
0x10c: {  	vm1 =	vmor vm1, vm2  }
0x10d: {  	v15 =	vsel vm1, $0x3F800000, v1  }
0x10e: {  	(xrf0) =	vmax.scan.msk.f32 $0xffff, v15;
	_ =	sdelay $0x5  }
0x10f: {  	v15, _, _ =	vpop (xrf0)  }
0x110: {  	(v2sf) =	vpush v15, $0xF;
	_ =	sdelay $0xd  }
0x111: {  	v16 =	vor.u32 $0x3, v12  }
0x112: {  	v15 =	vor.u32 $0x2, v12;
	s5 =	spop (v2sf)  }
0x113: {  	v18 =	vor.u32 $0x4, v12;
	p0 =	sgt.f32 s5, $0.0e+00  }
.Ltmp7:
0x114: {  	_ = 	snop;
	(pc) =	sbr.rel @!p0 .LBB2_7-.Ltmp7, $4  }
0x115: {  	v17 =	vld [tilespmem:s3+$0x1900]  }
0x116: {  	v16 =	vld.idx.msk [tilespmem:v16+s22+$0x0], $0xffff  }
0x117: {  	v12 =	vld.idx.msk [tilespmem:v15+s22+$0x0], $0xffff  }
0x118: {  	v15 =	vld.idx.msk [tilespmem:v18+s22+$0x0], $0xffff  }
.LBB2_6:
0x119: {  	vm2 =	vge.f32 v10, v11  }
0x11a: {  	v18 =	vsel vm2, $0xFFFFFFFF, v2  }
0x11b: {  	v18 =	vnsel vm1, $0x0, v18  }
0x11c: {  	v14 =	vadd.s32 v14, v18  }
0x11d: {  	v18 =	vshrl.u32 v14, $0x4  }
0x11e: {  	v19 =	vand.u32 $0xF, v14;
	v18 =	vmul.u32 $0xC80, v18  }
0x11f: {  	v19 =	vadd.s32 v17, v19  }
0x120: {  	v18 =	vadd.s32 v18, v19;
	_ =	sdelay $0x4  }
0x121: {  	[tilespmem:s25], [sflag:$0x2] =	stream.indirect_vreg.gather [hbm4b:s8+s1], $0x8, v18, vm0, $0xb8;
	[tilespmem:$0x12C80] =	vst v63  }
0x122: {  	_ =	swait.ge [sflag:s28], $0x80  }
0x123: {  	[sflag:s28] =	ssyncset.done $0x0  }
0x124: {  	[sflag:s28] =	ssyncadd.s32 $0xFFFFFF80  }
0x125: {  	v18 =	vld.idx.msk [tilespmem:v0+s25+$0x0], $0xffff  }
0x126: {  	v19 =	vld.idx.msk [tilespmem:v3+s25+$0x0], $0xffff  }
0x127: {  	v20 =	vld.idx.msk [tilespmem:v5+s25+$0x0], $0xffff  }
0x128: {  	v21 =	vld.idx.msk [tilespmem:v6+s25+$0x0], $0xffff  }
0x129: {  	v22 =	vld.idx.msk [tilespmem:v7+s25+$0x0], $0xffff;
	_ =	sdelay $0x1  }
0x12a: {  	vm3 =	vgt.s32 v14, $0x0;
	vm5 =	vlt.s32 v14, $0x3E  }
0x12b: {  	v10 =	vsel vm1, v18, v10;
	v13 =	vsel vm1, v19, v13;
	v12 =	vsel vm1, v20, v12  }
0x12c: {  	v16 =	vsel vm1, v21, v16;
	vm2 =	vge.f32 v10, v11;
	vm4 =	vlt.f32 v13, v11  }
0x12d: {  	v15 =	vsel vm1, v22, v15;
	vm1 =	vmand vm3, vm2;
	vm2 =	vmand vm5, vm4  }
0x12e: {  	vm1 =	vmor vm1, vm2  }
0x12f: {  	v18 =	vsel vm1, $0x3F800000, v1  }
0x130: {  	(xrf0) =	vmax.scan.msk.f32 $0xffff, v18;
	_ =	sdelay $0x5  }
0x131: {  	v18, _, _ =	vpop (xrf0)  }
0x132: {  	(v2sf) =	vpush v18, $0xF;
	_ =	sdelay $0xe  }
0x133: {  	s5 =	spop (v2sf)  }
0x134: {  	p0 =	sgt.f32 s5, $0.0e+00  }
.Ltmp8:
0x135: {  	_ = 	snop;
	(pc) =	sbr.rel @p0 .LBB2_6-.Ltmp8, $1  }
0x136: {  	_ =	sdelay $0x3  }
.Ltmp9:
0x137: {  	_ = 	snop;
	(pc) =	sbr.rel .LBB2_7-.Ltmp9, $1  }
0x138: {  	_ =	sdelay $0x3  }
.LBB2_8:
0x139: {  	s11 =	simm.s32 $0x0  }
0x13a: {  	s3 =	simm.s32 $0x0;
	v8 =	vld [tilespmem:s11+$0xC80]  }
0x13b: {  	s5 =	sand.u32 $0x3E00, s3  }
0x13c: {  	s17 =	sand.u32 $0x70, s3;
	s5 =	sshrl.u32 s5, $0x2  }
0x13d: {  	s3 =	simm.s32 $0x10;
	s11 =	sor.u32 s17, s5;
	s5 =	simm.s32 $0x40  }
.LBB2_9:
0x13e: {  	s17 =	sshra.s32 s5, $0x2  }
0x13f: {  	p0 =	sne.s32 s3, $0xC70;
	[tilespmem:s11+$0x3E80] =	vst v8;
	s11 =	smov.u32 s3;
	s3 =	sadd.s32 $0x10, s3  }
.Ltmp10:
0x140: {  	v8 =	vld [tilespmem:s17+$0xC80];
	(pc) =	sbr.rel @p0 .LBB2_9-.Ltmp10, $4  }
0x141: {  	_ = 	snop  }
0x142: {  	s17 =	sand.u32 $0x3E00, s5  }
0x143: {  	s11 =	sand.u32 $0x70, s11;
	s17 =	sshrl.u32 s17, $0x2  }
0x144: {  	s5 =	sadd.s32 $0x40, s5;
	s11 =	sor.u32 s11, s17  }
0x145: {  	[tilespmem:s11+$0x3E80] =	vst v8  }
0x146: {  	[tilespmem:s30], [sflag:$0x1] =	stream.indirect.gather [hbm4b:s10+s20], $0x8, s13, s20, $0xb8;
	[tilespmem:$0x12C80] =	vst v63  }
0x147: {  	s3 =	simm.s32 $0xB300  }
0x148: {  	[tilespmem:s3], [sflag:$0x1] =	stream.indirect.gather [hbm4b:s10+s20], $0x8, s26, s20, $0xb8;
	[tilespmem:$0x12C80] =	vst v63  }
0x149: {  	s11 =	simm.s32 $0x3F80;
	s5 =	simm.s32 $0xB700  }
0x14a: {  	[tilespmem:s5], [sflag:$0x1] =	stream.indirect.gather [hbm4b:s10+s20], $0x8, s11, s20, $0xb8;
	[tilespmem:$0x12C80] =	vst v63  }
0x14b: {  	s17 =	simm.s32 $0xBB00;
	s13 =	simm.s32 $0x4000  }
0x14c: {  	[tilespmem:s17], [sflag:$0x1] =	stream.indirect.gather [hbm4b:s10+s20], $0x8, s13, s20, $0xb8;
	[tilespmem:$0x12C80] =	vst v63  }
0x14d: {  	s19 =	simm.s32 $0x4080;
	s26 =	simm.s32 $0xBF00  }
0x14e: {  	[tilespmem:s26], [sflag:$0x1] =	stream.indirect.gather [hbm4b:s10+s20], $0x8, s19, s20, $0xb8;
	[tilespmem:$0x12C80] =	vst v63  }
0x14f: {  	s5 =	simm.s32 $0x4100;
	s11 =	simm.s32 $0xC300  }
0x150: {  	[tilespmem:s11], [sflag:$0x1] =	stream.indirect.gather [hbm4b:s10+s20], $0x8, s5, s20, $0xb8;
	[tilespmem:$0x12C80] =	vst v63  }
0x151: {  	s13 =	simm.s32 $0x4180;
	s17 =	simm.s32 $0xC700  }
0x152: {  	[tilespmem:s17], [sflag:$0x1] =	stream.indirect.gather [hbm4b:s10+s20], $0x8, s13, s20, $0xb8;
	[tilespmem:$0x12C80] =	vst v63  }
0x153: {  	s19 =	simm.s32 $0x4200;
	s26 =	simm.s32 $0xCB00  }
0x154: {  	[tilespmem:s26], [sflag:$0x1] =	stream.indirect.gather [hbm4b:s10+s20], $0x8, s19, s20, $0xb8;
	[tilespmem:$0x12C80] =	vst v63  }
0x155: {  	s5 =	simm.s32 $0x4280;
	s11 =	simm.s32 $0xCF00  }
0x156: {  	[tilespmem:s11], [sflag:$0x1] =	stream.indirect.gather [hbm4b:s10+s20], $0x8, s5, s20, $0xb8;
	[tilespmem:$0x12C80] =	vst v63  }
0x157: {  	s13 =	simm.s32 $0x4300;
	s17 =	simm.s32 $0xD300  }
0x158: {  	[tilespmem:s17], [sflag:$0x1] =	stream.indirect.gather [hbm4b:s10+s20], $0x8, s13, s20, $0xb8;
	[tilespmem:$0x12C80] =	vst v63  }
0x159: {  	s19 =	simm.s32 $0x4380;
	s26 =	simm.s32 $0xD700  }
0x15a: {  	[tilespmem:s26], [sflag:$0x1] =	stream.indirect.gather [hbm4b:s10+s20], $0x8, s19, s20, $0xb8;
	[tilespmem:$0x12C80] =	vst v63  }
0x15b: {  	s5 =	simm.s32 $0x4400;
	s11 =	simm.s32 $0xDB00  }
0x15c: {  	[tilespmem:s11], [sflag:$0x1] =	stream.indirect.gather [hbm4b:s10+s20], $0x8, s5, s20, $0xb8;
	[tilespmem:$0x12C80] =	vst v63  }
0x15d: {  	s13 =	simm.s32 $0x4480;
	s17 =	simm.s32 $0xDF00  }
0x15e: {  	[tilespmem:s17], [sflag:$0x1] =	stream.indirect.gather [hbm4b:s10+s20], $0x8, s13, s20, $0xb8;
	[tilespmem:$0x12C80] =	vst v63  }
0x15f: {  	s19 =	simm.s32 $0x4500;
	s26 =	simm.s32 $0xE300  }
0x160: {  	[tilespmem:s26], [sflag:$0x1] =	stream.indirect.gather [hbm4b:s10+s20], $0x8, s19, s20, $0xb8;
	[tilespmem:$0x12C80] =	vst v63  }
0x161: {  	s5 =	simm.s32 $0xE700  }
0x162: {  	[tilespmem:s5], [sflag:$0x1] =	stream.indirect.gather [hbm4b:s10+s20], $0x8, s31, s20, $0xb8;
	[tilespmem:$0x12C80] =	vst v63  }
0x163: {  	s11 =	simm.s32 $0xEB00  }
0x164: {  	[tilespmem:s11], [sflag:$0x1] =	stream.indirect.gather [hbm4b:s10+s20], $0x8, s16, s20, $0xb8;
	[tilespmem:$0x12C80] =	vst v63  }
0x165: {  	s13 =	simm.s32 $0xEF00  }
0x166: {  	[tilespmem:s13], [sflag:$0x1] =	stream.indirect.gather [hbm4b:s10+s20], $0x8, s2, s20, $0xb8;
	[tilespmem:$0x12C80] =	vst v63  }
0x167: {  	s17 =	simm.s32 $0xF300  }
0x168: {  	[tilespmem:s17], [sflag:$0x1] =	stream.indirect.gather [hbm4b:s10+s20], $0x8, s7, s20, $0xb8;
	[tilespmem:$0x12C80] =	vst v63  }
0x169: {  	s19 =	simm.s32 $0xF700  }
0x16a: {  	[tilespmem:s19], [sflag:$0x1] =	stream.indirect.gather [hbm4b:s10+s20], $0x8, s24, s20, $0xb8;
	[tilespmem:$0x12C80] =	vst v63  }
0x16b: {  	s26 =	simm.s32 $0xFB00  }
0x16c: {  	[tilespmem:s26], [sflag:$0x1] =	stream.indirect.gather [hbm4b:s10+s20], $0x8, s6, s20, $0xb8;
	[tilespmem:$0x12C80] =	vst v63  }
0x16d: {  	s5 =	simm.s32 $0xFF00  }
0x16e: {  	[tilespmem:s5], [sflag:$0x1] =	stream.indirect.gather [hbm4b:s10+s20], $0x8, s4, s20, $0xb8;
	[tilespmem:$0x12C80] =	vst v63  }
0x16f: {  	s11 =	simm.s32 $0x10300  }
0x170: {  	[tilespmem:s11], [sflag:$0x1] =	stream.indirect.gather [hbm4b:s10+s20], $0x8, s29, s20, $0xb8;
	[tilespmem:$0x12C80] =	vst v63  }
0x171: {  	s13 =	simm.s32 $0x10700  }
0x172: {  	[tilespmem:s13], [sflag:$0x1] =	stream.indirect.gather [hbm4b:s10+s20], $0x8, s12, s20, $0xb8;
	[tilespmem:$0x12C80] =	vst v63  }
0x173: {  	s17 =	simm.s32 $0x10B00  }
0x174: {  	[tilespmem:s17], [sflag:$0x1] =	stream.indirect.gather [hbm4b:s10+s20], $0x8, s18, s20, $0xb8;
	[tilespmem:$0x12C80] =	vst v63  }
0x175: {  	s19 =	simm.s32 $0x10F00  }
0x176: {  	[tilespmem:s19], [sflag:$0x1] =	stream.indirect.gather [hbm4b:s10+s20], $0x8, s21, s20, $0xb8;
	[tilespmem:$0x12C80] =	vst v63  }
0x177: {  	_ =	swait.ge [sflag:s23], $0x400  }
0x178: {  	[sflag:s23] =	ssyncset.done $0x0  }
0x179: {  	[sflag:s23] =	ssyncadd.s32 $0xFFFFFC00  }
0x17a: {  	_ =	swait.ge [sflag:s23], $0x400  }
0x17b: {  	[sflag:s23] =	ssyncset.done $0x0  }
0x17c: {  	[sflag:s23] =	ssyncadd.s32 $0xFFFFFC00  }
0x17d: {  	_ =	swait.ge [sflag:s23], $0x400  }
0x17e: {  	[sflag:s23] =	ssyncset.done $0x0  }
0x17f: {  	[sflag:s23] =	ssyncadd.s32 $0xFFFFFC00  }
0x180: {  	_ =	swait.ge [sflag:s23], $0x400  }
0x181: {  	[sflag:s23] =	ssyncset.done $0x0  }
0x182: {  	[sflag:s23] =	ssyncadd.s32 $0xFFFFFC00  }
0x183: {  	_ =	swait.ge [sflag:s23], $0x400  }
0x184: {  	[sflag:s23] =	ssyncset.done $0x0  }
0x185: {  	[sflag:s23] =	ssyncadd.s32 $0xFFFFFC00  }
0x186: {  	_ =	swait.ge [sflag:s23], $0x400  }
0x187: {  	[sflag:s23] =	ssyncset.done $0x0  }
0x188: {  	[sflag:s23] =	ssyncadd.s32 $0xFFFFFC00  }
0x189: {  	_ =	swait.ge [sflag:s23], $0x400  }
0x18a: {  	[sflag:s23] =	ssyncset.done $0x0  }
0x18b: {  	[sflag:s23] =	ssyncadd.s32 $0xFFFFFC00  }
0x18c: {  	_ =	swait.ge [sflag:s23], $0x400  }
0x18d: {  	[sflag:s23] =	ssyncset.done $0x0  }
0x18e: {  	[sflag:s23] =	ssyncadd.s32 $0xFFFFFC00  }
0x18f: {  	_ =	swait.ge [sflag:s23], $0x400  }
0x190: {  	[sflag:s23] =	ssyncset.done $0x0  }
0x191: {  	[sflag:s23] =	ssyncadd.s32 $0xFFFFFC00  }
0x192: {  	_ =	swait.ge [sflag:s23], $0x400  }
0x193: {  	[sflag:s23] =	ssyncset.done $0x0  }
0x194: {  	[sflag:s23] =	ssyncadd.s32 $0xFFFFFC00  }
0x195: {  	_ =	swait.ge [sflag:s23], $0x400  }
0x196: {  	[sflag:s23] =	ssyncset.done $0x0  }
0x197: {  	[sflag:s23] =	ssyncadd.s32 $0xFFFFFC00  }
0x198: {  	_ =	swait.ge [sflag:s23], $0x400  }
0x199: {  	[sflag:s23] =	ssyncset.done $0x0  }
0x19a: {  	[sflag:s23] =	ssyncadd.s32 $0xFFFFFC00  }
0x19b: {  	_ =	swait.ge [sflag:s23], $0x400  }
0x19c: {  	[sflag:s23] =	ssyncset.done $0x0  }
0x19d: {  	[sflag:s23] =	ssyncadd.s32 $0xFFFFFC00  }
0x19e: {  	_ =	swait.ge [sflag:s23], $0x400  }
0x19f: {  	[sflag:s23] =	ssyncset.done $0x0  }
0x1a0: {  	[sflag:s23] =	ssyncadd.s32 $0xFFFFFC00  }
0x1a1: {  	_ =	swait.ge [sflag:s23], $0x400  }
0x1a2: {  	[sflag:s23] =	ssyncset.done $0x0  }
0x1a3: {  	[sflag:s23] =	ssyncadd.s32 $0xFFFFFC00  }
0x1a4: {  	_ =	swait.ge [sflag:s23], $0x400  }
0x1a5: {  	[sflag:s23] =	ssyncset.done $0x0  }
0x1a6: {  	[sflag:s23] =	ssyncadd.s32 $0xFFFFFC00  }
0x1a7: {  	_ =	swait.ge [sflag:s23], $0x400  }
0x1a8: {  	[sflag:s23] =	ssyncset.done $0x0  }
0x1a9: {  	[sflag:s23] =	ssyncadd.s32 $0xFFFFFC00  }
0x1aa: {  	_ =	swait.ge [sflag:s23], $0x400  }
0x1ab: {  	[sflag:s23] =	ssyncset.done $0x0  }
0x1ac: {  	[sflag:s23] =	ssyncadd.s32 $0xFFFFFC00  }
0x1ad: {  	_ =	swait.ge [sflag:s23], $0x400  }
0x1ae: {  	[sflag:s23] =	ssyncset.done $0x0  }
0x1af: {  	[sflag:s23] =	ssyncadd.s32 $0xFFFFFC00  }
0x1b0: {  	_ =	swait.ge [sflag:s23], $0x400  }
0x1b1: {  	[sflag:s23] =	ssyncset.done $0x0  }
0x1b2: {  	[sflag:s23] =	ssyncadd.s32 $0xFFFFFC00  }
0x1b3: {  	_ =	swait.ge [sflag:s23], $0x400  }
0x1b4: {  	[sflag:s23] =	ssyncset.done $0x0  }
0x1b5: {  	[sflag:s23] =	ssyncadd.s32 $0xFFFFFC00  }
0x1b6: {  	_ =	swait.ge [sflag:s23], $0x400  }
0x1b7: {  	[sflag:s23] =	ssyncset.done $0x0  }
0x1b8: {  	[sflag:s23] =	ssyncadd.s32 $0xFFFFFC00  }
0x1b9: {  	s19 =	simm.s32 $0x0;
	_ =	swait.ge [sflag:s23], $0x400  }
0x1ba: {  	v8 =	vmov s19;
	[sflag:s23] =	ssyncset.done $0x0  }
0x1bb: {  	v8 =	vshll.u32 v8, $0x3;
	[sflag:s23] =	ssyncadd.s32 $0xFFFFFC00  }
0x1bc: {  	v8 =	vor.u32 v0, v8;
	_ =	swait.ge [sflag:s23], $0x400  }
0x1bd: {  	v9 =	vor.u32 $0x1, v8;
	[sflag:s23] =	ssyncset.done $0x0  }
0x1be: {  	[sflag:s23] =	ssyncadd.s32 $0xFFFFFC00  }
0x1bf: {  	_ =	swait.ge [sflag:s23], $0x400  }
0x1c0: {  	[sflag:s23] =	ssyncset.done $0x0  }
0x1c1: {  	[sflag:s23] =	ssyncadd.s32 $0xFFFFFC00  }
0x1c2: {  	v9 =	vld.idx.msk [tilespmem:v9+s30+$0x0], $0xffff;
	_ =	sdelay $0x4  }
0x1c3: {  	(erf) = vrcp.f32 v9;
	_ =	sdelay $0x1  }
0x1c4: {  	s26 =	simm.s32 $0x0;
	v8 =	vld.idx.msk [tilespmem:v8+s30+$0x0], $0xffff  }
0x1c5: {  	v9 =	vld [tilespmem:s26+$0x11300];
	_ =	sdelay $0x4  }
0x1c6: {  	v8 =	vsub.f32 v9, v8  }
0x1c7: {  	v9 =	vpop (erf)  }
0x1c8: {  	v8 =	vmul.f32 v9, v8;
	_ =	sdelay $0x1  }
0x1c9: {  	v8 =	vmul.f32 $3.100000000e+01, v8;
	_ =	sdelay $0x1  }
0x1ca: {  	v8 =	vmax.f32 v8, $0.0e+00  }
0x1cb: {  	s17 =	simm.s32 $0x10;
	v8 =	vmin.f32 v8, $3.000000000e+01  }
0x1cc: {  	s3 =	simm.s32 $0x40;
	s5 =	simm.s32 $0x0;
	s11 =	simm.s32 $0x80;
	v9 =	vmov s17;
	v10 =	vtrunc.f32 v8;
	v8 =	vld [tilespmem:s26+$0x2580]  }
.LBB2_11:
0x1cd: {  	p0 =	sne.s32 s11, $0x31C0;
	v9 =	vshll.u32 v9, $0x3;
	v10 =	vcvt.f32.s32 v10  }
0x1ce: {  	v9 =	vor.u32 v0, v9  }
0x1cf: {  	v11 =	vor.u32 $0x1, v9;
	v12 =	vshrl.u32 v10, $0x4  }
0x1d0: {  	s13 =	sand.u32 $0x3E00, s19;
	s19 =	smov.u32 s3;
	s3 =	smov.u32 s11;
	v10 =	vand.u32 $0xF, v10;
	v12 =	vmul.u32 $0xC80, v12  }
0x1d1: {  	s26 =	sand.u32 $0x70, s5;
	s5 =	smov.u32 s17;
	s13 =	sshrl.u32 s13, $0x2;
	v8 =	vadd.s32 v8, v10  }
0x1d2: {  	s13 =	sor.u32 s26, s13;
	v8 =	vadd.s32 v12, v8  }
0x1d3: {  	[tilespmem:s13+$0x3E80] =	vst v8  }
0x1d4: {  	v8 =	vld.idx.msk [tilespmem:v11+s30+$0x0], $0xffff;
	_ =	sdelay $0x5  }
0x1d5: {  	(erf) = vrcp.f32 v8;
	_ =	sdelay $0x1  }
0x1d6: {  	s13 =	sshra.s32 s19, $0x2;
	v8 =	vld.idx.msk [tilespmem:v9+s30+$0x0], $0xffff  }
0x1d7: {  	v9 =	vld [tilespmem:s13+$0x11300];
	_ =	sdelay $0x4  }
0x1d8: {  	v8 =	vsub.f32 v9, v8  }
0x1d9: {  	v9 =	vpop (erf)  }
0x1da: {  	v8 =	vmul.f32 v9, v8;
	_ =	sdelay $0x1  }
.Ltmp11:
0x1db: {  	v8 =	vmul.f32 $3.100000000e+01, v8;
	(pc) =	sbr.rel @p0 .LBB2_11-.Ltmp11, $4  }
0x1dc: {  	_ = 	snop  }
0x1dd: {  	v8 =	vmax.f32 v8, $0.0e+00  }
0x1de: {  	s17 =	sadd.s32 $0x10, s17;
	v8 =	vmin.f32 v8, $3.000000000e+01  }
0x1df: {  	s11 =	sadd.s32 $0x40, s11;
	v9 =	vmov s17;
	v10 =	vtrunc.f32 v8;
	v8 =	vld [tilespmem:s13+$0x2580]  }
0x1e0: {  	v9 =	vshll.u32 v9, $0x3;
	v10 =	vcvt.f32.s32 v10  }
0x1e1: {  	v9 =	vor.u32 v0, v9  }
0x1e2: {  	v11 =	vor.u32 $0x1, v9;
	v12 =	vshrl.u32 v10, $0x4  }
0x1e3: {  	s11 =	sand.u32 $0x3E00, s19;
	v10 =	vand.u32 $0xF, v10;
	v12 =	vmul.u32 $0xC80, v12  }
0x1e4: {  	s5 =	sand.u32 $0x70, s5;
	s11 =	sshrl.u32 s11, $0x2;
	v8 =	vadd.s32 v8, v10  }
0x1e5: {  	s5 =	sor.u32 s5, s11;
	v8 =	vadd.s32 v12, v8  }
0x1e6: {  	[tilespmem:s5+$0x3E80] =	vst v8  }
0x1e7: {  	v8 =	vld.idx.msk [tilespmem:v11+s30+$0x0], $0xffff;
	_ =	sdelay $0x4  }
0x1e8: {  	(erf) = vrcp.f32 v8  }
0x1e9: {  	s11 =	sshra.s32 s3, $0x2  }
0x1ea: {  	v60 =	vld [tilespmem:s11+$0x11300]  }
0x1eb: {  	v8 =	vld.idx.msk [tilespmem:v9+s30+$0x0], $0xffff;
	_ =	sdelay $0x4  }
0x1ec: {  	v8 =	vsub.f32 v60, v8  }
0x1ed: {  	v61 =	vpop (erf)  }
0x1ee: {  	v8 =	vmul.f32 v61, v8;
	_ =	sdelay $0x1  }
0x1ef: {  	v8 =	vmul.f32 $3.100000000e+01, v8;
	_ =	sdelay $0x1  }
0x1f0: {  	v8 =	vmax.f32 v8, $0.0e+00  }
0x1f1: {  	v8 =	vmin.f32 v8, $3.000000000e+01  }
0x1f2: {  	v62 =	vld [tilespmem:s11+$0x2580];
	v8 =	vtrunc.f32 v8  }
0x1f3: {  	v8 =	vcvt.f32.s32 v8;
	_ =	sdelay $0x1  }
0x1f4: {  	v63 =	vshrl.u32 v8, $0x4  }
0x1f5: {  	s13 =	sand.u32 $0x3E00, s3;
	v8 =	vand.u32 $0xF, v8;
	v10 =	vmul.u32 $0xC80, v63  }
0x1f6: {  	s17 =	sand.u32 $0x70, s17;
	s3 =	sshrl.u32 s13, $0x2;
	v8 =	vadd.s32 v62, v8  }
0x1f7: {  	s3 =	sor.u32 s17, s3;
	v8 =	vadd.s32 v10, v8  }
0x1f8: {  	s13 =	simm.s32 $0x3E80;
	[tilespmem:s3+$0x3E80] =	vst v8  }
0x1f9: {  	[tilespmem:s22], [sflag:$0x1] =	stream.indirect.gather [hbm4b:s9+s20], $0x8, s13, s20, $0xb8;
	[tilespmem:$0x12C80] =	vst v63  }
0x1fa: {  	s26 =	simm.s32 $0x3F00;
	s19 =	simm.s32 $0x4F00  }
0x1fb: {  	[tilespmem:s19], [sflag:$0x1] =	stream.indirect.gather [hbm4b:s9+s20], $0x8, s26, s20, $0xb8;
	[tilespmem:$0x12C80] =	vst v63  }
0x1fc: {  	s5 =	simm.s32 $0x3F80;
	s11 =	simm.s32 $0x5300  }
0x1fd: {  	[tilespmem:s11], [sflag:$0x1] =	stream.indirect.gather [hbm4b:s9+s20], $0x8, s5, s20, $0xb8;
	[tilespmem:$0x12C80] =	vst v63  }
0x1fe: {  	s17 =	simm.s32 $0x4000;
	s19 =	simm.s32 $0x5700  }
0x1ff: {  	[tilespmem:s19], [sflag:$0x1] =	stream.indirect.gather [hbm4b:s9+s20], $0x8, s17, s20, $0xb8;
	[tilespmem:$0x12C80] =	vst v63  }
0x200: {  	s5 =	simm.s32 $0x4080;
	s11 =	simm.s32 $0x5B00  }
0x201: {  	[tilespmem:s11], [sflag:$0x1] =	stream.indirect.gather [hbm4b:s9+s20], $0x8, s5, s20, $0xb8;
	[tilespmem:$0x12C80] =	vst v63  }
0x202: {  	s17 =	simm.s32 $0x4100;
	s19 =	simm.s32 $0x5F00  }
0x203: {  	[tilespmem:s19], [sflag:$0x1] =	stream.indirect.gather [hbm4b:s9+s20], $0x8, s17, s20, $0xb8;
	[tilespmem:$0x12C80] =	vst v63  }
0x204: {  	s5 =	simm.s32 $0x4180;
	s11 =	simm.s32 $0x6300  }
0x205: {  	[tilespmem:s11], [sflag:$0x1] =	stream.indirect.gather [hbm4b:s9+s20], $0x8, s5, s20, $0xb8;
	[tilespmem:$0x12C80] =	vst v63  }
0x206: {  	s17 =	simm.s32 $0x4200;
	s19 =	simm.s32 $0x6700  }
0x207: {  	[tilespmem:s19], [sflag:$0x1] =	stream.indirect.gather [hbm4b:s9+s20], $0x8, s17, s20, $0xb8;
	[tilespmem:$0x12C80] =	vst v63  }
0x208: {  	s5 =	simm.s32 $0x4280;
	s11 =	simm.s32 $0x6B00  }
0x209: {  	[tilespmem:s11], [sflag:$0x1] =	stream.indirect.gather [hbm4b:s9+s20], $0x8, s5, s20, $0xb8;
	[tilespmem:$0x12C80] =	vst v63  }
0x20a: {  	s17 =	simm.s32 $0x4300;
	s19 =	simm.s32 $0x6F00  }
0x20b: {  	[tilespmem:s19], [sflag:$0x1] =	stream.indirect.gather [hbm4b:s9+s20], $0x8, s17, s20, $0xb8;
	[tilespmem:$0x12C80] =	vst v63  }
0x20c: {  	s5 =	simm.s32 $0x4380;
	s11 =	simm.s32 $0x7300  }
0x20d: {  	[tilespmem:s11], [sflag:$0x1] =	stream.indirect.gather [hbm4b:s9+s20], $0x8, s5, s20, $0xb8;
	[tilespmem:$0x12C80] =	vst v63  }
0x20e: {  	s17 =	simm.s32 $0x4400;
	s19 =	simm.s32 $0x7700  }
0x20f: {  	[tilespmem:s19], [sflag:$0x1] =	stream.indirect.gather [hbm4b:s9+s20], $0x8, s17, s20, $0xb8;
	[tilespmem:$0x12C80] =	vst v63  }
0x210: {  	s5 =	simm.s32 $0x4480;
	s11 =	simm.s32 $0x7B00  }
0x211: {  	[tilespmem:s11], [sflag:$0x1] =	stream.indirect.gather [hbm4b:s9+s20], $0x8, s5, s20, $0xb8;
	[tilespmem:$0x12C80] =	vst v63  }
0x212: {  	s17 =	simm.s32 $0x4500;
	s19 =	simm.s32 $0x7F00  }
0x213: {  	[tilespmem:s19], [sflag:$0x1] =	stream.indirect.gather [hbm4b:s9+s20], $0x8, s17, s20, $0xb8;
	[tilespmem:$0x12C80] =	vst v63  }
0x214: {  	s11 =	simm.s32 $0x8300  }
0x215: {  	[tilespmem:s11], [sflag:$0x1] =	stream.indirect.gather [hbm4b:s9+s20], $0x8, s31, s20, $0xb8;
	[tilespmem:$0x12C80] =	vst v63  }
0x216: {  	s17 =	simm.s32 $0x8700  }
0x217: {  	[tilespmem:s17], [sflag:$0x1] =	stream.indirect.gather [hbm4b:s9+s20], $0x8, s16, s20, $0xb8;
	[tilespmem:$0x12C80] =	vst v63  }
0x218: {  	s19 =	simm.s32 $0x8B00  }
0x219: {  	[tilespmem:s19], [sflag:$0x1] =	stream.indirect.gather [hbm4b:s9+s20], $0x8, s2, s20, $0xb8;
	[tilespmem:$0x12C80] =	vst v63  }
0x21a: {  	s5 =	simm.s32 $0x8F00  }
0x21b: {  	[tilespmem:s5], [sflag:$0x1] =	stream.indirect.gather [hbm4b:s9+s20], $0x8, s7, s20, $0xb8;
	[tilespmem:$0x12C80] =	vst v63  }
0x21c: {  	s11 =	simm.s32 $0x9300  }
0x21d: {  	[tilespmem:s11], [sflag:$0x1] =	stream.indirect.gather [hbm4b:s9+s20], $0x8, s24, s20, $0xb8;
	[tilespmem:$0x12C80] =	vst v63  }
0x21e: {  	s17 =	simm.s32 $0x9700  }
0x21f: {  	[tilespmem:s17], [sflag:$0x1] =	stream.indirect.gather [hbm4b:s9+s20], $0x8, s6, s20, $0xb8;
	[tilespmem:$0x12C80] =	vst v63  }
0x220: {  	s19 =	simm.s32 $0x9B00  }
0x221: {  	[tilespmem:s19], [sflag:$0x1] =	stream.indirect.gather [hbm4b:s9+s20], $0x8, s4, s20, $0xb8;
	[tilespmem:$0x12C80] =	vst v63  }
0x222: {  	s5 =	simm.s32 $0x9F00  }
0x223: {  	[tilespmem:s5], [sflag:$0x1] =	stream.indirect.gather [hbm4b:s9+s20], $0x8, s29, s20, $0xb8;
	[tilespmem:$0x12C80] =	vst v63  }
0x224: {  	s11 =	simm.s32 $0xA300  }
0x225: {  	[tilespmem:s11], [sflag:$0x1] =	stream.indirect.gather [hbm4b:s9+s20], $0x8, s12, s20, $0xb8;
	[tilespmem:$0x12C80] =	vst v63  }
0x226: {  	s17 =	simm.s32 $0xA700  }
0x227: {  	[tilespmem:s17], [sflag:$0x1] =	stream.indirect.gather [hbm4b:s9+s20], $0x8, s18, s20, $0xb8;
	[tilespmem:$0x12C80] =	vst v63  }
0x228: {  	s19 =	simm.s32 $0xAB00  }
0x229: {  	[tilespmem:s19], [sflag:$0x1] =	stream.indirect.gather [hbm4b:s9+s20], $0x8, s21, s20, $0xb8;
	[tilespmem:$0x12C80] =	vst v63  }
0x22a: {  	_ =	swait.ge [sflag:s23], $0x400  }
0x22b: {  	[sflag:s23] =	ssyncset.done $0x0  }
0x22c: {  	[sflag:s23] =	ssyncadd.s32 $0xFFFFFC00  }
0x22d: {  	_ =	swait.ge [sflag:s23], $0x400  }
0x22e: {  	[sflag:s23] =	ssyncset.done $0x0  }
0x22f: {  	[sflag:s23] =	ssyncadd.s32 $0xFFFFFC00  }
0x230: {  	_ =	swait.ge [sflag:s23], $0x400  }
0x231: {  	[sflag:s23] =	ssyncset.done $0x0  }
0x232: {  	[sflag:s23] =	ssyncadd.s32 $0xFFFFFC00  }
0x233: {  	_ =	swait.ge [sflag:s23], $0x400  }
0x234: {  	[sflag:s23] =	ssyncset.done $0x0  }
0x235: {  	[sflag:s23] =	ssyncadd.s32 $0xFFFFFC00  }
0x236: {  	_ =	swait.ge [sflag:s23], $0x400  }
0x237: {  	[sflag:s23] =	ssyncset.done $0x0  }
0x238: {  	[sflag:s23] =	ssyncadd.s32 $0xFFFFFC00  }
0x239: {  	_ =	swait.ge [sflag:s23], $0x400  }
0x23a: {  	[sflag:s23] =	ssyncset.done $0x0  }
0x23b: {  	[sflag:s23] =	ssyncadd.s32 $0xFFFFFC00  }
0x23c: {  	_ =	swait.ge [sflag:s23], $0x400  }
0x23d: {  	[sflag:s23] =	ssyncset.done $0x0  }
0x23e: {  	[sflag:s23] =	ssyncadd.s32 $0xFFFFFC00  }
0x23f: {  	_ =	swait.ge [sflag:s23], $0x400  }
0x240: {  	[sflag:s23] =	ssyncset.done $0x0  }
0x241: {  	[sflag:s23] =	ssyncadd.s32 $0xFFFFFC00  }
0x242: {  	_ =	swait.ge [sflag:s23], $0x400  }
0x243: {  	[sflag:s23] =	ssyncset.done $0x0  }
0x244: {  	[sflag:s23] =	ssyncadd.s32 $0xFFFFFC00  }
0x245: {  	_ =	swait.ge [sflag:s23], $0x400  }
0x246: {  	[sflag:s23] =	ssyncset.done $0x0  }
0x247: {  	[sflag:s23] =	ssyncadd.s32 $0xFFFFFC00  }
0x248: {  	_ =	swait.ge [sflag:s23], $0x400  }
0x249: {  	[sflag:s23] =	ssyncset.done $0x0  }
0x24a: {  	[sflag:s23] =	ssyncadd.s32 $0xFFFFFC00  }
0x24b: {  	_ =	swait.ge [sflag:s23], $0x400  }
0x24c: {  	[sflag:s23] =	ssyncset.done $0x0  }
0x24d: {  	[sflag:s23] =	ssyncadd.s32 $0xFFFFFC00  }
0x24e: {  	_ =	swait.ge [sflag:s23], $0x400  }
0x24f: {  	[sflag:s23] =	ssyncset.done $0x0  }
0x250: {  	[sflag:s23] =	ssyncadd.s32 $0xFFFFFC00  }
0x251: {  	_ =	swait.ge [sflag:s23], $0x400  }
0x252: {  	[sflag:s23] =	ssyncset.done $0x0  }
0x253: {  	[sflag:s23] =	ssyncadd.s32 $0xFFFFFC00  }
0x254: {  	_ =	swait.ge [sflag:s23], $0x400  }
0x255: {  	[sflag:s23] =	ssyncset.done $0x0  }
0x256: {  	[sflag:s23] =	ssyncadd.s32 $0xFFFFFC00  }
0x257: {  	_ =	swait.ge [sflag:s23], $0x400  }
0x258: {  	[sflag:s23] =	ssyncset.done $0x0  }
0x259: {  	[sflag:s23] =	ssyncadd.s32 $0xFFFFFC00  }
0x25a: {  	_ =	swait.ge [sflag:s23], $0x400  }
0x25b: {  	[sflag:s23] =	ssyncset.done $0x0  }
0x25c: {  	[sflag:s23] =	ssyncadd.s32 $0xFFFFFC00  }
0x25d: {  	_ =	swait.ge [sflag:s23], $0x400  }
0x25e: {  	[sflag:s23] =	ssyncset.done $0x0  }
0x25f: {  	[sflag:s23] =	ssyncadd.s32 $0xFFFFFC00  }
0x260: {  	_ =	swait.ge [sflag:s23], $0x400  }
0x261: {  	[sflag:s23] =	ssyncset.done $0x0  }
0x262: {  	[sflag:s23] =	ssyncadd.s32 $0xFFFFFC00  }
0x263: {  	_ =	swait.ge [sflag:s23], $0x400  }
0x264: {  	[sflag:s23] =	ssyncset.done $0x0  }
0x265: {  	[sflag:s23] =	ssyncadd.s32 $0xFFFFFC00  }
0x266: {  	_ =	swait.ge [sflag:s23], $0x400  }
0x267: {  	[sflag:s23] =	ssyncset.done $0x0  }
0x268: {  	[sflag:s23] =	ssyncadd.s32 $0xFFFFFC00  }
0x269: {  	_ =	swait.ge [sflag:s23], $0x400  }
0x26a: {  	[sflag:s23] =	ssyncset.done $0x0  }
0x26b: {  	[sflag:s23] =	ssyncadd.s32 $0xFFFFFC00  }
0x26c: {  	_ =	swait.ge [sflag:s23], $0x400  }
0x26d: {  	[sflag:s23] =	ssyncset.done $0x0  }
0x26e: {  	[sflag:s23] =	ssyncadd.s32 $0xFFFFFC00  }
0x26f: {  	_ =	swait.ge [sflag:s23], $0x400  }
.Ltmp12:
0x270: {  	[sflag:s23] =	ssyncset.done $0x0;
	(pc) =	sbr.rel .LBB2_13-.Ltmp12, $4  }
0x271: {  	[sflag:s23] =	ssyncadd.s32 $0xFFFFFC00  }
0x272: {  	_ =	swait.ge [sflag:s23], $0x400  }
0x273: {  	[sflag:s23] =	ssyncset.done $0x0  }
0x274: {  	s17 =	simm.s32 $0x0;
	[sflag:s23] =	ssyncadd.s32 $0xFFFFFC00  }
.LBB2_15:
0x275: {  	v12 =	vsub.f32 v14, v11;
	_ =	sdelay $0x1  }
0x276: {  	v12 =	vmul.f32 v12, v9;
	_ =	sdelay $0x1  }
0x277: {  	v57 =	vmax.f32 v12, $9.999999960e-13  }
0x278: {  	(erf) = vrcp.f32 v57;
	_ =	sdelay $0x3  }
0x279: {  	v58 =	vmul.f32 v11, v9;
	_ =	sdelay $0x1  }
0x27a: {  	v9 =	vadd.f32 v58, v10;
	_ =	sdelay $0x1  }
0x27b: {  	v8 =	vsub.f32 v8, v9  }
0x27c: {  	v59 =	vpop (erf)  }
0x27d: {  	v8 =	vmul.f32 v59, v8;
	_ =	sdelay $0x1  }
0x27e: {  	v8 =	vmax.f32 v8, $0.0e+00  }
0x27f: {  	v8 =	vmin.f32 v8, $1.000000000e+00  }
0x280: {  	v62 =	vsub.f32 v17, v13;
	v60 =	vmul.f32 $5.000000000e-01, v8  }
0x281: {  	v61 =	vmul.f32 v8, v12  }
0x282: {  	v63 =	vld [tilespmem:s19+$0x11F80];
	v9 =	vmul.f32 v60, v8;
	v8 =	vmul.f32 v8, v62;
	_ =	sdelay $0x1  }
0x283: {  	s17 =	sadd.s32 $0x1, s17;
	v10 =	vmul.f32 v61, v13;
	v9 =	vmul.f32 v9, v12;
	v8 =	vadd.f32 v8, v13  }
0x284: {  	p0 =	sne.s32 s17, $0xC8  }
.Ltmp13:
0x285: {  	v10 =	vadd.f32 v10, v15;
	v9 =	vmul.f32 v9, v62;
	v8 =	vmax.f32 v8, $9.999999960e-13;
	(pc) =	sbr.rel @!p0 .LBB2_16-.Ltmp13, $4  }
0x286: {  	v8 =	vmul.f32 v63, v8  }
0x287: {  	v9 =	vadd.f32 v9, v10  }
0x288: {  	[tilespmem:s19+$0x11F80] =	vst v8  }
0x289: {  	[tilespmem:s19+$0x11300] =	vst v9  }
.LBB2_13:
0x28a: {  	s19 =	sshll.u32 s17, $0x4  }
0x28b: {  	v8 =	vmov s19  }
0x28c: {  	v8 =	vshll.u32 v8, $0x3  }
0x28d: {  	v13 =	vor.u32 v0, v8  }
0x28e: {  	v14 =	vor.u32 $0x1, v13;
	_ =	sdelay $0x4  }
0x28f: {  	v9 =	vld.idx.msk [tilespmem:v14+s30+$0x0], $0xffff;
	_ =	sdelay $0x4  }
0x290: {  	(erf) = vrcp.f32 v9;
	_ =	sdelay $0x1  }
0x291: {  	v8 =	vld [tilespmem:s19+$0x11300]  }
0x292: {  	v10 =	vld.idx.msk [tilespmem:v13+s30+$0x0], $0xffff;
	_ =	sdelay $0x4  }
0x293: {  	v11 =	vsub.f32 v8, v10  }
0x294: {  	v12 =	vpop (erf)  }
0x295: {  	v12 =	vmul.f32 v12, v11;
	_ =	sdelay $0x1  }
0x296: {  	v15 =	vmul.f32 $3.100000000e+01, v12  }
0x297: {  	v14 =	vld.idx.msk [tilespmem:v14+s22+$0x0], $0xffff  }
0x298: {  	v11 =	vld.idx.msk [tilespmem:v13+s22+$0x0], $0xffff;
	v15 =	vmax.f32 v15, $0.0e+00  }
0x299: {  	v15 =	vmin.f32 v15, $3.000000000e+01  }
0x29a: {  	v15 =	vtrunc.f32 v15  }
0x29b: {  	v16 =	vcvt.f32.s32 v15  }
0x29c: {  	vm3 =	vlt.f32 v14, v12  }
0x29d: {  	vm1 =	vge.f32 v11, v12;
	vm2 =	vgt.s32 v16, $0x0;
	vm4 =	vlt.s32 v16, $0x1E  }
0x29e: {  	vm1 =	vmand vm1, vm2;
	vm2 =	vmand vm3, vm4  }
0x29f: {  	vm1 =	vmor vm1, vm2  }
0x2a0: {  	v15 =	vsel vm1, $0x3F800000, v1  }
0x2a1: {  	(xrf0) =	vmax.scan.msk.f32 $0xffff, v15;
	_ =	sdelay $0x5  }
0x2a2: {  	v15, _, _ =	vpop (xrf0)  }
0x2a3: {  	(v2sf) =	vpush v15, $0xF;
	_ =	sdelay $0xd  }
0x2a4: {  	v17 =	vor.u32 $0x3, v13  }
0x2a5: {  	v15 =	vor.u32 $0x2, v13;
	s3 =	spop (v2sf)  }
0x2a6: {  	v19 =	vor.u32 $0x4, v13;
	p0 =	sgt.f32 s3, $0.0e+00  }
.Ltmp14:
0x2a7: {  	_ = 	snop;
	(pc) =	sbr.rel @!p0 .LBB2_15-.Ltmp14, $4  }
0x2a8: {  	v18 =	vld [tilespmem:s19+$0x2580]  }
0x2a9: {  	v17 =	vld.idx.msk [tilespmem:v17+s22+$0x0], $0xffff  }
0x2aa: {  	v13 =	vld.idx.msk [tilespmem:v15+s22+$0x0], $0xffff  }
0x2ab: {  	v15 =	vld.idx.msk [tilespmem:v19+s22+$0x0], $0xffff  }
.LBB2_14:
0x2ac: {  	vm2 =	vge.f32 v11, v12  }
0x2ad: {  	v19 =	vsel vm2, $0xFFFFFFFF, v2  }
0x2ae: {  	v19 =	vnsel vm1, $0x0, v19  }
0x2af: {  	v16 =	vadd.s32 v16, v19  }
0x2b0: {  	v19 =	vshrl.u32 v16, $0x4  }
0x2b1: {  	v20 =	vand.u32 $0xF, v16;
	v19 =	vmul.u32 $0xC80, v19  }
0x2b2: {  	v20 =	vadd.s32 v18, v20  }
0x2b3: {  	v19 =	vadd.s32 v19, v20;
	_ =	sdelay $0x4  }
0x2b4: {  	[tilespmem:s25], [sflag:$0x2] =	stream.indirect_vreg.gather [hbm4b:s9+s1], $0x8, v19, vm0, $0xb8;
	[tilespmem:$0x12C80] =	vst v63  }
0x2b5: {  	_ =	swait.ge [sflag:s28], $0x80  }
0x2b6: {  	[sflag:s28] =	ssyncset.done $0x0  }
0x2b7: {  	[sflag:s28] =	ssyncadd.s32 $0xFFFFFF80  }
0x2b8: {  	v19 =	vld.idx.msk [tilespmem:v0+s25+$0x0], $0xffff  }
0x2b9: {  	v20 =	vld.idx.msk [tilespmem:v3+s25+$0x0], $0xffff  }
0x2ba: {  	v21 =	vld.idx.msk [tilespmem:v5+s25+$0x0], $0xffff  }
0x2bb: {  	v22 =	vld.idx.msk [tilespmem:v6+s25+$0x0], $0xffff  }
0x2bc: {  	v23 =	vld.idx.msk [tilespmem:v7+s25+$0x0], $0xffff;
	_ =	sdelay $0x1  }
0x2bd: {  	vm3 =	vgt.s32 v16, $0x0;
	vm5 =	vlt.s32 v16, $0x1E  }
0x2be: {  	v11 =	vsel vm1, v19, v11;
	v14 =	vsel vm1, v20, v14;
	v13 =	vsel vm1, v21, v13  }
0x2bf: {  	v17 =	vsel vm1, v22, v17;
	vm2 =	vge.f32 v11, v12;
	vm4 =	vlt.f32 v14, v12  }
0x2c0: {  	v15 =	vsel vm1, v23, v15;
	vm1 =	vmand vm3, vm2;
	vm2 =	vmand vm5, vm4  }
0x2c1: {  	vm1 =	vmor vm1, vm2  }
0x2c2: {  	v19 =	vsel vm1, $0x3F800000, v1  }
0x2c3: {  	(xrf0) =	vmax.scan.msk.f32 $0xffff, v19;
	_ =	sdelay $0x5  }
0x2c4: {  	v19, _, _ =	vpop (xrf0)  }
0x2c5: {  	(v2sf) =	vpush v19, $0xF;
	_ =	sdelay $0xe  }
0x2c6: {  	s3 =	spop (v2sf)  }
0x2c7: {  	p0 =	sgt.f32 s3, $0.0e+00  }
.Ltmp15:
0x2c8: {  	_ = 	snop;
	(pc) =	sbr.rel @p0 .LBB2_14-.Ltmp15, $1  }
0x2c9: {  	_ =	sdelay $0x3  }
.Ltmp16:
0x2ca: {  	_ = 	snop;
	(pc) =	sbr.rel .LBB2_15-.Ltmp16, $1  }
0x2cb: {  	_ =	sdelay $0x3  }
.LBB2_18:
0x2cc: {  	_ =	sfence.sel $0x180000  }
0x2cd: {  	[bflag:$0x0] =	sbarrier.arrive $0xFFFF  }
0x2ce: {  	_ =	strace $0x90000047  }
0x2cf: {  	s0 =	stileid.u32;
	[bflag:$0x2] =	sbarrier.arrive $0xFFFF  }
0x2d0: {  	p0 =	sne.s32 s0, $0x0;
	s0 =	rddreg [dreg:$0x1]  }
0x2d1: {  	s0 =	sadd.s32 @!p0 $0x100000, s0  }
0x2d2: {  	[sflag:s0] =	ssyncadd.tile.s32 @!p0 $0x1;
	_ =	shalt  }
.Lfunc_end2:
_tile_overlayer_lowered:
.L_overlay_start_2:
0x2d3: {  	(tag) =	ssettag $0x2  }
0x2d4: {  	s0 =	rddreg [dreg:$0x0];
	s2 =	stileid.u32  }
0x2d5: {  	s1 =	rddreg [dreg:$0x1];
	p0 =	sne.s32 s2, $0x0  }
0x2d6: {  	s3 =	rddreg [dreg:$0x2];
	[bflag:$0x3] =	sbarrier.arrive $0xFFFF;
	s2 =	simm.s32 @!p0 $0x1C03  }
0x2d7: {  	[timem:s3], [sflag:s2] =	dma.local @!p0 [hbm:s0], s1  }
0x2d8: {  	s0 =	simm.s32 @!p0 $0x3  }
0x2d9: {  	_ =	swait.ge @!p0 [sflag:s0], s1  }
0x2da: {  	s1 =	ssub.s32 @!p0 $0x0, s1;
	[sflag:s0] =	ssyncset.done @!p0 $0x0  }
0x2db: {  	[sflag:s0] =	ssyncadd.s32 @!p0 s1  }
0x2dc: {  	[bflag:$0x3] =	sbarrier.arrive $0xFFFF  }
0x2dd: {  	_ =	shalt  }

</sc_bundles>
